<compile_context>
chip_gen: v7x
topology: tpu7x:2x2x1
jax: 0.10.2.dev20260603
libtpu: 0.0.44.dev20260713+nightly
codegen_flags: <defaults>
</compile_context>

<pallas_src>
import functools
import math

import jax
import jax.numpy as jnp
from jax import lax
from jax.experimental import pallas as pl
from jax.experimental.pallas import tpu as pltpu
from jax.experimental.pallas import tpu_sc as plsc

N = 10000
D = 128
E = 320000
NPAD = 10240
NTRASH = NPAD - N
NSC = 2
NSUB = 16
ROWS_PER_TILE = NPAD // NSUB
CH = 128
NCH = 80
SCB = 4
NSCB = NCH // SCB
EPAD = NSC * NSUB * NCH * CH
BN_INV = 1.0 / math.sqrt(1.0 + 1e-5)

_mesh = plsc.VectorSubcoreMesh(core_axis_name="c", subcore_axis_name="s")



@functools.partial(
    pl.kernel,
    out_type=jax.ShapeDtypeStruct((NSC, NPAD), jnp.float32),
    mesh=_mesh,
    scratch_types=[
        pltpu.VMEM((NCH, CH), jnp.int32),
        pltpu.VMEM((CH,), jnp.float32),
        pltpu.VMEM_SHARED((NPAD,), jnp.float32),
        pltpu.SemaphoreType.DMA,
    ],
)
def _deg_kernel(dst_hbm, zero_hbm, out_hbm, didx, ones, acc, sem):
    c = lax.axis_index("c")
    s = lax.axis_index("s")
    w = c * NSUB + s
    for i in range(CH // 16):
        ones[pl.ds(i * 16, 16)] = jnp.ones((16,), jnp.float32)
    pltpu.sync_copy(dst_hbm.at[w], didx)
    pltpu.sync_copy(zero_hbm, acc.at[pl.ds(s * ROWS_PER_TILE, ROWS_PER_TILE)])
    plsc.subcore_barrier()

    def body(j, carry):
        pltpu.sync_copy(ones, acc.at[didx.at[j]], add=True)
        return carry

    lax.fori_loop(0, NCH, body, 0)
    plsc.subcore_barrier()
    pltpu.sync_copy(acc.at[pl.ds(s * ROWS_PER_TILE, ROWS_PER_TILE)],
                    out_hbm.at[c, pl.ds(s * ROWS_PER_TILE, ROWS_PER_TILE)])


@functools.partial(
    pl.kernel,
    out_type=jax.ShapeDtypeStruct((NSC, NPAD, D), jnp.float32),
    mesh=_mesh,
    scratch_types=[
        pltpu.VMEM((SCB, CH), jnp.int32),
        pltpu.VMEM((SCB, CH), jnp.int32),
        pltpu.VMEM((SCB, CH), jnp.int32),
        pltpu.VMEM((SCB, CH), jnp.int32),
        pltpu.VMEM((CH, D), jnp.float32),
        pltpu.VMEM((CH, D), jnp.float32),
        pltpu.VMEM_SHARED((NPAD, D), jnp.float32),
        pltpu.SemaphoreType.DMA,
        pltpu.SemaphoreType.DMA,
        pltpu.SemaphoreType.DMA,
        pltpu.SemaphoreType.DMA,
    ],
)
def _prop_kernel(y_hbm, src_hbm, dst_hbm, zrow_hbm, out_hbm,
                 sblk0, sblk1, dblk0, dblk1, rows0, rows1, acc,
                 gsem0, gsem1, xsem0, xsem1):
    c = lax.axis_index("c")
    s = lax.axis_index("s")
    w = c * NSUB + s
    blks = ((sblk0, dblk0, xsem0), (sblk1, dblk1, xsem1))
    rbufs = ((rows0, gsem0), (rows1, gsem1))

    for p, (sblk, dblk, xsem) in enumerate(blks):
        pltpu.async_copy(src_hbm.at[w, p], sblk, xsem)
        pltpu.async_copy(dst_hbm.at[w, p], dblk, xsem)
    pltpu.sync_copy(zrow_hbm, acc.at[pl.ds(s * ROWS_PER_TILE, ROWS_PER_TILE)])
    plsc.subcore_barrier()

    pltpu.make_async_copy(src_hbm.at[w, 0], sblk0, xsem0).wait()
    pltpu.make_async_copy(dst_hbm.at[w, 0], dblk0, xsem0).wait()
    pltpu.async_copy(y_hbm.at[sblk0.at[0]], rows0, gsem0)
    pltpu.async_copy(y_hbm.at[sblk0.at[1]], rows1, gsem1)

    def body(k, carry):
        for p, (sblk, dblk, xsem) in enumerate(blks):
            sb = 2 * k + p
            osblk, odblk, oxsem = blks[1 - p]
            for i in range(SCB):
                j = sb * SCB + i
                rows, gsem = rbufs[i % 2]
                pltpu.make_async_copy(y_hbm.at[sblk.at[i]], rows, gsem).wait()
                if i == 2:
                    @pl.when(sb + 1 < NSCB)
                    def _():
                        pltpu.make_async_copy(
                            src_hbm.at[w, sb + 1], osblk, oxsem).wait()
                        pltpu.make_async_copy(
                            dst_hbm.at[w, sb + 1], odblk, oxsem).wait()
                pltpu.sync_copy(rows, acc.at[dblk.at[i]], add=True)
                nidx = sblk.at[i + 2] if i < 2 else osblk.at[i - 2]

                @pl.when(j + 2 < NCH)
                def _():
                    pltpu.async_copy(y_hbm.at[nidx], rows, gsem)

            @pl.when(sb + 2 < NSCB)
            def _():
                pltpu.async_copy(src_hbm.at[w, sb + 2], sblk, xsem)
                pltpu.async_copy(dst_hbm.at[w, sb + 2], dblk, xsem)
        return carry

    lax.fori_loop(0, NSCB // 2, body, 0)
    plsc.subcore_barrier()
    pltpu.sync_copy(acc.at[pl.ds(s * ROWS_PER_TILE, ROWS_PER_TILE)],
                    out_hbm.at[c, pl.ds(s * ROWS_PER_TILE, ROWS_PER_TILE)])



_B = 1024
_GRID = NPAD // _B


def _mm0_body(x_ref, w_ref, degp_ref, y_ref, dinv_ref):
    deg = degp_ref[0] + degp_ref[1] + 1.0
    dinv = lax.rsqrt(deg)
    y_ref[...] = dinv * jnp.dot(x_ref[...], w_ref[...],
                                preferred_element_type=jnp.float32)
    dinv_ref[...] = dinv


def _mm_mid_body(s_ref, y_ref, dinv_ref, b_ref, g_ref, be_ref, w_ref, out_ref):
    dinv = dinv_ref[...]
    pre = dinv * (s_ref[0] + s_ref[1] + y_ref[...]) + b_ref[...]
    h = jnp.maximum(g_ref[...] * (pre * BN_INV) + be_ref[...], 0.0)
    out_ref[...] = dinv * jnp.dot(h, w_ref[...],
                                  preferred_element_type=jnp.float32)


def _final_body(s_ref, y_ref, dinv_ref, b_ref, out_ref):
    out_ref[...] = (dinv_ref[...] * (s_ref[0] + s_ref[1] + y_ref[...])
                    + b_ref[...])


_mat = pl.BlockSpec((_B, D), lambda i: (i, 0))
_vec = pl.BlockSpec((_B, 1), lambda i: (i, 0))
_row = pl.BlockSpec((1, D), lambda i: (0, 0))
_wsp = pl.BlockSpec((D, D), lambda i: (0, 0))
_par = pl.BlockSpec((NSC, _B, D), lambda i: (0, i, 0))
_f32 = jnp.float32

_mm0_call = pl.pallas_call(
    _mm0_body,
    grid=(_GRID,),
    in_specs=[_mat, _wsp, pl.BlockSpec((NSC, _B, 1), lambda i: (0, i, 0))],
    out_specs=[_mat, _vec],
    out_shape=[jax.ShapeDtypeStruct((NPAD, D), _f32),
               jax.ShapeDtypeStruct((NPAD, 1), _f32)],
)

_mm_mid_call = pl.pallas_call(
    _mm_mid_body,
    grid=(_GRID,),
    in_specs=[_par, _mat, _vec, _row, _row, _row, _wsp],
    out_specs=_mat,
    out_shape=jax.ShapeDtypeStruct((NPAD, D), _f32),
)

_final_call = pl.pallas_call(
    _final_body,
    grid=(_GRID,),
    in_specs=[_par, _mat, _vec, _row],
    out_specs=_mat,
    out_shape=jax.ShapeDtypeStruct((NPAD, D), _f32),
)


def kernel(x, edge_index, W0, b0, g0, be0, W1, b1, g1, be1, W2, b2):
    src = edge_index[0]
    dst = edge_index[1]
    pad = N + jnp.arange(EPAD - E, dtype=jnp.int32) % NTRASH
    srcp = jnp.concatenate([src, pad]).reshape(NSC * NSUB, NSCB, SCB, CH)
    dstp = jnp.concatenate([dst, pad]).reshape(NSC * NSUB, NSCB, SCB, CH)
    dstp3 = dstp.reshape(NSC * NSUB, NCH, CH)
    xp = jnp.pad(x, ((0, NPAD - N), (0, 0)))
    zvec = jnp.zeros((ROWS_PER_TILE,), _f32)
    zrow = jnp.zeros((ROWS_PER_TILE, D), _f32)

    deg_p = _deg_kernel(dstp3, zvec)
    y0, dinv = _mm0_call(xp, W0, deg_p[:, :, None])
    s0 = _prop_kernel(y0, srcp, dstp, zrow)
    y1 = _mm_mid_call(s0, y0, dinv, b0[None, :], g0[None, :], be0[None, :], W1)
    s1 = _prop_kernel(y1, srcp, dstp, zrow)
    y2 = _mm_mid_call(s1, y1, dinv, b1[None, :], g1[None, :], be1[None, :], W2)
    s2 = _prop_kernel(y2, srcp, dstp, zrow)
    out = _final_call(s2, y2, dinv, b2[None, :])
    return out[:N]

# --- scband reference (transcript-rebuilt; emitter-appended) ---
"""Pipeline reference for scband-gcn-48163763258015 (READ-ONLY COPY).

The authoritative reference and input builder live on the scoring server;
editing this copy changes nothing except your own understanding.
"""

import jax, jax.numpy as jnp
import numpy as np

N, E, D_IN, D_HID, D_OUT = 10000, 320000, 128, 128, 128
BN_EPS = 1e-5


def setup_inputs(seed: int = 0) -> dict:
    key = jax.random.key(seed)
    ks = jax.random.split(key, 12)
    x = jax.random.normal(ks[0], (N, D_IN), dtype=jnp.float32)
    edge_index = jax.random.randint(ks[1], (2, E), 0, N, dtype=jnp.int32)
    def glorot(k, fan_in, fan_out):
        lim = (6.0 / (fan_in + fan_out)) ** 0.5
        return jax.random.uniform(k, (fan_in, fan_out), dtype=jnp.float32, minval=-lim, maxval=lim)
    W0 = glorot(ks[2], D_IN, D_HID)
    b0 = jnp.zeros((D_HID,), dtype=jnp.float32)
    g0 = jnp.ones((D_HID,), dtype=jnp.float32)
    be0 = jnp.zeros((D_HID,), dtype=jnp.float32)
    W1 = glorot(ks[3], D_HID, D_HID)
    b1 = jnp.zeros((D_HID,), dtype=jnp.float32)
    g1 = jnp.ones((D_HID,), dtype=jnp.float32)
    be1 = jnp.zeros((D_HID,), dtype=jnp.float32)
    W2 = glorot(ks[4], D_HID, D_OUT)
    b2 = jnp.zeros((D_OUT,), dtype=jnp.float32)
    return {"x": x, "edge_index": edge_index, "W0": W0, "b0": b0, "g0": g0, "be0": be0,
            "W1": W1, "b1": b1, "g1": g1, "be1": be1, "W2": W2, "b2": b2}


def reference(x, edge_index, W0, b0, g0, be0, W1, b1, g1, be1, W2, b2):
    n = x.shape[0]
    loop = jnp.arange(n, dtype=edge_index.dtype)
    src = jnp.concatenate([edge_index[0], loop])
    dst = jnp.concatenate([edge_index[1], loop])
    deg = jax.ops.segment_sum(jnp.ones_like(src, dtype=x.dtype), dst, num_segments=n)
    dinv = jnp.where(deg > 0, deg ** -0.5, 0.0)
    norm = dinv[src] * dinv[dst]

    def gcn_conv(h, W, b):
        hw = h @ W
        msg = hw[src] * norm[:, None]
        agg = jax.ops.segment_sum(msg, dst, num_segments=n)
        return agg + b

    def bn_eval(h, g, be):
        # BatchNorm1d in eval mode with running_mean=0, running_var=1
        return g * (h / jnp.sqrt(1.0 + BN_EPS)) + be

    h = gcn_conv(x, W0, b0)
    h = jax.nn.relu(bn_eval(h, g0, be0))
    # dropout is identity in eval mode
    h = gcn_conv(h, W1, b1)
    h = jax.nn.relu(bn_eval(h, g1, be1))
    out = gcn_conv(h, W2, b2)
    return out

if __name__ == "__main__":
    import jax
    _d = setup_inputs()
    print(jax.jit(kernel)(*tuple(_d.values())))

</pallas_src>

<mosaic_0001>
#map = affine_map<(d0, d1) -> (0, 0)>
#map1 = affine_map<(d0, d1) -> (0, 0, 0, 0)>
#map2 = affine_map<(d0, d1) -> (0, 0, 0)>
module attributes {stable_mosaic.version = 14 : i64} {
  func.func @_prop_kernel(%arg0: i32, %arg1: i32, %arg2: memref<10240x128xf32, #tpu.memory_space<hbm>>, %arg3: memref<32x20x4x128xi32, #tpu.memory_space<hbm>>, %arg4: memref<32x20x4x128xi32, #tpu.memory_space<hbm>>, %arg5: memref<640x128xf32, #tpu.memory_space<hbm>>, %arg6: memref<2x10240x128xf32, #tpu.memory_space<hbm>>, %arg7: memref<4x128xi32, #tpu.memory_space<vmem>>, %arg8: memref<4x128xi32, #tpu.memory_space<vmem>>, %arg9: memref<4x128xi32, #tpu.memory_space<vmem>>, %arg10: memref<4x128xi32, #tpu.memory_space<vmem>>, %arg11: memref<128x128xf32, #tpu.memory_space<vmem>>, %arg12: memref<128x128xf32, #tpu.memory_space<vmem>>, %arg13: memref<10240x128xf32, #tpu.memory_space<vmem_shared>>, %arg14: memref<!tpu.dma_semaphore, #tpu.memory_space<semaphore_mem>>, %arg15: memref<!tpu.dma_semaphore, #tpu.memory_space<semaphore_mem>>, %arg16: memref<!tpu.dma_semaphore, #tpu.memory_space<semaphore_mem>>, %arg17: memref<!tpu.dma_semaphore, #tpu.memory_space<semaphore_mem>>) attributes {dimension_semantics = [#tpu.dimension_semantics<core_parallel>, #tpu.dimension_semantics<subcore_parallel>], iteration_bounds = array<i64: 2, 16>, scalar_prefetch = 0 : i64, scratch_operands = 11 : i64, tpu.core_type = #tpu.core_type<sc_vector_subcore>, window_params = [{transform_indices = #map}, {transform_indices = #map1}, {transform_indices = #map1}, {transform_indices = #map}, {transform_indices = #map2}]} {
    %mul3A = arith.constant 16 : i32
    %mul3A_0 = arith.muli %arg0, %mul3A : i32
    %add3A = arith.addi %mul3A_0, %arg1 : i32
    %dma_start3A = arith.constant 0 : i32
    %dma_start3A_1 = arith.constant 0 : i32
    %dma_start3A_2 = arith.constant 0 : i32
    %dma_start3A_3 = tpu.memref_slice %arg3[%add3A, %dma_start3A, %dma_start3A_1, %dma_start3A_2] : memref<32x20x4x128xi32, #tpu.memory_space<hbm>> -> memref<1x1x4x128xi32, #tpu.memory_space<hbm>>
    %dma_start3A_4 = tpu.memref_squeeze %dma_start3A_3 : memref<1x1x4x128xi32, #tpu.memory_space<hbm>> -> memref<4x128xi32, #tpu.memory_space<hbm>>
    %dma_start3A_5 = arith.constant 0 : i32
    %dma_start3A_6 = arith.constant 0 : i32
    %dma_start3A_7 = tpu.memref_slice %arg3[%add3A, %dma_start3A, %dma_start3A_5, %dma_start3A_6] : memref<32x20x4x128xi32, #tpu.memory_space<hbm>> -> memref<1x1x4x128xi32, #tpu.memory_space<hbm>>
    %dma_start3A_8 = tpu.memref_squeeze %dma_start3A_7 : memref<1x1x4x128xi32, #tpu.memory_space<hbm>> -> memref<4x128xi32, #tpu.memory_space<hbm>>
    tpu.enqueue_dma source(%dma_start3A_8 : memref<4x128xi32, #tpu.memory_space<hbm>>) target(%arg7 : memref<4x128xi32, #tpu.memory_space<vmem>>) target_semaphore(%arg16 : memref<!tpu.dma_semaphore, #tpu.memory_space<semaphore_mem>>)
    %dma_start3A_9 = arith.constant 0 : i32
    %dma_start3A_10 = arith.constant 0 : i32
    %dma_start3A_11 = arith.constant 0 : i32
    %dma_start3A_12 = tpu.memref_slice %arg4[%add3A, %dma_start3A_9, %dma_start3A_10, %dma_start3A_11] : memref<32x20x4x128xi32, #tpu.memory_space<hbm>> -> memref<1x1x4x128xi32, #tpu.memory_space<hbm>>
    %dma_start3A_13 = tpu.memref_squeeze %dma_start3A_12 : memref<1x1x4x128xi32, #tpu.memory_space<hbm>> -> memref<4x128xi32, #tpu.memory_space<hbm>>
    %dma_start3A_14 = arith.constant 0 : i32
    %dma_start3A_15 = arith.constant 0 : i32
    %dma_start3A_16 = tpu.memref_slice %arg4[%add3A, %dma_start3A_9, %dma_start3A_14, %dma_start3A_15] : memref<32x20x4x128xi32, #tpu.memory_space<hbm>> -> memref<1x1x4x128xi32, #tpu.memory_space<hbm>>
    %dma_start3A_17 = tpu.memref_squeeze %dma_start3A_16 : memref<1x1x4x128xi32, #tpu.memory_space<hbm>> -> memref<4x128xi32, #tpu.memory_space<hbm>>
    tpu.enqueue_dma source(%dma_start3A_17 : memref<4x128xi32, #tpu.memory_space<hbm>>) target(%arg9 : memref<4x128xi32, #tpu.memory_space<vmem>>) target_semaphore(%arg16 : memref<!tpu.dma_semaphore, #tpu.memory_space<semaphore_mem>>)
    %dma_start3A_18 = arith.constant 1 : i32
    %dma_start3A_19 = arith.constant 0 : i32
    %dma_start3A_20 = arith.constant 0 : i32
    %dma_start3A_21 = tpu.memref_slice %arg3[%add3A, %dma_start3A_18, %dma_start3A_19, %dma_start3A_20] : memref<32x20x4x128xi32, #tpu.memory_space<hbm>> -> memref<1x1x4x128xi32, #tpu.memory_space<hbm>>
    %dma_start3A_22 = tpu.memref_squeeze %dma_start3A_21 : memref<1x1x4x128xi32, #tpu.memory_space<hbm>> -> memref<4x128xi32, #tpu.memory_space<hbm>>
    %dma_start3A_23 = arith.constant 0 : i32
    %dma_start3A_24 = arith.constant 0 : i32
    %dma_start3A_25 = tpu.memref_slice %arg3[%add3A, %dma_start3A_18, %dma_start3A_23, %dma_start3A_24] : memref<32x20x4x128xi32, #tpu.memory_space<hbm>> -> memref<1x1x4x128xi32, #tpu.memory_space<hbm>>
    %dma_start3A_26 = tpu.memref_squeeze %dma_start3A_25 : memref<1x1x4x128xi32, #tpu.memory_space<hbm>> -> memref<4x128xi32, #tpu.memory_space<hbm>>
    tpu.enqueue_dma source(%dma_start3A_26 : memref<4x128xi32, #tpu.memory_space<hbm>>) target(%arg8 : memref<4x128xi32, #tpu.memory_space<vmem>>) target_semaphore(%arg17 : memref<!tpu.dma_semaphore, #tpu.memory_space<semaphore_mem>>)
    %dma_start3A_27 = arith.constant 1 : i32
    %dma_start3A_28 = arith.constant 0 : i32
    %dma_start3A_29 = arith.constant 0 : i32
    %dma_start3A_30 = tpu.memref_slice %arg4[%add3A, %dma_start3A_27, %dma_start3A_28, %dma_start3A_29] : memref<32x20x4x128xi32, #tpu.memory_space<hbm>> -> memref<1x1x4x128xi32, #tpu.memory_space<hbm>>
    %dma_start3A_31 = tpu.memref_squeeze %dma_start3A_30 : memref<1x1x4x128xi32, #tpu.memory_space<hbm>> -> memref<4x128xi32, #tpu.memory_space<hbm>>
    %dma_start3A_32 = arith.constant 0 : i32
    %dma_start3A_33 = arith.constant 0 : i32
    %dma_start3A_34 = tpu.memref_slice %arg4[%add3A, %dma_start3A_27, %dma_start3A_32, %dma_start3A_33] : memref<32x20x4x128xi32, #tpu.memory_space<hbm>> -> memref<1x1x4x128xi32, #tpu.memory_space<hbm>>
    %dma_start3A_35 = tpu.memref_squeeze %dma_start3A_34 : memref<1x1x4x128xi32, #tpu.memory_space<hbm>> -> memref<4x128xi32, #tpu.memory_space<hbm>>
    tpu.enqueue_dma source(%dma_start3A_35 : memref<4x128xi32, #tpu.memory_space<hbm>>) target(%arg10 : memref<4x128xi32, #tpu.memory_space<vmem>>) target_semaphore(%arg17 : memref<!tpu.dma_semaphore, #tpu.memory_space<semaphore_mem>>)
    %mul3A_36 = arith.constant 640 : i32
    %mul3A_37 = arith.muli %arg1, %mul3A_36 : i32
    "tpu.region"() ({
      %run_scoped3A = tpu.sem_alloc : memref<!tpu.dma_semaphore, #tpu.memory_space<semaphore_mem>>
      %dma_start3A_79 = arith.constant 0 : i32
      %dma_start3A_80 = tpu.memref_slice %arg13[%mul3A_37, %dma_start3A_79] : memref<10240x128xf32, #tpu.memory_space<vmem_shared>> -> memref<640x128xf32, #tpu.memory_space<vmem_shared>>
      tpu.enqueue_dma source(%arg5 : memref<640x128xf32, #tpu.memory_space<hbm>>) target(%dma_start3A_80 : memref<640x128xf32, #tpu.memory_space<vmem_shared>>) target_semaphore(%run_scoped3A : memref<!tpu.dma_semaphore, #tpu.memory_space<semaphore_mem>>)
      %dma_wait3A_81 = arith.constant 0 : i32
      %dma_wait3A_82 = tpu.memref_slice %arg13[%mul3A_37, %dma_wait3A_81] : memref<10240x128xf32, #tpu.memory_space<vmem_shared>> -> memref<640x128xf32, #tpu.memory_space<vmem_shared>>
      tpu.wait_dma2 semaphore(%run_scoped3A : memref<!tpu.dma_semaphore, #tpu.memory_space<semaphore_mem>>) src(%arg5 : memref<640x128xf32, #tpu.memory_space<hbm>>) dst(%dma_wait3A_82 : memref<640x128xf32, #tpu.memory_space<vmem_shared>>)
      tpu.yield
    }) : () -> ()
    %barrier3A = arith.constant 0 : index
    tpu.barrier barrier_id(%barrier3A)
    %dma_wait3A = arith.constant 0 : i32
    %dma_wait3A_38 = arith.constant 0 : i32
    %dma_wait3A_39 = arith.constant 0 : i32
    %dma_wait3A_40 = tpu.memref_slice %arg3[%add3A, %dma_wait3A, %dma_wait3A_38, %dma_wait3A_39] : memref<32x20x4x128xi32, #tpu.memory_space<hbm>> -> memref<1x1x4x128xi32, #tpu.memory_space<hbm>>
    %dma_wait3A_41 = tpu.memref_squeeze %dma_wait3A_40 : memref<1x1x4x128xi32, #tpu.memory_space<hbm>> -> memref<4x128xi32, #tpu.memory_space<hbm>>
    %dma_wait3A_42 = arith.constant 0 : i32
    %dma_wait3A_43 = arith.constant 0 : i32
    %dma_wait3A_44 = tpu.memref_slice %arg3[%add3A, %dma_wait3A, %dma_wait3A_42, %dma_wait3A_43] : memref<32x20x4x128xi32, #tpu.memory_space<hbm>> -> memref<1x1x4x128xi32, #tpu.memory_space<hbm>>
    %dma_wait3A_45 = tpu.memref_squeeze %dma_wait3A_44 : memref<1x1x4x128xi32, #tpu.memory_space<hbm>> -> memref<4x128xi32, #tpu.memory_space<hbm>>
    tpu.wait_dma2 semaphore(%arg16 : memref<!tpu.dma_semaphore, #tpu.memory_space<semaphore_mem>>) src(%dma_wait3A_45 : memref<4x128xi32, #tpu.memory_space<hbm>>) dst(%arg7 : memref<4x128xi32, #tpu.memory_space<vmem>>)
    %dma_wait3A_46 = arith.constant 0 : i32
    %dma_wait3A_47 = arith.constant 0 : i32
    %dma_wait3A_48 = arith.constant 0 : i32
    %dma_wait3A_49 = tpu.memref_slice %arg4[%add3A, %dma_wait3A_46, %dma_wait3A_47, %dma_wait3A_48] : memref<32x20x4x128xi32, #tpu.memory_space<hbm>> -> memref<1x1x4x128xi32, #tpu.memory_space<hbm>>
    %dma_wait3A_50 = tpu.memref_squeeze %dma_wait3A_49 : memref<1x1x4x128xi32, #tpu.memory_space<hbm>> -> memref<4x128xi32, #tpu.memory_space<hbm>>
    %dma_wait3A_51 = arith.constant 0 : i32
    %dma_wait3A_52 = arith.constant 0 : i32
    %dma_wait3A_53 = tpu.memref_slice %arg4[%add3A, %dma_wait3A_46, %dma_wait3A_51, %dma_wait3A_52] : memref<32x20x4x128xi32, #tpu.memory_space<hbm>> -> memref<1x1x4x128xi32, #tpu.memory_space<hbm>>
    %dma_wait3A_54 = tpu.memref_squeeze %dma_wait3A_53 : memref<1x1x4x128xi32, #tpu.memory_space<hbm>> -> memref<4x128xi32, #tpu.memory_space<hbm>>
    tpu.wait_dma2 semaphore(%arg16 : memref<!tpu.dma_semaphore, #tpu.memory_space<semaphore_mem>>) src(%dma_wait3A_54 : memref<4x128xi32, #tpu.memory_space<hbm>>) dst(%arg9 : memref<4x128xi32, #tpu.memory_space<vmem>>)
    %dma_start3A_55 = arith.constant 0 : i32
    %dma_start3A_56 = arith.constant 0 : i32
    %dma_start3A_57 = tpu.memref_slice %arg7[%dma_start3A_55, %dma_start3A_56] : memref<4x128xi32, #tpu.memory_space<vmem>> -> memref<1x128xi32, #tpu.memory_space<vmem>>
    %dma_start3A_58 = tpu.memref_squeeze %dma_start3A_57 : memref<1x128xi32, #tpu.memory_space<vmem>> -> memref<128xi32, #tpu.memory_space<vmem>>
    %dma_start3A_59 = arith.constant 0 : i32
    %dma_start3A_60 = arith.constant 0 : i32
    %dma_start3A_61 = tpu.memref_slice %arg2[%dma_start3A_59, %dma_start3A_60] : memref<10240x128xf32, #tpu.memory_space<hbm>> -> memref<10240x128xf32, #tpu.memory_space<hbm>>
    tpu.enqueue_indirect_dma source(%dma_start3A_61 : memref<10240x128xf32, #tpu.memory_space<hbm>>) target(%arg11 : memref<128x128xf32, #tpu.memory_space<vmem>>) offsets(%dma_start3A_58 : memref<128xi32, #tpu.memory_space<vmem>>) semaphore(%arg14 : memref<!tpu.dma_semaphore, #tpu.memory_space<semaphore_mem>>)
    %dma_start3A_62 = arith.constant 1 : i32
    %dma_start3A_63 = arith.constant 0 : i32
    %dma_start3A_64 = tpu.memref_slice %arg7[%dma_start3A_62, %dma_start3A_63] : memref<4x128xi32, #tpu.memory_space<vmem>> -> memref<1x128xi32, #tpu.memory_space<vmem>>
    %dma_start3A_65 = tpu.memref_squeeze %dma_start3A_64 : memref<1x128xi32, #tpu.memory_space<vmem>> -> memref<128xi32, #tpu.memory_space<vmem>>
    %dma_start3A_66 = arith.constant 0 : i32
    %dma_start3A_67 = arith.constant 0 : i32
    %dma_start3A_68 = tpu.memref_slice %arg2[%dma_start3A_66, %dma_start3A_67] : memref<10240x128xf32, #tpu.memory_space<hbm>> -> memref<10240x128xf32, #tpu.memory_space<hbm>>
    tpu.enqueue_indirect_dma source(%dma_start3A_68 : memref<10240x128xf32, #tpu.memory_space<hbm>>) target(%arg12 : memref<128x128xf32, #tpu.memory_space<vmem>>) offsets(%dma_start3A_65 : memref<128xi32, #tpu.memory_space<vmem>>) semaphore(%arg15 : memref<!tpu.dma_semaphore, #tpu.memory_space<semaphore_mem>>)
    %scan3A = arith.constant 0 : i32
    %scan3A_69 = arith.constant 0 : i32
    %scan3A_70 = arith.constant 10 : i32
    %scan3A_71 = arith.addi %scan3A_69, %scan3A_70 : i32
    %scan3A_72 = arith.constant 1 : i32
    scf.for %scan3A_79 = %scan3A_69 to %scan3A_71 step %scan3A_72  : i32 {
      %mul3A_80 = arith.constant 2 : i32
      %mul3A_81 = arith.muli %mul3A_80, %scan3A_79 : i32
      %add3A_82 = arith.constant 0 : i32
      %add3A_83 = arith.addi %mul3A_81, %add3A_82 : i32
      %mul3A_84 = arith.constant 4 : i32
      %mul3A_85 = arith.muli %add3A_83, %mul3A_84 : i32
      %add3A_86 = arith.constant 0 : i32
      %add3A_87 = arith.addi %mul3A_85, %add3A_86 : i32
      %dma_wait3A_88 = arith.constant 0 : i32
      %dma_wait3A_89 = arith.constant 0 : i32
      %dma_wait3A_90 = tpu.memref_slice %arg7[%dma_wait3A_88, %dma_wait3A_89] : memref<4x128xi32, #tpu.memory_space<vmem>> -> memref<1x128xi32, #tpu.memory_space<vmem>>
      %dma_wait3A_91 = tpu.memref_squeeze %dma_wait3A_90 : memref<1x128xi32, #tpu.memory_space<vmem>> -> memref<128xi32, #tpu.memory_space<vmem>>
      %dma_wait3A_92 = arith.constant 0 : i32
      %dma_wait3A_93 = arith.constant 0 : i32
      %dma_wait3A_94 = tpu.memref_slice %arg2[%dma_wait3A_92, %dma_wait3A_93] : memref<10240x128xf32, #tpu.memory_space<hbm>> -> memref<10240x128xf32, #tpu.memory_space<hbm>>
      tpu.wait_indirect_dma semaphore(%arg14 : memref<!tpu.dma_semaphore, #tpu.memory_space<semaphore_mem>>) src(%dma_wait3A_94 : memref<10240x128xf32, #tpu.memory_space<hbm>>) dst(%arg11 : memref<128x128xf32, #tpu.memory_space<vmem>>)
      %run_scoped3A = arith.constant 0 : i32
      "tpu.region"() ({
        %run_scoped3A_272 = tpu.sem_alloc : memref<!tpu.dma_semaphore, #tpu.memory_space<semaphore_mem>>
        %dma_start3A_273 = arith.constant 0 : i32
        %dma_start3A_274 = tpu.memref_slice %arg9[%run_scoped3A, %dma_start3A_273] : memref<4x128xi32, #tpu.memory_space<vmem>> -> memref<1x128xi32, #tpu.memory_space<vmem>>
        %dma_start3A_275 = tpu.memref_squeeze %dma_start3A_274 : memref<1x128xi32, #tpu.memory_space<vmem>> -> memref<128xi32, #tpu.memory_space<vmem>>
        %dma_start3A_276 = arith.constant 0 : i32
        %dma_start3A_277 = arith.constant 0 : i32
        %dma_start3A_278 = tpu.memref_slice %arg13[%dma_start3A_276, %dma_start3A_277] : memref<10240x128xf32, #tpu.memory_space<vmem_shared>> -> memref<10240x128xf32, #tpu.memory_space<vmem_shared>>
        tpu.enqueue_indirect_dma source(%arg11 : memref<128x128xf32, #tpu.memory_space<vmem>>) target(%dma_start3A_278 : memref<10240x128xf32, #tpu.memory_space<vmem_shared>>) offsets(%dma_start3A_275 : memref<128xi32, #tpu.memory_space<vmem>>) semaphore(%run_scoped3A_272 : memref<!tpu.dma_semaphore, #tpu.memory_space<semaphore_mem>>) {add = true}
        %dma_wait3A_279 = arith.constant 0 : i32
        %dma_wait3A_280 = tpu.memref_slice %arg9[%run_scoped3A, %dma_wait3A_279] : memref<4x128xi32, #tpu.memory_space<vmem>> -> memref<1x128xi32, #tpu.memory_space<vmem>>
        %dma_wait3A_281 = tpu.memref_squeeze %dma_wait3A_280 : memref<1x128xi32, #tpu.memory_space<vmem>> -> memref<128xi32, #tpu.memory_space<vmem>>
        %dma_wait3A_282 = arith.constant 0 : i32
        %dma_wait3A_283 = arith.constant 0 : i32
        %dma_wait3A_284 = tpu.memref_slice %arg13[%dma_wait3A_282, %dma_wait3A_283] : memref<10240x128xf32, #tpu.memory_space<vmem_shared>> -> memref<10240x128xf32, #tpu.memory_space<vmem_shared>>
        tpu.wait_indirect_dma semaphore(%run_scoped3A_272 : memref<!tpu.dma_semaphore, #tpu.memory_space<semaphore_mem>>) src(%arg11 : memref<128x128xf32, #tpu.memory_space<vmem>>) dst(%dma_wait3A_284 : memref<10240x128xf32, #tpu.memory_space<vmem_shared>>)
        tpu.yield
      }) : () -> ()
      %add3A_95 = arith.constant 2 : i32
      %add3A_96 = arith.addi %add3A_87, %add3A_95 : i32
      %lt3A = arith.constant 80 : i32
      %lt3A_97 = arith.cmpi slt, %add3A_96, %lt3A : i32
      %convert_element_type3A = arith.extui %lt3A_97 : i1 to i32
      %cond3A = arith.constant 2 : i32
      %cond3A_98 = arith.constant 0 : i32
      %cond3A_99 = arith.cmpi ne, %convert_element_type3A, %cond3A_98 : i32
      scf.if %cond3A_99 {
        %dma_start3A_272 = arith.constant 0 : i32
        %dma_start3A_273 = tpu.memref_slice %arg7[%cond3A, %dma_start3A_272] : memref<4x128xi32, #tpu.memory_space<vmem>> -> memref<1x128xi32, #tpu.memory_space<vmem>>
        %dma_start3A_274 = tpu.memref_squeeze %dma_start3A_273 : memref<1x128xi32, #tpu.memory_space<vmem>> -> memref<128xi32, #tpu.memory_space<vmem>>
        %dma_start3A_275 = arith.constant 0 : i32
        %dma_start3A_276 = arith.constant 0 : i32
        %dma_start3A_277 = tpu.memref_slice %arg2[%dma_start3A_275, %dma_start3A_276] : memref<10240x128xf32, #tpu.memory_space<hbm>> -> memref<10240x128xf32, #tpu.memory_space<hbm>>
        tpu.enqueue_indirect_dma source(%dma_start3A_277 : memref<10240x128xf32, #tpu.memory_space<hbm>>) target(%arg11 : memref<128x128xf32, #tpu.memory_space<vmem>>) offsets(%dma_start3A_274 : memref<128xi32, #tpu.memory_space<vmem>>) semaphore(%arg14 : memref<!tpu.dma_semaphore, #tpu.memory_space<semaphore_mem>>)
      } else {
      }
      %mul3A_100 = arith.constant 4 : i32
      %mul3A_101 = arith.muli %add3A_83, %mul3A_100 : i32
      %add3A_102 = arith.constant 1 : i32
      %add3A_103 = arith.addi %mul3A_101, %add3A_102 : i32
      %dma_wait3A_104 = arith.constant 1 : i32
      %dma_wait3A_105 = arith.constant 0 : i32
      %dma_wait3A_106 = tpu.memref_slice %arg7[%dma_wait3A_104, %dma_wait3A_105] : memref<4x128xi32, #tpu.memory_space<vmem>> -> memref<1x128xi32, #tpu.memory_space<vmem>>
      %dma_wait3A_107 = tpu.memref_squeeze %dma_wait3A_106 : memref<1x128xi32, #tpu.memory_space<vmem>> -> memref<128xi32, #tpu.memory_space<vmem>>
      %dma_wait3A_108 = arith.constant 0 : i32
      %dma_wait3A_109 = arith.constant 0 : i32
      %dma_wait3A_110 = tpu.memref_slice %arg2[%dma_wait3A_108, %dma_wait3A_109] : memref<10240x128xf32, #tpu.memory_space<hbm>> -> memref<10240x128xf32, #tpu.memory_space<hbm>>
      tpu.wait_indirect_dma semaphore(%arg15 : memref<!tpu.dma_semaphore, #tpu.memory_space<semaphore_mem>>) src(%dma_wait3A_110 : memref<10240x128xf32, #tpu.memory_space<hbm>>) dst(%arg12 : memref<128x128xf32, #tpu.memory_space<vmem>>)
      %run_scoped3A_111 = arith.constant 1 : i32
      "tpu.region"() ({
        %run_scoped3A_272 = tpu.sem_alloc : memref<!tpu.dma_semaphore, #tpu.memory_space<semaphore_mem>>
        %dma_start3A_273 = arith.constant 0 : i32
        %dma_start3A_274 = tpu.memref_slice %arg9[%run_scoped3A_111, %dma_start3A_273] : memref<4x128xi32, #tpu.memory_space<vmem>> -> memref<1x128xi32, #tpu.memory_space<vmem>>
        %dma_start3A_275 = tpu.memref_squeeze %dma_start3A_274 : memref<1x128xi32, #tpu.memory_space<vmem>> -> memref<128xi32, #tpu.memory_space<vmem>>
        %dma_start3A_276 = arith.constant 0 : i32
        %dma_start3A_277 = arith.constant 0 : i32
        %dma_start3A_278 = tpu.memref_slice %arg13[%dma_start3A_276, %dma_start3A_277] : memref<10240x128xf32, #tpu.memory_space<vmem_shared>> -> memref<10240x128xf32, #tpu.memory_space<vmem_shared>>
        tpu.enqueue_indirect_dma source(%arg12 : memref<128x128xf32, #tpu.memory_space<vmem>>) target(%dma_start3A_278 : memref<10240x128xf32, #tpu.memory_space<vmem_shared>>) offsets(%dma_start3A_275 : memref<128xi32, #tpu.memory_space<vmem>>) semaphore(%run_scoped3A_272 : memref<!tpu.dma_semaphore, #tpu.memory_space<semaphore_mem>>) {add = true}
        %dma_wait3A_279 = arith.constant 0 : i32
        %dma_wait3A_280 = tpu.memref_slice %arg9[%run_scoped3A_111, %dma_wait3A_279] : memref<4x128xi32, #tpu.memory_space<vmem>> -> memref<1x128xi32, #tpu.memory_space<vmem>>
        %dma_wait3A_281 = tpu.memref_squeeze %dma_wait3A_280 : memref<1x128xi32, #tpu.memory_space<vmem>> -> memref<128xi32, #tpu.memory_space<vmem>>
        %dma_wait3A_282 = arith.constant 0 : i32
        %dma_wait3A_283 = arith.constant 0 : i32
        %dma_wait3A_284 = tpu.memref_slice %arg13[%dma_wait3A_282, %dma_wait3A_283] : memref<10240x128xf32, #tpu.memory_space<vmem_shared>> -> memref<10240x128xf32, #tpu.memory_space<vmem_shared>>
        tpu.wait_indirect_dma semaphore(%run_scoped3A_272 : memref<!tpu.dma_semaphore, #tpu.memory_space<semaphore_mem>>) src(%arg12 : memref<128x128xf32, #tpu.memory_space<vmem>>) dst(%dma_wait3A_284 : memref<10240x128xf32, #tpu.memory_space<vmem_shared>>)
        tpu.yield
      }) : () -> ()
      %add3A_112 = arith.constant 2 : i32
      %add3A_113 = arith.addi %add3A_103, %add3A_112 : i32
      %lt3A_114 = arith.constant 80 : i32
      %lt3A_115 = arith.cmpi slt, %add3A_113, %lt3A_114 : i32
      %convert_element_type3A_116 = arith.extui %lt3A_115 : i1 to i32
      %cond3A_117 = arith.constant 3 : i32
      %cond3A_118 = arith.constant 0 : i32
      %cond3A_119 = arith.cmpi ne, %convert_element_type3A_116, %cond3A_118 : i32
      scf.if %cond3A_119 {
        %dma_start3A_272 = arith.constant 0 : i32
        %dma_start3A_273 = tpu.memref_slice %arg7[%cond3A_117, %dma_start3A_272] : memref<4x128xi32, #tpu.memory_space<vmem>> -> memref<1x128xi32, #tpu.memory_space<vmem>>
        %dma_start3A_274 = tpu.memref_squeeze %dma_start3A_273 : memref<1x128xi32, #tpu.memory_space<vmem>> -> memref<128xi32, #tpu.memory_space<vmem>>
        %dma_start3A_275 = arith.constant 0 : i32
        %dma_start3A_276 = arith.constant 0 : i32
        %dma_start3A_277 = tpu.memref_slice %arg2[%dma_start3A_275, %dma_start3A_276] : memref<10240x128xf32, #tpu.memory_space<hbm>> -> memref<10240x128xf32, #tpu.memory_space<hbm>>
        tpu.enqueue_indirect_dma source(%dma_start3A_277 : memref<10240x128xf32, #tpu.memory_space<hbm>>) target(%arg12 : memref<128x128xf32, #tpu.memory_space<vmem>>) offsets(%dma_start3A_274 : memref<128xi32, #tpu.memory_space<vmem>>) semaphore(%arg15 : memref<!tpu.dma_semaphore, #tpu.memory_space<semaphore_mem>>)
      } else {
      }
      %mul3A_120 = arith.constant 4 : i32
      %mul3A_121 = arith.muli %add3A_83, %mul3A_120 : i32
      %add3A_122 = arith.constant 2 : i32
      %add3A_123 = arith.addi %mul3A_121, %add3A_122 : i32
      %dma_wait3A_124 = arith.constant 2 : i32
      %dma_wait3A_125 = arith.constant 0 : i32
      %dma_wait3A_126 = tpu.memref_slice %arg7[%dma_wait3A_124, %dma_wait3A_125] : memref<4x128xi32, #tpu.memory_space<vmem>> -> memref<1x128xi32, #tpu.memory_space<vmem>>
      %dma_wait3A_127 = tpu.memref_squeeze %dma_wait3A_126 : memref<1x128xi32, #tpu.memory_space<vmem>> -> memref<128xi32, #tpu.memory_space<vmem>>
      %dma_wait3A_128 = arith.constant 0 : i32
      %dma_wait3A_129 = arith.constant 0 : i32
      %dma_wait3A_130 = tpu.memref_slice %arg2[%dma_wait3A_128, %dma_wait3A_129] : memref<10240x128xf32, #tpu.memory_space<hbm>> -> memref<10240x128xf32, #tpu.memory_space<hbm>>
      tpu.wait_indirect_dma semaphore(%arg14 : memref<!tpu.dma_semaphore, #tpu.memory_space<semaphore_mem>>) src(%dma_wait3A_130 : memref<10240x128xf32, #tpu.memory_space<hbm>>) dst(%arg11 : memref<128x128xf32, #tpu.memory_space<vmem>>)
      %add3A_131 = arith.constant 1 : i32
      %add3A_132 = arith.addi %add3A_83, %add3A_131 : i32
      %lt3A_133 = arith.constant 20 : i32
      %lt3A_134 = arith.cmpi slt, %add3A_132, %lt3A_133 : i32
      %convert_element_type3A_135 = arith.extui %lt3A_134 : i1 to i32
      %cond3A_136 = arith.constant 0 : i32
      %cond3A_137 = arith.cmpi ne, %convert_element_type3A_135, %cond3A_136 : i32
      scf.if %cond3A_137 {
        %add3A_272 = arith.constant 1 : i32
        %add3A_273 = arith.addi %add3A_83, %add3A_272 : i32
        %dma_wait3A_274 = arith.constant 0 : i32
        %dma_wait3A_275 = arith.constant 0 : i32
        %dma_wait3A_276 = tpu.memref_slice %arg3[%add3A, %add3A_273, %dma_wait3A_274, %dma_wait3A_275] : memref<32x20x4x128xi32, #tpu.memory_space<hbm>> -> memref<1x1x4x128xi32, #tpu.memory_space<hbm>>
        %dma_wait3A_277 = tpu.memref_squeeze %dma_wait3A_276 : memref<1x1x4x128xi32, #tpu.memory_space<hbm>> -> memref<4x128xi32, #tpu.memory_space<hbm>>
        %dma_wait3A_278 = arith.constant 0 : i32
        %dma_wait3A_279 = arith.constant 0 : i32
        %dma_wait3A_280 = tpu.memref_slice %arg3[%add3A, %add3A_273, %dma_wait3A_278, %dma_wait3A_279] : memref<32x20x4x128xi32, #tpu.memory_space<hbm>> -> memref<1x1x4x128xi32, #tpu.memory_space<hbm>>
        %dma_wait3A_281 = tpu.memref_squeeze %dma_wait3A_280 : memref<1x1x4x128xi32, #tpu.memory_space<hbm>> -> memref<4x128xi32, #tpu.memory_space<hbm>>
        tpu.wait_dma2 semaphore(%arg17 : memref<!tpu.dma_semaphore, #tpu.memory_space<semaphore_mem>>) src(%dma_wait3A_281 : memref<4x128xi32, #tpu.memory_space<hbm>>) dst(%arg8 : memref<4x128xi32, #tpu.memory_space<vmem>>)
        %add3A_282 = arith.constant 1 : i32
        %add3A_283 = arith.addi %add3A_83, %add3A_282 : i32
        %dma_wait3A_284 = arith.constant 0 : i32
        %dma_wait3A_285 = arith.constant 0 : i32
        %dma_wait3A_286 = tpu.memref_slice %arg4[%add3A, %add3A_283, %dma_wait3A_284, %dma_wait3A_285] : memref<32x20x4x128xi32, #tpu.memory_space<hbm>> -> memref<1x1x4x128xi32, #tpu.memory_space<hbm>>
        %dma_wait3A_287 = tpu.memref_squeeze %dma_wait3A_286 : memref<1x1x4x128xi32, #tpu.memory_space<hbm>> -> memref<4x128xi32, #tpu.memory_space<hbm>>
        %dma_wait3A_288 = arith.constant 0 : i32
        %dma_wait3A_289 = arith.constant 0 : i32
        %dma_wait3A_290 = tpu.memref_slice %arg4[%add3A, %add3A_283, %dma_wait3A_288, %dma_wait3A_289] : memref<32x20x4x128xi32, #tpu.memory_space<hbm>> -> memref<1x1x4x128xi32, #tpu.memory_space<hbm>>
        %dma_wait3A_291 = tpu.memref_squeeze %dma_wait3A_290 : memref<1x1x4x128xi32, #tpu.memory_space<hbm>> -> memref<4x128xi32, #tpu.memory_space<hbm>>
        tpu.wait_dma2 semaphore(%arg17 : memref<!tpu.dma_semaphore, #tpu.memory_space<semaphore_mem>>) src(%dma_wait3A_291 : memref<4x128xi32, #tpu.memory_space<hbm>>) dst(%arg10 : memref<4x128xi32, #tpu.memory_space<vmem>>)
      } else {
      }
      %run_scoped3A_138 = arith.constant 2 : i32
      "tpu.region"() ({
        %run_scoped3A_272 = tpu.sem_alloc : memref<!tpu.dma_semaphore, #tpu.memory_space<semaphore_mem>>
        %dma_start3A_273 = arith.constant 0 : i32
        %dma_start3A_274 = tpu.memref_slice %arg9[%run_scoped3A_138, %dma_start3A_273] : memref<4x128xi32, #tpu.memory_space<vmem>> -> memref<1x128xi32, #tpu.memory_space<vmem>>
        %dma_start3A_275 = tpu.memref_squeeze %dma_start3A_274 : memref<1x128xi32, #tpu.memory_space<vmem>> -> memref<128xi32, #tpu.memory_space<vmem>>
        %dma_start3A_276 = arith.constant 0 : i32
        %dma_start3A_277 = arith.constant 0 : i32
        %dma_start3A_278 = tpu.memref_slice %arg13[%dma_start3A_276, %dma_start3A_277] : memref<10240x128xf32, #tpu.memory_space<vmem_shared>> -> memref<10240x128xf32, #tpu.memory_space<vmem_shared>>
        tpu.enqueue_indirect_dma source(%arg11 : memref<128x128xf32, #tpu.memory_space<vmem>>) target(%dma_start3A_278 : memref<10240x128xf32, #tpu.memory_space<vmem_shared>>) offsets(%dma_start3A_275 : memref<128xi32, #tpu.memory_space<vmem>>) semaphore(%run_scoped3A_272 : memref<!tpu.dma_semaphore, #tpu.memory_space<semaphore_mem>>) {add = true}
        %dma_wait3A_279 = arith.constant 0 : i32
        %dma_wait3A_280 = tpu.memref_slice %arg9[%run_scoped3A_138, %dma_wait3A_279] : memref<4x128xi32, #tpu.memory_space<vmem>> -> memref<1x128xi32, #tpu.memory_space<vmem>>
        %dma_wait3A_281 = tpu.memref_squeeze %dma_wait3A_280 : memref<1x128xi32, #tpu.memory_space<vmem>> -> memref<128xi32, #tpu.memory_space<vmem>>
        %dma_wait3A_282 = arith.constant 0 : i32
        %dma_wait3A_283 = arith.constant 0 : i32
        %dma_wait3A_284 = tpu.memref_slice %arg13[%dma_wait3A_282, %dma_wait3A_283] : memref<10240x128xf32, #tpu.memory_space<vmem_shared>> -> memref<10240x128xf32, #tpu.memory_space<vmem_shared>>
        tpu.wait_indirect_dma semaphore(%run_scoped3A_272 : memref<!tpu.dma_semaphore, #tpu.memory_space<semaphore_mem>>) src(%arg11 : memref<128x128xf32, #tpu.memory_space<vmem>>) dst(%dma_wait3A_284 : memref<10240x128xf32, #tpu.memory_space<vmem_shared>>)
        tpu.yield
      }) : () -> ()
      %add3A_139 = arith.constant 2 : i32
      %add3A_140 = arith.addi %add3A_123, %add3A_139 : i32
      %lt3A_141 = arith.constant 80 : i32
      %lt3A_142 = arith.cmpi slt, %add3A_140, %lt3A_141 : i32
      %convert_element_type3A_143 = arith.extui %lt3A_142 : i1 to i32
      %cond3A_144 = arith.constant 0 : i32
      %cond3A_145 = arith.constant 0 : i32
      %cond3A_146 = arith.cmpi ne, %convert_element_type3A_143, %cond3A_145 : i32
      scf.if %cond3A_146 {
        %dma_start3A_272 = arith.constant 0 : i32
        %dma_start3A_273 = tpu.memref_slice %arg8[%cond3A_144, %dma_start3A_272] : memref<4x128xi32, #tpu.memory_space<vmem>> -> memref<1x128xi32, #tpu.memory_space<vmem>>
        %dma_start3A_274 = tpu.memref_squeeze %dma_start3A_273 : memref<1x128xi32, #tpu.memory_space<vmem>> -> memref<128xi32, #tpu.memory_space<vmem>>
        %dma_start3A_275 = arith.constant 0 : i32
        %dma_start3A_276 = arith.constant 0 : i32
        %dma_start3A_277 = tpu.memref_slice %arg2[%dma_start3A_275, %dma_start3A_276] : memref<10240x128xf32, #tpu.memory_space<hbm>> -> memref<10240x128xf32, #tpu.memory_space<hbm>>
        tpu.enqueue_indirect_dma source(%dma_start3A_277 : memref<10240x128xf32, #tpu.memory_space<hbm>>) target(%arg11 : memref<128x128xf32, #tpu.memory_space<vmem>>) offsets(%dma_start3A_274 : memref<128xi32, #tpu.memory_space<vmem>>) semaphore(%arg14 : memref<!tpu.dma_semaphore, #tpu.memory_space<semaphore_mem>>)
      } else {
      }
      %mul3A_147 = arith.constant 4 : i32
      %mul3A_148 = arith.muli %add3A_83, %mul3A_147 : i32
      %add3A_149 = arith.constant 3 : i32
      %add3A_150 = arith.addi %mul3A_148, %add3A_149 : i32
      %dma_wait3A_151 = arith.constant 3 : i32
      %dma_wait3A_152 = arith.constant 0 : i32
      %dma_wait3A_153 = tpu.memref_slice %arg7[%dma_wait3A_151, %dma_wait3A_152] : memref<4x128xi32, #tpu.memory_space<vmem>> -> memref<1x128xi32, #tpu.memory_space<vmem>>
      %dma_wait3A_154 = tpu.memref_squeeze %dma_wait3A_153 : memref<1x128xi32, #tpu.memory_space<vmem>> -> memref<128xi32, #tpu.memory_space<vmem>>
      %dma_wait3A_155 = arith.constant 0 : i32
      %dma_wait3A_156 = arith.constant 0 : i32
      %dma_wait3A_157 = tpu.memref_slice %arg2[%dma_wait3A_155, %dma_wait3A_156] : memref<10240x128xf32, #tpu.memory_space<hbm>> -> memref<10240x128xf32, #tpu.memory_space<hbm>>
      tpu.wait_indirect_dma semaphore(%arg15 : memref<!tpu.dma_semaphore, #tpu.memory_space<semaphore_mem>>) src(%dma_wait3A_157 : memref<10240x128xf32, #tpu.memory_space<hbm>>) dst(%arg12 : memref<128x128xf32, #tpu.memory_space<vmem>>)
      %run_scoped3A_158 = arith.constant 3 : i32
      "tpu.region"() ({
        %run_scoped3A_272 = tpu.sem_alloc : memref<!tpu.dma_semaphore, #tpu.memory_space<semaphore_mem>>
        %dma_start3A_273 = arith.constant 0 : i32
        %dma_start3A_274 = tpu.memref_slice %arg9[%run_scoped3A_158, %dma_start3A_273] : memref<4x128xi32, #tpu.memory_space<vmem>> -> memref<1x128xi32, #tpu.memory_space<vmem>>
        %dma_start3A_275 = tpu.memref_squeeze %dma_start3A_274 : memref<1x128xi32, #tpu.memory_space<vmem>> -> memref<128xi32, #tpu.memory_space<vmem>>
        %dma_start3A_276 = arith.constant 0 : i32
        %dma_start3A_277 = arith.constant 0 : i32
        %dma_start3A_278 = tpu.memref_slice %arg13[%dma_start3A_276, %dma_start3A_277] : memref<10240x128xf32, #tpu.memory_space<vmem_shared>> -> memref<10240x128xf32, #tpu.memory_space<vmem_shared>>
        tpu.enqueue_indirect_dma source(%arg12 : memref<128x128xf32, #tpu.memory_space<vmem>>) target(%dma_start3A_278 : memref<10240x128xf32, #tpu.memory_space<vmem_shared>>) offsets(%dma_start3A_275 : memref<128xi32, #tpu.memory_space<vmem>>) semaphore(%run_scoped3A_272 : memref<!tpu.dma_semaphore, #tpu.memory_space<semaphore_mem>>) {add = true}
        %dma_wait3A_279 = arith.constant 0 : i32
        %dma_wait3A_280 = tpu.memref_slice %arg9[%run_scoped3A_158, %dma_wait3A_279] : memref<4x128xi32, #tpu.memory_space<vmem>> -> memref<1x128xi32, #tpu.memory_space<vmem>>
        %dma_wait3A_281 = tpu.memref_squeeze %dma_wait3A_280 : memref<1x128xi32, #tpu.memory_space<vmem>> -> memref<128xi32, #tpu.memory_space<vmem>>
        %dma_wait3A_282 = arith.constant 0 : i32
        %dma_wait3A_283 = arith.constant 0 : i32
        %dma_wait3A_284 = tpu.memref_slice %arg13[%dma_wait3A_282, %dma_wait3A_283] : memref<10240x128xf32, #tpu.memory_space<vmem_shared>> -> memref<10240x128xf32, #tpu.memory_space<vmem_shared>>
        tpu.wait_indirect_dma semaphore(%run_scoped3A_272 : memref<!tpu.dma_semaphore, #tpu.memory_space<semaphore_mem>>) src(%arg12 : memref<128x128xf32, #tpu.memory_space<vmem>>) dst(%dma_wait3A_284 : memref<10240x128xf32, #tpu.memory_space<vmem_shared>>)
        tpu.yield
      }) : () -> ()
      %add3A_159 = arith.constant 2 : i32
      %add3A_160 = arith.addi %add3A_150, %add3A_159 : i32
      %lt3A_161 = arith.constant 80 : i32
      %lt3A_162 = arith.cmpi slt, %add3A_160, %lt3A_161 : i32
      %convert_element_type3A_163 = arith.extui %lt3A_162 : i1 to i32
      %cond3A_164 = arith.constant 1 : i32
      %cond3A_165 = arith.constant 0 : i32
      %cond3A_166 = arith.cmpi ne, %convert_element_type3A_163, %cond3A_165 : i32
      scf.if %cond3A_166 {
        %dma_start3A_272 = arith.constant 0 : i32
        %dma_start3A_273 = tpu.memref_slice %arg8[%cond3A_164, %dma_start3A_272] : memref<4x128xi32, #tpu.memory_space<vmem>> -> memref<1x128xi32, #tpu.memory_space<vmem>>
        %dma_start3A_274 = tpu.memref_squeeze %dma_start3A_273 : memref<1x128xi32, #tpu.memory_space<vmem>> -> memref<128xi32, #tpu.memory_space<vmem>>
        %dma_start3A_275 = arith.constant 0 : i32
        %dma_start3A_276 = arith.constant 0 : i32
        %dma_start3A_277 = tpu.memref_slice %arg2[%dma_start3A_275, %dma_start3A_276] : memref<10240x128xf32, #tpu.memory_space<hbm>> -> memref<10240x128xf32, #tpu.memory_space<hbm>>
        tpu.enqueue_indirect_dma source(%dma_start3A_277 : memref<10240x128xf32, #tpu.memory_space<hbm>>) target(%arg12 : memref<128x128xf32, #tpu.memory_space<vmem>>) offsets(%dma_start3A_274 : memref<128xi32, #tpu.memory_space<vmem>>) semaphore(%arg15 : memref<!tpu.dma_semaphore, #tpu.memory_space<semaphore_mem>>)
      } else {
      }
      %add3A_167 = arith.constant 2 : i32
      %add3A_168 = arith.addi %add3A_83, %add3A_167 : i32
      %lt3A_169 = arith.constant 20 : i32
      %lt3A_170 = arith.cmpi slt, %add3A_168, %lt3A_169 : i32
      %convert_element_type3A_171 = arith.extui %lt3A_170 : i1 to i32
      %cond3A_172 = arith.constant 0 : i32
      %cond3A_173 = arith.cmpi ne, %convert_element_type3A_171, %cond3A_172 : i32
      scf.if %cond3A_173 {
        %add3A_272 = arith.constant 2 : i32
        %add3A_273 = arith.addi %add3A_83, %add3A_272 : i32
        %dma_start3A_274 = arith.constant 0 : i32
        %dma_start3A_275 = arith.constant 0 : i32
        %dma_start3A_276 = tpu.memref_slice %arg3[%add3A, %add3A_273, %dma_start3A_274, %dma_start3A_275] : memref<32x20x4x128xi32, #tpu.memory_space<hbm>> -> memref<1x1x4x128xi32, #tpu.memory_space<hbm>>
        %dma_start3A_277 = tpu.memref_squeeze %dma_start3A_276 : memref<1x1x4x128xi32, #tpu.memory_space<hbm>> -> memref<4x128xi32, #tpu.memory_space<hbm>>
        %dma_start3A_278 = arith.constant 0 : i32
        %dma_start3A_279 = arith.constant 0 : i32
        %dma_start3A_280 = tpu.memref_slice %arg3[%add3A, %add3A_273, %dma_start3A_278, %dma_start3A_279] : memref<32x20x4x128xi32, #tpu.memory_space<hbm>> -> memref<1x1x4x128xi32, #tpu.memory_space<hbm>>
        %dma_start3A_281 = tpu.memref_squeeze %dma_start3A_280 : memref<1x1x4x128xi32, #tpu.memory_space<hbm>> -> memref<4x128xi32, #tpu.memory_space<hbm>>
        tpu.enqueue_dma source(%dma_start3A_281 : memref<4x128xi32, #tpu.memory_space<hbm>>) target(%arg7 : memref<4x128xi32, #tpu.memory_space<vmem>>) target_semaphore(%arg16 : memref<!tpu.dma_semaphore, #tpu.memory_space<semaphore_mem>>)
        %add3A_282 = arith.constant 2 : i32
        %add3A_283 = arith.addi %add3A_83, %add3A_282 : i32
        %dma_start3A_284 = arith.constant 0 : i32
        %dma_start3A_285 = arith.constant 0 : i32
        %dma_start3A_286 = tpu.memref_slice %arg4[%add3A, %add3A_283, %dma_start3A_284, %dma_start3A_285] : memref<32x20x4x128xi32, #tpu.memory_space<hbm>> -> memref<1x1x4x128xi32, #tpu.memory_space<hbm>>
        %dma_start3A_287 = tpu.memref_squeeze %dma_start3A_286 : memref<1x1x4x128xi32, #tpu.memory_space<hbm>> -> memref<4x128xi32, #tpu.memory_space<hbm>>
        %dma_start3A_288 = arith.constant 0 : i32
        %dma_start3A_289 = arith.constant 0 : i32
        %dma_start3A_290 = tpu.memref_slice %arg4[%add3A, %add3A_283, %dma_start3A_288, %dma_start3A_289] : memref<32x20x4x128xi32, #tpu.memory_space<hbm>> -> memref<1x1x4x128xi32, #tpu.memory_space<hbm>>
        %dma_start3A_291 = tpu.memref_squeeze %dma_start3A_290 : memref<1x1x4x128xi32, #tpu.memory_space<hbm>> -> memref<4x128xi32, #tpu.memory_space<hbm>>
        tpu.enqueue_dma source(%dma_start3A_291 : memref<4x128xi32, #tpu.memory_space<hbm>>) target(%arg9 : memref<4x128xi32, #tpu.memory_space<vmem>>) target_semaphore(%arg16 : memref<!tpu.dma_semaphore, #tpu.memory_space<semaphore_mem>>)
      } else {
      }
      %mul3A_174 = arith.constant 2 : i32
      %mul3A_175 = arith.muli %mul3A_174, %scan3A_79 : i32
      %add3A_176 = arith.constant 1 : i32
      %add3A_177 = arith.addi %mul3A_175, %add3A_176 : i32
      %mul3A_178 = arith.constant 4 : i32
      %mul3A_179 = arith.muli %add3A_177, %mul3A_178 : i32
      %add3A_180 = arith.constant 0 : i32
      %add3A_181 = arith.addi %mul3A_179, %add3A_180 : i32
      %dma_wait3A_182 = arith.constant 0 : i32
      %dma_wait3A_183 = arith.constant 0 : i32
      %dma_wait3A_184 = tpu.memref_slice %arg8[%dma_wait3A_182, %dma_wait3A_183] : memref<4x128xi32, #tpu.memory_space<vmem>> -> memref<1x128xi32, #tpu.memory_space<vmem>>
      %dma_wait3A_185 = tpu.memref_squeeze %dma_wait3A_184 : memref<1x128xi32, #tpu.memory_space<vmem>> -> memref<128xi32, #tpu.memory_space<vmem>>
      %dma_wait3A_186 = arith.constant 0 : i32
      %dma_wait3A_187 = arith.constant 0 : i32
      %dma_wait3A_188 = tpu.memref_slice %arg2[%dma_wait3A_186, %dma_wait3A_187] : memref<10240x128xf32, #tpu.memory_space<hbm>> -> memref<10240x128xf32, #tpu.memory_space<hbm>>
      tpu.wait_indirect_dma semaphore(%arg14 : memref<!tpu.dma_semaphore, #tpu.memory_space<semaphore_mem>>) src(%dma_wait3A_188 : memref<10240x128xf32, #tpu.memory_space<hbm>>) dst(%arg11 : memref<128x128xf32, #tpu.memory_space<vmem>>)
      %run_scoped3A_189 = arith.constant 0 : i32
      "tpu.region"() ({
        %run_scoped3A_272 = tpu.sem_alloc : memref<!tpu.dma_semaphore, #tpu.memory_space<semaphore_mem>>
        %dma_start3A_273 = arith.constant 0 : i32
        %dma_start3A_274 = tpu.memref_slice %arg10[%run_scoped3A_189, %dma_start3A_273] : memref<4x128xi32, #tpu.memory_space<vmem>> -> memref<1x128xi32, #tpu.memory_space<vmem>>
        %dma_start3A_275 = tpu.memref_squeeze %dma_start3A_274 : memref<1x128xi32, #tpu.memory_space<vmem>> -> memref<128xi32, #tpu.memory_space<vmem>>
        %dma_start3A_276 = arith.constant 0 : i32
        %dma_start3A_277 = arith.constant 0 : i32
        %dma_start3A_278 = tpu.memref_slice %arg13[%dma_start3A_276, %dma_start3A_277] : memref<10240x128xf32, #tpu.memory_space<vmem_shared>> -> memref<10240x128xf32, #tpu.memory_space<vmem_shared>>
        tpu.enqueue_indirect_dma source(%arg11 : memref<128x128xf32, #tpu.memory_space<vmem>>) target(%dma_start3A_278 : memref<10240x128xf32, #tpu.memory_space<vmem_shared>>) offsets(%dma_start3A_275 : memref<128xi32, #tpu.memory_space<vmem>>) semaphore(%run_scoped3A_272 : memref<!tpu.dma_semaphore, #tpu.memory_space<semaphore_mem>>) {add = true}
        %dma_wait3A_279 = arith.constant 0 : i32
        %dma_wait3A_280 = tpu.memref_slice %arg10[%run_scoped3A_189, %dma_wait3A_279] : memref<4x128xi32, #tpu.memory_space<vmem>> -> memref<1x128xi32, #tpu.memory_space<vmem>>
        %dma_wait3A_281 = tpu.memref_squeeze %dma_wait3A_280 : memref<1x128xi32, #tpu.memory_space<vmem>> -> memref<128xi32, #tpu.memory_space<vmem>>
        %dma_wait3A_282 = arith.constant 0 : i32
        %dma_wait3A_283 = arith.constant 0 : i32
        %dma_wait3A_284 = tpu.memref_slice %arg13[%dma_wait3A_282, %dma_wait3A_283] : memref<10240x128xf32, #tpu.memory_space<vmem_shared>> -> memref<10240x128xf32, #tpu.memory_space<vmem_shared>>
        tpu.wait_indirect_dma semaphore(%run_scoped3A_272 : memref<!tpu.dma_semaphore, #tpu.memory_space<semaphore_mem>>) src(%arg11 : memref<128x128xf32, #tpu.memory_space<vmem>>) dst(%dma_wait3A_284 : memref<10240x128xf32, #tpu.memory_space<vmem_shared>>)
        tpu.yield
      }) : () -> ()
      %add3A_190 = arith.constant 2 : i32
      %add3A_191 = arith.addi %add3A_181, %add3A_190 : i32
      %lt3A_192 = arith.constant 80 : i32
      %lt3A_193 = arith.cmpi slt, %add3A_191, %lt3A_192 : i32
      %convert_element_type3A_194 = arith.extui %lt3A_193 : i1 to i32
      %cond3A_195 = arith.constant 2 : i32
      %cond3A_196 = arith.constant 0 : i32
      %cond3A_197 = arith.cmpi ne, %convert_element_type3A_194, %cond3A_196 : i32
      scf.if %cond3A_197 {
        %dma_start3A_272 = arith.constant 0 : i32
        %dma_start3A_273 = tpu.memref_slice %arg8[%cond3A_195, %dma_start3A_272] : memref<4x128xi32, #tpu.memory_space<vmem>> -> memref<1x128xi32, #tpu.memory_space<vmem>>
        %dma_start3A_274 = tpu.memref_squeeze %dma_start3A_273 : memref<1x128xi32, #tpu.memory_space<vmem>> -> memref<128xi32, #tpu.memory_space<vmem>>
        %dma_start3A_275 = arith.constant 0 : i32
        %dma_start3A_276 = arith.constant 0 : i32
        %dma_start3A_277 = tpu.memref_slice %arg2[%dma_start3A_275, %dma_start3A_276] : memref<10240x128xf32, #tpu.memory_space<hbm>> -> memref<10240x128xf32, #tpu.memory_space<hbm>>
        tpu.enqueue_indirect_dma source(%dma_start3A_277 : memref<10240x128xf32, #tpu.memory_space<hbm>>) target(%arg11 : memref<128x128xf32, #tpu.memory_space<vmem>>) offsets(%dma_start3A_274 : memref<128xi32, #tpu.memory_space<vmem>>) semaphore(%arg14 : memref<!tpu.dma_semaphore, #tpu.memory_space<semaphore_mem>>)
      } else {
      }
      %mul3A_198 = arith.constant 4 : i32
      %mul3A_199 = arith.muli %add3A_177, %mul3A_198 : i32
      %add3A_200 = arith.constant 1 : i32
      %add3A_201 = arith.addi %mul3A_199, %add3A_200 : i32
      %dma_wait3A_202 = arith.constant 1 : i32
      %dma_wait3A_203 = arith.constant 0 : i32
      %dma_wait3A_204 = tpu.memref_slice %arg8[%dma_wait3A_202, %dma_wait3A_203] : memref<4x128xi32, #tpu.memory_space<vmem>> -> memref<1x128xi32, #tpu.memory_space<vmem>>
      %dma_wait3A_205 = tpu.memref_squeeze %dma_wait3A_204 : memref<1x128xi32, #tpu.memory_space<vmem>> -> memref<128xi32, #tpu.memory_space<vmem>>
      %dma_wait3A_206 = arith.constant 0 : i32
      %dma_wait3A_207 = arith.constant 0 : i32
      %dma_wait3A_208 = tpu.memref_slice %arg2[%dma_wait3A_206, %dma_wait3A_207] : memref<10240x128xf32, #tpu.memory_space<hbm>> -> memref<10240x128xf32, #tpu.memory_space<hbm>>
      tpu.wait_indirect_dma semaphore(%arg15 : memref<!tpu.dma_semaphore, #tpu.memory_space<semaphore_mem>>) src(%dma_wait3A_208 : memref<10240x128xf32, #tpu.memory_space<hbm>>) dst(%arg12 : memref<128x128xf32, #tpu.memory_space<vmem>>)
      %run_scoped3A_209 = arith.constant 1 : i32
      "tpu.region"() ({
        %run_scoped3A_272 = tpu.sem_alloc : memref<!tpu.dma_semaphore, #tpu.memory_space<semaphore_mem>>
        %dma_start3A_273 = arith.constant 0 : i32
        %dma_start3A_274 = tpu.memref_slice %arg10[%run_scoped3A_209, %dma_start3A_273] : memref<4x128xi32, #tpu.memory_space<vmem>> -> memref<1x128xi32, #tpu.memory_space<vmem>>
        %dma_start3A_275 = tpu.memref_squeeze %dma_start3A_274 : memref<1x128xi32, #tpu.memory_space<vmem>> -> memref<128xi32, #tpu.memory_space<vmem>>
        %dma_start3A_276 = arith.constant 0 : i32
        %dma_start3A_277 = arith.constant 0 : i32
        %dma_start3A_278 = tpu.memref_slice %arg13[%dma_start3A_276, %dma_start3A_277] : memref<10240x128xf32, #tpu.memory_space<vmem_shared>> -> memref<10240x128xf32, #tpu.memory_space<vmem_shared>>
        tpu.enqueue_indirect_dma source(%arg12 : memref<128x128xf32, #tpu.memory_space<vmem>>) target(%dma_start3A_278 : memref<10240x128xf32, #tpu.memory_space<vmem_shared>>) offsets(%dma_start3A_275 : memref<128xi32, #tpu.memory_space<vmem>>) semaphore(%run_scoped3A_272 : memref<!tpu.dma_semaphore, #tpu.memory_space<semaphore_mem>>) {add = true}
        %dma_wait3A_279 = arith.constant 0 : i32
        %dma_wait3A_280 = tpu.memref_slice %arg10[%run_scoped3A_209, %dma_wait3A_279] : memref<4x128xi32, #tpu.memory_space<vmem>> -> memref<1x128xi32, #tpu.memory_space<vmem>>
        %dma_wait3A_281 = tpu.memref_squeeze %dma_wait3A_280 : memref<1x128xi32, #tpu.memory_space<vmem>> -> memref<128xi32, #tpu.memory_space<vmem>>
        %dma_wait3A_282 = arith.constant 0 : i32
        %dma_wait3A_283 = arith.constant 0 : i32
        %dma_wait3A_284 = tpu.memref_slice %arg13[%dma_wait3A_282, %dma_wait3A_283] : memref<10240x128xf32, #tpu.memory_space<vmem_shared>> -> memref<10240x128xf32, #tpu.memory_space<vmem_shared>>
        tpu.wait_indirect_dma semaphore(%run_scoped3A_272 : memref<!tpu.dma_semaphore, #tpu.memory_space<semaphore_mem>>) src(%arg12 : memref<128x128xf32, #tpu.memory_space<vmem>>) dst(%dma_wait3A_284 : memref<10240x128xf32, #tpu.memory_space<vmem_shared>>)
        tpu.yield
      }) : () -> ()
      %add3A_210 = arith.constant 2 : i32
      %add3A_211 = arith.addi %add3A_201, %add3A_210 : i32
      %lt3A_212 = arith.constant 80 : i32
      %lt3A_213 = arith.cmpi slt, %add3A_211, %lt3A_212 : i32
      %convert_element_type3A_214 = arith.extui %lt3A_213 : i1 to i32
      %cond3A_215 = arith.constant 3 : i32
      %cond3A_216 = arith.constant 0 : i32
      %cond3A_217 = arith.cmpi ne, %convert_element_type3A_214, %cond3A_216 : i32
      scf.if %cond3A_217 {
        %dma_start3A_272 = arith.constant 0 : i32
        %dma_start3A_273 = tpu.memref_slice %arg8[%cond3A_215, %dma_start3A_272] : memref<4x128xi32, #tpu.memory_space<vmem>> -> memref<1x128xi32, #tpu.memory_space<vmem>>
        %dma_start3A_274 = tpu.memref_squeeze %dma_start3A_273 : memref<1x128xi32, #tpu.memory_space<vmem>> -> memref<128xi32, #tpu.memory_space<vmem>>
        %dma_start3A_275 = arith.constant 0 : i32
        %dma_start3A_276 = arith.constant 0 : i32
        %dma_start3A_277 = tpu.memref_slice %arg2[%dma_start3A_275, %dma_start3A_276] : memref<10240x128xf32, #tpu.memory_space<hbm>> -> memref<10240x128xf32, #tpu.memory_space<hbm>>
        tpu.enqueue_indirect_dma source(%dma_start3A_277 : memref<10240x128xf32, #tpu.memory_space<hbm>>) target(%arg12 : memref<128x128xf32, #tpu.memory_space<vmem>>) offsets(%dma_start3A_274 : memref<128xi32, #tpu.memory_space<vmem>>) semaphore(%arg15 : memref<!tpu.dma_semaphore, #tpu.memory_space<semaphore_mem>>)
      } else {
      }
      %mul3A_218 = arith.constant 4 : i32
      %mul3A_219 = arith.muli %add3A_177, %mul3A_218 : i32
      %add3A_220 = arith.constant 2 : i32
      %add3A_221 = arith.addi %mul3A_219, %add3A_220 : i32
      %dma_wait3A_222 = arith.constant 2 : i32
      %dma_wait3A_223 = arith.constant 0 : i32
      %dma_wait3A_224 = tpu.memref_slice %arg8[%dma_wait3A_222, %dma_wait3A_223] : memref<4x128xi32, #tpu.memory_space<vmem>> -> memref<1x128xi32, #tpu.memory_space<vmem>>
      %dma_wait3A_225 = tpu.memref_squeeze %dma_wait3A_224 : memref<1x128xi32, #tpu.memory_space<vmem>> -> memref<128xi32, #tpu.memory_space<vmem>>
      %dma_wait3A_226 = arith.constant 0 : i32
      %dma_wait3A_227 = arith.constant 0 : i32
      %dma_wait3A_228 = tpu.memref_slice %arg2[%dma_wait3A_226, %dma_wait3A_227] : memref<10240x128xf32, #tpu.memory_space<hbm>> -> memref<10240x128xf32, #tpu.memory_space<hbm>>
      tpu.wait_indirect_dma semaphore(%arg14 : memref<!tpu.dma_semaphore, #tpu.memory_space<semaphore_mem>>) src(%dma_wait3A_228 : memref<10240x128xf32, #tpu.memory_space<hbm>>) dst(%arg11 : memref<128x128xf32, #tpu.memory_space<vmem>>)
      %add3A_229 = arith.constant 1 : i32
      %add3A_230 = arith.addi %add3A_177, %add3A_229 : i32
      %lt3A_231 = arith.constant 20 : i32
      %lt3A_232 = arith.cmpi slt, %add3A_230, %lt3A_231 : i32
      %convert_element_type3A_233 = arith.extui %lt3A_232 : i1 to i32
      %cond3A_234 = arith.constant 0 : i32
      %cond3A_235 = arith.cmpi ne, %convert_element_type3A_233, %cond3A_234 : i32
      scf.if %cond3A_235 {
        %add3A_272 = arith.constant 1 : i32
        %add3A_273 = arith.addi %add3A_177, %add3A_272 : i32
        %dma_wait3A_274 = arith.constant 0 : i32
        %dma_wait3A_275 = arith.constant 0 : i32
        %dma_wait3A_276 = tpu.memref_slice %arg3[%add3A, %add3A_273, %dma_wait3A_274, %dma_wait3A_275] : memref<32x20x4x128xi32, #tpu.memory_space<hbm>> -> memref<1x1x4x128xi32, #tpu.memory_space<hbm>>
        %dma_wait3A_277 = tpu.memref_squeeze %dma_wait3A_276 : memref<1x1x4x128xi32, #tpu.memory_space<hbm>> -> memref<4x128xi32, #tpu.memory_space<hbm>>
        %dma_wait3A_278 = arith.constant 0 : i32
        %dma_wait3A_279 = arith.constant 0 : i32
        %dma_wait3A_280 = tpu.memref_slice %arg3[%add3A, %add3A_273, %dma_wait3A_278, %dma_wait3A_279] : memref<32x20x4x128xi32, #tpu.memory_space<hbm>> -> memref<1x1x4x128xi32, #tpu.memory_space<hbm>>
        %dma_wait3A_281 = tpu.memref_squeeze %dma_wait3A_280 : memref<1x1x4x128xi32, #tpu.memory_space<hbm>> -> memref<4x128xi32, #tpu.memory_space<hbm>>
        tpu.wait_dma2 semaphore(%arg16 : memref<!tpu.dma_semaphore, #tpu.memory_space<semaphore_mem>>) src(%dma_wait3A_281 : memref<4x128xi32, #tpu.memory_space<hbm>>) dst(%arg7 : memref<4x128xi32, #tpu.memory_space<vmem>>)
        %add3A_282 = arith.constant 1 : i32
        %add3A_283 = arith.addi %add3A_177, %add3A_282 : i32
        %dma_wait3A_284 = arith.constant 0 : i32
        %dma_wait3A_285 = arith.constant 0 : i32
        %dma_wait3A_286 = tpu.memref_slice %arg4[%add3A, %add3A_283, %dma_wait3A_284, %dma_wait3A_285] : memref<32x20x4x128xi32, #tpu.memory_space<hbm>> -> memref<1x1x4x128xi32, #tpu.memory_space<hbm>>
        %dma_wait3A_287 = tpu.memref_squeeze %dma_wait3A_286 : memref<1x1x4x128xi32, #tpu.memory_space<hbm>> -> memref<4x128xi32, #tpu.memory_space<hbm>>
        %dma_wait3A_288 = arith.constant 0 : i32
        %dma_wait3A_289 = arith.constant 0 : i32
        %dma_wait3A_290 = tpu.memref_slice %arg4[%add3A, %add3A_283, %dma_wait3A_288, %dma_wait3A_289] : memref<32x20x4x128xi32, #tpu.memory_space<hbm>> -> memref<1x1x4x128xi32, #tpu.memory_space<hbm>>
        %dma_wait3A_291 = tpu.memref_squeeze %dma_wait3A_290 : memref<1x1x4x128xi32, #tpu.memory_space<hbm>> -> memref<4x128xi32, #tpu.memory_space<hbm>>
        tpu.wait_dma2 semaphore(%arg16 : memref<!tpu.dma_semaphore, #tpu.memory_space<semaphore_mem>>) src(%dma_wait3A_291 : memref<4x128xi32, #tpu.memory_space<hbm>>) dst(%arg9 : memref<4x128xi32, #tpu.memory_space<vmem>>)
      } else {
      }
      %run_scoped3A_236 = arith.constant 2 : i32
      "tpu.region"() ({
        %run_scoped3A_272 = tpu.sem_alloc : memref<!tpu.dma_semaphore, #tpu.memory_space<semaphore_mem>>
        %dma_start3A_273 = arith.constant 0 : i32
        %dma_start3A_274 = tpu.memref_slice %arg10[%run_scoped3A_236, %dma_start3A_273] : memref<4x128xi32, #tpu.memory_space<vmem>> -> memref<1x128xi32, #tpu.memory_space<vmem>>
        %dma_start3A_275 = tpu.memref_squeeze %dma_start3A_274 : memref<1x128xi32, #tpu.memory_space<vmem>> -> memref<128xi32, #tpu.memory_space<vmem>>
        %dma_start3A_276 = arith.constant 0 : i32
        %dma_start3A_277 = arith.constant 0 : i32
        %dma_start3A_278 = tpu.memref_slice %arg13[%dma_start3A_276, %dma_start3A_277] : memref<10240x128xf32, #tpu.memory_space<vmem_shared>> -> memref<10240x128xf32, #tpu.memory_space<vmem_shared>>
        tpu.enqueue_indirect_dma source(%arg11 : memref<128x128xf32, #tpu.memory_space<vmem>>) target(%dma_start3A_278 : memref<10240x128xf32, #tpu.memory_space<vmem_shared>>) offsets(%dma_start3A_275 : memref<128xi32, #tpu.memory_space<vmem>>) semaphore(%run_scoped3A_272 : memref<!tpu.dma_semaphore, #tpu.memory_space<semaphore_mem>>) {add = true}
        %dma_wait3A_279 = arith.constant 0 : i32
        %dma_wait3A_280 = tpu.memref_slice %arg10[%run_scoped3A_236, %dma_wait3A_279] : memref<4x128xi32, #tpu.memory_space<vmem>> -> memref<1x128xi32, #tpu.memory_space<vmem>>
        %dma_wait3A_281 = tpu.memref_squeeze %dma_wait3A_280 : memref<1x128xi32, #tpu.memory_space<vmem>> -> memref<128xi32, #tpu.memory_space<vmem>>
        %dma_wait3A_282 = arith.constant 0 : i32
        %dma_wait3A_283 = arith.constant 0 : i32
        %dma_wait3A_284 = tpu.memref_slice %arg13[%dma_wait3A_282, %dma_wait3A_283] : memref<10240x128xf32, #tpu.memory_space<vmem_shared>> -> memref<10240x128xf32, #tpu.memory_space<vmem_shared>>
        tpu.wait_indirect_dma semaphore(%run_scoped3A_272 : memref<!tpu.dma_semaphore, #tpu.memory_space<semaphore_mem>>) src(%arg11 : memref<128x128xf32, #tpu.memory_space<vmem>>) dst(%dma_wait3A_284 : memref<10240x128xf32, #tpu.memory_space<vmem_shared>>)
        tpu.yield
      }) : () -> ()
      %add3A_237 = arith.constant 2 : i32
      %add3A_238 = arith.addi %add3A_221, %add3A_237 : i32
      %lt3A_239 = arith.constant 80 : i32
      %lt3A_240 = arith.cmpi slt, %add3A_238, %lt3A_239 : i32
      %convert_element_type3A_241 = arith.extui %lt3A_240 : i1 to i32
      %cond3A_242 = arith.constant 0 : i32
      %cond3A_243 = arith.constant 0 : i32
      %cond3A_244 = arith.cmpi ne, %convert_element_type3A_241, %cond3A_243 : i32
      scf.if %cond3A_244 {
        %dma_start3A_272 = arith.constant 0 : i32
        %dma_start3A_273 = tpu.memref_slice %arg7[%cond3A_242, %dma_start3A_272] : memref<4x128xi32, #tpu.memory_space<vmem>> -> memref<1x128xi32, #tpu.memory_space<vmem>>
        %dma_start3A_274 = tpu.memref_squeeze %dma_start3A_273 : memref<1x128xi32, #tpu.memory_space<vmem>> -> memref<128xi32, #tpu.memory_space<vmem>>
        %dma_start3A_275 = arith.constant 0 : i32
        %dma_start3A_276 = arith.constant 0 : i32
        %dma_start3A_277 = tpu.memref_slice %arg2[%dma_start3A_275, %dma_start3A_276] : memref<10240x128xf32, #tpu.memory_space<hbm>> -> memref<10240x128xf32, #tpu.memory_space<hbm>>
        tpu.enqueue_indirect_dma source(%dma_start3A_277 : memref<10240x128xf32, #tpu.memory_space<hbm>>) target(%arg11 : memref<128x128xf32, #tpu.memory_space<vmem>>) offsets(%dma_start3A_274 : memref<128xi32, #tpu.memory_space<vmem>>) semaphore(%arg14 : memref<!tpu.dma_semaphore, #tpu.memory_space<semaphore_mem>>)
      } else {
      }
      %mul3A_245 = arith.constant 4 : i32
      %mul3A_246 = arith.muli %add3A_177, %mul3A_245 : i32
      %add3A_247 = arith.constant 3 : i32
      %add3A_248 = arith.addi %mul3A_246, %add3A_247 : i32
      %dma_wait3A_249 = arith.constant 3 : i32
      %dma_wait3A_250 = arith.constant 0 : i32
      %dma_wait3A_251 = tpu.memref_slice %arg8[%dma_wait3A_249, %dma_wait3A_250] : memref<4x128xi32, #tpu.memory_space<vmem>> -> memref<1x128xi32, #tpu.memory_space<vmem>>
      %dma_wait3A_252 = tpu.memref_squeeze %dma_wait3A_251 : memref<1x128xi32, #tpu.memory_space<vmem>> -> memref<128xi32, #tpu.memory_space<vmem>>
      %dma_wait3A_253 = arith.constant 0 : i32
      %dma_wait3A_254 = arith.constant 0 : i32
      %dma_wait3A_255 = tpu.memref_slice %arg2[%dma_wait3A_253, %dma_wait3A_254] : memref<10240x128xf32, #tpu.memory_space<hbm>> -> memref<10240x128xf32, #tpu.memory_space<hbm>>
      tpu.wait_indirect_dma semaphore(%arg15 : memref<!tpu.dma_semaphore, #tpu.memory_space<semaphore_mem>>) src(%dma_wait3A_255 : memref<10240x128xf32, #tpu.memory_space<hbm>>) dst(%arg12 : memref<128x128xf32, #tpu.memory_space<vmem>>)
      %run_scoped3A_256 = arith.constant 3 : i32
      "tpu.region"() ({
        %run_scoped3A_272 = tpu.sem_alloc : memref<!tpu.dma_semaphore, #tpu.memory_space<semaphore_mem>>
        %dma_start3A_273 = arith.constant 0 : i32
        %dma_start3A_274 = tpu.memref_slice %arg10[%run_scoped3A_256, %dma_start3A_273] : memref<4x128xi32, #tpu.memory_space<vmem>> -> memref<1x128xi32, #tpu.memory_space<vmem>>
        %dma_start3A_275 = tpu.memref_squeeze %dma_start3A_274 : memref<1x128xi32, #tpu.memory_space<vmem>> -> memref<128xi32, #tpu.memory_space<vmem>>
        %dma_start3A_276 = arith.constant 0 : i32
        %dma_start3A_277 = arith.constant 0 : i32
        %dma_start3A_278 = tpu.memref_slice %arg13[%dma_start3A_276, %dma_start3A_277] : memref<10240x128xf32, #tpu.memory_space<vmem_shared>> -> memref<10240x128xf32, #tpu.memory_space<vmem_shared>>
        tpu.enqueue_indirect_dma source(%arg12 : memref<128x128xf32, #tpu.memory_space<vmem>>) target(%dma_start3A_278 : memref<10240x128xf32, #tpu.memory_space<vmem_shared>>) offsets(%dma_start3A_275 : memref<128xi32, #tpu.memory_space<vmem>>) semaphore(%run_scoped3A_272 : memref<!tpu.dma_semaphore, #tpu.memory_space<semaphore_mem>>) {add = true}
        %dma_wait3A_279 = arith.constant 0 : i32
        %dma_wait3A_280 = tpu.memref_slice %arg10[%run_scoped3A_256, %dma_wait3A_279] : memref<4x128xi32, #tpu.memory_space<vmem>> -> memref<1x128xi32, #tpu.memory_space<vmem>>
        %dma_wait3A_281 = tpu.memref_squeeze %dma_wait3A_280 : memref<1x128xi32, #tpu.memory_space<vmem>> -> memref<128xi32, #tpu.memory_space<vmem>>
        %dma_wait3A_282 = arith.constant 0 : i32
        %dma_wait3A_283 = arith.constant 0 : i32
        %dma_wait3A_284 = tpu.memref_slice %arg13[%dma_wait3A_282, %dma_wait3A_283] : memref<10240x128xf32, #tpu.memory_space<vmem_shared>> -> memref<10240x128xf32, #tpu.memory_space<vmem_shared>>
        tpu.wait_indirect_dma semaphore(%run_scoped3A_272 : memref<!tpu.dma_semaphore, #tpu.memory_space<semaphore_mem>>) src(%arg12 : memref<128x128xf32, #tpu.memory_space<vmem>>) dst(%dma_wait3A_284 : memref<10240x128xf32, #tpu.memory_space<vmem_shared>>)
        tpu.yield
      }) : () -> ()
      %add3A_257 = arith.constant 2 : i32
      %add3A_258 = arith.addi %add3A_248, %add3A_257 : i32
      %lt3A_259 = arith.constant 80 : i32
      %lt3A_260 = arith.cmpi slt, %add3A_258, %lt3A_259 : i32
      %convert_element_type3A_261 = arith.extui %lt3A_260 : i1 to i32
      %cond3A_262 = arith.constant 1 : i32
      %cond3A_263 = arith.constant 0 : i32
      %cond3A_264 = arith.cmpi ne, %convert_element_type3A_261, %cond3A_263 : i32
      scf.if %cond3A_264 {
        %dma_start3A_272 = arith.constant 0 : i32
        %dma_start3A_273 = tpu.memref_slice %arg7[%cond3A_262, %dma_start3A_272] : memref<4x128xi32, #tpu.memory_space<vmem>> -> memref<1x128xi32, #tpu.memory_space<vmem>>
        %dma_start3A_274 = tpu.memref_squeeze %dma_start3A_273 : memref<1x128xi32, #tpu.memory_space<vmem>> -> memref<128xi32, #tpu.memory_space<vmem>>
        %dma_start3A_275 = arith.constant 0 : i32
        %dma_start3A_276 = arith.constant 0 : i32
        %dma_start3A_277 = tpu.memref_slice %arg2[%dma_start3A_275, %dma_start3A_276] : memref<10240x128xf32, #tpu.memory_space<hbm>> -> memref<10240x128xf32, #tpu.memory_space<hbm>>
        tpu.enqueue_indirect_dma source(%dma_start3A_277 : memref<10240x128xf32, #tpu.memory_space<hbm>>) target(%arg12 : memref<128x128xf32, #tpu.memory_space<vmem>>) offsets(%dma_start3A_274 : memref<128xi32, #tpu.memory_space<vmem>>) semaphore(%arg15 : memref<!tpu.dma_semaphore, #tpu.memory_space<semaphore_mem>>)
      } else {
      }
      %add3A_265 = arith.constant 2 : i32
      %add3A_266 = arith.addi %add3A_177, %add3A_265 : i32
      %lt3A_267 = arith.constant 20 : i32
      %lt3A_268 = arith.cmpi slt, %add3A_266, %lt3A_267 : i32
      %convert_element_type3A_269 = arith.extui %lt3A_268 : i1 to i32
      %cond3A_270 = arith.constant 0 : i32
      %cond3A_271 = arith.cmpi ne, %convert_element_type3A_269, %cond3A_270 : i32
      scf.if %cond3A_271 {
        %add3A_272 = arith.constant 2 : i32
        %add3A_273 = arith.addi %add3A_177, %add3A_272 : i32
        %dma_start3A_274 = arith.constant 0 : i32
        %dma_start3A_275 = arith.constant 0 : i32
        %dma_start3A_276 = tpu.memref_slice %arg3[%add3A, %add3A_273, %dma_start3A_274, %dma_start3A_275] : memref<32x20x4x128xi32, #tpu.memory_space<hbm>> -> memref<1x1x4x128xi32, #tpu.memory_space<hbm>>
        %dma_start3A_277 = tpu.memref_squeeze %dma_start3A_276 : memref<1x1x4x128xi32, #tpu.memory_space<hbm>> -> memref<4x128xi32, #tpu.memory_space<hbm>>
        %dma_start3A_278 = arith.constant 0 : i32
        %dma_start3A_279 = arith.constant 0 : i32
        %dma_start3A_280 = tpu.memref_slice %arg3[%add3A, %add3A_273, %dma_start3A_278, %dma_start3A_279] : memref<32x20x4x128xi32, #tpu.memory_space<hbm>> -> memref<1x1x4x128xi32, #tpu.memory_space<hbm>>
        %dma_start3A_281 = tpu.memref_squeeze %dma_start3A_280 : memref<1x1x4x128xi32, #tpu.memory_space<hbm>> -> memref<4x128xi32, #tpu.memory_space<hbm>>
        tpu.enqueue_dma source(%dma_start3A_281 : memref<4x128xi32, #tpu.memory_space<hbm>>) target(%arg8 : memref<4x128xi32, #tpu.memory_space<vmem>>) target_semaphore(%arg17 : memref<!tpu.dma_semaphore, #tpu.memory_space<semaphore_mem>>)
        %add3A_282 = arith.constant 2 : i32
        %add3A_283 = arith.addi %add3A_177, %add3A_282 : i32
        %dma_start3A_284 = arith.constant 0 : i32
        %dma_start3A_285 = arith.constant 0 : i32
        %dma_start3A_286 = tpu.memref_slice %arg4[%add3A, %add3A_283, %dma_start3A_284, %dma_start3A_285] : memref<32x20x4x128xi32, #tpu.memory_space<hbm>> -> memref<1x1x4x128xi32, #tpu.memory_space<hbm>>
        %dma_start3A_287 = tpu.memref_squeeze %dma_start3A_286 : memref<1x1x4x128xi32, #tpu.memory_space<hbm>> -> memref<4x128xi32, #tpu.memory_space<hbm>>
        %dma_start3A_288 = arith.constant 0 : i32
        %dma_start3A_289 = arith.constant 0 : i32
        %dma_start3A_290 = tpu.memref_slice %arg4[%add3A, %add3A_283, %dma_start3A_288, %dma_start3A_289] : memref<32x20x4x128xi32, #tpu.memory_space<hbm>> -> memref<1x1x4x128xi32, #tpu.memory_space<hbm>>
        %dma_start3A_291 = tpu.memref_squeeze %dma_start3A_290 : memref<1x1x4x128xi32, #tpu.memory_space<hbm>> -> memref<4x128xi32, #tpu.memory_space<hbm>>
        tpu.enqueue_dma source(%dma_start3A_291 : memref<4x128xi32, #tpu.memory_space<hbm>>) target(%arg10 : memref<4x128xi32, #tpu.memory_space<vmem>>) target_semaphore(%arg17 : memref<!tpu.dma_semaphore, #tpu.memory_space<semaphore_mem>>)
      } else {
      }
    }
    %scan3A_73 = arith.constant 10 : i32
    %barrier3A_74 = arith.constant 0 : index
    tpu.barrier barrier_id(%barrier3A_74)
    %mul3A_75 = arith.constant 640 : i32
    %mul3A_76 = arith.muli %arg1, %mul3A_75 : i32
    %mul3A_77 = arith.constant 640 : i32
    %mul3A_78 = arith.muli %arg1, %mul3A_77 : i32
    "tpu.region"() ({
      %run_scoped3A = tpu.sem_alloc : memref<!tpu.dma_semaphore, #tpu.memory_space<semaphore_mem>>
      %dma_start3A_79 = arith.constant 0 : i32
      %dma_start3A_80 = tpu.memref_slice %arg6[%arg0, %mul3A_78, %dma_start3A_79] : memref<2x10240x128xf32, #tpu.memory_space<hbm>> -> memref<1x640x128xf32, #tpu.memory_space<hbm>>
      %dma_start3A_81 = tpu.memref_squeeze %dma_start3A_80 : memref<1x640x128xf32, #tpu.memory_space<hbm>> -> memref<640x128xf32, #tpu.memory_space<hbm>>
      %dma_start3A_82 = arith.constant 0 : i32
      %dma_start3A_83 = tpu.memref_slice %arg13[%mul3A_76, %dma_start3A_82] : memref<10240x128xf32, #tpu.memory_space<vmem_shared>> -> memref<640x128xf32, #tpu.memory_space<vmem_shared>>
      tpu.enqueue_dma source(%dma_start3A_83 : memref<640x128xf32, #tpu.memory_space<vmem_shared>>) target(%dma_start3A_81 : memref<640x128xf32, #tpu.memory_space<hbm>>) target_semaphore(%run_scoped3A : memref<!tpu.dma_semaphore, #tpu.memory_space<semaphore_mem>>)
      %dma_wait3A_84 = arith.constant 0 : i32
      %dma_wait3A_85 = tpu.memref_slice %arg6[%arg0, %mul3A_78, %dma_wait3A_84] : memref<2x10240x128xf32, #tpu.memory_space<hbm>> -> memref<1x640x128xf32, #tpu.memory_space<hbm>>
      %dma_wait3A_86 = tpu.memref_squeeze %dma_wait3A_85 : memref<1x640x128xf32, #tpu.memory_space<hbm>> -> memref<640x128xf32, #tpu.memory_space<hbm>>
      %dma_wait3A_87 = arith.constant 0 : i32
      %dma_wait3A_88 = tpu.memref_slice %arg13[%mul3A_76, %dma_wait3A_87] : memref<10240x128xf32, #tpu.memory_space<vmem_shared>> -> memref<640x128xf32, #tpu.memory_space<vmem_shared>>
      tpu.wait_dma2 semaphore(%run_scoped3A : memref<!tpu.dma_semaphore, #tpu.memory_space<semaphore_mem>>) src(%dma_wait3A_88 : memref<640x128xf32, #tpu.memory_space<vmem_shared>>) dst(%dma_wait3A_86 : memref<640x128xf32, #tpu.memory_space<hbm>>)
      tpu.yield
    }) : () -> ()
    return
  }
}

#map = affine_map<(d0, d1) -> (0, 0)>
#map1 = affine_map<(d0, d1) -> (0, 0, 0, 0)>
#map2 = affine_map<(d0, d1) -> (0, 0, 0)>
module attributes {stable_mosaic.version = 14 : i64} {
  func.func @_prop_kernel(%arg0: i32, %arg1: i32, %arg2: memref<10240x128xf32, #tpu.memory_space<hbm>>, %arg3: memref<32x20x4x128xi32, #tpu.memory_space<hbm>>, %arg4: memref<32x20x4x128xi32, #tpu.memory_space<hbm>>, %arg5: memref<640x128xf32, #tpu.memory_space<hbm>>, %arg6: memref<2x10240x128xf32, #tpu.memory_space<hbm>>, %arg7: memref<4x128xi32, #tpu.memory_space<vmem>>, %arg8: memref<4x128xi32, #tpu.memory_space<vmem>>, %arg9: memref<4x128xi32, #tpu.memory_space<vmem>>, %arg10: memref<4x128xi32, #tpu.memory_space<vmem>>, %arg11: memref<128x128xf32, #tpu.memory_space<vmem>>, %arg12: memref<128x128xf32, #tpu.memory_space<vmem>>, %arg13: memref<10240x128xf32, #tpu.memory_space<vmem_shared>>, %arg14: memref<!tpu.dma_semaphore, #tpu.memory_space<semaphore_mem>>, %arg15: memref<!tpu.dma_semaphore, #tpu.memory_space<semaphore_mem>>, %arg16: memref<!tpu.dma_semaphore, #tpu.memory_space<semaphore_mem>>, %arg17: memref<!tpu.dma_semaphore, #tpu.memory_space<semaphore_mem>>) attributes {dimension_semantics = [#tpu.dimension_semantics<core_parallel>, #tpu.dimension_semantics<subcore_parallel>], iteration_bounds = array<i64: 2, 16>, scalar_prefetch = 0 : i64, scratch_operands = 11 : i64, tpu.core_type = #tpu.core_type<sc_vector_subcore>, window_params = [{transform_indices = #map}, {transform_indices = #map1}, {transform_indices = #map1}, {transform_indices = #map}, {transform_indices = #map2}]} {
    %mul3A = arith.constant 16 : i32
    %mul3A_0 = arith.muli %arg0, %mul3A : i32
    %add3A = arith.addi %mul3A_0, %arg1 : i32
    %dma_start3A = arith.constant 0 : i32
    %dma_start3A_1 = arith.constant 0 : i32
    %dma_start3A_2 = arith.constant 0 : i32
    %dma_start3A_3 = tpu.memref_slice %arg3[%add3A, %dma_start3A, %dma_start3A_1, %dma_start3A_2] : memref<32x20x4x128xi32, #tpu.memory_space<hbm>> -> memref<1x1x4x128xi32, #tpu.memory_space<hbm>>
    %dma_start3A_4 = tpu.memref_squeeze %dma_start3A_3 : memref<1x1x4x128xi32, #tpu.memory_space<hbm>> -> memref<4x128xi32, #tpu.memory_space<hbm>>
    %dma_start3A_5 = arith.constant 0 : i32
    %dma_start3A_6 = arith.constant 0 : i32
    %dma_start3A_7 = tpu.memref_slice %arg3[%add3A, %dma_start3A, %dma_start3A_5, %dma_start3A_6] : memref<32x20x4x128xi32, #tpu.memory_space<hbm>> -> memref<1x1x4x128xi32, #tpu.memory_space<hbm>>
    %dma_start3A_8 = tpu.memref_squeeze %dma_start3A_7 : memref<1x1x4x128xi32, #tpu.memory_space<hbm>> -> memref<4x128xi32, #tpu.memory_space<hbm>>
    tpu.enqueue_dma source(%dma_start3A_8 : memref<4x128xi32, #tpu.memory_space<hbm>>) target(%arg7 : memref<4x128xi32, #tpu.memory_space<vmem>>) target_semaphore(%arg16 : memref<!tpu.dma_semaphore, #tpu.memory_space<semaphore_mem>>)
    %dma_start3A_9 = arith.constant 0 : i32
    %dma_start3A_10 = arith.constant 0 : i32
    %dma_start3A_11 = arith.constant 0 : i32
    %dma_start3A_12 = tpu.memref_slice %arg4[%add3A, %dma_start3A_9, %dma_start3A_10, %dma_start3A_11] : memref<32x20x4x128xi32, #tpu.memory_space<hbm>> -> memref<1x1x4x128xi32, #tpu.memory_space<hbm>>
    %dma_start3A_13 = tpu.memref_squeeze %dma_start3A_12 : memref<1x1x4x128xi32, #tpu.memory_space<hbm>> -> memref<4x128xi32, #tpu.memory_space<hbm>>
    %dma_start3A_14 = arith.constant 0 : i32
    %dma_start3A_15 = arith.constant 0 : i32
    %dma_start3A_16 = tpu.memref_slice %arg4[%add3A, %dma_start3A_9, %dma_start3A_14, %dma_start3A_15] : memref<32x20x4x128xi32, #tpu.memory_space<hbm>> -> memref<1x1x4x128xi32, #tpu.memory_space<hbm>>
    %dma_start3A_17 = tpu.memref_squeeze %dma_start3A_16 : memref<1x1x4x128xi32, #tpu.memory_space<hbm>> -> memref<4x128xi32, #tpu.memory_space<hbm>>
    tpu.enqueue_dma source(%dma_start3A_17 : memref<4x128xi32, #tpu.memory_space<hbm>>) target(%arg9 : memref<4x128xi32, #tpu.memory_space<vmem>>) target_semaphore(%arg16 : memref<!tpu.dma_semaphore, #tpu.memory_space<semaphore_mem>>)
    %dma_start3A_18 = arith.constant 1 : i32
    %dma_start3A_19 = arith.constant 0 : i32
    %dma_start3A_20 = arith.constant 0 : i32
    %dma_start3A_21 = tpu.memref_slice %arg3[%add3A, %dma_start3A_18, %dma_start3A_19, %dma_start3A_20] : memref<32x20x4x128xi32, #tpu.memory_space<hbm>> -> memref<1x1x4x128xi32, #tpu.memory_space<hbm>>
    %dma_start3A_22 = tpu.memref_squeeze %dma_start3A_21 : memref<1x1x4x128xi32, #tpu.memory_space<hbm>> -> memref<4x128xi32, #tpu.memory_space<hbm>>
    %dma_start3A_23 = arith.constant 0 : i32
    %dma_start3A_24 = arith.constant 0 : i32
    %dma_start3A_25 = tpu.memref_slice %arg3[%add3A, %dma_start3A_18, %dma_start3A_23, %dma_start3A_24] : memref<32x20x4x128xi32, #tpu.memory_space<hbm>> -> memref<1x1x4x128xi32, #tpu.memory_space<hbm>>
    %dma_start3A_26 = tpu.memref_squeeze %dma_start3A_25 : memref<1x1x4x128xi32, #tpu.memory_space<hbm>> -> memref<4x128xi32, #tpu.memory_space<hbm>>
    tpu.enqueue_dma source(%dma_start3A_26 : memref<4x128xi32, #tpu.memory_space<hbm>>) target(%arg8 : memref<4x128xi32, #tpu.memory_space<vmem>>) target_semaphore(%arg17 : memref<!tpu.dma_semaphore, #tpu.memory_space<semaphore_mem>>)
    %dma_start3A_27 = arith.constant 1 : i32
    %dma_start3A_28 = arith.constant 0 : i32
    %dma_start3A_29 = arith.constant 0 : i32
    %dma_start3A_30 = tpu.memref_slice %arg4[%add3A, %dma_start3A_27, %dma_start3A_28, %dma_start3A_29] : memref<32x20x4x128xi32, #tpu.memory_space<hbm>> -> memref<1x1x4x128xi32, #tpu.memory_space<hbm>>
    %dma_start3A_31 = tpu.memref_squeeze %dma_start3A_30 : memref<1x1x4x128xi32, #tpu.memory_space<hbm>> -> memref<4x128xi32, #tpu.memory_space<hbm>>
    %dma_start3A_32 = arith.constant 0 : i32
    %dma_start3A_33 = arith.constant 0 : i32
    %dma_start3A_34 = tpu.memref_slice %arg4[%add3A, %dma_start3A_27, %dma_start3A_32, %dma_start3A_33] : memref<32x20x4x128xi32, #tpu.memory_space<hbm>> -> memref<1x1x4x128xi32, #tpu.memory_space<hbm>>
    %dma_start3A_35 = tpu.memref_squeeze %dma_start3A_34 : memref<1x1x4x128xi32, #tpu.memory_space<hbm>> -> memref<4x128xi32, #tpu.memory_space<hbm>>
    tpu.enqueue_dma source(%dma_start3A_35 : memref<4x128xi32, #tpu.memory_space<hbm>>) target(%arg10 : memref<4x128xi32, #tpu.memory_space<vmem>>) target_semaphore(%arg17 : memref<!tpu.dma_semaphore, #tpu.memory_space<semaphore_mem>>)
    %mul3A_36 = arith.constant 640 : i32
    %mul3A_37 = arith.muli %arg1, %mul3A_36 : i32
    "tpu.region"() ({
      %run_scoped3A = tpu.sem_alloc : memref<!tpu.dma_semaphore, #tpu.memory_space<semaphore_mem>>
      %dma_start3A_79 = arith.constant 0 : i32
      %dma_start3A_80 = tpu.memref_slice %arg13[%mul3A_37, %dma_start3A_79] : memref<10240x128xf32, #tpu.memory_space<vmem_shared>> -> memref<640x128xf32, #tpu.memory_space<vmem_shared>>
      tpu.enqueue_dma source(%arg5 : memref<640x128xf32, #tpu.memory_space<hbm>>) target(%dma_start3A_80 : memref<640x128xf32, #tpu.memory_space<vmem_shared>>) target_semaphore(%run_scoped3A : memref<!tpu.dma_semaphore, #tpu.memory_space<semaphore_mem>>)
      %dma_wait3A_81 = arith.constant 0 : i32
      %dma_wait3A_82 = tpu.memref_slice %arg13[%mul3A_37, %dma_wait3A_81] : memref<10240x128xf32, #tpu.memory_space<vmem_shared>> -> memref<640x128xf32, #tpu.memory_space<vmem_shared>>
      tpu.wait_dma2 semaphore(%run_scoped3A : memref<!tpu.dma_semaphore, #tpu.memory_space<semaphore_mem>>) src(%arg5 : memref<640x128xf32, #tpu.memory_space<hbm>>) dst(%dma_wait3A_82 : memref<640x128xf32, #tpu.memory_space<vmem_shared>>)
      tpu.yield
    }) : () -> ()
    %barrier3A = arith.constant 0 : index
    tpu.barrier barrier_id(%barrier3A)
    %dma_wait3A = arith.constant 0 : i32
    %dma_wait3A_38 = arith.constant 0 : i32
    %dma_wait3A_39 = arith.constant 0 : i32
    %dma_wait3A_40 = tpu.memref_slice %arg3[%add3A, %dma_wait3A, %dma_wait3A_38, %dma_wait3A_39] : memref<32x20x4x128xi32, #tpu.memory_space<hbm>> -> memref<1x1x4x128xi32, #tpu.memory_space<hbm>>
    %dma_wait3A_41 = tpu.memref_squeeze %dma_wait3A_40 : memref<1x1x4x128xi32, #tpu.memory_space<hbm>> -> memref<4x128xi32, #tpu.memory_space<hbm>>
    %dma_wait3A_42 = arith.constant 0 : i32
    %dma_wait3A_43 = arith.constant 0 : i32
    %dma_wait3A_44 = tpu.memref_slice %arg3[%add3A, %dma_wait3A, %dma_wait3A_42, %dma_wait3A_43] : memref<32x20x4x128xi32, #tpu.memory_space<hbm>> -> memref<1x1x4x128xi32, #tpu.memory_space<hbm>>
    %dma_wait3A_45 = tpu.memref_squeeze %dma_wait3A_44 : memref<1x1x4x128xi32, #tpu.memory_space<hbm>> -> memref<4x128xi32, #tpu.memory_space<hbm>>
    tpu.wait_dma2 semaphore(%arg16 : memref<!tpu.dma_semaphore, #tpu.memory_space<semaphore_mem>>) src(%dma_wait3A_45 : memref<4x128xi32, #tpu.memory_space<hbm>>) dst(%arg7 : memref<4x128xi32, #tpu.memory_space<vmem>>)
    %dma_wait3A_46 = arith.constant 0 : i32
    %dma_wait3A_47 = arith.constant 0 : i32
    %dma_wait3A_48 = arith.constant 0 : i32
    %dma_wait3A_49 = tpu.memref_slice %arg4[%add3A, %dma_wait3A_46, %dma_wait3A_47, %dma_wait3A_48] : memref<32x20x4x128xi32, #tpu.memory_space<hbm>> -> memref<1x1x4x128xi32, #tpu.memory_space<hbm>>
    %dma_wait3A_50 = tpu.memref_squeeze %dma_wait3A_49 : memref<1x1x4x128xi32, #tpu.memory_space<hbm>> -> memref<4x128xi32, #tpu.memory_space<hbm>>
    %dma_wait3A_51 = arith.constant 0 : i32
    %dma_wait3A_52 = arith.constant 0 : i32
    %dma_wait3A_53 = tpu.memref_slice %arg4[%add3A, %dma_wait3A_46, %dma_wait3A_51, %dma_wait3A_52] : memref<32x20x4x128xi32, #tpu.memory_space<hbm>> -> memref<1x1x4x128xi32, #tpu.memory_space<hbm>>
    %dma_wait3A_54 = tpu.memref_squeeze %dma_wait3A_53 : memref<1x1x4x128xi32, #tpu.memory_space<hbm>> -> memref<4x128xi32, #tpu.memory_space<hbm>>
    tpu.wait_dma2 semaphore(%arg16 : memref<!tpu.dma_semaphore, #tpu.memory_space<semaphore_mem>>) src(%dma_wait3A_54 : memref<4x128xi32, #tpu.memory_space<hbm>>) dst(%arg9 : memref<4x128xi32, #tpu.memory_space<vmem>>)
    %dma_start3A_55 = arith.constant 0 : i32
    %dma_start3A_56 = arith.constant 0 : i32
    %dma_start3A_57 = tpu.memref_slice %arg7[%dma_start3A_55, %dma_start3A_56] : memref<4x128xi32, #tpu.memory_space<vmem>> -> memref<1x128xi32, #tpu.memory_space<vmem>>
    %dma_start3A_58 = tpu.memref_squeeze %dma_start3A_57 : memref<1x128xi32, #tpu.memory_space<vmem>> -> memref<128xi32, #tpu.memory_space<vmem>>
    %dma_start3A_59 = arith.constant 0 : i32
    %dma_start3A_60 = arith.constant 0 : i32
    %dma_start3A_61 = tpu.memref_slice %arg2[%dma_start3A_59, %dma_start3A_60] : memref<10240x128xf32, #tpu.memory_space<hbm>> -> memref<10240x128xf32, #tpu.memory_space<hbm>>
    tpu.enqueue_indirect_dma source(%dma_start3A_61 : memref<10240x128xf32, #tpu.memory_space<hbm>>) target(%arg11 : memref<128x128xf32, #tpu.memory_space<vmem>>) offsets(%dma_start3A_58 : memref<128xi32, #tpu.memory_space<vmem>>) semaphore(%arg14 : memref<!tpu.dma_semaphore, #tpu.memory_space<semaphore_mem>>)
    %dma_start3A_62 = arith.constant 1 : i32
    %dma_start3A_63 = arith.constant 0 : i32
    %dma_start3A_64 = tpu.memref_slice %arg7[%dma_start3A_62, %dma_start3A_63] : memref<4x128xi32, #tpu.memory_space<vmem>> -> memref<1x128xi32, #tpu.memory_space<vmem>>
    %dma_start3A_65 = tpu.memref_squeeze %dma_start3A_64 : memref<1x128xi32, #tpu.memory_space<vmem>> -> memref<128xi32, #tpu.memory_space<vmem>>
    %dma_start3A_66 = arith.constant 0 : i32
    %dma_start3A_67 = arith.constant 0 : i32
    %dma_start3A_68 = tpu.memref_slice %arg2[%dma_start3A_66, %dma_start3A_67] : memref<10240x128xf32, #tpu.memory_space<hbm>> -> memref<10240x128xf32, #tpu.memory_space<hbm>>
    tpu.enqueue_indirect_dma source(%dma_start3A_68 : memref<10240x128xf32, #tpu.memory_space<hbm>>) target(%arg12 : memref<128x128xf32, #tpu.memory_space<vmem>>) offsets(%dma_start3A_65 : memref<128xi32, #tpu.memory_space<vmem>>) semaphore(%arg15 : memref<!tpu.dma_semaphore, #tpu.memory_space<semaphore_mem>>)
    %scan3A = arith.constant 0 : i32
    %scan3A_69 = arith.constant 0 : i32
    %scan3A_70 = arith.constant 10 : i32
    %scan3A_71 = arith.addi %scan3A_69, %scan3A_70 : i32
    %scan3A_72 = arith.constant 1 : i32
    scf.for %scan3A_79 = %scan3A_69 to %scan3A_71 step %scan3A_72  : i32 {
      %mul3A_80 = arith.constant 2 : i32
      %mul3A_81 = arith.muli %mul3A_80, %scan3A_79 : i32
      %add3A_82 = arith.constant 0 : i32
      %add3A_83 = arith.addi %mul3A_81, %add3A_82 : i32
      %mul3A_84 = arith.constant 4 : i32
      %mul3A_85 = arith.muli %add3A_83, %mul3A_84 : i32
      %add3A_86 = arith.constant 0 : i32
      %add3A_87 = arith.addi %mul3A_85, %add3A_86 : i32
      %dma_wait3A_88 = arith.constant 0 : i32
      %dma_wait3A_89 = arith.constant 0 : i32
      %dma_wait3A_90 = tpu.memref_slice %arg7[%dma_wait3A_88, %dma_wait3A_89] : memref<4x128xi32, #tpu.memory_space<vmem>> -> memref<1x128xi32, #tpu.memory_space<vmem>>
      %dma_wait3A_91 = tpu.memref_squeeze %dma_wait3A_90 : memref<1x128xi32, #tpu.memory_space<vmem>> -> memref<128xi32, #tpu.memory_space<vmem>>
      %dma_wait3A_92 = arith.constant 0 : i32
      %dma_wait3A_93 = arith.constant 0 : i32
      %dma_wait3A_94 = tpu.memref_slice %arg2[%dma_wait3A_92, %dma_wait3A_93] : memref<10240x128xf32, #tpu.memory_space<hbm>> -> memref<10240x128xf32, #tpu.memory_space<hbm>>
      tpu.wait_indirect_dma semaphore(%arg14 : memref<!tpu.dma_semaphore, #tpu.memory_space<semaphore_mem>>) src(%dma_wait3A_94 : memref<10240x128xf32, #tpu.memory_space<hbm>>) dst(%arg11 : memref<128x128xf32, #tpu.memory_space<vmem>>)
      %run_scoped3A = arith.constant 0 : i32
      "tpu.region"() ({
        %run_scoped3A_272 = tpu.sem_alloc : memref<!tpu.dma_semaphore, #tpu.memory_space<semaphore_mem>>
        %dma_start3A_273 = arith.constant 0 : i32
        %dma_start3A_274 = tpu.memref_slice %arg9[%run_scoped3A, %dma_start3A_273] : memref<4x128xi32, #tpu.memory_space<vmem>> -> memref<1x128xi32, #tpu.memory_space<vmem>>
        %dma_start3A_275 = tpu.memref_squeeze %dma_start3A_274 : memref<1x128xi32, #tpu.memory_space<vmem>> -> memref<128xi32, #tpu.memory_space<vmem>>
        %dma_start3A_276 = arith.constant 0 : i32
        %dma_start3A_277 = arith.constant 0 : i32
        %dma_start3A_278 = tpu.memref_slice %arg13[%dma_start3A_276, %dma_start3A_277] : memref<10240x128xf32, #tpu.memory_space<vmem_shared>> -> memref<10240x128xf32, #tpu.memory_space<vmem_shared>>
        tpu.enqueue_indirect_dma source(%arg11 : memref<128x128xf32, #tpu.memory_space<vmem>>) target(%dma_start3A_278 : memref<10240x128xf32, #tpu.memory_space<vmem_shared>>) offsets(%dma_start3A_275 : memref<128xi32, #tpu.memory_space<vmem>>) semaphore(%run_scoped3A_272 : memref<!tpu.dma_semaphore, #tpu.memory_space<semaphore_mem>>) {add = true}
        %dma_wait3A_279 = arith.constant 0 : i32
        %dma_wait3A_280 = tpu.memref_slice %arg9[%run_scoped3A, %dma_wait3A_279] : memref<4x128xi32, #tpu.memory_space<vmem>> -> memref<1x128xi32, #tpu.memory_space<vmem>>
        %dma_wait3A_281 = tpu.memref_squeeze %dma_wait3A_280 : memref<1x128xi32, #tpu.memory_space<vmem>> -> memref<128xi32, #tpu.memory_space<vmem>>
        %dma_wait3A_282 = arith.constant 0 : i32
        %dma_wait3A_283 = arith.constant 0 : i32
        %dma_wait3A_284 = tpu.memref_slice %arg13[%dma_wait3A_282, %dma_wait3A_283] : memref<10240x128xf32, #tpu.memory_space<vmem_shared>> -> memref<10240x128xf32, #tpu.memory_space<vmem_shared>>
        tpu.wait_indirect_dma semaphore(%run_scoped3A_272 : memref<!tpu.dma_semaphore, #tpu.memory_space<semaphore_mem>>) src(%arg11 : memref<128x128xf32, #tpu.memory_space<vmem>>) dst(%dma_wait3A_284 : memref<10240x128xf32, #tpu.memory_space<vmem_shared>>)
        tpu.yield
      }) : () -> ()
      %add3A_95 = arith.constant 2 : i32
      %add3A_96 = arith.addi %add3A_87, %add3A_95 : i32
      %lt3A = arith.constant 80 : i32
      %lt3A_97 = arith.cmpi slt, %add3A_96, %lt3A : i32
      %convert_element_type3A = arith.extui %lt3A_97 : i1 to i32
      %cond3A = arith.constant 2 : i32
      %cond3A_98 = arith.constant 0 : i32
      %cond3A_99 = arith.cmpi ne, %convert_element_type3A, %cond3A_98 : i32
      scf.if %cond3A_99 {
        %dma_start3A_272 = arith.constant 0 : i32
        %dma_start3A_273 = tpu.memref_slice %arg7[%cond3A, %dma_start3A_272] : memref<4x128xi32, #tpu.memory_space<vmem>> -> memref<1x128xi32, #tpu.memory_space<vmem>>
        %dma_start3A_274 = tpu.memref_squeeze %dma_start3A_273 : memref<1x128xi32, #tpu.memory_space<vmem>> -> memref<128xi32, #tpu.memory_space<vmem>>
        %dma_start3A_275 = arith.constant 0 : i32
        %dma_start3A_276 = arith.constant 0 : i32
        %dma_start3A_277 = tpu.memref_slice %arg2[%dma_start3A_275, %dma_start3A_276] : memref<10240x128xf32, #tpu.memory_space<hbm>> -> memref<10240x128xf32, #tpu.memory_space<hbm>>
        tpu.enqueue_indirect_dma source(%dma_start3A_277 : memref<10240x128xf32, #tpu.memory_space<hbm>>) target(%arg11 : memref<128x128xf32, #tpu.memory_space<vmem>>) offsets(%dma_start3A_274 : memref<128xi32, #tpu.memory_space<vmem>>) semaphore(%arg14 : memref<!tpu.dma_semaphore, #tpu.memory_space<semaphore_mem>>)
      } else {
      }
      %mul3A_100 = arith.constant 4 : i32
      %mul3A_101 = arith.muli %add3A_83, %mul3A_100 : i32
      %add3A_102 = arith.constant 1 : i32
      %add3A_103 = arith.addi %mul3A_101, %add3A_102 : i32
      %dma_wait3A_104 = arith.constant 1 : i32
      %dma_wait3A_105 = arith.constant 0 : i32
      %dma_wait3A_106 = tpu.memref_slice %arg7[%dma_wait3A_104, %dma_wait3A_105] : memref<4x128xi32, #tpu.memory_space<vmem>> -> memref<1x128xi32, #tpu.memory_space<vmem>>
      %dma_wait3A_107 = tpu.memref_squeeze %dma_wait3A_106 : memref<1x128xi32, #tpu.memory_space<vmem>> -> memref<128xi32, #tpu.memory_space<vmem>>
      %dma_wait3A_108 = arith.constant 0 : i32
      %dma_wait3A_109 = arith.constant 0 : i32
      %dma_wait3A_110 = tpu.memref_slice %arg2[%dma_wait3A_108, %dma_wait3A_109] : memref<10240x128xf32, #tpu.memory_space<hbm>> -> memref<10240x128xf32, #tpu.memory_space<hbm>>
      tpu.wait_indirect_dma semaphore(%arg15 : memref<!tpu.dma_semaphore, #tpu.memory_space<semaphore_mem>>) src(%dma_wait3A_110 : memref<10240x128xf32, #tpu.memory_space<hbm>>) dst(%arg12 : memref<128x128xf32, #tpu.memory_space<vmem>>)
      %run_scoped3A_111 = arith.constant 1 : i32
      "tpu.region"() ({
        %run_scoped3A_272 = tpu.sem_alloc : memref<!tpu.dma_semaphore, #tpu.memory_space<semaphore_mem>>
        %dma_start3A_273 = arith.constant 0 : i32
        %dma_start3A_274 = tpu.memref_slice %arg9[%run_scoped3A_111, %dma_start3A_273] : memref<4x128xi32, #tpu.memory_space<vmem>> -> memref<1x128xi32, #tpu.memory_space<vmem>>
        %dma_start3A_275 = tpu.memref_squeeze %dma_start3A_274 : memref<1x128xi32, #tpu.memory_space<vmem>> -> memref<128xi32, #tpu.memory_space<vmem>>
        %dma_start3A_276 = arith.constant 0 : i32
        %dma_start3A_277 = arith.constant 0 : i32
        %dma_start3A_278 = tpu.memref_slice %arg13[%dma_start3A_276, %dma_start3A_277] : memref<10240x128xf32, #tpu.memory_space<vmem_shared>> -> memref<10240x128xf32, #tpu.memory_space<vmem_shared>>
        tpu.enqueue_indirect_dma source(%arg12 : memref<128x128xf32, #tpu.memory_space<vmem>>) target(%dma_start3A_278 : memref<10240x128xf32, #tpu.memory_space<vmem_shared>>) offsets(%dma_start3A_275 : memref<128xi32, #tpu.memory_space<vmem>>) semaphore(%run_scoped3A_272 : memref<!tpu.dma_semaphore, #tpu.memory_space<semaphore_mem>>) {add = true}
        %dma_wait3A_279 = arith.constant 0 : i32
        %dma_wait3A_280 = tpu.memref_slice %arg9[%run_scoped3A_111, %dma_wait3A_279] : memref<4x128xi32, #tpu.memory_space<vmem>> -> memref<1x128xi32, #tpu.memory_space<vmem>>
        %dma_wait3A_281 = tpu.memref_squeeze %dma_wait3A_280 : memref<1x128xi32, #tpu.memory_space<vmem>> -> memref<128xi32, #tpu.memory_space<vmem>>
        %dma_wait3A_282 = arith.constant 0 : i32
        %dma_wait3A_283 = arith.constant 0 : i32
        %dma_wait3A_284 = tpu.memref_slice %arg13[%dma_wait3A_282, %dma_wait3A_283] : memref<10240x128xf32, #tpu.memory_space<vmem_shared>> -> memref<10240x128xf32, #tpu.memory_space<vmem_shared>>
        tpu.wait_indirect_dma semaphore(%run_scoped3A_272 : memref<!tpu.dma_semaphore, #tpu.memory_space<semaphore_mem>>) src(%arg12 : memref<128x128xf32, #tpu.memory_space<vmem>>) dst(%dma_wait3A_284 : memref<10240x128xf32, #tpu.memory_space<vmem_shared>>)
        tpu.yield
      }) : () -> ()
      %add3A_112 = arith.constant 2 : i32
      %add3A_113 = arith.addi %add3A_103, %add3A_112 : i32
      %lt3A_114 = arith.constant 80 : i32
      %lt3A_115 = arith.cmpi slt, %add3A_113, %lt3A_114 : i32
      %convert_element_type3A_116 = arith.extui %lt3A_115 : i1 to i32
      %cond3A_117 = arith.constant 3 : i32
      %cond3A_118 = arith.constant 0 : i32
      %cond3A_119 = arith.cmpi ne, %convert_element_type3A_116, %cond3A_118 : i32
      scf.if %cond3A_119 {
        %dma_start3A_272 = arith.constant 0 : i32
        %dma_start3A_273 = tpu.memref_slice %arg7[%cond3A_117, %dma_start3A_272] : memref<4x128xi32, #tpu.memory_space<vmem>> -> memref<1x128xi32, #tpu.memory_space<vmem>>
        %dma_start3A_274 = tpu.memref_squeeze %dma_start3A_273 : memref<1x128xi32, #tpu.memory_space<vmem>> -> memref<128xi32, #tpu.memory_space<vmem>>
        %dma_start3A_275 = arith.constant 0 : i32
        %dma_start3A_276 = arith.constant 0 : i32
        %dma_start3A_277 = tpu.memref_slice %arg2[%dma_start3A_275, %dma_start3A_276] : memref<10240x128xf32, #tpu.memory_space<hbm>> -> memref<10240x128xf32, #tpu.memory_space<hbm>>
        tpu.enqueue_indirect_dma source(%dma_start3A_277 : memref<10240x128xf32, #tpu.memory_space<hbm>>) target(%arg12 : memref<128x128xf32, #tpu.memory_space<vmem>>) offsets(%dma_start3A_274 : memref<128xi32, #tpu.memory_space<vmem>>) semaphore(%arg15 : memref<!tpu.dma_semaphore, #tpu.memory_space<semaphore_mem>>)
      } else {
      }
      %mul3A_120 = arith.constant 4 : i32
      %mul3A_121 = arith.muli %add3A_83, %mul3A_120 : i32
      %add3A_122 = arith.constant 2 : i32
      %add3A_123 = arith.addi %mul3A_121, %add3A_122 : i32
      %dma_wait3A_124 = arith.constant 2 : i32
      %dma_wait3A_125 = arith.constant 0 : i32
      %dma_wait3A_126 = tpu.memref_slice %arg7[%dma_wait3A_124, %dma_wait3A_125] : memref<4x128xi32, #tpu.memory_space<vmem>> -> memref<1x128xi32, #tpu.memory_space<vmem>>
      %dma_wait3A_127 = tpu.memref_squeeze %dma_wait3A_126 : memref<1x128xi32, #tpu.memory_space<vmem>> -> memref<128xi32, #tpu.memory_space<vmem>>
      %dma_wait3A_128 = arith.constant 0 : i32
      %dma_wait3A_129 = arith.constant 0 : i32
      %dma_wait3A_130 = tpu.memref_slice %arg2[%dma_wait3A_128, %dma_wait3A_129] : memref<10240x128xf32, #tpu.memory_space<hbm>> -> memref<10240x128xf32, #tpu.memory_space<hbm>>
      tpu.wait_indirect_dma semaphore(%arg14 : memref<!tpu.dma_semaphore, #tpu.memory_space<semaphore_mem>>) src(%dma_wait3A_130 : memref<10240x128xf32, #tpu.memory_space<hbm>>) dst(%arg11 : memref<128x128xf32, #tpu.memory_space<vmem>>)
      %add3A_131 = arith.constant 1 : i32
      %add3A_132 = arith.addi %add3A_83, %add3A_131 : i32
      %lt3A_133 = arith.constant 20 : i32
      %lt3A_134 = arith.cmpi slt, %add3A_132, %lt3A_133 : i32
      %convert_element_type3A_135 = arith.extui %lt3A_134 : i1 to i32
      %cond3A_136 = arith.constant 0 : i32
      %cond3A_137 = arith.cmpi ne, %convert_element_type3A_135, %cond3A_136 : i32
      scf.if %cond3A_137 {
        %add3A_272 = arith.constant 1 : i32
        %add3A_273 = arith.addi %add3A_83, %add3A_272 : i32
        %dma_wait3A_274 = arith.constant 0 : i32
        %dma_wait3A_275 = arith.constant 0 : i32
        %dma_wait3A_276 = tpu.memref_slice %arg3[%add3A, %add3A_273, %dma_wait3A_274, %dma_wait3A_275] : memref<32x20x4x128xi32, #tpu.memory_space<hbm>> -> memref<1x1x4x128xi32, #tpu.memory_space<hbm>>
        %dma_wait3A_277 = tpu.memref_squeeze %dma_wait3A_276 : memref<1x1x4x128xi32, #tpu.memory_space<hbm>> -> memref<4x128xi32, #tpu.memory_space<hbm>>
        %dma_wait3A_278 = arith.constant 0 : i32
        %dma_wait3A_279 = arith.constant 0 : i32
        %dma_wait3A_280 = tpu.memref_slice %arg3[%add3A, %add3A_273, %dma_wait3A_278, %dma_wait3A_279] : memref<32x20x4x128xi32, #tpu.memory_space<hbm>> -> memref<1x1x4x128xi32, #tpu.memory_space<hbm>>
        %dma_wait3A_281 = tpu.memref_squeeze %dma_wait3A_280 : memref<1x1x4x128xi32, #tpu.memory_space<hbm>> -> memref<4x128xi32, #tpu.memory_space<hbm>>
        tpu.wait_dma2 semaphore(%arg17 : memref<!tpu.dma_semaphore, #tpu.memory_space<semaphore_mem>>) src(%dma_wait3A_281 : memref<4x128xi32, #tpu.memory_space<hbm>>) dst(%arg8 : memref<4x128xi32, #tpu.memory_space<vmem>>)
        %add3A_282 = arith.constant 1 : i32
        %add3A_283 = arith.addi %add3A_83, %add3A_282 : i32
        %dma_wait3A_284 = arith.constant 0 : i32
        %dma_wait3A_285 = arith.constant 0 : i32
        %dma_wait3A_286 = tpu.memref_slice %arg4[%add3A, %add3A_283, %dma_wait3A_284, %dma_wait3A_285] : memref<32x20x4x128xi32, #tpu.memory_space<hbm>> -> memref<1x1x4x128xi32, #tpu.memory_space<hbm>>
        %dma_wait3A_287 = tpu.memref_squeeze %dma_wait3A_286 : memref<1x1x4x128xi32, #tpu.memory_space<hbm>> -> memref<4x128xi32, #tpu.memory_space<hbm>>
        %dma_wait3A_288 = arith.constant 0 : i32
        %dma_wait3A_289 = arith.constant 0 : i32
        %dma_wait3A_290 = tpu.memref_slice %arg4[%add3A, %add3A_283, %dma_wait3A_288, %dma_wait3A_289] : memref<32x20x4x128xi32, #tpu.memory_space<hbm>> -> memref<1x1x4x128xi32, #tpu.memory_space<hbm>>
        %dma_wait3A_291 = tpu.memref_squeeze %dma_wait3A_290 : memref<1x1x4x128xi32, #tpu.memory_space<hbm>> -> memref<4x128xi32, #tpu.memory_space<hbm>>
        tpu.wait_dma2 semaphore(%arg17 : memref<!tpu.dma_semaphore, #tpu.memory_space<semaphore_mem>>) src(%dma_wait3A_291 : memref<4x128xi32, #tpu.memory_space<hbm>>) dst(%arg10 : memref<4x128xi32, #tpu.memory_space<vmem>>)
      } else {
      }
      %run_scoped3A_138 = arith.constant 2 : i32
      "tpu.region"() ({
        %run_scoped3A_272 = tpu.sem_alloc : memref<!tpu.dma_semaphore, #tpu.memory_space<semaphore_mem>>
        %dma_start3A_273 = arith.constant 0 : i32
        %dma_start3A_274 = tpu.memref_slice %arg9[%run_scoped3A_138, %dma_start3A_273] : memref<4x128xi32, #tpu.memory_space<vmem>> -> memref<1x128xi32, #tpu.memory_space<vmem>>
        %dma_start3A_275 = tpu.memref_squeeze %dma_start3A_274 : memref<1x128xi32, #tpu.memory_space<vmem>> -> memref<128xi32, #tpu.memory_space<vmem>>
        %dma_start3A_276 = arith.constant 0 : i32
        %dma_start3A_277 = arith.constant 0 : i32
        %dma_start3A_278 = tpu.memref_slice %arg13[%dma_start3A_276, %dma_start3A_277] : memref<10240x128xf32, #tpu.memory_space<vmem_shared>> -> memref<10240x128xf32, #tpu.memory_space<vmem_shared>>
        tpu.enqueue_indirect_dma source(%arg11 : memref<128x128xf32, #tpu.memory_space<vmem>>) target(%dma_start3A_278 : memref<10240x128xf32, #tpu.memory_space<vmem_shared>>) offsets(%dma_start3A_275 : memref<128xi32, #tpu.memory_space<vmem>>) semaphore(%run_scoped3A_272 : memref<!tpu.dma_semaphore, #tpu.memory_space<semaphore_mem>>) {add = true}
        %dma_wait3A_279 = arith.constant 0 : i32
        %dma_wait3A_280 = tpu.memref_slice %arg9[%run_scoped3A_138, %dma_wait3A_279] : memref<4x128xi32, #tpu.memory_space<vmem>> -> memref<1x128xi32, #tpu.memory_space<vmem>>
        %dma_wait3A_281 = tpu.memref_squeeze %dma_wait3A_280 : memref<1x128xi32, #tpu.memory_space<vmem>> -> memref<128xi32, #tpu.memory_space<vmem>>
        %dma_wait3A_282 = arith.constant 0 : i32
        %dma_wait3A_283 = arith.constant 0 : i32
        %dma_wait3A_284 = tpu.memref_slice %arg13[%dma_wait3A_282, %dma_wait3A_283] : memref<10240x128xf32, #tpu.memory_space<vmem_shared>> -> memref<10240x128xf32, #tpu.memory_space<vmem_shared>>
        tpu.wait_indirect_dma semaphore(%run_scoped3A_272 : memref<!tpu.dma_semaphore, #tpu.memory_space<semaphore_mem>>) src(%arg11 : memref<128x128xf32, #tpu.memory_space<vmem>>) dst(%dma_wait3A_284 : memref<10240x128xf32, #tpu.memory_space<vmem_shared>>)
        tpu.yield
      }) : () -> ()
      %add3A_139 = arith.constant 2 : i32
      %add3A_140 = arith.addi %add3A_123, %add3A_139 : i32
      %lt3A_141 = arith.constant 80 : i32
      %lt3A_142 = arith.cmpi slt, %add3A_140, %lt3A_141 : i32
      %convert_element_type3A_143 = arith.extui %lt3A_142 : i1 to i32
      %cond3A_144 = arith.constant 0 : i32
      %cond3A_145 = arith.constant 0 : i32
      %cond3A_146 = arith.cmpi ne, %convert_element_type3A_143, %cond3A_145 : i32
      scf.if %cond3A_146 {
        %dma_start3A_272 = arith.constant 0 : i32
        %dma_start3A_273 = tpu.memref_slice %arg8[%cond3A_144, %dma_start3A_272] : memref<4x128xi32, #tpu.memory_space<vmem>> -> memref<1x128xi32, #tpu.memory_space<vmem>>
        %dma_start3A_274 = tpu.memref_squeeze %dma_start3A_273 : memref<1x128xi32, #tpu.memory_space<vmem>> -> memref<128xi32, #tpu.memory_space<vmem>>
        %dma_start3A_275 = arith.constant 0 : i32
        %dma_start3A_276 = arith.constant 0 : i32
        %dma_start3A_277 = tpu.memref_slice %arg2[%dma_start3A_275, %dma_start3A_276] : memref<10240x128xf32, #tpu.memory_space<hbm>> -> memref<10240x128xf32, #tpu.memory_space<hbm>>
        tpu.enqueue_indirect_dma source(%dma_start3A_277 : memref<10240x128xf32, #tpu.memory_space<hbm>>) target(%arg11 : memref<128x128xf32, #tpu.memory_space<vmem>>) offsets(%dma_start3A_274 : memref<128xi32, #tpu.memory_space<vmem>>) semaphore(%arg14 : memref<!tpu.dma_semaphore, #tpu.memory_space<semaphore_mem>>)
      } else {
      }
      %mul3A_147 = arith.constant 4 : i32
      %mul3A_148 = arith.muli %add3A_83, %mul3A_147 : i32
      %add3A_149 = arith.constant 3 : i32
      %add3A_150 = arith.addi %mul3A_148, %add3A_149 : i32
      %dma_wait3A_151 = arith.constant 3 : i32
      %dma_wait3A_152 = arith.constant 0 : i32
      %dma_wait3A_153 = tpu.memref_slice %arg7[%dma_wait3A_151, %dma_wait3A_152] : memref<4x128xi32, #tpu.memory_space<vmem>> -> memref<1x128xi32, #tpu.memory_space<vmem>>
      %dma_wait3A_154 = tpu.memref_squeeze %dma_wait3A_153 : memref<1x128xi32, #tpu.memory_space<vmem>> -> memref<128xi32, #tpu.memory_space<vmem>>
      %dma_wait3A_155 = arith.constant 0 : i32
      %dma_wait3A_156 = arith.constant 0 : i32
      %dma_wait3A_157 = tpu.memref_slice %arg2[%dma_wait3A_155, %dma_wait3A_156] : memref<10240x128xf32, #tpu.memory_space<hbm>> -> memref<10240x128xf32, #tpu.memory_space<hbm>>
      tpu.wait_indirect_dma semaphore(%arg15 : memref<!tpu.dma_semaphore, #tpu.memory_space<semaphore_mem>>) src(%dma_wait3A_157 : memref<10240x128xf32, #tpu.memory_space<hbm>>) dst(%arg12 : memref<128x128xf32, #tpu.memory_space<vmem>>)
      %run_scoped3A_158 = arith.constant 3 : i32
      "tpu.region"() ({
        %run_scoped3A_272 = tpu.sem_alloc : memref<!tpu.dma_semaphore, #tpu.memory_space<semaphore_mem>>
        %dma_start3A_273 = arith.constant 0 : i32
        %dma_start3A_274 = tpu.memref_slice %arg9[%run_scoped3A_158, %dma_start3A_273] : memref<4x128xi32, #tpu.memory_space<vmem>> -> memref<1x128xi32, #tpu.memory_space<vmem>>
        %dma_start3A_275 = tpu.memref_squeeze %dma_start3A_274 : memref<1x128xi32, #tpu.memory_space<vmem>> -> memref<128xi32, #tpu.memory_space<vmem>>
        %dma_start3A_276 = arith.constant 0 : i32
        %dma_start3A_277 = arith.constant 0 : i32
        %dma_start3A_278 = tpu.memref_slice %arg13[%dma_start3A_276, %dma_start3A_277] : memref<10240x128xf32, #tpu.memory_space<vmem_shared>> -> memref<10240x128xf32, #tpu.memory_space<vmem_shared>>
        tpu.enqueue_indirect_dma source(%arg12 : memref<128x128xf32, #tpu.memory_space<vmem>>) target(%dma_start3A_278 : memref<10240x128xf32, #tpu.memory_space<vmem_shared>>) offsets(%dma_start3A_275 : memref<128xi32, #tpu.memory_space<vmem>>) semaphore(%run_scoped3A_272 : memref<!tpu.dma_semaphore, #tpu.memory_space<semaphore_mem>>) {add = true}
        %dma_wait3A_279 = arith.constant 0 : i32
        %dma_wait3A_280 = tpu.memref_slice %arg9[%run_scoped3A_158, %dma_wait3A_279] : memref<4x128xi32, #tpu.memory_space<vmem>> -> memref<1x128xi32, #tpu.memory_space<vmem>>
        %dma_wait3A_281 = tpu.memref_squeeze %dma_wait3A_280 : memref<1x128xi32, #tpu.memory_space<vmem>> -> memref<128xi32, #tpu.memory_space<vmem>>
        %dma_wait3A_282 = arith.constant 0 : i32
        %dma_wait3A_283 = arith.constant 0 : i32
        %dma_wait3A_284 = tpu.memref_slice %arg13[%dma_wait3A_282, %dma_wait3A_283] : memref<10240x128xf32, #tpu.memory_space<vmem_shared>> -> memref<10240x128xf32, #tpu.memory_space<vmem_shared>>
        tpu.wait_indirect_dma semaphore(%run_scoped3A_272 : memref<!tpu.dma_semaphore, #tpu.memory_space<semaphore_mem>>) src(%arg12 : memref<128x128xf32, #tpu.memory_space<vmem>>) dst(%dma_wait3A_284 : memref<10240x128xf32, #tpu.memory_space<vmem_shared>>)
        tpu.yield
      }) : () -> ()
      %add3A_159 = arith.constant 2 : i32
      %add3A_160 = arith.addi %add3A_150, %add3A_159 : i32
      %lt3A_161 = arith.constant 80 : i32
      %lt3A_162 = arith.cmpi slt, %add3A_160, %lt3A_161 : i32
      %convert_element_type3A_163 = arith.extui %lt3A_162 : i1 to i32
      %cond3A_164 = arith.constant 1 : i32
      %cond3A_165 = arith.constant 0 : i32
      %cond3A_166 = arith.cmpi ne, %convert_element_type3A_163, %cond3A_165 : i32
      scf.if %cond3A_166 {
        %dma_start3A_272 = arith.constant 0 : i32
        %dma_start3A_273 = tpu.memref_slice %arg8[%cond3A_164, %dma_start3A_272] : memref<4x128xi32, #tpu.memory_space<vmem>> -> memref<1x128xi32, #tpu.memory_space<vmem>>
        %dma_start3A_274 = tpu.memref_squeeze %dma_start3A_273 : memref<1x128xi32, #tpu.memory_space<vmem>> -> memref<128xi32, #tpu.memory_space<vmem>>
        %dma_start3A_275 = arith.constant 0 : i32
        %dma_start3A_276 = arith.constant 0 : i32
        %dma_start3A_277 = tpu.memref_slice %arg2[%dma_start3A_275, %dma_start3A_276] : memref<10240x128xf32, #tpu.memory_space<hbm>> -> memref<10240x128xf32, #tpu.memory_space<hbm>>
        tpu.enqueue_indirect_dma source(%dma_start3A_277 : memref<10240x128xf32, #tpu.memory_space<hbm>>) target(%arg12 : memref<128x128xf32, #tpu.memory_space<vmem>>) offsets(%dma_start3A_274 : memref<128xi32, #tpu.memory_space<vmem>>) semaphore(%arg15 : memref<!tpu.dma_semaphore, #tpu.memory_space<semaphore_mem>>)
      } else {
      }
      %add3A_167 = arith.constant 2 : i32
      %add3A_168 = arith.addi %add3A_83, %add3A_167 : i32
      %lt3A_169 = arith.constant 20 : i32
      %lt3A_170 = arith.cmpi slt, %add3A_168, %lt3A_169 : i32
      %convert_element_type3A_171 = arith.extui %lt3A_170 : i1 to i32
      %cond3A_172 = arith.constant 0 : i32
      %cond3A_173 = arith.cmpi ne, %convert_element_type3A_171, %cond3A_172 : i32
      scf.if %cond3A_173 {
        %add3A_272 = arith.constant 2 : i32
        %add3A_273 = arith.addi %add3A_83, %add3A_272 : i32
        %dma_start3A_274 = arith.constant 0 : i32
        %dma_start3A_275 = arith.constant 0 : i32
        %dma_start3A_276 = tpu.memref_slice %arg3[%add3A, %add3A_273, %dma_start3A_274, %dma_start3A_275] : memref<32x20x4x128xi32, #tpu.memory_space<hbm>> -> memref<1x1x4x128xi32, #tpu.memory_space<hbm>>
        %dma_start3A_277 = tpu.memref_squeeze %dma_start3A_276 : memref<1x1x4x128xi32, #tpu.memory_space<hbm>> -> memref<4x128xi32, #tpu.memory_space<hbm>>
        %dma_start3A_278 = arith.constant 0 : i32
        %dma_start3A_279 = arith.constant 0 : i32
        %dma_start3A_280 = tpu.memref_slice %arg3[%add3A, %add3A_273, %dma_start3A_278, %dma_start3A_279] : memref<32x20x4x128xi32, #tpu.memory_space<hbm>> -> memref<1x1x4x128xi32, #tpu.memory_space<hbm>>
        %dma_start3A_281 = tpu.memref_squeeze %dma_start3A_280 : memref<1x1x4x128xi32, #tpu.memory_space<hbm>> -> memref<4x128xi32, #tpu.memory_space<hbm>>
        tpu.enqueue_dma source(%dma_start3A_281 : memref<4x128xi32, #tpu.memory_space<hbm>>) target(%arg7 : memref<4x128xi32, #tpu.memory_space<vmem>>) target_semaphore(%arg16 : memref<!tpu.dma_semaphore, #tpu.memory_space<semaphore_mem>>)
        %add3A_282 = arith.constant 2 : i32
        %add3A_283 = arith.addi %add3A_83, %add3A_282 : i32
        %dma_start3A_284 = arith.constant 0 : i32
        %dma_start3A_285 = arith.constant 0 : i32
        %dma_start3A_286 = tpu.memref_slice %arg4[%add3A, %add3A_283, %dma_start3A_284, %dma_start3A_285] : memref<32x20x4x128xi32, #tpu.memory_space<hbm>> -> memref<1x1x4x128xi32, #tpu.memory_space<hbm>>
        %dma_start3A_287 = tpu.memref_squeeze %dma_start3A_286 : memref<1x1x4x128xi32, #tpu.memory_space<hbm>> -> memref<4x128xi32, #tpu.memory_space<hbm>>
        %dma_start3A_288 = arith.constant 0 : i32
        %dma_start3A_289 = arith.constant 0 : i32
        %dma_start3A_290 = tpu.memref_slice %arg4[%add3A, %add3A_283, %dma_start3A_288, %dma_start3A_289] : memref<32x20x4x128xi32, #tpu.memory_space<hbm>> -> memref<1x1x4x128xi32, #tpu.memory_space<hbm>>
        %dma_start3A_291 = tpu.memref_squeeze %dma_start3A_290 : memref<1x1x4x128xi32, #tpu.memory_space<hbm>> -> memref<4x128xi32, #tpu.memory_space<hbm>>
        tpu.enqueue_dma source(%dma_start3A_291 : memref<4x128xi32, #tpu.memory_space<hbm>>) target(%arg9 : memref<4x128xi32, #tpu.memory_space<vmem>>) target_semaphore(%arg16 : memref<!tpu.dma_semaphore, #tpu.memory_space<semaphore_mem>>)
      } else {
      }
      %mul3A_174 = arith.constant 2 : i32
      %mul3A_175 = arith.muli %mul3A_174, %scan3A_79 : i32
      %add3A_176 = arith.constant 1 : i32
      %add3A_177 = arith.addi %mul3A_175, %add3A_176 : i32
      %mul3A_178 = arith.constant 4 : i32
      %mul3A_179 = arith.muli %add3A_177, %mul3A_178 : i32
      %add3A_180 = arith.constant 0 : i32
      %add3A_181 = arith.addi %mul3A_179, %add3A_180 : i32
      %dma_wait3A_182 = arith.constant 0 : i32
      %dma_wait3A_183 = arith.constant 0 : i32
      %dma_wait3A_184 = tpu.memref_slice %arg8[%dma_wait3A_182, %dma_wait3A_183] : memref<4x128xi32, #tpu.memory_space<vmem>> -> memref<1x128xi32, #tpu.memory_space<vmem>>
      %dma_wait3A_185 = tpu.memref_squeeze %dma_wait3A_184 : memref<1x128xi32, #tpu.memory_space<vmem>> -> memref<128xi32, #tpu.memory_space<vmem>>
      %dma_wait3A_186 = arith.constant 0 : i32
      %dma_wait3A_187 = arith.constant 0 : i32
      %dma_wait3A_188 = tpu.memref_slice %arg2[%dma_wait3A_186, %dma_wait3A_187] : memref<10240x128xf32, #tpu.memory_space<hbm>> -> memref<10240x128xf32, #tpu.memory_space<hbm>>
      tpu.wait_indirect_dma semaphore(%arg14 : memref<!tpu.dma_semaphore, #tpu.memory_space<semaphore_mem>>) src(%dma_wait3A_188 : memref<10240x128xf32, #tpu.memory_space<hbm>>) dst(%arg11 : memref<128x128xf32, #tpu.memory_space<vmem>>)
      %run_scoped3A_189 = arith.constant 0 : i32
      "tpu.region"() ({
        %run_scoped3A_272 = tpu.sem_alloc : memref<!tpu.dma_semaphore, #tpu.memory_space<semaphore_mem>>
        %dma_start3A_273 = arith.constant 0 : i32
        %dma_start3A_274 = tpu.memref_slice %arg10[%run_scoped3A_189, %dma_start3A_273] : memref<4x128xi32, #tpu.memory_space<vmem>> -> memref<1x128xi32, #tpu.memory_space<vmem>>
        %dma_start3A_275 = tpu.memref_squeeze %dma_start3A_274 : memref<1x128xi32, #tpu.memory_space<vmem>> -> memref<128xi32, #tpu.memory_space<vmem>>
        %dma_start3A_276 = arith.constant 0 : i32
        %dma_start3A_277 = arith.constant 0 : i32
        %dma_start3A_278 = tpu.memref_slice %arg13[%dma_start3A_276, %dma_start3A_277] : memref<10240x128xf32, #tpu.memory_space<vmem_shared>> -> memref<10240x128xf32, #tpu.memory_space<vmem_shared>>
        tpu.enqueue_indirect_dma source(%arg11 : memref<128x128xf32, #tpu.memory_space<vmem>>) target(%dma_start3A_278 : memref<10240x128xf32, #tpu.memory_space<vmem_shared>>) offsets(%dma_start3A_275 : memref<128xi32, #tpu.memory_space<vmem>>) semaphore(%run_scoped3A_272 : memref<!tpu.dma_semaphore, #tpu.memory_space<semaphore_mem>>) {add = true}
        %dma_wait3A_279 = arith.constant 0 : i32
        %dma_wait3A_280 = tpu.memref_slice %arg10[%run_scoped3A_189, %dma_wait3A_279] : memref<4x128xi32, #tpu.memory_space<vmem>> -> memref<1x128xi32, #tpu.memory_space<vmem>>
        %dma_wait3A_281 = tpu.memref_squeeze %dma_wait3A_280 : memref<1x128xi32, #tpu.memory_space<vmem>> -> memref<128xi32, #tpu.memory_space<vmem>>
        %dma_wait3A_282 = arith.constant 0 : i32
        %dma_wait3A_283 = arith.constant 0 : i32
        %dma_wait3A_284 = tpu.memref_slice %arg13[%dma_wait3A_282, %dma_wait3A_283] : memref<10240x128xf32, #tpu.memory_space<vmem_shared>> -> memref<10240x128xf32, #tpu.memory_space<vmem_shared>>
        tpu.wait_indirect_dma semaphore(%run_scoped3A_272 : memref<!tpu.dma_semaphore, #tpu.memory_space<semaphore_mem>>) src(%arg11 : memref<128x128xf32, #tpu.memory_space<vmem>>) dst(%dma_wait3A_284 : memref<10240x128xf32, #tpu.memory_space<vmem_shared>>)
        tpu.yield
      }) : () -> ()
      %add3A_190 = arith.constant 2 : i32
      %add3A_191 = arith.addi %add3A_181, %add3A_190 : i32
      %lt3A_192 = arith.constant 80 : i32
      %lt3A_193 = arith.cmpi slt, %add3A_191, %lt3A_192 : i32
      %convert_element_type3A_194 = arith.extui %lt3A_193 : i1 to i32
      %cond3A_195 = arith.constant 2 : i32
      %cond3A_196 = arith.constant 0 : i32
      %cond3A_197 = arith.cmpi ne, %convert_element_type3A_194, %cond3A_196 : i32
      scf.if %cond3A_197 {
        %dma_start3A_272 = arith.constant 0 : i32
        %dma_start3A_273 = tpu.memref_slice %arg8[%cond3A_195, %dma_start3A_272] : memref<4x128xi32, #tpu.memory_space<vmem>> -> memref<1x128xi32, #tpu.memory_space<vmem>>
        %dma_start3A_274 = tpu.memref_squeeze %dma_start3A_273 : memref<1x128xi32, #tpu.memory_space<vmem>> -> memref<128xi32, #tpu.memory_space<vmem>>
        %dma_start3A_275 = arith.constant 0 : i32
        %dma_start3A_276 = arith.constant 0 : i32
        %dma_start3A_277 = tpu.memref_slice %arg2[%dma_start3A_275, %dma_start3A_276] : memref<10240x128xf32, #tpu.memory_space<hbm>> -> memref<10240x128xf32, #tpu.memory_space<hbm>>
        tpu.enqueue_indirect_dma source(%dma_start3A_277 : memref<10240x128xf32, #tpu.memory_space<hbm>>) target(%arg11 : memref<128x128xf32, #tpu.memory_space<vmem>>) offsets(%dma_start3A_274 : memref<128xi32, #tpu.memory_space<vmem>>) semaphore(%arg14 : memref<!tpu.dma_semaphore, #tpu.memory_space<semaphore_mem>>)
      } else {
      }
      %mul3A_198 = arith.constant 4 : i32
      %mul3A_199 = arith.muli %add3A_177, %mul3A_198 : i32
      %add3A_200 = arith.constant 1 : i32
      %add3A_201 = arith.addi %mul3A_199, %add3A_200 : i32
      %dma_wait3A_202 = arith.constant 1 : i32
      %dma_wait3A_203 = arith.constant 0 : i32
      %dma_wait3A_204 = tpu.memref_slice %arg8[%dma_wait3A_202, %dma_wait3A_203] : memref<4x128xi32, #tpu.memory_space<vmem>> -> memref<1x128xi32, #tpu.memory_space<vmem>>
      %dma_wait3A_205 = tpu.memref_squeeze %dma_wait3A_204 : memref<1x128xi32, #tpu.memory_space<vmem>> -> memref<128xi32, #tpu.memory_space<vmem>>
      %dma_wait3A_206 = arith.constant 0 : i32
      %dma_wait3A_207 = arith.constant 0 : i32
      %dma_wait3A_208 = tpu.memref_slice %arg2[%dma_wait3A_206, %dma_wait3A_207] : memref<10240x128xf32, #tpu.memory_space<hbm>> -> memref<10240x128xf32, #tpu.memory_space<hbm>>
      tpu.wait_indirect_dma semaphore(%arg15 : memref<!tpu.dma_semaphore, #tpu.memory_space<semaphore_mem>>) src(%dma_wait3A_208 : memref<10240x128xf32, #tpu.memory_space<hbm>>) dst(%arg12 : memref<128x128xf32, #tpu.memory_space<vmem>>)
      %run_scoped3A_209 = arith.constant 1 : i32
      "tpu.region"() ({
        %run_scoped3A_272 = tpu.sem_alloc : memref<!tpu.dma_semaphore, #tpu.memory_space<semaphore_mem>>
        %dma_start3A_273 = arith.constant 0 : i32
        %dma_start3A_274 = tpu.memref_slice %arg10[%run_scoped3A_209, %dma_start3A_273] : memref<4x128xi32, #tpu.memory_space<vmem>> -> memref<1x128xi32, #tpu.memory_space<vmem>>
        %dma_start3A_275 = tpu.memref_squeeze %dma_start3A_274 : memref<1x128xi32, #tpu.memory_space<vmem>> -> memref<128xi32, #tpu.memory_space<vmem>>
        %dma_start3A_276 = arith.constant 0 : i32
        %dma_start3A_277 = arith.constant 0 : i32
        %dma_start3A_278 = tpu.memref_slice %arg13[%dma_start3A_276, %dma_start3A_277] : memref<10240x128xf32, #tpu.memory_space<vmem_shared>> -> memref<10240x128xf32, #tpu.memory_space<vmem_shared>>
        tpu.enqueue_indirect_dma source(%arg12 : memref<128x128xf32, #tpu.memory_space<vmem>>) target(%dma_start3A_278 : memref<10240x128xf32, #tpu.memory_space<vmem_shared>>) offsets(%dma_start3A_275 : memref<128xi32, #tpu.memory_space<vmem>>) semaphore(%run_scoped3A_272 : memref<!tpu.dma_semaphore, #tpu.memory_space<semaphore_mem>>) {add = true}
        %dma_wait3A_279 = arith.constant 0 : i32
        %dma_wait3A_280 = tpu.memref_slice %arg10[%run_scoped3A_209, %dma_wait3A_279] : memref<4x128xi32, #tpu.memory_space<vmem>> -> memref<1x128xi32, #tpu.memory_space<vmem>>
        %dma_wait3A_281 = tpu.memref_squeeze %dma_wait3A_280 : memref<1x128xi32, #tpu.memory_space<vmem>> -> memref<128xi32, #tpu.memory_space<vmem>>
        %dma_wait3A_282 = arith.constant 0 : i32
        %dma_wait3A_283 = arith.constant 0 : i32
        %dma_wait3A_284 = tpu.memref_slice %arg13[%dma_wait3A_282, %dma_wait3A_283] : memref<10240x128xf32, #tpu.memory_space<vmem_shared>> -> memref<10240x128xf32, #tpu.memory_space<vmem_shared>>
        tpu.wait_indirect_dma semaphore(%run_scoped3A_272 : memref<!tpu.dma_semaphore, #tpu.memory_space<semaphore_mem>>) src(%arg12 : memref<128x128xf32, #tpu.memory_space<vmem>>) dst(%dma_wait3A_284 : memref<10240x128xf32, #tpu.memory_space<vmem_shared>>)
        tpu.yield
      }) : () -> ()
      %add3A_210 = arith.constant 2 : i32
      %add3A_211 = arith.addi %add3A_201, %add3A_210 : i32
      %lt3A_212 = arith.constant 80 : i32
      %lt3A_213 = arith.cmpi slt, %add3A_211, %lt3A_212 : i32
      %convert_element_type3A_214 = arith.extui %lt3A_213 : i1 to i32
      %cond3A_215 = arith.constant 3 : i32
      %cond3A_216 = arith.constant 0 : i32
      %cond3A_217 = arith.cmpi ne, %convert_element_type3A_214, %cond3A_216 : i32
      scf.if %cond3A_217 {
        %dma_start3A_272 = arith.constant 0 : i32
        %dma_start3A_273 = tpu.memref_slice %arg8[%cond3A_215, %dma_start3A_272] : memref<4x128xi32, #tpu.memory_space<vmem>> -> memref<1x128xi32, #tpu.memory_space<vmem>>
        %dma_start3A_274 = tpu.memref_squeeze %dma_start3A_273 : memref<1x128xi32, #tpu.memory_space<vmem>> -> memref<128xi32, #tpu.memory_space<vmem>>
        %dma_start3A_275 = arith.constant 0 : i32
        %dma_start3A_276 = arith.constant 0 : i32
        %dma_start3A_277 = tpu.memref_slice %arg2[%dma_start3A_275, %dma_start3A_276] : memref<10240x128xf32, #tpu.memory_space<hbm>> -> memref<10240x128xf32, #tpu.memory_space<hbm>>
        tpu.enqueue_indirect_dma source(%dma_start3A_277 : memref<10240x128xf32, #tpu.memory_space<hbm>>) target(%arg12 : memref<128x128xf32, #tpu.memory_space<vmem>>) offsets(%dma_start3A_274 : memref<128xi32, #tpu.memory_space<vmem>>) semaphore(%arg15 : memref<!tpu.dma_semaphore, #tpu.memory_space<semaphore_mem>>)
      } else {
      }
      %mul3A_218 = arith.constant 4 : i32
      %mul3A_219 = arith.muli %add3A_177, %mul3A_218 : i32
      %add3A_220 = arith.constant 2 : i32
      %add3A_221 = arith.addi %mul3A_219, %add3A_220 : i32
      %dma_wait3A_222 = arith.constant 2 : i32
      %dma_wait3A_223 = arith.constant 0 : i32
      %dma_wait3A_224 = tpu.memref_slice %arg8[%dma_wait3A_222, %dma_wait3A_223] : memref<4x128xi32, #tpu.memory_space<vmem>> -> memref<1x128xi32, #tpu.memory_space<vmem>>
      %dma_wait3A_225 = tpu.memref_squeeze %dma_wait3A_224 : memref<1x128xi32, #tpu.memory_space<vmem>> -> memref<128xi32, #tpu.memory_space<vmem>>
      %dma_wait3A_226 = arith.constant 0 : i32
      %dma_wait3A_227 = arith.constant 0 : i32
      %dma_wait3A_228 = tpu.memref_slice %arg2[%dma_wait3A_226, %dma_wait3A_227] : memref<10240x128xf32, #tpu.memory_space<hbm>> -> memref<10240x128xf32, #tpu.memory_space<hbm>>
      tpu.wait_indirect_dma semaphore(%arg14 : memref<!tpu.dma_semaphore, #tpu.memory_space<semaphore_mem>>) src(%dma_wait3A_228 : memref<10240x128xf32, #tpu.memory_space<hbm>>) dst(%arg11 : memref<128x128xf32, #tpu.memory_space<vmem>>)
      %add3A_229 = arith.constant 1 : i32
      %add3A_230 = arith.addi %add3A_177, %add3A_229 : i32
      %lt3A_231 = arith.constant 20 : i32
      %lt3A_232 = arith.cmpi slt, %add3A_230, %lt3A_231 : i32
      %convert_element_type3A_233 = arith.extui %lt3A_232 : i1 to i32
      %cond3A_234 = arith.constant 0 : i32
      %cond3A_235 = arith.cmpi ne, %convert_element_type3A_233, %cond3A_234 : i32
      scf.if %cond3A_235 {
        %add3A_272 = arith.constant 1 : i32
        %add3A_273 = arith.addi %add3A_177, %add3A_272 : i32
        %dma_wait3A_274 = arith.constant 0 : i32
        %dma_wait3A_275 = arith.constant 0 : i32
        %dma_wait3A_276 = tpu.memref_slice %arg3[%add3A, %add3A_273, %dma_wait3A_274, %dma_wait3A_275] : memref<32x20x4x128xi32, #tpu.memory_space<hbm>> -> memref<1x1x4x128xi32, #tpu.memory_space<hbm>>
        %dma_wait3A_277 = tpu.memref_squeeze %dma_wait3A_276 : memref<1x1x4x128xi32, #tpu.memory_space<hbm>> -> memref<4x128xi32, #tpu.memory_space<hbm>>
        %dma_wait3A_278 = arith.constant 0 : i32
        %dma_wait3A_279 = arith.constant 0 : i32
        %dma_wait3A_280 = tpu.memref_slice %arg3[%add3A, %add3A_273, %dma_wait3A_278, %dma_wait3A_279] : memref<32x20x4x128xi32, #tpu.memory_space<hbm>> -> memref<1x1x4x128xi32, #tpu.memory_space<hbm>>
        %dma_wait3A_281 = tpu.memref_squeeze %dma_wait3A_280 : memref<1x1x4x128xi32, #tpu.memory_space<hbm>> -> memref<4x128xi32, #tpu.memory_space<hbm>>
        tpu.wait_dma2 semaphore(%arg16 : memref<!tpu.dma_semaphore, #tpu.memory_space<semaphore_mem>>) src(%dma_wait3A_281 : memref<4x128xi32, #tpu.memory_space<hbm>>) dst(%arg7 : memref<4x128xi32, #tpu.memory_space<vmem>>)
        %add3A_282 = arith.constant 1 : i32
        %add3A_283 = arith.addi %add3A_177, %add3A_282 : i32
        %dma_wait3A_284 = arith.constant 0 : i32
        %dma_wait3A_285 = arith.constant 0 : i32
        %dma_wait3A_286 = tpu.memref_slice %arg4[%add3A, %add3A_283, %dma_wait3A_284, %dma_wait3A_285] : memref<32x20x4x128xi32, #tpu.memory_space<hbm>> -> memref<1x1x4x128xi32, #tpu.memory_space<hbm>>
        %dma_wait3A_287 = tpu.memref_squeeze %dma_wait3A_286 : memref<1x1x4x128xi32, #tpu.memory_space<hbm>> -> memref<4x128xi32, #tpu.memory_space<hbm>>
        %dma_wait3A_288 = arith.constant 0 : i32
        %dma_wait3A_289 = arith.constant 0 : i32
        %dma_wait3A_290 = tpu.memref_slice %arg4[%add3A, %add3A_283, %dma_wait3A_288, %dma_wait3A_289] : memref<32x20x4x128xi32, #tpu.memory_space<hbm>> -> memref<1x1x4x128xi32, #tpu.memory_space<hbm>>
        %dma_wait3A_291 = tpu.memref_squeeze %dma_wait3A_290 : memref<1x1x4x128xi32, #tpu.memory_space<hbm>> -> memref<4x128xi32, #tpu.memory_space<hbm>>
        tpu.wait_dma2 semaphore(%arg16 : memref<!tpu.dma_semaphore, #tpu.memory_space<semaphore_mem>>) src(%dma_wait3A_291 : memref<4x128xi32, #tpu.memory_space<hbm>>) dst(%arg9 : memref<4x128xi32, #tpu.memory_space<vmem>>)
      } else {
      }
      %run_scoped3A_236 = arith.constant 2 : i32
      "tpu.region"() ({
        %run_scoped3A_272 = tpu.sem_alloc : memref<!tpu.dma_semaphore, #tpu.memory_space<semaphore_mem>>
        %dma_start3A_273 = arith.constant 0 : i32
        %dma_start3A_274 = tpu.memref_slice %arg10[%run_scoped3A_236, %dma_start3A_273] : memref<4x128xi32, #tpu.memory_space<vmem>> -> memref<1x128xi32, #tpu.memory_space<vmem>>
        %dma_start3A_275 = tpu.memref_squeeze %dma_start3A_274 : memref<1x128xi32, #tpu.memory_space<vmem>> -> memref<128xi32, #tpu.memory_space<vmem>>
        %dma_start3A_276 = arith.constant 0 : i32
        %dma_start3A_277 = arith.constant 0 : i32
        %dma_start3A_278 = tpu.memref_slice %arg13[%dma_start3A_276, %dma_start3A_277] : memref<10240x128xf32, #tpu.memory_space<vmem_shared>> -> memref<10240x128xf32, #tpu.memory_space<vmem_shared>>
        tpu.enqueue_indirect_dma source(%arg11 : memref<128x128xf32, #tpu.memory_space<vmem>>) target(%dma_start3A_278 : memref<10240x128xf32, #tpu.memory_space<vmem_shared>>) offsets(%dma_start3A_275 : memref<128xi32, #tpu.memory_space<vmem>>) semaphore(%run_scoped3A_272 : memref<!tpu.dma_semaphore, #tpu.memory_space<semaphore_mem>>) {add = true}
        %dma_wait3A_279 = arith.constant 0 : i32
        %dma_wait3A_280 = tpu.memref_slice %arg10[%run_scoped3A_236, %dma_wait3A_279] : memref<4x128xi32, #tpu.memory_space<vmem>> -> memref<1x128xi32, #tpu.memory_space<vmem>>
        %dma_wait3A_281 = tpu.memref_squeeze %dma_wait3A_280 : memref<1x128xi32, #tpu.memory_space<vmem>> -> memref<128xi32, #tpu.memory_space<vmem>>
        %dma_wait3A_282 = arith.constant 0 : i32
        %dma_wait3A_283 = arith.constant 0 : i32
        %dma_wait3A_284 = tpu.memref_slice %arg13[%dma_wait3A_282, %dma_wait3A_283] : memref<10240x128xf32, #tpu.memory_space<vmem_shared>> -> memref<10240x128xf32, #tpu.memory_space<vmem_shared>>
        tpu.wait_indirect_dma semaphore(%run_scoped3A_272 : memref<!tpu.dma_semaphore, #tpu.memory_space<semaphore_mem>>) src(%arg11 : memref<128x128xf32, #tpu.memory_space<vmem>>) dst(%dma_wait3A_284 : memref<10240x128xf32, #tpu.memory_space<vmem_shared>>)
        tpu.yield
      }) : () -> ()
      %add3A_237 = arith.constant 2 : i32
      %add3A_238 = arith.addi %add3A_221, %add3A_237 : i32
      %lt3A_239 = arith.constant 80 : i32
      %lt3A_240 = arith.cmpi slt, %add3A_238, %lt3A_239 : i32
      %convert_element_type3A_241 = arith.extui %lt3A_240 : i1 to i32
      %cond3A_242 = arith.constant 0 : i32
      %cond3A_243 = arith.constant 0 : i32
      %cond3A_244 = arith.cmpi ne, %convert_element_type3A_241, %cond3A_243 : i32
      scf.if %cond3A_244 {
        %dma_start3A_272 = arith.constant 0 : i32
        %dma_start3A_273 = tpu.memref_slice %arg7[%cond3A_242, %dma_start3A_272] : memref<4x128xi32, #tpu.memory_space<vmem>> -> memref<1x128xi32, #tpu.memory_space<vmem>>
        %dma_start3A_274 = tpu.memref_squeeze %dma_start3A_273 : memref<1x128xi32, #tpu.memory_space<vmem>> -> memref<128xi32, #tpu.memory_space<vmem>>
        %dma_start3A_275 = arith.constant 0 : i32
        %dma_start3A_276 = arith.constant 0 : i32
        %dma_start3A_277 = tpu.memref_slice %arg2[%dma_start3A_275, %dma_start3A_276] : memref<10240x128xf32, #tpu.memory_space<hbm>> -> memref<10240x128xf32, #tpu.memory_space<hbm>>
        tpu.enqueue_indirect_dma source(%dma_start3A_277 : memref<10240x128xf32, #tpu.memory_space<hbm>>) target(%arg11 : memref<128x128xf32, #tpu.memory_space<vmem>>) offsets(%dma_start3A_274 : memref<128xi32, #tpu.memory_space<vmem>>) semaphore(%arg14 : memref<!tpu.dma_semaphore, #tpu.memory_space<semaphore_mem>>)
      } else {
      }
      %mul3A_245 = arith.constant 4 : i32
      %mul3A_246 = arith.muli %add3A_177, %mul3A_245 : i32
      %add3A_247 = arith.constant 3 : i32
      %add3A_248 = arith.addi %mul3A_246, %add3A_247 : i32
      %dma_wait3A_249 = arith.constant 3 : i32
      %dma_wait3A_250 = arith.constant 0 : i32
      %dma_wait3A_251 = tpu.memref_slice %arg8[%dma_wait3A_249, %dma_wait3A_250] : memref<4x128xi32, #tpu.memory_space<vmem>> -> memref<1x128xi32, #tpu.memory_space<vmem>>
      %dma_wait3A_252 = tpu.memref_squeeze %dma_wait3A_251 : memref<1x128xi32, #tpu.memory_space<vmem>> -> memref<128xi32, #tpu.memory_space<vmem>>
      %dma_wait3A_253 = arith.constant 0 : i32
      %dma_wait3A_254 = arith.constant 0 : i32
      %dma_wait3A_255 = tpu.memref_slice %arg2[%dma_wait3A_253, %dma_wait3A_254] : memref<10240x128xf32, #tpu.memory_space<hbm>> -> memref<10240x128xf32, #tpu.memory_space<hbm>>
      tpu.wait_indirect_dma semaphore(%arg15 : memref<!tpu.dma_semaphore, #tpu.memory_space<semaphore_mem>>) src(%dma_wait3A_255 : memref<10240x128xf32, #tpu.memory_space<hbm>>) dst(%arg12 : memref<128x128xf32, #tpu.memory_space<vmem>>)
      %run_scoped3A_256 = arith.constant 3 : i32
      "tpu.region"() ({
        %run_scoped3A_272 = tpu.sem_alloc : memref<!tpu.dma_semaphore, #tpu.memory_space<semaphore_mem>>
        %dma_start3A_273 = arith.constant 0 : i32
        %dma_start3A_274 = tpu.memref_slice %arg10[%run_scoped3A_256, %dma_start3A_273] : memref<4x128xi32, #tpu.memory_space<vmem>> -> memref<1x128xi32, #tpu.memory_space<vmem>>
        %dma_start3A_275 = tpu.memref_squeeze %dma_start3A_274 : memref<1x128xi32, #tpu.memory_space<vmem>> -> memref<128xi32, #tpu.memory_space<vmem>>
        %dma_start3A_276 = arith.constant 0 : i32
        %dma_start3A_277 = arith.constant 0 : i32
        %dma_start3A_278 = tpu.memref_slice %arg13[%dma_start3A_276, %dma_start3A_277] : memref<10240x128xf32, #tpu.memory_space<vmem_shared>> -> memref<10240x128xf32, #tpu.memory_space<vmem_shared>>
        tpu.enqueue_indirect_dma source(%arg12 : memref<128x128xf32, #tpu.memory_space<vmem>>) target(%dma_start3A_278 : memref<10240x128xf32, #tpu.memory_space<vmem_shared>>) offsets(%dma_start3A_275 : memref<128xi32, #tpu.memory_space<vmem>>) semaphore(%run_scoped3A_272 : memref<!tpu.dma_semaphore, #tpu.memory_space<semaphore_mem>>) {add = true}
        %dma_wait3A_279 = arith.constant 0 : i32
        %dma_wait3A_280 = tpu.memref_slice %arg10[%run_scoped3A_256, %dma_wait3A_279] : memref<4x128xi32, #tpu.memory_space<vmem>> -> memref<1x128xi32, #tpu.memory_space<vmem>>
        %dma_wait3A_281 = tpu.memref_squeeze %dma_wait3A_280 : memref<1x128xi32, #tpu.memory_space<vmem>> -> memref<128xi32, #tpu.memory_space<vmem>>
        %dma_wait3A_282 = arith.constant 0 : i32
        %dma_wait3A_283 = arith.constant 0 : i32
        %dma_wait3A_284 = tpu.memref_slice %arg13[%dma_wait3A_282, %dma_wait3A_283] : memref<10240x128xf32, #tpu.memory_space<vmem_shared>> -> memref<10240x128xf32, #tpu.memory_space<vmem_shared>>
        tpu.wait_indirect_dma semaphore(%run_scoped3A_272 : memref<!tpu.dma_semaphore, #tpu.memory_space<semaphore_mem>>) src(%arg12 : memref<128x128xf32, #tpu.memory_space<vmem>>) dst(%dma_wait3A_284 : memref<10240x128xf32, #tpu.memory_space<vmem_shared>>)
        tpu.yield
      }) : () -> ()
      %add3A_257 = arith.constant 2 : i32
      %add3A_258 = arith.addi %add3A_248, %add3A_257 : i32
      %lt3A_259 = arith.constant 80 : i32
      %lt3A_260 = arith.cmpi slt, %add3A_258, %lt3A_259 : i32
      %convert_element_type3A_261 = arith.extui %lt3A_260 : i1 to i32
      %cond3A_262 = arith.constant 1 : i32
      %cond3A_263 = arith.constant 0 : i32
      %cond3A_264 = arith.cmpi ne, %convert_element_type3A_261, %cond3A_263 : i32
      scf.if %cond3A_264 {
        %dma_start3A_272 = arith.constant 0 : i32
        %dma_start3A_273 = tpu.memref_slice %arg7[%cond3A_262, %dma_start3A_272] : memref<4x128xi32, #tpu.memory_space<vmem>> -> memref<1x128xi32, #tpu.memory_space<vmem>>
        %dma_start3A_274 = tpu.memref_squeeze %dma_start3A_273 : memref<1x128xi32, #tpu.memory_space<vmem>> -> memref<128xi32, #tpu.memory_space<vmem>>
        %dma_start3A_275 = arith.constant 0 : i32
        %dma_start3A_276 = arith.constant 0 : i32
        %dma_start3A_277 = tpu.memref_slice %arg2[%dma_start3A_275, %dma_start3A_276] : memref<10240x128xf32, #tpu.memory_space<hbm>> -> memref<10240x128xf32, #tpu.memory_space<hbm>>
        tpu.enqueue_indirect_dma source(%dma_start3A_277 : memref<10240x128xf32, #tpu.memory_space<hbm>>) target(%arg12 : memref<128x128xf32, #tpu.memory_space<vmem>>) offsets(%dma_start3A_274 : memref<128xi32, #tpu.memory_space<vmem>>) semaphore(%arg15 : memref<!tpu.dma_semaphore, #tpu.memory_space<semaphore_mem>>)
      } else {
      }
      %add3A_265 = arith.constant 2 : i32
      %add3A_266 = arith.addi %add3A_177, %add3A_265 : i32
      %lt3A_267 = arith.constant 20 : i32
      %lt3A_268 = arith.cmpi slt, %add3A_266, %lt3A_267 : i32
      %convert_element_type3A_269 = arith.extui %lt3A_268 : i1 to i32
      %cond3A_270 = arith.constant 0 : i32
      %cond3A_271 = arith.cmpi ne, %convert_element_type3A_269, %cond3A_270 : i32
      scf.if %cond3A_271 {
        %add3A_272 = arith.constant 2 : i32
        %add3A_273 = arith.addi %add3A_177, %add3A_272 : i32
        %dma_start3A_274 = arith.constant 0 : i32
        %dma_start3A_275 = arith.constant 0 : i32
        %dma_start3A_276 = tpu.memref_slice %arg3[%add3A, %add3A_273, %dma_start3A_274, %dma_start3A_275] : memref<32x20x4x128xi32, #tpu.memory_space<hbm>> -> memref<1x1x4x128xi32, #tpu.memory_space<hbm>>
        %dma_start3A_277 = tpu.memref_squeeze %dma_start3A_276 : memref<1x1x4x128xi32, #tpu.memory_space<hbm>> -> memref<4x128xi32, #tpu.memory_space<hbm>>
        %dma_start3A_278 = arith.constant 0 : i32
        %dma_start3A_279 = arith.constant 0 : i32
        %dma_start3A_280 = tpu.memref_slice %arg3[%add3A, %add3A_273, %dma_start3A_278, %dma_start3A_279] : memref<32x20x4x128xi32, #tpu.memory_space<hbm>> -> memref<1x1x4x128xi32, #tpu.memory_space<hbm>>
        %dma_start3A_281 = tpu.memref_squeeze %dma_start3A_280 : memref<1x1x4x128xi32, #tpu.memory_space<hbm>> -> memref<4x128xi32, #tpu.memory_space<hbm>>
        tpu.enqueue_dma source(%dma_start3A_281 : memref<4x128xi32, #tpu.memory_space<hbm>>) target(%arg8 : memref<4x128xi32, #tpu.memory_space<vmem>>) target_semaphore(%arg17 : memref<!tpu.dma_semaphore, #tpu.memory_space<semaphore_mem>>)
        %add3A_282 = arith.constant 2 : i32
        %add3A_283 = arith.addi %add3A_177, %add3A_282 : i32
        %dma_start3A_284 = arith.constant 0 : i32
        %dma_start3A_285 = arith.constant 0 : i32
        %dma_start3A_286 = tpu.memref_slice %arg4[%add3A, %add3A_283, %dma_start3A_284, %dma_start3A_285] : memref<32x20x4x128xi32, #tpu.memory_space<hbm>> -> memref<1x1x4x128xi32, #tpu.memory_space<hbm>>
        %dma_start3A_287 = tpu.memref_squeeze %dma_start3A_286 : memref<1x1x4x128xi32, #tpu.memory_space<hbm>> -> memref<4x128xi32, #tpu.memory_space<hbm>>
        %dma_start3A_288 = arith.constant 0 : i32
        %dma_start3A_289 = arith.constant 0 : i32
        %dma_start3A_290 = tpu.memref_slice %arg4[%add3A, %add3A_283, %dma_start3A_288, %dma_start3A_289] : memref<32x20x4x128xi32, #tpu.memory_space<hbm>> -> memref<1x1x4x128xi32, #tpu.memory_space<hbm>>
        %dma_start3A_291 = tpu.memref_squeeze %dma_start3A_290 : memref<1x1x4x128xi32, #tpu.memory_space<hbm>> -> memref<4x128xi32, #tpu.memory_space<hbm>>
        tpu.enqueue_dma source(%dma_start3A_291 : memref<4x128xi32, #tpu.memory_space<hbm>>) target(%arg10 : memref<4x128xi32, #tpu.memory_space<vmem>>) target_semaphore(%arg17 : memref<!tpu.dma_semaphore, #tpu.memory_space<semaphore_mem>>)
      } else {
      }
    }
    %scan3A_73 = arith.constant 10 : i32
    %barrier3A_74 = arith.constant 0 : index
    tpu.barrier barrier_id(%barrier3A_74)
    %mul3A_75 = arith.constant 640 : i32
    %mul3A_76 = arith.muli %arg1, %mul3A_75 : i32
    %mul3A_77 = arith.constant 640 : i32
    %mul3A_78 = arith.muli %arg1, %mul3A_77 : i32
    "tpu.region"() ({
      %run_scoped3A = tpu.sem_alloc : memref<!tpu.dma_semaphore, #tpu.memory_space<semaphore_mem>>
      %dma_start3A_79 = arith.constant 0 : i32
      %dma_start3A_80 = tpu.memref_slice %arg6[%arg0, %mul3A_78, %dma_start3A_79] : memref<2x10240x128xf32, #tpu.memory_space<hbm>> -> memref<1x640x128xf32, #tpu.memory_space<hbm>>
      %dma_start3A_81 = tpu.memref_squeeze %dma_start3A_80 : memref<1x640x128xf32, #tpu.memory_space<hbm>> -> memref<640x128xf32, #tpu.memory_space<hbm>>
      %dma_start3A_82 = arith.constant 0 : i32
      %dma_start3A_83 = tpu.memref_slice %arg13[%mul3A_76, %dma_start3A_82] : memref<10240x128xf32, #tpu.memory_space<vmem_shared>> -> memref<640x128xf32, #tpu.memory_space<vmem_shared>>
      tpu.enqueue_dma source(%dma_start3A_83 : memref<640x128xf32, #tpu.memory_space<vmem_shared>>) target(%dma_start3A_81 : memref<640x128xf32, #tpu.memory_space<hbm>>) target_semaphore(%run_scoped3A : memref<!tpu.dma_semaphore, #tpu.memory_space<semaphore_mem>>)
      %dma_wait3A_84 = arith.constant 0 : i32
      %dma_wait3A_85 = tpu.memref_slice %arg6[%arg0, %mul3A_78, %dma_wait3A_84] : memref<2x10240x128xf32, #tpu.memory_space<hbm>> -> memref<1x640x128xf32, #tpu.memory_space<hbm>>
      %dma_wait3A_86 = tpu.memref_squeeze %dma_wait3A_85 : memref<1x640x128xf32, #tpu.memory_space<hbm>> -> memref<640x128xf32, #tpu.memory_space<hbm>>
      %dma_wait3A_87 = arith.constant 0 : i32
      %dma_wait3A_88 = tpu.memref_slice %arg13[%mul3A_76, %dma_wait3A_87] : memref<10240x128xf32, #tpu.memory_space<vmem_shared>> -> memref<640x128xf32, #tpu.memory_space<vmem_shared>>
      tpu.wait_dma2 semaphore(%run_scoped3A : memref<!tpu.dma_semaphore, #tpu.memory_space<semaphore_mem>>) src(%dma_wait3A_88 : memref<640x128xf32, #tpu.memory_space<vmem_shared>>) dst(%dma_wait3A_86 : memref<640x128xf32, #tpu.memory_space<hbm>>)
      tpu.yield
    }) : () -> ()
    return
  }
}

#map = affine_map<(d0, d1) -> (0, 0, 0)>
#map1 = affine_map<(d0, d1) -> (0)>
#map2 = affine_map<(d0, d1) -> (0, 0)>
module attributes {stable_mosaic.version = 14 : i64} {
  func.func @_deg_kernel(%arg0: i32, %arg1: i32, %arg2: memref<32x80x128xi32, #tpu.memory_space<hbm>>, %arg3: memref<640xf32, #tpu.memory_space<hbm>>, %arg4: memref<2x10240xf32, #tpu.memory_space<hbm>>, %arg5: memref<80x128xi32, #tpu.memory_space<vmem>>, %arg6: memref<128xf32, #tpu.memory_space<vmem>>, %arg7: memref<10240xf32, #tpu.memory_space<vmem_shared>>, %arg8: memref<!tpu.dma_semaphore, #tpu.memory_space<semaphore_mem>>) attributes {dimension_semantics = [#tpu.dimension_semantics<core_parallel>, #tpu.dimension_semantics<subcore_parallel>], iteration_bounds = array<i64: 2, 16>, scalar_prefetch = 0 : i64, scratch_operands = 4 : i64, tpu.core_type = #tpu.core_type<sc_vector_subcore>, window_params = [{transform_indices = #map}, {transform_indices = #map1}, {transform_indices = #map2}]} {
    %mul3A = arith.constant 16 : i32
    %mul3A_0 = arith.muli %arg0, %mul3A : i32
    %add3A = arith.addi %mul3A_0, %arg1 : i32
    %broadcast_in_dim3A = arith.constant 1.000000e+00 : f32
    %broadcast_in_dim3A_1 = vector.broadcast %broadcast_in_dim3A : f32 to vector<16xf32>
    %swap3A = arith.constant 0 : index
    %swap3A_2 = tpu.vector_load %arg6[%swap3A] {strides = array<i32>} : memref<128xf32, #tpu.memory_space<vmem>>, vector<16xf32>,
    %swap3A_3 = vector.shape_cast %swap3A_2 : vector<16xf32> to vector<16xf32>
    %swap3A_4 = vector.shape_cast %broadcast_in_dim3A_1 : vector<16xf32> to vector<16xf32>
    tpu.vector_store %arg6[%swap3A], %swap3A_4 {strides = array<i32>} : memref<128xf32, #tpu.memory_space<vmem>>, vector<16xf32>,
    %broadcast_in_dim3A_5 = arith.constant 1.000000e+00 : f32
    %broadcast_in_dim3A_6 = vector.broadcast %broadcast_in_dim3A_5 : f32 to vector<16xf32>
    %swap3A_7 = arith.constant 16 : index
    %swap3A_8 = tpu.vector_load %arg6[%swap3A_7] {strides = array<i32>} : memref<128xf32, #tpu.memory_space<vmem>>, vector<16xf32>,
    %swap3A_9 = vector.shape_cast %swap3A_8 : vector<16xf32> to vector<16xf32>
    %swap3A_10 = vector.shape_cast %broadcast_in_dim3A_6 : vector<16xf32> to vector<16xf32>
    tpu.vector_store %arg6[%swap3A_7], %swap3A_10 {strides = array<i32>} : memref<128xf32, #tpu.memory_space<vmem>>, vector<16xf32>,
    %broadcast_in_dim3A_11 = arith.constant 1.000000e+00 : f32
    %broadcast_in_dim3A_12 = vector.broadcast %broadcast_in_dim3A_11 : f32 to vector<16xf32>
    %swap3A_13 = arith.constant 32 : index
    %swap3A_14 = tpu.vector_load %arg6[%swap3A_13] {strides = array<i32>} : memref<128xf32, #tpu.memory_space<vmem>>, vector<16xf32>,
    %swap3A_15 = vector.shape_cast %swap3A_14 : vector<16xf32> to vector<16xf32>
    %swap3A_16 = vector.shape_cast %broadcast_in_dim3A_12 : vector<16xf32> to vector<16xf32>
    tpu.vector_store %arg6[%swap3A_13], %swap3A_16 {strides = array<i32>} : memref<128xf32, #tpu.memory_space<vmem>>, vector<16xf32>,
    %broadcast_in_dim3A_17 = arith.constant 1.000000e+00 : f32
    %broadcast_in_dim3A_18 = vector.broadcast %broadcast_in_dim3A_17 : f32 to vector<16xf32>
    %swap3A_19 = arith.constant 48 : index
    %swap3A_20 = tpu.vector_load %arg6[%swap3A_19] {strides = array<i32>} : memref<128xf32, #tpu.memory_space<vmem>>, vector<16xf32>,
    %swap3A_21 = vector.shape_cast %swap3A_20 : vector<16xf32> to vector<16xf32>
    %swap3A_22 = vector.shape_cast %broadcast_in_dim3A_18 : vector<16xf32> to vector<16xf32>
    tpu.vector_store %arg6[%swap3A_19], %swap3A_22 {strides = array<i32>} : memref<128xf32, #tpu.memory_space<vmem>>, vector<16xf32>,
    %broadcast_in_dim3A_23 = arith.constant 1.000000e+00 : f32
    %broadcast_in_dim3A_24 = vector.broadcast %broadcast_in_dim3A_23 : f32 to vector<16xf32>
    %swap3A_25 = arith.constant 64 : index
    %swap3A_26 = tpu.vector_load %arg6[%swap3A_25] {strides = array<i32>} : memref<128xf32, #tpu.memory_space<vmem>>, vector<16xf32>,
    %swap3A_27 = vector.shape_cast %swap3A_26 : vector<16xf32> to vector<16xf32>
    %swap3A_28 = vector.shape_cast %broadcast_in_dim3A_24 : vector<16xf32> to vector<16xf32>
    tpu.vector_store %arg6[%swap3A_25], %swap3A_28 {strides = array<i32>} : memref<128xf32, #tpu.memory_space<vmem>>, vector<16xf32>,
    %broadcast_in_dim3A_29 = arith.constant 1.000000e+00 : f32
    %broadcast_in_dim3A_30 = vector.broadcast %broadcast_in_dim3A_29 : f32 to vector<16xf32>
    %swap3A_31 = arith.constant 80 : index
    %swap3A_32 = tpu.vector_load %arg6[%swap3A_31] {strides = array<i32>} : memref<128xf32, #tpu.memory_space<vmem>>, vector<16xf32>,
    %swap3A_33 = vector.shape_cast %swap3A_32 : vector<16xf32> to vector<16xf32>
    %swap3A_34 = vector.shape_cast %broadcast_in_dim3A_30 : vector<16xf32> to vector<16xf32>
    tpu.vector_store %arg6[%swap3A_31], %swap3A_34 {strides = array<i32>} : memref<128xf32, #tpu.memory_space<vmem>>, vector<16xf32>,
    %broadcast_in_dim3A_35 = arith.constant 1.000000e+00 : f32
    %broadcast_in_dim3A_36 = vector.broadcast %broadcast_in_dim3A_35 : f32 to vector<16xf32>
    %swap3A_37 = arith.constant 96 : index
    %swap3A_38 = tpu.vector_load %arg6[%swap3A_37] {strides = array<i32>} : memref<128xf32, #tpu.memory_space<vmem>>, vector<16xf32>,
    %swap3A_39 = vector.shape_cast %swap3A_38 : vector<16xf32> to vector<16xf32>
    %swap3A_40 = vector.shape_cast %broadcast_in_dim3A_36 : vector<16xf32> to vector<16xf32>
    tpu.vector_store %arg6[%swap3A_37], %swap3A_40 {strides = array<i32>} : memref<128xf32, #tpu.memory_space<vmem>>, vector<16xf32>,
    %broadcast_in_dim3A_41 = arith.constant 1.000000e+00 : f32
    %broadcast_in_dim3A_42 = vector.broadcast %broadcast_in_dim3A_41 : f32 to vector<16xf32>
    %swap3A_43 = arith.constant 112 : index
    %swap3A_44 = tpu.vector_load %arg6[%swap3A_43] {strides = array<i32>} : memref<128xf32, #tpu.memory_space<vmem>>, vector<16xf32>,
    %swap3A_45 = vector.shape_cast %swap3A_44 : vector<16xf32> to vector<16xf32>
    %swap3A_46 = vector.shape_cast %broadcast_in_dim3A_42 : vector<16xf32> to vector<16xf32>
    tpu.vector_store %arg6[%swap3A_43], %swap3A_46 {strides = array<i32>} : memref<128xf32, #tpu.memory_space<vmem>>, vector<16xf32>,
    "tpu.region"() ({
      %run_scoped3A = tpu.sem_alloc : memref<!tpu.dma_semaphore, #tpu.memory_space<semaphore_mem>>
      %dma_start3A = arith.constant 0 : i32
      %dma_start3A_59 = arith.constant 0 : i32
      %dma_start3A_60 = tpu.memref_slice %arg2[%add3A, %dma_start3A, %dma_start3A_59] : memref<32x80x128xi32, #tpu.memory_space<hbm>> -> memref<1x80x128xi32, #tpu.memory_space<hbm>>
      %dma_start3A_61 = tpu.memref_squeeze %dma_start3A_60 : memref<1x80x128xi32, #tpu.memory_space<hbm>> -> memref<80x128xi32, #tpu.memory_space<hbm>>
      %dma_start3A_62 = arith.constant 0 : i32
      %dma_start3A_63 = arith.constant 0 : i32
      %dma_start3A_64 = tpu.memref_slice %arg2[%add3A, %dma_start3A_62, %dma_start3A_63] : memref<32x80x128xi32, #tpu.memory_space<hbm>> -> memref<1x80x128xi32, #tpu.memory_space<hbm>>
      %dma_start3A_65 = tpu.memref_squeeze %dma_start3A_64 : memref<1x80x128xi32, #tpu.memory_space<hbm>> -> memref<80x128xi32, #tpu.memory_space<hbm>>
      tpu.enqueue_dma source(%dma_start3A_65 : memref<80x128xi32, #tpu.memory_space<hbm>>) target(%arg5 : memref<80x128xi32, #tpu.memory_space<vmem>>) target_semaphore(%run_scoped3A : memref<!tpu.dma_semaphore, #tpu.memory_space<semaphore_mem>>)
      %dma_wait3A = arith.constant 0 : i32
      %dma_wait3A_66 = arith.constant 0 : i32
      %dma_wait3A_67 = tpu.memref_slice %arg2[%add3A, %dma_wait3A, %dma_wait3A_66] : memref<32x80x128xi32, #tpu.memory_space<hbm>> -> memref<1x80x128xi32, #tpu.memory_space<hbm>>
      %dma_wait3A_68 = tpu.memref_squeeze %dma_wait3A_67 : memref<1x80x128xi32, #tpu.memory_space<hbm>> -> memref<80x128xi32, #tpu.memory_space<hbm>>
      %dma_wait3A_69 = arith.constant 0 : i32
      %dma_wait3A_70 = arith.constant 0 : i32
      %dma_wait3A_71 = tpu.memref_slice %arg2[%add3A, %dma_wait3A_69, %dma_wait3A_70] : memref<32x80x128xi32, #tpu.memory_space<hbm>> -> memref<1x80x128xi32, #tpu.memory_space<hbm>>
      %dma_wait3A_72 = tpu.memref_squeeze %dma_wait3A_71 : memref<1x80x128xi32, #tpu.memory_space<hbm>> -> memref<80x128xi32, #tpu.memory_space<hbm>>
      tpu.wait_dma2 semaphore(%run_scoped3A : memref<!tpu.dma_semaphore, #tpu.memory_space<semaphore_mem>>) src(%dma_wait3A_72 : memref<80x128xi32, #tpu.memory_space<hbm>>) dst(%arg5 : memref<80x128xi32, #tpu.memory_space<vmem>>)
      tpu.yield
    }) : () -> ()
    %mul3A_47 = arith.constant 640 : i32
    %mul3A_48 = arith.muli %arg1, %mul3A_47 : i32
    "tpu.region"() ({
      %run_scoped3A = tpu.sem_alloc : memref<!tpu.dma_semaphore, #tpu.memory_space<semaphore_mem>>
      %dma_start3A = tpu.memref_slice %arg7[%mul3A_48] : memref<10240xf32, #tpu.memory_space<vmem_shared>> -> memref<640xf32, #tpu.memory_space<vmem_shared>>
      tpu.enqueue_dma source(%arg3 : memref<640xf32, #tpu.memory_space<hbm>>) target(%dma_start3A : memref<640xf32, #tpu.memory_space<vmem_shared>>) target_semaphore(%run_scoped3A : memref<!tpu.dma_semaphore, #tpu.memory_space<semaphore_mem>>)
      %dma_wait3A = tpu.memref_slice %arg7[%mul3A_48] : memref<10240xf32, #tpu.memory_space<vmem_shared>> -> memref<640xf32, #tpu.memory_space<vmem_shared>>
      tpu.wait_dma2 semaphore(%run_scoped3A : memref<!tpu.dma_semaphore, #tpu.memory_space<semaphore_mem>>) src(%arg3 : memref<640xf32, #tpu.memory_space<hbm>>) dst(%dma_wait3A : memref<640xf32, #tpu.memory_space<vmem_shared>>)
      tpu.yield
    }) : () -> ()
    %barrier3A = arith.constant 0 : index
    tpu.barrier barrier_id(%barrier3A)
    %scan3A = arith.constant 0 : i32
    %scan3A_49 = arith.constant 0 : i32
    %scan3A_50 = arith.constant 80 : i32
    %scan3A_51 = arith.addi %scan3A_49, %scan3A_50 : i32
    %scan3A_52 = arith.constant 1 : i32
    scf.for %scan3A_59 = %scan3A_49 to %scan3A_51 step %scan3A_52  : i32 {
      "tpu.region"() ({
        %run_scoped3A = tpu.sem_alloc : memref<!tpu.dma_semaphore, #tpu.memory_space<semaphore_mem>>
        %dma_start3A = arith.constant 0 : i32
        %dma_start3A_60 = tpu.memref_slice %arg5[%scan3A_59, %dma_start3A] : memref<80x128xi32, #tpu.memory_space<vmem>> -> memref<1x128xi32, #tpu.memory_space<vmem>>
        %dma_start3A_61 = tpu.memref_squeeze %dma_start3A_60 : memref<1x128xi32, #tpu.memory_space<vmem>> -> memref<128xi32, #tpu.memory_space<vmem>>
        %dma_start3A_62 = arith.constant 0 : i32
        %dma_start3A_63 = tpu.memref_slice %arg7[%dma_start3A_62] : memref<10240xf32, #tpu.memory_space<vmem_shared>> -> memref<10240xf32, #tpu.memory_space<vmem_shared>>
        tpu.enqueue_indirect_dma source(%arg6 : memref<128xf32, #tpu.memory_space<vmem>>) target(%dma_start3A_63 : memref<10240xf32, #tpu.memory_space<vmem_shared>>) offsets(%dma_start3A_61 : memref<128xi32, #tpu.memory_space<vmem>>) semaphore(%run_scoped3A : memref<!tpu.dma_semaphore, #tpu.memory_space<semaphore_mem>>) {add = true}
        %dma_wait3A = arith.constant 0 : i32
        %dma_wait3A_64 = tpu.memref_slice %arg5[%scan3A_59, %dma_wait3A] : memref<80x128xi32, #tpu.memory_space<vmem>> -> memref<1x128xi32, #tpu.memory_space<vmem>>
        %dma_wait3A_65 = tpu.memref_squeeze %dma_wait3A_64 : memref<1x128xi32, #tpu.memory_space<vmem>> -> memref<128xi32, #tpu.memory_space<vmem>>
        %dma_wait3A_66 = arith.constant 0 : i32
        %dma_wait3A_67 = tpu.memref_slice %arg7[%dma_wait3A_66] : memref<10240xf32, #tpu.memory_space<vmem_shared>> -> memref<10240xf32, #tpu.memory_space<vmem_shared>>
        tpu.wait_indirect_dma semaphore(%run_scoped3A : memref<!tpu.dma_semaphore, #tpu.memory_space<semaphore_mem>>) src(%arg6 : memref<128xf32, #tpu.memory_space<vmem>>) dst(%dma_wait3A_67 : memref<10240xf32, #tpu.memory_space<vmem_shared>>)
        tpu.yield
      }) : () -> ()
    }
    %scan3A_53 = arith.constant 80 : i32
    %barrier3A_54 = arith.constant 0 : index
    tpu.barrier barrier_id(%barrier3A_54)
    %mul3A_55 = arith.constant 640 : i32
    %mul3A_56 = arith.muli %arg1, %mul3A_55 : i32
    %mul3A_57 = arith.constant 640 : i32
    %mul3A_58 = arith.muli %arg1, %mul3A_57 : i32
    "tpu.region"() ({
      %run_scoped3A = tpu.sem_alloc : memref<!tpu.dma_semaphore, #tpu.memory_space<semaphore_mem>>
      %dma_start3A = tpu.memref_slice %arg4[%arg0, %mul3A_58] : memref<2x10240xf32, #tpu.memory_space<hbm>> -> memref<1x640xf32, #tpu.memory_space<hbm>>
      %dma_start3A_59 = tpu.memref_squeeze %dma_start3A : memref<1x640xf32, #tpu.memory_space<hbm>> -> memref<640xf32, #tpu.memory_space<hbm>>
      %dma_start3A_60 = tpu.memref_slice %arg7[%mul3A_56] : memref<10240xf32, #tpu.memory_space<vmem_shared>> -> memref<640xf32, #tpu.memory_space<vmem_shared>>
      tpu.enqueue_dma source(%dma_start3A_60 : memref<640xf32, #tpu.memory_space<vmem_shared>>) target(%dma_start3A_59 : memref<640xf32, #tpu.memory_space<hbm>>) target_semaphore(%run_scoped3A : memref<!tpu.dma_semaphore, #tpu.memory_space<semaphore_mem>>)
      %dma_wait3A = tpu.memref_slice %arg4[%arg0, %mul3A_58] : memref<2x10240xf32, #tpu.memory_space<hbm>> -> memref<1x640xf32, #tpu.memory_space<hbm>>
      %dma_wait3A_61 = tpu.memref_squeeze %dma_wait3A : memref<1x640xf32, #tpu.memory_space<hbm>> -> memref<640xf32, #tpu.memory_space<hbm>>
      %dma_wait3A_62 = tpu.memref_slice %arg7[%mul3A_56] : memref<10240xf32, #tpu.memory_space<vmem_shared>> -> memref<640xf32, #tpu.memory_space<vmem_shared>>
      tpu.wait_dma2 semaphore(%run_scoped3A : memref<!tpu.dma_semaphore, #tpu.memory_space<semaphore_mem>>) src(%dma_wait3A_62 : memref<640xf32, #tpu.memory_space<vmem_shared>>) dst(%dma_wait3A_61 : memref<640xf32, #tpu.memory_space<hbm>>)
      tpu.yield
    }) : () -> ()
    return
  }
}

#map = affine_map<(d0, d1) -> (0, 0)>
#map1 = affine_map<(d0, d1) -> (0, 0, 0, 0)>
#map2 = affine_map<(d0, d1) -> (0, 0, 0)>
module attributes {stable_mosaic.version = 14 : i64} {
  func.func @_prop_kernel(%arg0: i32, %arg1: i32, %arg2: memref<10240x128xf32, #tpu.memory_space<hbm>>, %arg3: memref<32x20x4x128xi32, #tpu.memory_space<hbm>>, %arg4: memref<32x20x4x128xi32, #tpu.memory_space<hbm>>, %arg5: memref<640x128xf32, #tpu.memory_space<hbm>>, %arg6: memref<2x10240x128xf32, #tpu.memory_space<hbm>>, %arg7: memref<4x128xi32, #tpu.memory_space<vmem>>, %arg8: memref<4x128xi32, #tpu.memory_space<vmem>>, %arg9: memref<4x128xi32, #tpu.memory_space<vmem>>, %arg10: memref<4x128xi32, #tpu.memory_space<vmem>>, %arg11: memref<128x128xf32, #tpu.memory_space<vmem>>, %arg12: memref<128x128xf32, #tpu.memory_space<vmem>>, %arg13: memref<10240x128xf32, #tpu.memory_space<vmem_shared>>, %arg14: memref<!tpu.dma_semaphore, #tpu.memory_space<semaphore_mem>>, %arg15: memref<!tpu.dma_semaphore, #tpu.memory_space<semaphore_mem>>, %arg16: memref<!tpu.dma_semaphore, #tpu.memory_space<semaphore_mem>>, %arg17: memref<!tpu.dma_semaphore, #tpu.memory_space<semaphore_mem>>) attributes {dimension_semantics = [#tpu.dimension_semantics<core_parallel>, #tpu.dimension_semantics<subcore_parallel>], iteration_bounds = array<i64: 2, 16>, scalar_prefetch = 0 : i64, scratch_operands = 11 : i64, tpu.core_type = #tpu.core_type<sc_vector_subcore>, window_params = [{transform_indices = #map}, {transform_indices = #map1}, {transform_indices = #map1}, {transform_indices = #map}, {transform_indices = #map2}]} {
    %mul3A = arith.constant 16 : i32
    %mul3A_0 = arith.muli %arg0, %mul3A : i32
    %add3A = arith.addi %mul3A_0, %arg1 : i32
    %dma_start3A = arith.constant 0 : i32
    %dma_start3A_1 = arith.constant 0 : i32
    %dma_start3A_2 = arith.constant 0 : i32
    %dma_start3A_3 = tpu.memref_slice %arg3[%add3A, %dma_start3A, %dma_start3A_1, %dma_start3A_2] : memref<32x20x4x128xi32, #tpu.memory_space<hbm>> -> memref<1x1x4x128xi32, #tpu.memory_space<hbm>>
    %dma_start3A_4 = tpu.memref_squeeze %dma_start3A_3 : memref<1x1x4x128xi32, #tpu.memory_space<hbm>> -> memref<4x128xi32, #tpu.memory_space<hbm>>
    %dma_start3A_5 = arith.constant 0 : i32
    %dma_start3A_6 = arith.constant 0 : i32
    %dma_start3A_7 = tpu.memref_slice %arg3[%add3A, %dma_start3A, %dma_start3A_5, %dma_start3A_6] : memref<32x20x4x128xi32, #tpu.memory_space<hbm>> -> memref<1x1x4x128xi32, #tpu.memory_space<hbm>>
    %dma_start3A_8 = tpu.memref_squeeze %dma_start3A_7 : memref<1x1x4x128xi32, #tpu.memory_space<hbm>> -> memref<4x128xi32, #tpu.memory_space<hbm>>
    tpu.enqueue_dma source(%dma_start3A_8 : memref<4x128xi32, #tpu.memory_space<hbm>>) target(%arg7 : memref<4x128xi32, #tpu.memory_space<vmem>>) target_semaphore(%arg16 : memref<!tpu.dma_semaphore, #tpu.memory_space<semaphore_mem>>)
    %dma_start3A_9 = arith.constant 0 : i32
    %dma_start3A_10 = arith.constant 0 : i32
    %dma_start3A_11 = arith.constant 0 : i32
    %dma_start3A_12 = tpu.memref_slice %arg4[%add3A, %dma_start3A_9, %dma_start3A_10, %dma_start3A_11] : memref<32x20x4x128xi32, #tpu.memory_space<hbm>> -> memref<1x1x4x128xi32, #tpu.memory_space<hbm>>
    %dma_start3A_13 = tpu.memref_squeeze %dma_start3A_12 : memref<1x1x4x128xi32, #tpu.memory_space<hbm>> -> memref<4x128xi32, #tpu.memory_space<hbm>>
    %dma_start3A_14 = arith.constant 0 : i32
    %dma_start3A_15 = arith.constant 0 : i32
    %dma_start3A_16 = tpu.memref_slice %arg4[%add3A, %dma_start3A_9, %dma_start3A_14, %dma_start3A_15] : memref<32x20x4x128xi32, #tpu.memory_space<hbm>> -> memref<1x1x4x128xi32, #tpu.memory_space<hbm>>
    %dma_start3A_17 = tpu.memref_squeeze %dma_start3A_16 : memref<1x1x4x128xi32, #tpu.memory_space<hbm>> -> memref<4x128xi32, #tpu.memory_space<hbm>>
    tpu.enqueue_dma source(%dma_start3A_17 : memref<4x128xi32, #tpu.memory_space<hbm>>) target(%arg9 : memref<4x128xi32, #tpu.memory_space<vmem>>) target_semaphore(%arg16 : memref<!tpu.dma_semaphore, #tpu.memory_space<semaphore_mem>>)
    %dma_start3A_18 = arith.constant 1 : i32
    %dma_start3A_19 = arith.constant 0 : i32
    %dma_start3A_20 = arith.constant 0 : i32
    %dma_start3A_21 = tpu.memref_slice %arg3[%add3A, %dma_start3A_18, %dma_start3A_19, %dma_start3A_20] : memref<32x20x4x128xi32, #tpu.memory_space<hbm>> -> memref<1x1x4x128xi32, #tpu.memory_space<hbm>>
    %dma_start3A_22 = tpu.memref_squeeze %dma_start3A_21 : memref<1x1x4x128xi32, #tpu.memory_space<hbm>> -> memref<4x128xi32, #tpu.memory_space<hbm>>
    %dma_start3A_23 = arith.constant 0 : i32
    %dma_start3A_24 = arith.constant 0 : i32
    %dma_start3A_25 = tpu.memref_slice %arg3[%add3A, %dma_start3A_18, %dma_start3A_23, %dma_start3A_24] : memref<32x20x4x128xi32, #tpu.memory_space<hbm>> -> memref<1x1x4x128xi32, #tpu.memory_space<hbm>>
    %dma_start3A_26 = tpu.memref_squeeze %dma_start3A_25 : memref<1x1x4x128xi32, #tpu.memory_space<hbm>> -> memref<4x128xi32, #tpu.memory_space<hbm>>
    tpu.enqueue_dma source(%dma_start3A_26 : memref<4x128xi32, #tpu.memory_space<hbm>>) target(%arg8 : memref<4x128xi32, #tpu.memory_space<vmem>>) target_semaphore(%arg17 : memref<!tpu.dma_semaphore, #tpu.memory_space<semaphore_mem>>)
    %dma_start3A_27 = arith.constant 1 : i32
    %dma_start3A_28 = arith.constant 0 : i32
    %dma_start3A_29 = arith.constant 0 : i32
    %dma_start3A_30 = tpu.memref_slice %arg4[%add3A, %dma_start3A_27, %dma_start3A_28, %dma_start3A_29] : memref<32x20x4x128xi32, #tpu.memory_space<hbm>> -> memref<1x1x4x128xi32, #tpu.memory_space<hbm>>
    %dma_start3A_31 = tpu.memref_squeeze %dma_start3A_30 : memref<1x1x4x128xi32, #tpu.memory_space<hbm>> -> memref<4x128xi32, #tpu.memory_space<hbm>>
    %dma_start3A_32 = arith.constant 0 : i32
    %dma_start3A_33 = arith.constant 0 : i32
    %dma_start3A_34 = tpu.memref_slice %arg4[%add3A, %dma_start3A_27, %dma_start3A_32, %dma_start3A_33] : memref<32x20x4x128xi32, #tpu.memory_space<hbm>> -> memref<1x1x4x128xi32, #tpu.memory_space<hbm>>
    %dma_start3A_35 = tpu.memref_squeeze %dma_start3A_34 : memref<1x1x4x128xi32, #tpu.memory_space<hbm>> -> memref<4x128xi32, #tpu.memory_space<hbm>>
    tpu.enqueue_dma source(%dma_start3A_35 : memref<4x128xi32, #tpu.memory_space<hbm>>) target(%arg10 : memref<4x128xi32, #tpu.memory_space<vmem>>) target_semaphore(%arg17 : memref<!tpu.dma_semaphore, #tpu.memory_space<semaphore_mem>>)
    %mul3A_36 = arith.constant 640 : i32
    %mul3A_37 = arith.muli %arg1, %mul3A_36 : i32
    "tpu.region"() ({
      %run_scoped3A = tpu.sem_alloc : memref<!tpu.dma_semaphore, #tpu.memory_space<semaphore_mem>>
      %dma_start3A_79 = arith.constant 0 : i32
      %dma_start3A_80 = tpu.memref_slice %arg13[%mul3A_37, %dma_start3A_79] : memref<10240x128xf32, #tpu.memory_space<vmem_shared>> -> memref<640x128xf32, #tpu.memory_space<vmem_shared>>
      tpu.enqueue_dma source(%arg5 : memref<640x128xf32, #tpu.memory_space<hbm>>) target(%dma_start3A_80 : memref<640x128xf32, #tpu.memory_space<vmem_shared>>) target_semaphore(%run_scoped3A : memref<!tpu.dma_semaphore, #tpu.memory_space<semaphore_mem>>)
      %dma_wait3A_81 = arith.constant 0 : i32
      %dma_wait3A_82 = tpu.memref_slice %arg13[%mul3A_37, %dma_wait3A_81] : memref<10240x128xf32, #tpu.memory_space<vmem_shared>> -> memref<640x128xf32, #tpu.memory_space<vmem_shared>>
      tpu.wait_dma2 semaphore(%run_scoped3A : memref<!tpu.dma_semaphore, #tpu.memory_space<semaphore_mem>>) src(%arg5 : memref<640x128xf32, #tpu.memory_space<hbm>>) dst(%dma_wait3A_82 : memref<640x128xf32, #tpu.memory_space<vmem_shared>>)
      tpu.yield
    }) : () -> ()
    %barrier3A = arith.constant 0 : index
    tpu.barrier barrier_id(%barrier3A)
    %dma_wait3A = arith.constant 0 : i32
    %dma_wait3A_38 = arith.constant 0 : i32
    %dma_wait3A_39 = arith.constant 0 : i32
    %dma_wait3A_40 = tpu.memref_slice %arg3[%add3A, %dma_wait3A, %dma_wait3A_38, %dma_wait3A_39] : memref<32x20x4x128xi32, #tpu.memory_space<hbm>> -> memref<1x1x4x128xi32, #tpu.memory_space<hbm>>
    %dma_wait3A_41 = tpu.memref_squeeze %dma_wait3A_40 : memref<1x1x4x128xi32, #tpu.memory_space<hbm>> -> memref<4x128xi32, #tpu.memory_space<hbm>>
    %dma_wait3A_42 = arith.constant 0 : i32
    %dma_wait3A_43 = arith.constant 0 : i32
    %dma_wait3A_44 = tpu.memref_slice %arg3[%add3A, %dma_wait3A, %dma_wait3A_42, %dma_wait3A_43] : memref<32x20x4x128xi32, #tpu.memory_space<hbm>> -> memref<1x1x4x128xi32, #tpu.memory_space<hbm>>
    %dma_wait3A_45 = tpu.memref_squeeze %dma_wait3A_44 : memref<1x1x4x128xi32, #tpu.memory_space<hbm>> -> memref<4x128xi32, #tpu.memory_space<hbm>>
    tpu.wait_dma2 semaphore(%arg16 : memref<!tpu.dma_semaphore, #tpu.memory_space<semaphore_mem>>) src(%dma_wait3A_45 : memref<4x128xi32, #tpu.memory_space<hbm>>) dst(%arg7 : memref<4x128xi32, #tpu.memory_space<vmem>>)
    %dma_wait3A_46 = arith.constant 0 : i32
    %dma_wait3A_47 = arith.constant 0 : i32
    %dma_wait3A_48 = arith.constant 0 : i32
    %dma_wait3A_49 = tpu.memref_slice %arg4[%add3A, %dma_wait3A_46, %dma_wait3A_47, %dma_wait3A_48] : memref<32x20x4x128xi32, #tpu.memory_space<hbm>> -> memref<1x1x4x128xi32, #tpu.memory_space<hbm>>
    %dma_wait3A_50 = tpu.memref_squeeze %dma_wait3A_49 : memref<1x1x4x128xi32, #tpu.memory_space<hbm>> -> memref<4x128xi32, #tpu.memory_space<hbm>>
    %dma_wait3A_51 = arith.constant 0 : i32
    %dma_wait3A_52 = arith.constant 0 : i32
    %dma_wait3A_53 = tpu.memref_slice %arg4[%add3A, %dma_wait3A_46, %dma_wait3A_51, %dma_wait3A_52] : memref<32x20x4x128xi32, #tpu.memory_space<hbm>> -> memref<1x1x4x128xi32, #tpu.memory_space<hbm>>
    %dma_wait3A_54 = tpu.memref_squeeze %dma_wait3A_53 : memref<1x1x4x128xi32, #tpu.memory_space<hbm>> -> memref<4x128xi32, #tpu.memory_space<hbm>>
    tpu.wait_dma2 semaphore(%arg16 : memref<!tpu.dma_semaphore, #tpu.memory_space<semaphore_mem>>) src(%dma_wait3A_54 : memref<4x128xi32, #tpu.memory_space<hbm>>) dst(%arg9 : memref<4x128xi32, #tpu.memory_space<vmem>>)
    %dma_start3A_55 = arith.constant 0 : i32
    %dma_start3A_56 = arith.constant 0 : i32
    %dma_start3A_57 = tpu.memref_slice %arg7[%dma_start3A_55, %dma_start3A_56] : memref<4x128xi32, #tpu.memory_space<vmem>> -> memref<1x128xi32, #tpu.memory_space<vmem>>
    %dma_start3A_58 = tpu.memref_squeeze %dma_start3A_57 : memref<1x128xi32, #tpu.memory_space<vmem>> -> memref<128xi32, #tpu.memory_space<vmem>>
    %dma_start3A_59 = arith.constant 0 : i32
    %dma_start3A_60 = arith.constant 0 : i32
    %dma_start3A_61 = tpu.memref_slice %arg2[%dma_start3A_59, %dma_start3A_60] : memref<10240x128xf32, #tpu.memory_space<hbm>> -> memref<10240x128xf32, #tpu.memory_space<hbm>>
    tpu.enqueue_indirect_dma source(%dma_start3A_61 : memref<10240x128xf32, #tpu.memory_space<hbm>>) target(%arg11 : memref<128x128xf32, #tpu.memory_space<vmem>>) offsets(%dma_start3A_58 : memref<128xi32, #tpu.memory_space<vmem>>) semaphore(%arg14 : memref<!tpu.dma_semaphore, #tpu.memory_space<semaphore_mem>>)
    %dma_start3A_62 = arith.constant 1 : i32
    %dma_start3A_63 = arith.constant 0 : i32
    %dma_start3A_64 = tpu.memref_slice %arg7[%dma_start3A_62, %dma_start3A_63] : memref<4x128xi32, #tpu.memory_space<vmem>> -> memref<1x128xi32, #tpu.memory_space<vmem>>
    %dma_start3A_65 = tpu.memref_squeeze %dma_start3A_64 : memref<1x128xi32, #tpu.memory_space<vmem>> -> memref<128xi32, #tpu.memory_space<vmem>>
    %dma_start3A_66 = arith.constant 0 : i32
    %dma_start3A_67 = arith.constant 0 : i32
    %dma_start3A_68 = tpu.memref_slice %arg2[%dma_start3A_66, %dma_start3A_67] : memref<10240x128xf32, #tpu.memory_space<hbm>> -> memref<10240x128xf32, #tpu.memory_space<hbm>>
    tpu.enqueue_indirect_dma source(%dma_start3A_68 : memref<10240x128xf32, #tpu.memory_space<hbm>>) target(%arg12 : memref<128x128xf32, #tpu.memory_space<vmem>>) offsets(%dma_start3A_65 : memref<128xi32, #tpu.memory_space<vmem>>) semaphore(%arg15 : memref<!tpu.dma_semaphore, #tpu.memory_space<semaphore_mem>>)
    %scan3A = arith.constant 0 : i32
    %scan3A_69 = arith.constant 0 : i32
    %scan3A_70 = arith.constant 10 : i32
    %scan3A_71 = arith.addi %scan3A_69, %scan3A_70 : i32
    %scan3A_72 = arith.constant 1 : i32
    scf.for %scan3A_79 = %scan3A_69 to %scan3A_71 step %scan3A_72  : i32 {
      %mul3A_80 = arith.constant 2 : i32
      %mul3A_81 = arith.muli %mul3A_80, %scan3A_79 : i32
      %add3A_82 = arith.constant 0 : i32
      %add3A_83 = arith.addi %mul3A_81, %add3A_82 : i32
      %mul3A_84 = arith.constant 4 : i32
      %mul3A_85 = arith.muli %add3A_83, %mul3A_84 : i32
      %add3A_86 = arith.constant 0 : i32
      %add3A_87 = arith.addi %mul3A_85, %add3A_86 : i32
      %dma_wait3A_88 = arith.constant 0 : i32
      %dma_wait3A_89 = arith.constant 0 : i32
      %dma_wait3A_90 = tpu.memref_slice %arg7[%dma_wait3A_88, %dma_wait3A_89] : memref<4x128xi32, #tpu.memory_space<vmem>> -> memref<1x128xi32, #tpu.memory_space<vmem>>
      %dma_wait3A_91 = tpu.memref_squeeze %dma_wait3A_90 : memref<1x128xi32, #tpu.memory_space<vmem>> -> memref<128xi32, #tpu.memory_space<vmem>>
      %dma_wait3A_92 = arith.constant 0 : i32
      %dma_wait3A_93 = arith.constant 0 : i32
      %dma_wait3A_94 = tpu.memref_slice %arg2[%dma_wait3A_92, %dma_wait3A_93] : memref<10240x128xf32, #tpu.memory_space<hbm>> -> memref<10240x128xf32, #tpu.memory_space<hbm>>
      tpu.wait_indirect_dma semaphore(%arg14 : memref<!tpu.dma_semaphore, #tpu.memory_space<semaphore_mem>>) src(%dma_wait3A_94 : memref<10240x128xf32, #tpu.memory_space<hbm>>) dst(%arg11 : memref<128x128xf32, #tpu.memory_space<vmem>>)
      %run_scoped3A = arith.constant 0 : i32
      "tpu.region"() ({
        %run_scoped3A_272 = tpu.sem_alloc : memref<!tpu.dma_semaphore, #tpu.memory_space<semaphore_mem>>
        %dma_start3A_273 = arith.constant 0 : i32
        %dma_start3A_274 = tpu.memref_slice %arg9[%run_scoped3A, %dma_start3A_273] : memref<4x128xi32, #tpu.memory_space<vmem>> -> memref<1x128xi32, #tpu.memory_space<vmem>>
        %dma_start3A_275 = tpu.memref_squeeze %dma_start3A_274 : memref<1x128xi32, #tpu.memory_space<vmem>> -> memref<128xi32, #tpu.memory_space<vmem>>
        %dma_start3A_276 = arith.constant 0 : i32
        %dma_start3A_277 = arith.constant 0 : i32
        %dma_start3A_278 = tpu.memref_slice %arg13[%dma_start3A_276, %dma_start3A_277] : memref<10240x128xf32, #tpu.memory_space<vmem_shared>> -> memref<10240x128xf32, #tpu.memory_space<vmem_shared>>
        tpu.enqueue_indirect_dma source(%arg11 : memref<128x128xf32, #tpu.memory_space<vmem>>) target(%dma_start3A_278 : memref<10240x128xf32, #tpu.memory_space<vmem_shared>>) offsets(%dma_start3A_275 : memref<128xi32, #tpu.memory_space<vmem>>) semaphore(%run_scoped3A_272 : memref<!tpu.dma_semaphore, #tpu.memory_space<semaphore_mem>>) {add = true}
        %dma_wait3A_279 = arith.constant 0 : i32
        %dma_wait3A_280 = tpu.memref_slice %arg9[%run_scoped3A, %dma_wait3A_279] : memref<4x128xi32, #tpu.memory_space<vmem>> -> memref<1x128xi32, #tpu.memory_space<vmem>>
        %dma_wait3A_281 = tpu.memref_squeeze %dma_wait3A_280 : memref<1x128xi32, #tpu.memory_space<vmem>> -> memref<128xi32, #tpu.memory_space<vmem>>
        %dma_wait3A_282 = arith.constant 0 : i32
        %dma_wait3A_283 = arith.constant 0 : i32
        %dma_wait3A_284 = tpu.memref_slice %arg13[%dma_wait3A_282, %dma_wait3A_283] : memref<10240x128xf32, #tpu.memory_space<vmem_shared>> -> memref<10240x128xf32, #tpu.memory_space<vmem_shared>>
        tpu.wait_indirect_dma semaphore(%run_scoped3A_272 : memref<!tpu.dma_semaphore, #tpu.memory_space<semaphore_mem>>) src(%arg11 : memref<128x128xf32, #tpu.memory_space<vmem>>) dst(%dma_wait3A_284 : memref<10240x128xf32, #tpu.memory_space<vmem_shared>>)
        tpu.yield
      }) : () -> ()
      %add3A_95 = arith.constant 2 : i32
      %add3A_96 = arith.addi %add3A_87, %add3A_95 : i32
      %lt3A = arith.constant 80 : i32
      %lt3A_97 = arith.cmpi slt, %add3A_96, %lt3A : i32
      %convert_element_type3A = arith.extui %lt3A_97 : i1 to i32
      %cond3A = arith.constant 2 : i32
      %cond3A_98 = arith.constant 0 : i32
      %cond3A_99 = arith.cmpi ne, %convert_element_type3A, %cond3A_98 : i32
      scf.if %cond3A_99 {
        %dma_start3A_272 = arith.constant 0 : i32
        %dma_start3A_273 = tpu.memref_slice %arg7[%cond3A, %dma_start3A_272] : memref<4x128xi32, #tpu.memory_space<vmem>> -> memref<1x128xi32, #tpu.memory_space<vmem>>
        %dma_start3A_274 = tpu.memref_squeeze %dma_start3A_273 : memref<1x128xi32, #tpu.memory_space<vmem>> -> memref<128xi32, #tpu.memory_space<vmem>>
        %dma_start3A_275 = arith.constant 0 : i32
        %dma_start3A_276 = arith.constant 0 : i32
        %dma_start3A_277 = tpu.memref_slice %arg2[%dma_start3A_275, %dma_start3A_276] : memref<10240x128xf32, #tpu.memory_space<hbm>> -> memref<10240x128xf32, #tpu.memory_space<hbm>>
        tpu.enqueue_indirect_dma source(%dma_start3A_277 : memref<10240x128xf32, #tpu.memory_space<hbm>>) target(%arg11 : memref<128x128xf32, #tpu.memory_space<vmem>>) offsets(%dma_start3A_274 : memref<128xi32, #tpu.memory_space<vmem>>) semaphore(%arg14 : memref<!tpu.dma_semaphore, #tpu.memory_space<semaphore_mem>>)
      } else {
      }
      %mul3A_100 = arith.constant 4 : i32
      %mul3A_101 = arith.muli %add3A_83, %mul3A_100 : i32
      %add3A_102 = arith.constant 1 : i32
      %add3A_103 = arith.addi %mul3A_101, %add3A_102 : i32
      %dma_wait3A_104 = arith.constant 1 : i32
      %dma_wait3A_105 = arith.constant 0 : i32
      %dma_wait3A_106 = tpu.memref_slice %arg7[%dma_wait3A_104, %dma_wait3A_105] : memref<4x128xi32, #tpu.memory_space<vmem>> -> memref<1x128xi32, #tpu.memory_space<vmem>>
      %dma_wait3A_107 = tpu.memref_squeeze %dma_wait3A_106 : memref<1x128xi32, #tpu.memory_space<vmem>> -> memref<128xi32, #tpu.memory_space<vmem>>
      %dma_wait3A_108 = arith.constant 0 : i32
      %dma_wait3A_109 = arith.constant 0 : i32
      %dma_wait3A_110 = tpu.memref_slice %arg2[%dma_wait3A_108, %dma_wait3A_109] : memref<10240x128xf32, #tpu.memory_space<hbm>> -> memref<10240x128xf32, #tpu.memory_space<hbm>>
      tpu.wait_indirect_dma semaphore(%arg15 : memref<!tpu.dma_semaphore, #tpu.memory_space<semaphore_mem>>) src(%dma_wait3A_110 : memref<10240x128xf32, #tpu.memory_space<hbm>>) dst(%arg12 : memref<128x128xf32, #tpu.memory_space<vmem>>)
      %run_scoped3A_111 = arith.constant 1 : i32
      "tpu.region"() ({
        %run_scoped3A_272 = tpu.sem_alloc : memref<!tpu.dma_semaphore, #tpu.memory_space<semaphore_mem>>
        %dma_start3A_273 = arith.constant 0 : i32
        %dma_start3A_274 = tpu.memref_slice %arg9[%run_scoped3A_111, %dma_start3A_273] : memref<4x128xi32, #tpu.memory_space<vmem>> -> memref<1x128xi32, #tpu.memory_space<vmem>>
        %dma_start3A_275 = tpu.memref_squeeze %dma_start3A_274 : memref<1x128xi32, #tpu.memory_space<vmem>> -> memref<128xi32, #tpu.memory_space<vmem>>
        %dma_start3A_276 = arith.constant 0 : i32
        %dma_start3A_277 = arith.constant 0 : i32
        %dma_start3A_278 = tpu.memref_slice %arg13[%dma_start3A_276, %dma_start3A_277] : memref<10240x128xf32, #tpu.memory_space<vmem_shared>> -> memref<10240x128xf32, #tpu.memory_space<vmem_shared>>
        tpu.enqueue_indirect_dma source(%arg12 : memref<128x128xf32, #tpu.memory_space<vmem>>) target(%dma_start3A_278 : memref<10240x128xf32, #tpu.memory_space<vmem_shared>>) offsets(%dma_start3A_275 : memref<128xi32, #tpu.memory_space<vmem>>) semaphore(%run_scoped3A_272 : memref<!tpu.dma_semaphore, #tpu.memory_space<semaphore_mem>>) {add = true}
        %dma_wait3A_279 = arith.constant 0 : i32
        %dma_wait3A_280 = tpu.memref_slice %arg9[%run_scoped3A_111, %dma_wait3A_279] : memref<4x128xi32, #tpu.memory_space<vmem>> -> memref<1x128xi32, #tpu.memory_space<vmem>>
        %dma_wait3A_281 = tpu.memref_squeeze %dma_wait3A_280 : memref<1x128xi32, #tpu.memory_space<vmem>> -> memref<128xi32, #tpu.memory_space<vmem>>
        %dma_wait3A_282 = arith.constant 0 : i32
        %dma_wait3A_283 = arith.constant 0 : i32
        %dma_wait3A_284 = tpu.memref_slice %arg13[%dma_wait3A_282, %dma_wait3A_283] : memref<10240x128xf32, #tpu.memory_space<vmem_shared>> -> memref<10240x128xf32, #tpu.memory_space<vmem_shared>>
        tpu.wait_indirect_dma semaphore(%run_scoped3A_272 : memref<!tpu.dma_semaphore, #tpu.memory_space<semaphore_mem>>) src(%arg12 : memref<128x128xf32, #tpu.memory_space<vmem>>) dst(%dma_wait3A_284 : memref<10240x128xf32, #tpu.memory_space<vmem_shared>>)
        tpu.yield
      }) : () -> ()
      %add3A_112 = arith.constant 2 : i32
      %add3A_113 = arith.addi %add3A_103, %add3A_112 : i32
      %lt3A_114 = arith.constant 80 : i32
      %lt3A_115 = arith.cmpi slt, %add3A_113, %lt3A_114 : i32
      %convert_element_type3A_116 = arith.extui %lt3A_115 : i1 to i32
      %cond3A_117 = arith.constant 3 : i32
      %cond3A_118 = arith.constant 0 : i32
      %cond3A_119 = arith.cmpi ne, %convert_element_type3A_116, %cond3A_118 : i32
      scf.if %cond3A_119 {
        %dma_start3A_272 = arith.constant 0 : i32
        %dma_start3A_273 = tpu.memref_slice %arg7[%cond3A_117, %dma_start3A_272] : memref<4x128xi32, #tpu.memory_space<vmem>> -> memref<1x128xi32, #tpu.memory_space<vmem>>
        %dma_start3A_274 = tpu.memref_squeeze %dma_start3A_273 : memref<1x128xi32, #tpu.memory_space<vmem>> -> memref<128xi32, #tpu.memory_space<vmem>>
        %dma_start3A_275 = arith.constant 0 : i32
        %dma_start3A_276 = arith.constant 0 : i32
        %dma_start3A_277 = tpu.memref_slice %arg2[%dma_start3A_275, %dma_start3A_276] : memref<10240x128xf32, #tpu.memory_space<hbm>> -> memref<10240x128xf32, #tpu.memory_space<hbm>>
        tpu.enqueue_indirect_dma source(%dma_start3A_277 : memref<10240x128xf32, #tpu.memory_space<hbm>>) target(%arg12 : memref<128x128xf32, #tpu.memory_space<vmem>>) offsets(%dma_start3A_274 : memref<128xi32, #tpu.memory_space<vmem>>) semaphore(%arg15 : memref<!tpu.dma_semaphore, #tpu.memory_space<semaphore_mem>>)
      } else {
      }
      %mul3A_120 = arith.constant 4 : i32
      %mul3A_121 = arith.muli %add3A_83, %mul3A_120 : i32
      %add3A_122 = arith.constant 2 : i32
      %add3A_123 = arith.addi %mul3A_121, %add3A_122 : i32
      %dma_wait3A_124 = arith.constant 2 : i32
      %dma_wait3A_125 = arith.constant 0 : i32
      %dma_wait3A_126 = tpu.memref_slice %arg7[%dma_wait3A_124, %dma_wait3A_125] : memref<4x128xi32, #tpu.memory_space<vmem>> -> memref<1x128xi32, #tpu.memory_space<vmem>>
      %dma_wait3A_127 = tpu.memref_squeeze %dma_wait3A_126 : memref<1x128xi32, #tpu.memory_space<vmem>> -> memref<128xi32, #tpu.memory_space<vmem>>
      %dma_wait3A_128 = arith.constant 0 : i32
      %dma_wait3A_129 = arith.constant 0 : i32
      %dma_wait3A_130 = tpu.memref_slice %arg2[%dma_wait3A_128, %dma_wait3A_129] : memref<10240x128xf32, #tpu.memory_space<hbm>> -> memref<10240x128xf32, #tpu.memory_space<hbm>>
      tpu.wait_indirect_dma semaphore(%arg14 : memref<!tpu.dma_semaphore, #tpu.memory_space<semaphore_mem>>) src(%dma_wait3A_130 : memref<10240x128xf32, #tpu.memory_space<hbm>>) dst(%arg11 : memref<128x128xf32, #tpu.memory_space<vmem>>)
      %add3A_131 = arith.constant 1 : i32
      %add3A_132 = arith.addi %add3A_83, %add3A_131 : i32
      %lt3A_133 = arith.constant 20 : i32
      %lt3A_134 = arith.cmpi slt, %add3A_132, %lt3A_133 : i32
      %convert_element_type3A_135 = arith.extui %lt3A_134 : i1 to i32
      %cond3A_136 = arith.constant 0 : i32
      %cond3A_137 = arith.cmpi ne, %convert_element_type3A_135, %cond3A_136 : i32
      scf.if %cond3A_137 {
        %add3A_272 = arith.constant 1 : i32
        %add3A_273 = arith.addi %add3A_83, %add3A_272 : i32
        %dma_wait3A_274 = arith.constant 0 : i32
        %dma_wait3A_275 = arith.constant 0 : i32
        %dma_wait3A_276 = tpu.memref_slice %arg3[%add3A, %add3A_273, %dma_wait3A_274, %dma_wait3A_275] : memref<32x20x4x128xi32, #tpu.memory_space<hbm>> -> memref<1x1x4x128xi32, #tpu.memory_space<hbm>>
        %dma_wait3A_277 = tpu.memref_squeeze %dma_wait3A_276 : memref<1x1x4x128xi32, #tpu.memory_space<hbm>> -> memref<4x128xi32, #tpu.memory_space<hbm>>
        %dma_wait3A_278 = arith.constant 0 : i32
        %dma_wait3A_279 = arith.constant 0 : i32
        %dma_wait3A_280 = tpu.memref_slice %arg3[%add3A, %add3A_273, %dma_wait3A_278, %dma_wait3A_279] : memref<32x20x4x128xi32, #tpu.memory_space<hbm>> -> memref<1x1x4x128xi32, #tpu.memory_space<hbm>>
        %dma_wait3A_281 = tpu.memref_squeeze %dma_wait3A_280 : memref<1x1x4x128xi32, #tpu.memory_space<hbm>> -> memref<4x128xi32, #tpu.memory_space<hbm>>
        tpu.wait_dma2 semaphore(%arg17 : memref<!tpu.dma_semaphore, #tpu.memory_space<semaphore_mem>>) src(%dma_wait3A_281 : memref<4x128xi32, #tpu.memory_space<hbm>>) dst(%arg8 : memref<4x128xi32, #tpu.memory_space<vmem>>)
        %add3A_282 = arith.constant 1 : i32
        %add3A_283 = arith.addi %add3A_83, %add3A_282 : i32
        %dma_wait3A_284 = arith.constant 0 : i32
        %dma_wait3A_285 = arith.constant 0 : i32
        %dma_wait3A_286 = tpu.memref_slice %arg4[%add3A, %add3A_283, %dma_wait3A_284, %dma_wait3A_285] : memref<32x20x4x128xi32, #tpu.memory_space<hbm>> -> memref<1x1x4x128xi32, #tpu.memory_space<hbm>>
        %dma_wait3A_287 = tpu.memref_squeeze %dma_wait3A_286 : memref<1x1x4x128xi32, #tpu.memory_space<hbm>> -> memref<4x128xi32, #tpu.memory_space<hbm>>
        %dma_wait3A_288 = arith.constant 0 : i32
        %dma_wait3A_289 = arith.constant 0 : i32
        %dma_wait3A_290 = tpu.memref_slice %arg4[%add3A, %add3A_283, %dma_wait3A_288, %dma_wait3A_289] : memref<32x20x4x128xi32, #tpu.memory_space<hbm>> -> memref<1x1x4x128xi32, #tpu.memory_space<hbm>>
        %dma_wait3A_291 = tpu.memref_squeeze %dma_wait3A_290 : memref<1x1x4x128xi32, #tpu.memory_space<hbm>> -> memref<4x128xi32, #tpu.memory_space<hbm>>
        tpu.wait_dma2 semaphore(%arg17 : memref<!tpu.dma_semaphore, #tpu.memory_space<semaphore_mem>>) src(%dma_wait3A_291 : memref<4x128xi32, #tpu.memory_space<hbm>>) dst(%arg10 : memref<4x128xi32, #tpu.memory_space<vmem>>)
      } else {
      }
      %run_scoped3A_138 = arith.constant 2 : i32
      "tpu.region"() ({
        %run_scoped3A_272 = tpu.sem_alloc : memref<!tpu.dma_semaphore, #tpu.memory_space<semaphore_mem>>
        %dma_start3A_273 = arith.constant 0 : i32
        %dma_start3A_274 = tpu.memref_slice %arg9[%run_scoped3A_138, %dma_start3A_273] : memref<4x128xi32, #tpu.memory_space<vmem>> -> memref<1x128xi32, #tpu.memory_space<vmem>>
        %dma_start3A_275 = tpu.memref_squeeze %dma_start3A_274 : memref<1x128xi32, #tpu.memory_space<vmem>> -> memref<128xi32, #tpu.memory_space<vmem>>
        %dma_start3A_276 = arith.constant 0 : i32
        %dma_start3A_277 = arith.constant 0 : i32
        %dma_start3A_278 = tpu.memref_slice %arg13[%dma_start3A_276, %dma_start3A_277] : memref<10240x128xf32, #tpu.memory_space<vmem_shared>> -> memref<10240x128xf32, #tpu.memory_space<vmem_shared>>
        tpu.enqueue_indirect_dma source(%arg11 : memref<128x128xf32, #tpu.memory_space<vmem>>) target(%dma_start3A_278 : memref<10240x128xf32, #tpu.memory_space<vmem_shared>>) offsets(%dma_start3A_275 : memref<128xi32, #tpu.memory_space<vmem>>) semaphore(%run_scoped3A_272 : memref<!tpu.dma_semaphore, #tpu.memory_space<semaphore_mem>>) {add = true}
        %dma_wait3A_279 = arith.constant 0 : i32
        %dma_wait3A_280 = tpu.memref_slice %arg9[%run_scoped3A_138, %dma_wait3A_279] : memref<4x128xi32, #tpu.memory_space<vmem>> -> memref<1x128xi32, #tpu.memory_space<vmem>>
        %dma_wait3A_281 = tpu.memref_squeeze %dma_wait3A_280 : memref<1x128xi32, #tpu.memory_space<vmem>> -> memref<128xi32, #tpu.memory_space<vmem>>
        %dma_wait3A_282 = arith.constant 0 : i32
        %dma_wait3A_283 = arith.constant 0 : i32
        %dma_wait3A_284 = tpu.memref_slice %arg13[%dma_wait3A_282, %dma_wait3A_283] : memref<10240x128xf32, #tpu.memory_space<vmem_shared>> -> memref<10240x128xf32, #tpu.memory_space<vmem_shared>>
        tpu.wait_indirect_dma semaphore(%run_scoped3A_272 : memref<!tpu.dma_semaphore, #tpu.memory_space<semaphore_mem>>) src(%arg11 : memref<128x128xf32, #tpu.memory_space<vmem>>) dst(%dma_wait3A_284 : memref<10240x128xf32, #tpu.memory_space<vmem_shared>>)
        tpu.yield
      }) : () -> ()
      %add3A_139 = arith.constant 2 : i32
      %add3A_140 = arith.addi %add3A_123, %add3A_139 : i32
      %lt3A_141 = arith.constant 80 : i32
      %lt3A_142 = arith.cmpi slt, %add3A_140, %lt3A_141 : i32
      %convert_element_type3A_143 = arith.extui %lt3A_142 : i1 to i32
      %cond3A_144 = arith.constant 0 : i32
      %cond3A_145 = arith.constant 0 : i32
      %cond3A_146 = arith.cmpi ne, %convert_element_type3A_143, %cond3A_145 : i32
      scf.if %cond3A_146 {
        %dma_start3A_272 = arith.constant 0 : i32
        %dma_start3A_273 = tpu.memref_slice %arg8[%cond3A_144, %dma_start3A_272] : memref<4x128xi32, #tpu.memory_space<vmem>> -> memref<1x128xi32, #tpu.memory_space<vmem>>
        %dma_start3A_274 = tpu.memref_squeeze %dma_start3A_273 : memref<1x128xi32, #tpu.memory_space<vmem>> -> memref<128xi32, #tpu.memory_space<vmem>>
        %dma_start3A_275 = arith.constant 0 : i32
        %dma_start3A_276 = arith.constant 0 : i32
        %dma_start3A_277 = tpu.memref_slice %arg2[%dma_start3A_275, %dma_start3A_276] : memref<10240x128xf32, #tpu.memory_space<hbm>> -> memref<10240x128xf32, #tpu.memory_space<hbm>>
        tpu.enqueue_indirect_dma source(%dma_start3A_277 : memref<10240x128xf32, #tpu.memory_space<hbm>>) target(%arg11 : memref<128x128xf32, #tpu.memory_space<vmem>>) offsets(%dma_start3A_274 : memref<128xi32, #tpu.memory_space<vmem>>) semaphore(%arg14 : memref<!tpu.dma_semaphore, #tpu.memory_space<semaphore_mem>>)
      } else {
      }
      %mul3A_147 = arith.constant 4 : i32
      %mul3A_148 = arith.muli %add3A_83, %mul3A_147 : i32
      %add3A_149 = arith.constant 3 : i32
      %add3A_150 = arith.addi %mul3A_148, %add3A_149 : i32
      %dma_wait3A_151 = arith.constant 3 : i32
      %dma_wait3A_152 = arith.constant 0 : i32
      %dma_wait3A_153 = tpu.memref_slice %arg7[%dma_wait3A_151, %dma_wait3A_152] : memref<4x128xi32, #tpu.memory_space<vmem>> -> memref<1x128xi32, #tpu.memory_space<vmem>>
      %dma_wait3A_154 = tpu.memref_squeeze %dma_wait3A_153 : memref<1x128xi32, #tpu.memory_space<vmem>> -> memref<128xi32, #tpu.memory_space<vmem>>
      %dma_wait3A_155 = arith.constant 0 : i32
      %dma_wait3A_156 = arith.constant 0 : i32
      %dma_wait3A_157 = tpu.memref_slice %arg2[%dma_wait3A_155, %dma_wait3A_156] : memref<10240x128xf32, #tpu.memory_space<hbm>> -> memref<10240x128xf32, #tpu.memory_space<hbm>>
      tpu.wait_indirect_dma semaphore(%arg15 : memref<!tpu.dma_semaphore, #tpu.memory_space<semaphore_mem>>) src(%dma_wait3A_157 : memref<10240x128xf32, #tpu.memory_space<hbm>>) dst(%arg12 : memref<128x128xf32, #tpu.memory_space<vmem>>)
      %run_scoped3A_158 = arith.constant 3 : i32
      "tpu.region"() ({
        %run_scoped3A_272 = tpu.sem_alloc : memref<!tpu.dma_semaphore, #tpu.memory_space<semaphore_mem>>
        %dma_start3A_273 = arith.constant 0 : i32
        %dma_start3A_274 = tpu.memref_slice %arg9[%run_scoped3A_158, %dma_start3A_273] : memref<4x128xi32, #tpu.memory_space<vmem>> -> memref<1x128xi32, #tpu.memory_space<vmem>>
        %dma_start3A_275 = tpu.memref_squeeze %dma_start3A_274 : memref<1x128xi32, #tpu.memory_space<vmem>> -> memref<128xi32, #tpu.memory_space<vmem>>
        %dma_start3A_276 = arith.constant 0 : i32
        %dma_start3A_277 = arith.constant 0 : i32
        %dma_start3A_278 = tpu.memref_slice %arg13[%dma_start3A_276, %dma_start3A_277] : memref<10240x128xf32, #tpu.memory_space<vmem_shared>> -> memref<10240x128xf32, #tpu.memory_space<vmem_shared>>
        tpu.enqueue_indirect_dma source(%arg12 : memref<128x128xf32, #tpu.memory_space<vmem>>) target(%dma_start3A_278 : memref<10240x128xf32, #tpu.memory_space<vmem_shared>>) offsets(%dma_start3A_275 : memref<128xi32, #tpu.memory_space<vmem>>) semaphore(%run_scoped3A_272 : memref<!tpu.dma_semaphore, #tpu.memory_space<semaphore_mem>>) {add = true}
        %dma_wait3A_279 = arith.constant 0 : i32
        %dma_wait3A_280 = tpu.memref_slice %arg9[%run_scoped3A_158, %dma_wait3A_279] : memref<4x128xi32, #tpu.memory_space<vmem>> -> memref<1x128xi32, #tpu.memory_space<vmem>>
        %dma_wait3A_281 = tpu.memref_squeeze %dma_wait3A_280 : memref<1x128xi32, #tpu.memory_space<vmem>> -> memref<128xi32, #tpu.memory_space<vmem>>
        %dma_wait3A_282 = arith.constant 0 : i32
        %dma_wait3A_283 = arith.constant 0 : i32
        %dma_wait3A_284 = tpu.memref_slice %arg13[%dma_wait3A_282, %dma_wait3A_283] : memref<10240x128xf32, #tpu.memory_space<vmem_shared>> -> memref<10240x128xf32, #tpu.memory_space<vmem_shared>>
        tpu.wait_indirect_dma semaphore(%run_scoped3A_272 : memref<!tpu.dma_semaphore, #tpu.memory_space<semaphore_mem>>) src(%arg12 : memref<128x128xf32, #tpu.memory_space<vmem>>) dst(%dma_wait3A_284 : memref<10240x128xf32, #tpu.memory_space<vmem_shared>>)
        tpu.yield
      }) : () -> ()
      %add3A_159 = arith.constant 2 : i32
      %add3A_160 = arith.addi %add3A_150, %add3A_159 : i32
      %lt3A_161 = arith.constant 80 : i32
      %lt3A_162 = arith.cmpi slt, %add3A_160, %lt3A_161 : i32
      %convert_element_type3A_163 = arith.extui %lt3A_162 : i1 to i32
      %cond3A_164 = arith.constant 1 : i32
      %cond3A_165 = arith.constant 0 : i32
      %cond3A_166 = arith.cmpi ne, %convert_element_type3A_163, %cond3A_165 : i32
      scf.if %cond3A_166 {
        %dma_start3A_272 = arith.constant 0 : i32
        %dma_start3A_273 = tpu.memref_slice %arg8[%cond3A_164, %dma_start3A_272] : memref<4x128xi32, #tpu.memory_space<vmem>> -> memref<1x128xi32, #tpu.memory_space<vmem>>
        %dma_start3A_274 = tpu.memref_squeeze %dma_start3A_273 : memref<1x128xi32, #tpu.memory_space<vmem>> -> memref<128xi32, #tpu.memory_space<vmem>>
        %dma_start3A_275 = arith.constant 0 : i32
        %dma_start3A_276 = arith.constant 0 : i32
        %dma_start3A_277 = tpu.memref_slice %arg2[%dma_start3A_275, %dma_start3A_276] : memref<10240x128xf32, #tpu.memory_space<hbm>> -> memref<10240x128xf32, #tpu.memory_space<hbm>>
        tpu.enqueue_indirect_dma source(%dma_start3A_277 : memref<10240x128xf32, #tpu.memory_space<hbm>>) target(%arg12 : memref<128x128xf32, #tpu.memory_space<vmem>>) offsets(%dma_start3A_274 : memref<128xi32, #tpu.memory_space<vmem>>) semaphore(%arg15 : memref<!tpu.dma_semaphore, #tpu.memory_space<semaphore_mem>>)
      } else {
      }
      %add3A_167 = arith.constant 2 : i32
      %add3A_168 = arith.addi %add3A_83, %add3A_167 : i32
      %lt3A_169 = arith.constant 20 : i32
      %lt3A_170 = arith.cmpi slt, %add3A_168, %lt3A_169 : i32
      %convert_element_type3A_171 = arith.extui %lt3A_170 : i1 to i32
      %cond3A_172 = arith.constant 0 : i32
      %cond3A_173 = arith.cmpi ne, %convert_element_type3A_171, %cond3A_172 : i32
      scf.if %cond3A_173 {
        %add3A_272 = arith.constant 2 : i32
        %add3A_273 = arith.addi %add3A_83, %add3A_272 : i32
        %dma_start3A_274 = arith.constant 0 : i32
        %dma_start3A_275 = arith.constant 0 : i32
        %dma_start3A_276 = tpu.memref_slice %arg3[%add3A, %add3A_273, %dma_start3A_274, %dma_start3A_275] : memref<32x20x4x128xi32, #tpu.memory_space<hbm>> -> memref<1x1x4x128xi32, #tpu.memory_space<hbm>>
        %dma_start3A_277 = tpu.memref_squeeze %dma_start3A_276 : memref<1x1x4x128xi32, #tpu.memory_space<hbm>> -> memref<4x128xi32, #tpu.memory_space<hbm>>
        %dma_start3A_278 = arith.constant 0 : i32
        %dma_start3A_279 = arith.constant 0 : i32
        %dma_start3A_280 = tpu.memref_slice %arg3[%add3A, %add3A_273, %dma_start3A_278, %dma_start3A_279] : memref<32x20x4x128xi32, #tpu.memory_space<hbm>> -> memref<1x1x4x128xi32, #tpu.memory_space<hbm>>
        %dma_start3A_281 = tpu.memref_squeeze %dma_start3A_280 : memref<1x1x4x128xi32, #tpu.memory_space<hbm>> -> memref<4x128xi32, #tpu.memory_space<hbm>>
        tpu.enqueue_dma source(%dma_start3A_281 : memref<4x128xi32, #tpu.memory_space<hbm>>) target(%arg7 : memref<4x128xi32, #tpu.memory_space<vmem>>) target_semaphore(%arg16 : memref<!tpu.dma_semaphore, #tpu.memory_space<semaphore_mem>>)
        %add3A_282 = arith.constant 2 : i32
        %add3A_283 = arith.addi %add3A_83, %add3A_282 : i32
        %dma_start3A_284 = arith.constant 0 : i32
        %dma_start3A_285 = arith.constant 0 : i32
        %dma_start3A_286 = tpu.memref_slice %arg4[%add3A, %add3A_283, %dma_start3A_284, %dma_start3A_285] : memref<32x20x4x128xi32, #tpu.memory_space<hbm>> -> memref<1x1x4x128xi32, #tpu.memory_space<hbm>>
        %dma_start3A_287 = tpu.memref_squeeze %dma_start3A_286 : memref<1x1x4x128xi32, #tpu.memory_space<hbm>> -> memref<4x128xi32, #tpu.memory_space<hbm>>
        %dma_start3A_288 = arith.constant 0 : i32
        %dma_start3A_289 = arith.constant 0 : i32
        %dma_start3A_290 = tpu.memref_slice %arg4[%add3A, %add3A_283, %dma_start3A_288, %dma_start3A_289] : memref<32x20x4x128xi32, #tpu.memory_space<hbm>> -> memref<1x1x4x128xi32, #tpu.memory_space<hbm>>
        %dma_start3A_291 = tpu.memref_squeeze %dma_start3A_290 : memref<1x1x4x128xi32, #tpu.memory_space<hbm>> -> memref<4x128xi32, #tpu.memory_space<hbm>>
        tpu.enqueue_dma source(%dma_start3A_291 : memref<4x128xi32, #tpu.memory_space<hbm>>) target(%arg9 : memref<4x128xi32, #tpu.memory_space<vmem>>) target_semaphore(%arg16 : memref<!tpu.dma_semaphore, #tpu.memory_space<semaphore_mem>>)
      } else {
      }
      %mul3A_174 = arith.constant 2 : i32
      %mul3A_175 = arith.muli %mul3A_174, %scan3A_79 : i32
      %add3A_176 = arith.constant 1 : i32
      %add3A_177 = arith.addi %mul3A_175, %add3A_176 : i32
      %mul3A_178 = arith.constant 4 : i32
      %mul3A_179 = arith.muli %add3A_177, %mul3A_178 : i32
      %add3A_180 = arith.constant 0 : i32
      %add3A_181 = arith.addi %mul3A_179, %add3A_180 : i32
      %dma_wait3A_182 = arith.constant 0 : i32
      %dma_wait3A_183 = arith.constant 0 : i32
      %dma_wait3A_184 = tpu.memref_slice %arg8[%dma_wait3A_182, %dma_wait3A_183] : memref<4x128xi32, #tpu.memory_space<vmem>> -> memref<1x128xi32, #tpu.memory_space<vmem>>
      %dma_wait3A_185 = tpu.memref_squeeze %dma_wait3A_184 : memref<1x128xi32, #tpu.memory_space<vmem>> -> memref<128xi32, #tpu.memory_space<vmem>>
      %dma_wait3A_186 = arith.constant 0 : i32
      %dma_wait3A_187 = arith.constant 0 : i32
      %dma_wait3A_188 = tpu.memref_slice %arg2[%dma_wait3A_186, %dma_wait3A_187] : memref<10240x128xf32, #tpu.memory_space<hbm>> -> memref<10240x128xf32, #tpu.memory_space<hbm>>
      tpu.wait_indirect_dma semaphore(%arg14 : memref<!tpu.dma_semaphore, #tpu.memory_space<semaphore_mem>>) src(%dma_wait3A_188 : memref<10240x128xf32, #tpu.memory_space<hbm>>) dst(%arg11 : memref<128x128xf32, #tpu.memory_space<vmem>>)
      %run_scoped3A_189 = arith.constant 0 : i32
      "tpu.region"() ({
        %run_scoped3A_272 = tpu.sem_alloc : memref<!tpu.dma_semaphore, #tpu.memory_space<semaphore_mem>>
        %dma_start3A_273 = arith.constant 0 : i32
        %dma_start3A_274 = tpu.memref_slice %arg10[%run_scoped3A_189, %dma_start3A_273] : memref<4x128xi32, #tpu.memory_space<vmem>> -> memref<1x128xi32, #tpu.memory_space<vmem>>
        %dma_start3A_275 = tpu.memref_squeeze %dma_start3A_274 : memref<1x128xi32, #tpu.memory_space<vmem>> -> memref<128xi32, #tpu.memory_space<vmem>>
        %dma_start3A_276 = arith.constant 0 : i32
        %dma_start3A_277 = arith.constant 0 : i32
        %dma_start3A_278 = tpu.memref_slice %arg13[%dma_start3A_276, %dma_start3A_277] : memref<10240x128xf32, #tpu.memory_space<vmem_shared>> -> memref<10240x128xf32, #tpu.memory_space<vmem_shared>>
        tpu.enqueue_indirect_dma source(%arg11 : memref<128x128xf32, #tpu.memory_space<vmem>>) target(%dma_start3A_278 : memref<10240x128xf32, #tpu.memory_space<vmem_shared>>) offsets(%dma_start3A_275 : memref<128xi32, #tpu.memory_space<vmem>>) semaphore(%run_scoped3A_272 : memref<!tpu.dma_semaphore, #tpu.memory_space<semaphore_mem>>) {add = true}
        %dma_wait3A_279 = arith.constant 0 : i32
        %dma_wait3A_280 = tpu.memref_slice %arg10[%run_scoped3A_189, %dma_wait3A_279] : memref<4x128xi32, #tpu.memory_space<vmem>> -> memref<1x128xi32, #tpu.memory_space<vmem>>
        %dma_wait3A_281 = tpu.memref_squeeze %dma_wait3A_280 : memref<1x128xi32, #tpu.memory_space<vmem>> -> memref<128xi32, #tpu.memory_space<vmem>>
        %dma_wait3A_282 = arith.constant 0 : i32
        %dma_wait3A_283 = arith.constant 0 : i32
        %dma_wait3A_284 = tpu.memref_slice %arg13[%dma_wait3A_282, %dma_wait3A_283] : memref<10240x128xf32, #tpu.memory_space<vmem_shared>> -> memref<10240x128xf32, #tpu.memory_space<vmem_shared>>
        tpu.wait_indirect_dma semaphore(%run_scoped3A_272 : memref<!tpu.dma_semaphore, #tpu.memory_space<semaphore_mem>>) src(%arg11 : memref<128x128xf32, #tpu.memory_space<vmem>>) dst(%dma_wait3A_284 : memref<10240x128xf32, #tpu.memory_space<vmem_shared>>)
        tpu.yield
      }) : () -> ()
      %add3A_190 = arith.constant 2 : i32
      %add3A_191 = arith.addi %add3A_181, %add3A_190 : i32
      %lt3A_192 = arith.constant 80 : i32
      %lt3A_193 = arith.cmpi slt, %add3A_191, %lt3A_192 : i32
      %convert_element_type3A_194 = arith.extui %lt3A_193 : i1 to i32
      %cond3A_195 = arith.constant 2 : i32
      %cond3A_196 = arith.constant 0 : i32
      %cond3A_197 = arith.cmpi ne, %convert_element_type3A_194, %cond3A_196 : i32
      scf.if %cond3A_197 {
        %dma_start3A_272 = arith.constant 0 : i32
        %dma_start3A_273 = tpu.memref_slice %arg8[%cond3A_195, %dma_start3A_272] : memref<4x128xi32, #tpu.memory_space<vmem>> -> memref<1x128xi32, #tpu.memory_space<vmem>>
        %dma_start3A_274 = tpu.memref_squeeze %dma_start3A_273 : memref<1x128xi32, #tpu.memory_space<vmem>> -> memref<128xi32, #tpu.memory_space<vmem>>
        %dma_start3A_275 = arith.constant 0 : i32
        %dma_start3A_276 = arith.constant 0 : i32
        %dma_start3A_277 = tpu.memref_slice %arg2[%dma_start3A_275, %dma_start3A_276] : memref<10240x128xf32, #tpu.memory_space<hbm>> -> memref<10240x128xf32, #tpu.memory_space<hbm>>
        tpu.enqueue_indirect_dma source(%dma_start3A_277 : memref<10240x128xf32, #tpu.memory_space<hbm>>) target(%arg11 : memref<128x128xf32, #tpu.memory_space<vmem>>) offsets(%dma_start3A_274 : memref<128xi32, #tpu.memory_space<vmem>>) semaphore(%arg14 : memref<!tpu.dma_semaphore, #tpu.memory_space<semaphore_mem>>)
      } else {
      }
      %mul3A_198 = arith.constant 4 : i32
      %mul3A_199 = arith.muli %add3A_177, %mul3A_198 : i32
      %add3A_200 = arith.constant 1 : i32
      %add3A_201 = arith.addi %mul3A_199, %add3A_200 : i32
      %dma_wait3A_202 = arith.constant 1 : i32
      %dma_wait3A_203 = arith.constant 0 : i32
      %dma_wait3A_204 = tpu.memref_slice %arg8[%dma_wait3A_202, %dma_wait3A_203] : memref<4x128xi32, #tpu.memory_space<vmem>> -> memref<1x128xi32, #tpu.memory_space<vmem>>
      %dma_wait3A_205 = tpu.memref_squeeze %dma_wait3A_204 : memref<1x128xi32, #tpu.memory_space<vmem>> -> memref<128xi32, #tpu.memory_space<vmem>>
      %dma_wait3A_206 = arith.constant 0 : i32
      %dma_wait3A_207 = arith.constant 0 : i32
      %dma_wait3A_208 = tpu.memref_slice %arg2[%dma_wait3A_206, %dma_wait3A_207] : memref<10240x128xf32, #tpu.memory_space<hbm>> -> memref<10240x128xf32, #tpu.memory_space<hbm>>
      tpu.wait_indirect_dma semaphore(%arg15 : memref<!tpu.dma_semaphore, #tpu.memory_space<semaphore_mem>>) src(%dma_wait3A_208 : memref<10240x128xf32, #tpu.memory_space<hbm>>) dst(%arg12 : memref<128x128xf32, #tpu.memory_space<vmem>>)
      %run_scoped3A_209 = arith.constant 1 : i32
      "tpu.region"() ({
        %run_scoped3A_272 = tpu.sem_alloc : memref<!tpu.dma_semaphore, #tpu.memory_space<semaphore_mem>>
        %dma_start3A_273 = arith.constant 0 : i32
        %dma_start3A_274 = tpu.memref_slice %arg10[%run_scoped3A_209, %dma_start3A_273] : memref<4x128xi32, #tpu.memory_space<vmem>> -> memref<1x128xi32, #tpu.memory_space<vmem>>
        %dma_start3A_275 = tpu.memref_squeeze %dma_start3A_274 : memref<1x128xi32, #tpu.memory_space<vmem>> -> memref<128xi32, #tpu.memory_space<vmem>>
        %dma_start3A_276 = arith.constant 0 : i32
        %dma_start3A_277 = arith.constant 0 : i32
        %dma_start3A_278 = tpu.memref_slice %arg13[%dma_start3A_276, %dma_start3A_277] : memref<10240x128xf32, #tpu.memory_space<vmem_shared>> -> memref<10240x128xf32, #tpu.memory_space<vmem_shared>>
        tpu.enqueue_indirect_dma source(%arg12 : memref<128x128xf32, #tpu.memory_space<vmem>>) target(%dma_start3A_278 : memref<10240x128xf32, #tpu.memory_space<vmem_shared>>) offsets(%dma_start3A_275 : memref<128xi32, #tpu.memory_space<vmem>>) semaphore(%run_scoped3A_272 : memref<!tpu.dma_semaphore, #tpu.memory_space<semaphore_mem>>) {add = true}
        %dma_wait3A_279 = arith.constant 0 : i32
        %dma_wait3A_280 = tpu.memref_slice %arg10[%run_scoped3A_209, %dma_wait3A_279] : memref<4x128xi32, #tpu.memory_space<vmem>> -> memref<1x128xi32, #tpu.memory_space<vmem>>
        %dma_wait3A_281 = tpu.memref_squeeze %dma_wait3A_280 : memref<1x128xi32, #tpu.memory_space<vmem>> -> memref<128xi32, #tpu.memory_space<vmem>>
        %dma_wait3A_282 = arith.constant 0 : i32
        %dma_wait3A_283 = arith.constant 0 : i32
        %dma_wait3A_284 = tpu.memref_slice %arg13[%dma_wait3A_282, %dma_wait3A_283] : memref<10240x128xf32, #tpu.memory_space<vmem_shared>> -> memref<10240x128xf32, #tpu.memory_space<vmem_shared>>
        tpu.wait_indirect_dma semaphore(%run_scoped3A_272 : memref<!tpu.dma_semaphore, #tpu.memory_space<semaphore_mem>>) src(%arg12 : memref<128x128xf32, #tpu.memory_space<vmem>>) dst(%dma_wait3A_284 : memref<10240x128xf32, #tpu.memory_space<vmem_shared>>)
        tpu.yield
      }) : () -> ()
      %add3A_210 = arith.constant 2 : i32
      %add3A_211 = arith.addi %add3A_201, %add3A_210 : i32
      %lt3A_212 = arith.constant 80 : i32
      %lt3A_213 = arith.cmpi slt, %add3A_211, %lt3A_212 : i32
      %convert_element_type3A_214 = arith.extui %lt3A_213 : i1 to i32
      %cond3A_215 = arith.constant 3 : i32
      %cond3A_216 = arith.constant 0 : i32
      %cond3A_217 = arith.cmpi ne, %convert_element_type3A_214, %cond3A_216 : i32
      scf.if %cond3A_217 {
        %dma_start3A_272 = arith.constant 0 : i32
        %dma_start3A_273 = tpu.memref_slice %arg8[%cond3A_215, %dma_start3A_272] : memref<4x128xi32, #tpu.memory_space<vmem>> -> memref<1x128xi32, #tpu.memory_space<vmem>>
        %dma_start3A_274 = tpu.memref_squeeze %dma_start3A_273 : memref<1x128xi32, #tpu.memory_space<vmem>> -> memref<128xi32, #tpu.memory_space<vmem>>
        %dma_start3A_275 = arith.constant 0 : i32
        %dma_start3A_276 = arith.constant 0 : i32
        %dma_start3A_277 = tpu.memref_slice %arg2[%dma_start3A_275, %dma_start3A_276] : memref<10240x128xf32, #tpu.memory_space<hbm>> -> memref<10240x128xf32, #tpu.memory_space<hbm>>
        tpu.enqueue_indirect_dma source(%dma_start3A_277 : memref<10240x128xf32, #tpu.memory_space<hbm>>) target(%arg12 : memref<128x128xf32, #tpu.memory_space<vmem>>) offsets(%dma_start3A_274 : memref<128xi32, #tpu.memory_space<vmem>>) semaphore(%arg15 : memref<!tpu.dma_semaphore, #tpu.memory_space<semaphore_mem>>)
      } else {
      }
      %mul3A_218 = arith.constant 4 : i32
      %mul3A_219 = arith.muli %add3A_177, %mul3A_218 : i32
      %add3A_220 = arith.constant 2 : i32
      %add3A_221 = arith.addi %mul3A_219, %add3A_220 : i32
      %dma_wait3A_222 = arith.constant 2 : i32
      %dma_wait3A_223 = arith.constant 0 : i32
      %dma_wait3A_224 = tpu.memref_slice %arg8[%dma_wait3A_222, %dma_wait3A_223] : memref<4x128xi32, #tpu.memory_space<vmem>> -> memref<1x128xi32, #tpu.memory_space<vmem>>
      %dma_wait3A_225 = tpu.memref_squeeze %dma_wait3A_224 : memref<1x128xi32, #tpu.memory_space<vmem>> -> memref<128xi32, #tpu.memory_space<vmem>>
      %dma_wait3A_226 = arith.constant 0 : i32
      %dma_wait3A_227 = arith.constant 0 : i32
      %dma_wait3A_228 = tpu.memref_slice %arg2[%dma_wait3A_226, %dma_wait3A_227] : memref<10240x128xf32, #tpu.memory_space<hbm>> -> memref<10240x128xf32, #tpu.memory_space<hbm>>
      tpu.wait_indirect_dma semaphore(%arg14 : memref<!tpu.dma_semaphore, #tpu.memory_space<semaphore_mem>>) src(%dma_wait3A_228 : memref<10240x128xf32, #tpu.memory_space<hbm>>) dst(%arg11 : memref<128x128xf32, #tpu.memory_space<vmem>>)
      %add3A_229 = arith.constant 1 : i32
      %add3A_230 = arith.addi %add3A_177, %add3A_229 : i32
      %lt3A_231 = arith.constant 20 : i32
      %lt3A_232 = arith.cmpi slt, %add3A_230, %lt3A_231 : i32
      %convert_element_type3A_233 = arith.extui %lt3A_232 : i1 to i32
      %cond3A_234 = arith.constant 0 : i32
      %cond3A_235 = arith.cmpi ne, %convert_element_type3A_233, %cond3A_234 : i32
      scf.if %cond3A_235 {
        %add3A_272 = arith.constant 1 : i32
        %add3A_273 = arith.addi %add3A_177, %add3A_272 : i32
        %dma_wait3A_274 = arith.constant 0 : i32
        %dma_wait3A_275 = arith.constant 0 : i32
        %dma_wait3A_276 = tpu.memref_slice %arg3[%add3A, %add3A_273, %dma_wait3A_274, %dma_wait3A_275] : memref<32x20x4x128xi32, #tpu.memory_space<hbm>> -> memref<1x1x4x128xi32, #tpu.memory_space<hbm>>
        %dma_wait3A_277 = tpu.memref_squeeze %dma_wait3A_276 : memref<1x1x4x128xi32, #tpu.memory_space<hbm>> -> memref<4x128xi32, #tpu.memory_space<hbm>>
        %dma_wait3A_278 = arith.constant 0 : i32
        %dma_wait3A_279 = arith.constant 0 : i32
        %dma_wait3A_280 = tpu.memref_slice %arg3[%add3A, %add3A_273, %dma_wait3A_278, %dma_wait3A_279] : memref<32x20x4x128xi32, #tpu.memory_space<hbm>> -> memref<1x1x4x128xi32, #tpu.memory_space<hbm>>
        %dma_wait3A_281 = tpu.memref_squeeze %dma_wait3A_280 : memref<1x1x4x128xi32, #tpu.memory_space<hbm>> -> memref<4x128xi32, #tpu.memory_space<hbm>>
        tpu.wait_dma2 semaphore(%arg16 : memref<!tpu.dma_semaphore, #tpu.memory_space<semaphore_mem>>) src(%dma_wait3A_281 : memref<4x128xi32, #tpu.memory_space<hbm>>) dst(%arg7 : memref<4x128xi32, #tpu.memory_space<vmem>>)
        %add3A_282 = arith.constant 1 : i32
        %add3A_283 = arith.addi %add3A_177, %add3A_282 : i32
        %dma_wait3A_284 = arith.constant 0 : i32
        %dma_wait3A_285 = arith.constant 0 : i32
        %dma_wait3A_286 = tpu.memref_slice %arg4[%add3A, %add3A_283, %dma_wait3A_284, %dma_wait3A_285] : memref<32x20x4x128xi32, #tpu.memory_space<hbm>> -> memref<1x1x4x128xi32, #tpu.memory_space<hbm>>
        %dma_wait3A_287 = tpu.memref_squeeze %dma_wait3A_286 : memref<1x1x4x128xi32, #tpu.memory_space<hbm>> -> memref<4x128xi32, #tpu.memory_space<hbm>>
        %dma_wait3A_288 = arith.constant 0 : i32
        %dma_wait3A_289 = arith.constant 0 : i32
        %dma_wait3A_290 = tpu.memref_slice %arg4[%add3A, %add3A_283, %dma_wait3A_288, %dma_wait3A_289] : memref<32x20x4x128xi32, #tpu.memory_space<hbm>> -> memref<1x1x4x128xi32, #tpu.memory_space<hbm>>
        %dma_wait3A_291 = tpu.memref_squeeze %dma_wait3A_290 : memref<1x1x4x128xi32, #tpu.memory_space<hbm>> -> memref<4x128xi32, #tpu.memory_space<hbm>>
        tpu.wait_dma2 semaphore(%arg16 : memref<!tpu.dma_semaphore, #tpu.memory_space<semaphore_mem>>) src(%dma_wait3A_291 : memref<4x128xi32, #tpu.memory_space<hbm>>) dst(%arg9 : memref<4x128xi32, #tpu.memory_space<vmem>>)
      } else {
      }
      %run_scoped3A_236 = arith.constant 2 : i32
      "tpu.region"() ({
        %run_scoped3A_272 = tpu.sem_alloc : memref<!tpu.dma_semaphore, #tpu.memory_space<semaphore_mem>>
        %dma_start3A_273 = arith.constant 0 : i32
        %dma_start3A_274 = tpu.memref_slice %arg10[%run_scoped3A_236, %dma_start3A_273] : memref<4x128xi32, #tpu.memory_space<vmem>> -> memref<1x128xi32, #tpu.memory_space<vmem>>
        %dma_start3A_275 = tpu.memref_squeeze %dma_start3A_274 : memref<1x128xi32, #tpu.memory_space<vmem>> -> memref<128xi32, #tpu.memory_space<vmem>>
        %dma_start3A_276 = arith.constant 0 : i32
        %dma_start3A_277 = arith.constant 0 : i32
        %dma_start3A_278 = tpu.memref_slice %arg13[%dma_start3A_276, %dma_start3A_277] : memref<10240x128xf32, #tpu.memory_space<vmem_shared>> -> memref<10240x128xf32, #tpu.memory_space<vmem_shared>>
        tpu.enqueue_indirect_dma source(%arg11 : memref<128x128xf32, #tpu.memory_space<vmem>>) target(%dma_start3A_278 : memref<10240x128xf32, #tpu.memory_space<vmem_shared>>) offsets(%dma_start3A_275 : memref<128xi32, #tpu.memory_space<vmem>>) semaphore(%run_scoped3A_272 : memref<!tpu.dma_semaphore, #tpu.memory_space<semaphore_mem>>) {add = true}
        %dma_wait3A_279 = arith.constant 0 : i32
        %dma_wait3A_280 = tpu.memref_slice %arg10[%run_scoped3A_236, %dma_wait3A_279] : memref<4x128xi32, #tpu.memory_space<vmem>> -> memref<1x128xi32, #tpu.memory_space<vmem>>
        %dma_wait3A_281 = tpu.memref_squeeze %dma_wait3A_280 : memref<1x128xi32, #tpu.memory_space<vmem>> -> memref<128xi32, #tpu.memory_space<vmem>>
        %dma_wait3A_282 = arith.constant 0 : i32
        %dma_wait3A_283 = arith.constant 0 : i32
        %dma_wait3A_284 = tpu.memref_slice %arg13[%dma_wait3A_282, %dma_wait3A_283] : memref<10240x128xf32, #tpu.memory_space<vmem_shared>> -> memref<10240x128xf32, #tpu.memory_space<vmem_shared>>
        tpu.wait_indirect_dma semaphore(%run_scoped3A_272 : memref<!tpu.dma_semaphore, #tpu.memory_space<semaphore_mem>>) src(%arg11 : memref<128x128xf32, #tpu.memory_space<vmem>>) dst(%dma_wait3A_284 : memref<10240x128xf32, #tpu.memory_space<vmem_shared>>)
        tpu.yield
      }) : () -> ()
      %add3A_237 = arith.constant 2 : i32
      %add3A_238 = arith.addi %add3A_221, %add3A_237 : i32
      %lt3A_239 = arith.constant 80 : i32
      %lt3A_240 = arith.cmpi slt, %add3A_238, %lt3A_239 : i32
      %convert_element_type3A_241 = arith.extui %lt3A_240 : i1 to i32
      %cond3A_242 = arith.constant 0 : i32
      %cond3A_243 = arith.constant 0 : i32
      %cond3A_244 = arith.cmpi ne, %convert_element_type3A_241, %cond3A_243 : i32
      scf.if %cond3A_244 {
        %dma_start3A_272 = arith.constant 0 : i32
        %dma_start3A_273 = tpu.memref_slice %arg7[%cond3A_242, %dma_start3A_272] : memref<4x128xi32, #tpu.memory_space<vmem>> -> memref<1x128xi32, #tpu.memory_space<vmem>>
        %dma_start3A_274 = tpu.memref_squeeze %dma_start3A_273 : memref<1x128xi32, #tpu.memory_space<vmem>> -> memref<128xi32, #tpu.memory_space<vmem>>
        %dma_start3A_275 = arith.constant 0 : i32
        %dma_start3A_276 = arith.constant 0 : i32
        %dma_start3A_277 = tpu.memref_slice %arg2[%dma_start3A_275, %dma_start3A_276] : memref<10240x128xf32, #tpu.memory_space<hbm>> -> memref<10240x128xf32, #tpu.memory_space<hbm>>
        tpu.enqueue_indirect_dma source(%dma_start3A_277 : memref<10240x128xf32, #tpu.memory_space<hbm>>) target(%arg11 : memref<128x128xf32, #tpu.memory_space<vmem>>) offsets(%dma_start3A_274 : memref<128xi32, #tpu.memory_space<vmem>>) semaphore(%arg14 : memref<!tpu.dma_semaphore, #tpu.memory_space<semaphore_mem>>)
      } else {
      }
      %mul3A_245 = arith.constant 4 : i32
      %mul3A_246 = arith.muli %add3A_177, %mul3A_245 : i32
      %add3A_247 = arith.constant 3 : i32
      %add3A_248 = arith.addi %mul3A_246, %add3A_247 : i32
      %dma_wait3A_249 = arith.constant 3 : i32
      %dma_wait3A_250 = arith.constant 0 : i32
      %dma_wait3A_251 = tpu.memref_slice %arg8[%dma_wait3A_249, %dma_wait3A_250] : memref<4x128xi32, #tpu.memory_space<vmem>> -> memref<1x128xi32, #tpu.memory_space<vmem>>
      %dma_wait3A_252 = tpu.memref_squeeze %dma_wait3A_251 : memref<1x128xi32, #tpu.memory_space<vmem>> -> memref<128xi32, #tpu.memory_space<vmem>>
      %dma_wait3A_253 = arith.constant 0 : i32
      %dma_wait3A_254 = arith.constant 0 : i32
      %dma_wait3A_255 = tpu.memref_slice %arg2[%dma_wait3A_253, %dma_wait3A_254] : memref<10240x128xf32, #tpu.memory_space<hbm>> -> memref<10240x128xf32, #tpu.memory_space<hbm>>
      tpu.wait_indirect_dma semaphore(%arg15 : memref<!tpu.dma_semaphore, #tpu.memory_space<semaphore_mem>>) src(%dma_wait3A_255 : memref<10240x128xf32, #tpu.memory_space<hbm>>) dst(%arg12 : memref<128x128xf32, #tpu.memory_space<vmem>>)
      %run_scoped3A_256 = arith.constant 3 : i32
      "tpu.region"() ({
        %run_scoped3A_272 = tpu.sem_alloc : memref<!tpu.dma_semaphore, #tpu.memory_space<semaphore_mem>>
        %dma_start3A_273 = arith.constant 0 : i32
        %dma_start3A_274 = tpu.memref_slice %arg10[%run_scoped3A_256, %dma_start3A_273] : memref<4x128xi32, #tpu.memory_space<vmem>> -> memref<1x128xi32, #tpu.memory_space<vmem>>
        %dma_start3A_275 = tpu.memref_squeeze %dma_start3A_274 : memref<1x128xi32, #tpu.memory_space<vmem>> -> memref<128xi32, #tpu.memory_space<vmem>>
        %dma_start3A_276 = arith.constant 0 : i32
        %dma_start3A_277 = arith.constant 0 : i32
        %dma_start3A_278 = tpu.memref_slice %arg13[%dma_start3A_276, %dma_start3A_277] : memref<10240x128xf32, #tpu.memory_space<vmem_shared>> -> memref<10240x128xf32, #tpu.memory_space<vmem_shared>>
        tpu.enqueue_indirect_dma source(%arg12 : memref<128x128xf32, #tpu.memory_space<vmem>>) target(%dma_start3A_278 : memref<10240x128xf32, #tpu.memory_space<vmem_shared>>) offsets(%dma_start3A_275 : memref<128xi32, #tpu.memory_space<vmem>>) semaphore(%run_scoped3A_272 : memref<!tpu.dma_semaphore, #tpu.memory_space<semaphore_mem>>) {add = true}
        %dma_wait3A_279 = arith.constant 0 : i32
        %dma_wait3A_280 = tpu.memref_slice %arg10[%run_scoped3A_256, %dma_wait3A_279] : memref<4x128xi32, #tpu.memory_space<vmem>> -> memref<1x128xi32, #tpu.memory_space<vmem>>
        %dma_wait3A_281 = tpu.memref_squeeze %dma_wait3A_280 : memref<1x128xi32, #tpu.memory_space<vmem>> -> memref<128xi32, #tpu.memory_space<vmem>>
        %dma_wait3A_282 = arith.constant 0 : i32
        %dma_wait3A_283 = arith.constant 0 : i32
        %dma_wait3A_284 = tpu.memref_slice %arg13[%dma_wait3A_282, %dma_wait3A_283] : memref<10240x128xf32, #tpu.memory_space<vmem_shared>> -> memref<10240x128xf32, #tpu.memory_space<vmem_shared>>
        tpu.wait_indirect_dma semaphore(%run_scoped3A_272 : memref<!tpu.dma_semaphore, #tpu.memory_space<semaphore_mem>>) src(%arg12 : memref<128x128xf32, #tpu.memory_space<vmem>>) dst(%dma_wait3A_284 : memref<10240x128xf32, #tpu.memory_space<vmem_shared>>)
        tpu.yield
      }) : () -> ()
      %add3A_257 = arith.constant 2 : i32
      %add3A_258 = arith.addi %add3A_248, %add3A_257 : i32
      %lt3A_259 = arith.constant 80 : i32
      %lt3A_260 = arith.cmpi slt, %add3A_258, %lt3A_259 : i32
      %convert_element_type3A_261 = arith.extui %lt3A_260 : i1 to i32
      %cond3A_262 = arith.constant 1 : i32
      %cond3A_263 = arith.constant 0 : i32
      %cond3A_264 = arith.cmpi ne, %convert_element_type3A_261, %cond3A_263 : i32
      scf.if %cond3A_264 {
        %dma_start3A_272 = arith.constant 0 : i32
        %dma_start3A_273 = tpu.memref_slice %arg7[%cond3A_262, %dma_start3A_272] : memref<4x128xi32, #tpu.memory_space<vmem>> -> memref<1x128xi32, #tpu.memory_space<vmem>>
        %dma_start3A_274 = tpu.memref_squeeze %dma_start3A_273 : memref<1x128xi32, #tpu.memory_space<vmem>> -> memref<128xi32, #tpu.memory_space<vmem>>
        %dma_start3A_275 = arith.constant 0 : i32
        %dma_start3A_276 = arith.constant 0 : i32
        %dma_start3A_277 = tpu.memref_slice %arg2[%dma_start3A_275, %dma_start3A_276] : memref<10240x128xf32, #tpu.memory_space<hbm>> -> memref<10240x128xf32, #tpu.memory_space<hbm>>
        tpu.enqueue_indirect_dma source(%dma_start3A_277 : memref<10240x128xf32, #tpu.memory_space<hbm>>) target(%arg12 : memref<128x128xf32, #tpu.memory_space<vmem>>) offsets(%dma_start3A_274 : memref<128xi32, #tpu.memory_space<vmem>>) semaphore(%arg15 : memref<!tpu.dma_semaphore, #tpu.memory_space<semaphore_mem>>)
      } else {
      }
      %add3A_265 = arith.constant 2 : i32
      %add3A_266 = arith.addi %add3A_177, %add3A_265 : i32
      %lt3A_267 = arith.constant 20 : i32
      %lt3A_268 = arith.cmpi slt, %add3A_266, %lt3A_267 : i32
      %convert_element_type3A_269 = arith.extui %lt3A_268 : i1 to i32
      %cond3A_270 = arith.constant 0 : i32
      %cond3A_271 = arith.cmpi ne, %convert_element_type3A_269, %cond3A_270 : i32
      scf.if %cond3A_271 {
        %add3A_272 = arith.constant 2 : i32
        %add3A_273 = arith.addi %add3A_177, %add3A_272 : i32
        %dma_start3A_274 = arith.constant 0 : i32
        %dma_start3A_275 = arith.constant 0 : i32
        %dma_start3A_276 = tpu.memref_slice %arg3[%add3A, %add3A_273, %dma_start3A_274, %dma_start3A_275] : memref<32x20x4x128xi32, #tpu.memory_space<hbm>> -> memref<1x1x4x128xi32, #tpu.memory_space<hbm>>
        %dma_start3A_277 = tpu.memref_squeeze %dma_start3A_276 : memref<1x1x4x128xi32, #tpu.memory_space<hbm>> -> memref<4x128xi32, #tpu.memory_space<hbm>>
        %dma_start3A_278 = arith.constant 0 : i32
        %dma_start3A_279 = arith.constant 0 : i32
        %dma_start3A_280 = tpu.memref_slice %arg3[%add3A, %add3A_273, %dma_start3A_278, %dma_start3A_279] : memref<32x20x4x128xi32, #tpu.memory_space<hbm>> -> memref<1x1x4x128xi32, #tpu.memory_space<hbm>>
        %dma_start3A_281 = tpu.memref_squeeze %dma_start3A_280 : memref<1x1x4x128xi32, #tpu.memory_space<hbm>> -> memref<4x128xi32, #tpu.memory_space<hbm>>
        tpu.enqueue_dma source(%dma_start3A_281 : memref<4x128xi32, #tpu.memory_space<hbm>>) target(%arg8 : memref<4x128xi32, #tpu.memory_space<vmem>>) target_semaphore(%arg17 : memref<!tpu.dma_semaphore, #tpu.memory_space<semaphore_mem>>)
        %add3A_282 = arith.constant 2 : i32
        %add3A_283 = arith.addi %add3A_177, %add3A_282 : i32
        %dma_start3A_284 = arith.constant 0 : i32
        %dma_start3A_285 = arith.constant 0 : i32
        %dma_start3A_286 = tpu.memref_slice %arg4[%add3A, %add3A_283, %dma_start3A_284, %dma_start3A_285] : memref<32x20x4x128xi32, #tpu.memory_space<hbm>> -> memref<1x1x4x128xi32, #tpu.memory_space<hbm>>
        %dma_start3A_287 = tpu.memref_squeeze %dma_start3A_286 : memref<1x1x4x128xi32, #tpu.memory_space<hbm>> -> memref<4x128xi32, #tpu.memory_space<hbm>>
        %dma_start3A_288 = arith.constant 0 : i32
        %dma_start3A_289 = arith.constant 0 : i32
        %dma_start3A_290 = tpu.memref_slice %arg4[%add3A, %add3A_283, %dma_start3A_288, %dma_start3A_289] : memref<32x20x4x128xi32, #tpu.memory_space<hbm>> -> memref<1x1x4x128xi32, #tpu.memory_space<hbm>>
        %dma_start3A_291 = tpu.memref_squeeze %dma_start3A_290 : memref<1x1x4x128xi32, #tpu.memory_space<hbm>> -> memref<4x128xi32, #tpu.memory_space<hbm>>
        tpu.enqueue_dma source(%dma_start3A_291 : memref<4x128xi32, #tpu.memory_space<hbm>>) target(%arg10 : memref<4x128xi32, #tpu.memory_space<vmem>>) target_semaphore(%arg17 : memref<!tpu.dma_semaphore, #tpu.memory_space<semaphore_mem>>)
      } else {
      }
    }
    %scan3A_73 = arith.constant 10 : i32
    %barrier3A_74 = arith.constant 0 : index
    tpu.barrier barrier_id(%barrier3A_74)
    %mul3A_75 = arith.constant 640 : i32
    %mul3A_76 = arith.muli %arg1, %mul3A_75 : i32
    %mul3A_77 = arith.constant 640 : i32
    %mul3A_78 = arith.muli %arg1, %mul3A_77 : i32
    "tpu.region"() ({
      %run_scoped3A = tpu.sem_alloc : memref<!tpu.dma_semaphore, #tpu.memory_space<semaphore_mem>>
      %dma_start3A_79 = arith.constant 0 : i32
      %dma_start3A_80 = tpu.memref_slice %arg6[%arg0, %mul3A_78, %dma_start3A_79] : memref<2x10240x128xf32, #tpu.memory_space<hbm>> -> memref<1x640x128xf32, #tpu.memory_space<hbm>>
      %dma_start3A_81 = tpu.memref_squeeze %dma_start3A_80 : memref<1x640x128xf32, #tpu.memory_space<hbm>> -> memref<640x128xf32, #tpu.memory_space<hbm>>
      %dma_start3A_82 = arith.constant 0 : i32
      %dma_start3A_83 = tpu.memref_slice %arg13[%mul3A_76, %dma_start3A_82] : memref<10240x128xf32, #tpu.memory_space<vmem_shared>> -> memref<640x128xf32, #tpu.memory_space<vmem_shared>>
      tpu.enqueue_dma source(%dma_start3A_83 : memref<640x128xf32, #tpu.memory_space<vmem_shared>>) target(%dma_start3A_81 : memref<640x128xf32, #tpu.memory_space<hbm>>) target_semaphore(%run_scoped3A : memref<!tpu.dma_semaphore, #tpu.memory_space<semaphore_mem>>)
      %dma_wait3A_84 = arith.constant 0 : i32
      %dma_wait3A_85 = tpu.memref_slice %arg6[%arg0, %mul3A_78, %dma_wait3A_84] : memref<2x10240x128xf32, #tpu.memory_space<hbm>> -> memref<1x640x128xf32, #tpu.memory_space<hbm>>
      %dma_wait3A_86 = tpu.memref_squeeze %dma_wait3A_85 : memref<1x640x128xf32, #tpu.memory_space<hbm>> -> memref<640x128xf32, #tpu.memory_space<hbm>>
      %dma_wait3A_87 = arith.constant 0 : i32
      %dma_wait3A_88 = tpu.memref_slice %arg13[%mul3A_76, %dma_wait3A_87] : memref<10240x128xf32, #tpu.memory_space<vmem_shared>> -> memref<640x128xf32, #tpu.memory_space<vmem_shared>>
      tpu.wait_dma2 semaphore(%run_scoped3A : memref<!tpu.dma_semaphore, #tpu.memory_space<semaphore_mem>>) src(%dma_wait3A_88 : memref<640x128xf32, #tpu.memory_space<vmem_shared>>) dst(%dma_wait3A_86 : memref<640x128xf32, #tpu.memory_space<hbm>>)
      tpu.yield
    }) : () -> ()
    return
  }
}

module attributes {stable_mosaic.version = 14 : i64} {
  func.func @_mm0_body(%arg0: i32, %arg1: memref<1024x128xf32, #tpu.memory_space<vmem>>, %arg2: memref<128x128xf32, #tpu.memory_space<vmem>>, %arg3: memref<2x1024x1xf32, #tpu.memory_space<vmem>>, %arg4: memref<1024x128xf32, #tpu.memory_space<vmem>>, %arg5: memref<1024x1xf32, #tpu.memory_space<vmem>>) attributes {dimension_semantics = [#tpu.dimension_semantics<arbitrary>], iteration_bounds = array<i64: 10>, scalar_prefetch = 0 : i64, scratch_operands = 0 : i64, tpu.core_type = #tpu.core_type<tc>, window_params = [{transform_indices = @transform_0, window_bounds = array<i64: 1024, 128>}, {pipeline_mode = #tpu.pipeline_mode<synchronous>, transform_indices = @transform_1, window_bounds = array<i64: 128, 128>}, {transform_indices = @transform_2, window_bounds = array<i64: 2, 1024, 1>}, {transform_indices = @transform_3, window_bounds = array<i64: 1024, 128>}, {transform_indices = @transform_4, window_bounds = array<i64: 1024, 1>}]} {
    %get3A = arith.constant 0 : index
    %get3A_0 = arith.constant 0 : index
    %get3A_1 = arith.constant 0 : index
    %get3A_2 = vector.load %arg3[%get3A, %get3A_0, %get3A_1] : memref<2x1024x1xf32, #tpu.memory_space<vmem>>, vector<1x1024x1xf32>
    %get3A_3 = vector.shape_cast %get3A_2 : vector<1x1024x1xf32> to vector<1024x1xf32>
    %get3A_4 = arith.constant 1 : index
    %get3A_5 = arith.constant 0 : index
    %get3A_6 = arith.constant 0 : index
    %get3A_7 = vector.load %arg3[%get3A_4, %get3A_5, %get3A_6] : memref<2x1024x1xf32, #tpu.memory_space<vmem>>, vector<1x1024x1xf32>
    %get3A_8 = vector.shape_cast %get3A_7 : vector<1x1024x1xf32> to vector<1024x1xf32>
    %add3A = arith.addf %get3A_3, %get3A_8 : vector<1024x1xf32>
    %add3A_9 = arith.constant 1.000000e+00 : f32
    %add3A_10 = vector.broadcast %add3A_9 : f32 to vector<1024x1xf32>
    %add3A_11 = arith.addf %add3A, %add3A_10 : vector<1024x1xf32>
    %rsqrt3A = math.rsqrt %add3A_11 : vector<1024x1xf32>
    %get3A_12 = arith.constant 0 : index
    %get3A_13 = arith.constant 0 : index
    %get3A_14 = vector.load %arg1[%get3A_12, %get3A_13] : memref<1024x128xf32, #tpu.memory_space<vmem>>, vector<1024x128xf32>
    %get3A_15 = arith.constant 0 : index
    %get3A_16 = arith.constant 0 : index
    %get3A_17 = vector.load %arg2[%get3A_15, %get3A_16] : memref<128x128xf32, #tpu.memory_space<vmem>>, vector<128x128xf32>
    %dot_general3A = arith.constant dense<0.000000e+00> : vector<1024x128xf32>
    %dot_general3A_18 = tpu.matmul %get3A_14, %get3A_17, %dot_general3A {dimension_numbers = #tpu.dot_dimension_numbers<[1], [0], [0], [1], [0, 0, 1, 1], [], []>, transpose_lhs_hint = false} : vector<1024x128xf32>, vector<128x128xf32>, vector<1024x128xf32> -> vector<1024x128xf32>
    %mul3A = vector.broadcast %rsqrt3A : vector<1024x1xf32> to vector<1024x128xf32>
    %mul3A_19 = arith.mulf %mul3A, %dot_general3A_18 : vector<1024x128xf32>
    %swap3A = arith.constant 0 : index
    %swap3A_20 = arith.constant 0 : index
    %swap3A_21 = vector.load %arg4[%swap3A, %swap3A_20] : memref<1024x128xf32, #tpu.memory_space<vmem>>, vector<1024x128xf32>
    tpu.vector_store %arg4[%swap3A, %swap3A_20], %mul3A_19 {strides = array<i32>} : memref<1024x128xf32, #tpu.memory_space<vmem>>, vector<1024x128xf32>,
    %swap3A_22 = arith.constant 0 : index
    %swap3A_23 = arith.constant 0 : index
    %swap3A_24 = vector.load %arg5[%swap3A_22, %swap3A_23] : memref<1024x1xf32, #tpu.memory_space<vmem>>, vector<1024x1xf32>
    tpu.vector_store %arg5[%swap3A_22, %swap3A_23], %rsqrt3A {strides = array<i32>} : memref<1024x1xf32, #tpu.memory_space<vmem>>, vector<1024x1xf32>,
    return
  }
  func.func @transform_0(%arg0: i32) -> (i32, i32) {
    %c0_i32 = arith.constant 0 : i32
    %c0_i32_0 = arith.constant 0 : i32
    return %arg0, %c0_i32 : i32, i32
  }
  func.func @transform_1(%arg0: i32) -> (i32, i32) {
    %c0_i32 = arith.constant 0 : i32
    %c0_i32_0 = arith.constant 0 : i32
    %c0_i32_1 = arith.constant 0 : i32
    return %c0_i32, %c0_i32_0 : i32, i32
  }
  func.func @transform_2(%arg0: i32) -> (i32, i32, i32) {
    %c0_i32 = arith.constant 0 : i32
    %c0_i32_0 = arith.constant 0 : i32
    %c0_i32_1 = arith.constant 0 : i32
    return %c0_i32, %arg0, %c0_i32_0 : i32, i32, i32
  }
  func.func @transform_3(%arg0: i32) -> (i32, i32) {
    %c0_i32 = arith.constant 0 : i32
    %c0_i32_0 = arith.constant 0 : i32
    return %arg0, %c0_i32 : i32, i32
  }
  func.func @transform_4(%arg0: i32) -> (i32, i32) {
    %c0_i32 = arith.constant 0 : i32
    %c0_i32_0 = arith.constant 0 : i32
    return %arg0, %c0_i32 : i32, i32
  }
}

module attributes {stable_mosaic.version = 14 : i64} {
  func.func @_mm_mid_body(%arg0: i32, %arg1: memref<2x1024x128xf32, #tpu.memory_space<vmem>>, %arg2: memref<1024x128xf32, #tpu.memory_space<vmem>>, %arg3: memref<1024x1xf32, #tpu.memory_space<vmem>>, %arg4: memref<1x128xf32, #tpu.memory_space<vmem>>, %arg5: memref<1x128xf32, #tpu.memory_space<vmem>>, %arg6: memref<1x128xf32, #tpu.memory_space<vmem>>, %arg7: memref<128x128xf32, #tpu.memory_space<vmem>>, %arg8: memref<1024x128xf32, #tpu.memory_space<vmem>>) attributes {dimension_semantics = [#tpu.dimension_semantics<arbitrary>], iteration_bounds = array<i64: 10>, scalar_prefetch = 0 : i64, scratch_operands = 0 : i64, tpu.core_type = #tpu.core_type<tc>, window_params = [{transform_indices = @transform_0, window_bounds = array<i64: 2, 1024, 128>}, {transform_indices = @transform_1, window_bounds = array<i64: 1024, 128>}, {transform_indices = @transform_2, window_bounds = array<i64: 1024, 1>}, {pipeline_mode = #tpu.pipeline_mode<synchronous>, transform_indices = @transform_3, window_bounds = array<i64: 1, 128>}, {pipeline_mode = #tpu.pipeline_mode<synchronous>, transform_indices = @transform_4, window_bounds = array<i64: 1, 128>}, {pipeline_mode = #tpu.pipeline_mode<synchronous>, transform_indices = @transform_5, window_bounds = array<i64: 1, 128>}, {pipeline_mode = #tpu.pipeline_mode<synchronous>, transform_indices = @transform_6, window_bounds = array<i64: 128, 128>}, {transform_indices = @transform_7, window_bounds = array<i64: 1024, 128>}]} {
    %get3A = arith.constant 0 : index
    %get3A_0 = arith.constant 0 : index
    %get3A_1 = vector.load %arg3[%get3A, %get3A_0] : memref<1024x1xf32, #tpu.memory_space<vmem>>, vector<1024x1xf32>
    %get3A_2 = arith.constant 0 : index
    %get3A_3 = arith.constant 0 : index
    %get3A_4 = arith.constant 0 : index
    %get3A_5 = vector.load %arg1[%get3A_2, %get3A_3, %get3A_4] : memref<2x1024x128xf32, #tpu.memory_space<vmem>>, vector<1x1024x128xf32>
    %get3A_6 = vector.shape_cast %get3A_5 : vector<1x1024x128xf32> to vector<1024x128xf32>
    %get3A_7 = arith.constant 1 : index
    %get3A_8 = arith.constant 0 : index
    %get3A_9 = arith.constant 0 : index
    %get3A_10 = vector.load %arg1[%get3A_7, %get3A_8, %get3A_9] : memref<2x1024x128xf32, #tpu.memory_space<vmem>>, vector<1x1024x128xf32>
    %get3A_11 = vector.shape_cast %get3A_10 : vector<1x1024x128xf32> to vector<1024x128xf32>
    %add3A = arith.addf %get3A_6, %get3A_11 : vector<1024x128xf32>
    %get3A_12 = arith.constant 0 : index
    %get3A_13 = arith.constant 0 : index
    %get3A_14 = vector.load %arg2[%get3A_12, %get3A_13] : memref<1024x128xf32, #tpu.memory_space<vmem>>, vector<1024x128xf32>
    %add3A_15 = arith.addf %add3A, %get3A_14 : vector<1024x128xf32>
    %mul3A = vector.broadcast %get3A_1 : vector<1024x1xf32> to vector<1024x128xf32>
    %mul3A_16 = arith.mulf %mul3A, %add3A_15 : vector<1024x128xf32>
    %get3A_17 = arith.constant 0 : index
    %get3A_18 = arith.constant 0 : index
    %get3A_19 = vector.load %arg4[%get3A_17, %get3A_18] : memref<1x128xf32, #tpu.memory_space<vmem>>, vector<1x128xf32>
    %add3A_20 = vector.broadcast %get3A_19 : vector<1x128xf32> to vector<1024x128xf32>
    %add3A_21 = arith.addf %mul3A_16, %add3A_20 : vector<1024x128xf32>
    %get3A_22 = arith.constant 0 : index
    %get3A_23 = arith.constant 0 : index
    %get3A_24 = vector.load %arg5[%get3A_22, %get3A_23] : memref<1x128xf32, #tpu.memory_space<vmem>>, vector<1x128xf32>
    %mul3A_25 = arith.constant 0.999994993 : f32
    %mul3A_26 = vector.broadcast %mul3A_25 : f32 to vector<1024x128xf32>
    %mul3A_27 = arith.mulf %add3A_21, %mul3A_26 : vector<1024x128xf32>
    %mul3A_28 = vector.broadcast %get3A_24 : vector<1x128xf32> to vector<1024x128xf32>
    %mul3A_29 = arith.mulf %mul3A_28, %mul3A_27 : vector<1024x128xf32>
    %get3A_30 = arith.constant 0 : index
    %get3A_31 = arith.constant 0 : index
    %get3A_32 = vector.load %arg6[%get3A_30, %get3A_31] : memref<1x128xf32, #tpu.memory_space<vmem>>, vector<1x128xf32>
    %add3A_33 = vector.broadcast %get3A_32 : vector<1x128xf32> to vector<1024x128xf32>
    %add3A_34 = arith.addf %mul3A_29, %add3A_33 : vector<1024x128xf32>
    %max3A = arith.constant 0.000000e+00 : f32
    %max3A_35 = vector.broadcast %max3A : f32 to vector<1024x128xf32>
    %max3A_36 = arith.maximumf %add3A_34, %max3A_35 : vector<1024x128xf32>
    %get3A_37 = arith.constant 0 : index
    %get3A_38 = arith.constant 0 : index
    %get3A_39 = vector.load %arg7[%get3A_37, %get3A_38] : memref<128x128xf32, #tpu.memory_space<vmem>>, vector<128x128xf32>
    %dot_general3A = arith.constant dense<0.000000e+00> : vector<1024x128xf32>
    %dot_general3A_40 = tpu.matmul %max3A_36, %get3A_39, %dot_general3A {dimension_numbers = #tpu.dot_dimension_numbers<[1], [0], [0], [1], [0, 0, 1, 1], [], []>, transpose_lhs_hint = false} : vector<1024x128xf32>, vector<128x128xf32>, vector<1024x128xf32> -> vector<1024x128xf32>
    %mul3A_41 = vector.broadcast %get3A_1 : vector<1024x1xf32> to vector<1024x128xf32>
    %mul3A_42 = arith.mulf %mul3A_41, %dot_general3A_40 : vector<1024x128xf32>
    %swap3A = arith.constant 0 : index
    %swap3A_43 = arith.constant 0 : index
    %swap3A_44 = vector.load %arg8[%swap3A, %swap3A_43] : memref<1024x128xf32, #tpu.memory_space<vmem>>, vector<1024x128xf32>
    tpu.vector_store %arg8[%swap3A, %swap3A_43], %mul3A_42 {strides = array<i32>} : memref<1024x128xf32, #tpu.memory_space<vmem>>, vector<1024x128xf32>,
    return
  }
  func.func @transform_0(%arg0: i32) -> (i32, i32, i32) {
    %c0_i32 = arith.constant 0 : i32
    %c0_i32_0 = arith.constant 0 : i32
    %c0_i32_1 = arith.constant 0 : i32
    return %c0_i32, %arg0, %c0_i32_0 : i32, i32, i32
  }
  func.func @transform_1(%arg0: i32) -> (i32, i32) {
    %c0_i32 = arith.constant 0 : i32
    %c0_i32_0 = arith.constant 0 : i32
    return %arg0, %c0_i32 : i32, i32
  }
  func.func @transform_2(%arg0: i32) -> (i32, i32) {
    %c0_i32 = arith.constant 0 : i32
    %c0_i32_0 = arith.constant 0 : i32
    return %arg0, %c0_i32 : i32, i32
  }
  func.func @transform_3(%arg0: i32) -> (i32, i32) {
    %c0_i32 = arith.constant 0 : i32
    %c0_i32_0 = arith.constant 0 : i32
    %c0_i32_1 = arith.constant 0 : i32
    return %c0_i32, %c0_i32_0 : i32, i32
  }
  func.func @transform_4(%arg0: i32) -> (i32, i32) {
    %c0_i32 = arith.constant 0 : i32
    %c0_i32_0 = arith.constant 0 : i32
    %c0_i32_1 = arith.constant 0 : i32
    return %c0_i32, %c0_i32_0 : i32, i32
  }
  func.func @transform_5(%arg0: i32) -> (i32, i32) {
    %c0_i32 = arith.constant 0 : i32
    %c0_i32_0 = arith.constant 0 : i32
    %c0_i32_1 = arith.constant 0 : i32
    return %c0_i32, %c0_i32_0 : i32, i32
  }
  func.func @transform_6(%arg0: i32) -> (i32, i32) {
    %c0_i32 = arith.constant 0 : i32
    %c0_i32_0 = arith.constant 0 : i32
    %c0_i32_1 = arith.constant 0 : i32
    return %c0_i32, %c0_i32_0 : i32, i32
  }
  func.func @transform_7(%arg0: i32) -> (i32, i32) {
    %c0_i32 = arith.constant 0 : i32
    %c0_i32_0 = arith.constant 0 : i32
    return %arg0, %c0_i32 : i32, i32
  }
}

module attributes {stable_mosaic.version = 14 : i64} {
  func.func @_final_body(%arg0: i32, %arg1: memref<2x1024x128xf32, #tpu.memory_space<vmem>>, %arg2: memref<1024x128xf32, #tpu.memory_space<vmem>>, %arg3: memref<1024x1xf32, #tpu.memory_space<vmem>>, %arg4: memref<1x128xf32, #tpu.memory_space<vmem>>, %arg5: memref<1024x128xf32, #tpu.memory_space<vmem>>) attributes {dimension_semantics = [#tpu.dimension_semantics<arbitrary>], iteration_bounds = array<i64: 10>, scalar_prefetch = 0 : i64, scratch_operands = 0 : i64, tpu.core_type = #tpu.core_type<tc>, window_params = [{transform_indices = @transform_0, window_bounds = array<i64: 2, 1024, 128>}, {transform_indices = @transform_1, window_bounds = array<i64: 1024, 128>}, {transform_indices = @transform_2, window_bounds = array<i64: 1024, 1>}, {pipeline_mode = #tpu.pipeline_mode<synchronous>, transform_indices = @transform_3, window_bounds = array<i64: 1, 128>}, {transform_indices = @transform_4, window_bounds = array<i64: 1024, 128>}]} {
    %get3A = arith.constant 0 : index
    %get3A_0 = arith.constant 0 : index
    %get3A_1 = vector.load %arg3[%get3A, %get3A_0] : memref<1024x1xf32, #tpu.memory_space<vmem>>, vector<1024x1xf32>
    %get3A_2 = arith.constant 0 : index
    %get3A_3 = arith.constant 0 : index
    %get3A_4 = arith.constant 0 : index
    %get3A_5 = vector.load %arg1[%get3A_2, %get3A_3, %get3A_4] : memref<2x1024x128xf32, #tpu.memory_space<vmem>>, vector<1x1024x128xf32>
    %get3A_6 = vector.shape_cast %get3A_5 : vector<1x1024x128xf32> to vector<1024x128xf32>
    %get3A_7 = arith.constant 1 : index
    %get3A_8 = arith.constant 0 : index
    %get3A_9 = arith.constant 0 : index
    %get3A_10 = vector.load %arg1[%get3A_7, %get3A_8, %get3A_9] : memref<2x1024x128xf32, #tpu.memory_space<vmem>>, vector<1x1024x128xf32>
    %get3A_11 = vector.shape_cast %get3A_10 : vector<1x1024x128xf32> to vector<1024x128xf32>
    %add3A = arith.addf %get3A_6, %get3A_11 : vector<1024x128xf32>
    %get3A_12 = arith.constant 0 : index
    %get3A_13 = arith.constant 0 : index
    %get3A_14 = vector.load %arg2[%get3A_12, %get3A_13] : memref<1024x128xf32, #tpu.memory_space<vmem>>, vector<1024x128xf32>
    %add3A_15 = arith.addf %add3A, %get3A_14 : vector<1024x128xf32>
    %mul3A = vector.broadcast %get3A_1 : vector<1024x1xf32> to vector<1024x128xf32>
    %mul3A_16 = arith.mulf %mul3A, %add3A_15 : vector<1024x128xf32>
    %get3A_17 = arith.constant 0 : index
    %get3A_18 = arith.constant 0 : index
    %get3A_19 = vector.load %arg4[%get3A_17, %get3A_18] : memref<1x128xf32, #tpu.memory_space<vmem>>, vector<1x128xf32>
    %add3A_20 = vector.broadcast %get3A_19 : vector<1x128xf32> to vector<1024x128xf32>
    %add3A_21 = arith.addf %mul3A_16, %add3A_20 : vector<1024x128xf32>
    %swap3A = arith.constant 0 : index
    %swap3A_22 = arith.constant 0 : index
    %swap3A_23 = vector.load %arg5[%swap3A, %swap3A_22] : memref<1024x128xf32, #tpu.memory_space<vmem>>, vector<1024x128xf32>
    tpu.vector_store %arg5[%swap3A, %swap3A_22], %add3A_21 {strides = array<i32>} : memref<1024x128xf32, #tpu.memory_space<vmem>>, vector<1024x128xf32>,
    return
  }
  func.func @transform_0(%arg0: i32) -> (i32, i32, i32) {
    %c0_i32 = arith.constant 0 : i32
    %c0_i32_0 = arith.constant 0 : i32
    %c0_i32_1 = arith.constant 0 : i32
    return %c0_i32, %arg0, %c0_i32_0 : i32, i32, i32
  }
  func.func @transform_1(%arg0: i32) -> (i32, i32) {
    %c0_i32 = arith.constant 0 : i32
    %c0_i32_0 = arith.constant 0 : i32
    return %arg0, %c0_i32 : i32, i32
  }
  func.func @transform_2(%arg0: i32) -> (i32, i32) {
    %c0_i32 = arith.constant 0 : i32
    %c0_i32_0 = arith.constant 0 : i32
    return %arg0, %c0_i32 : i32, i32
  }
  func.func @transform_3(%arg0: i32) -> (i32, i32) {
    %c0_i32 = arith.constant 0 : i32
    %c0_i32_0 = arith.constant 0 : i32
    %c0_i32_1 = arith.constant 0 : i32
    return %c0_i32, %c0_i32_0 : i32, i32
  }
  func.func @transform_4(%arg0: i32) -> (i32, i32) {
    %c0_i32 = arith.constant 0 : i32
    %c0_i32_0 = arith.constant 0 : i32
    return %arg0, %c0_i32 : i32, i32
  }
}

</mosaic_0001>

<sc_bundles>
// kernel: kernel.10.cloned.1.call-start
scs
__scs_entry_jumppad:
0x0: {  	(pc) =	sbr.rel $0x88, $3  }
0x1: {  	(tag) =	ssettag $0x0;
	lr =	simm.s32 $0x1  }
0x2: {  	[smem:$0x3F95] =	sst lr;
	_ =	strace $0xD0000000  }
0x3: {  	_ = 	snop  }
0x4: {  	_ = 	snop  }
0x5: {  	_ = 	snop  }
0x6: {  	_ = 	snop  }
0x7: {  	_ = 	snop  }
__scs_overlays_trampoline_lowered:
0x8: {  	[smem:$0x3FA4] =	sst s0  }
0x9: {  	[smem:$0x3FA5] =	sst s1  }
0xa: {  	[smem:$0x3FA6] =	sst s2  }
0xb: {  	[smem:$0x3FA7] =	sst s3  }
0xc: {  	[smem:$0x3FA8] =	sst s4  }
0xd: {  	[smem:$0x3FA9] =	sst s5  }
0xe: {  	[smem:$0x3FAA] =	sst s6  }
0xf: {  	[smem:$0x3FAB] =	sst s7  }
0x10: {  	[smem:$0x3FAC] =	sst s8  }
0x11: {  	[smem:$0x3FAD] =	sst s9;
	s0 =	simm.s32 @!p0 $0x0  }
0x12: {  	s1 =	sld [smem:$0x3F93];
	s0 =	simm.s32 @p0 $0x1  }
0x13: {  	[smem:$0x3FAE] =	sst s0;
	s0 =	simm.s32 @!p1 $0x0  }
0x14: {  	s2 =	sld [smem:$0x3F92];
	s0 =	simm.s32 @p1 $0x1  }
0x15: {  	[smem:$0x3FAF] =	sst s0;
	s0 =	simm.s32 @!p2 $0x0  }
0x16: {  	s3 =	sld [smem:$0x3FDB];
	s0 =	simm.s32 @p2 $0x1  }
0x17: {  	s4 =	simm.s32 $0x1BF5;
	[smem:$0x3FB1] =	sst s0  }
0x18: {  	s0 =	sld [smem:$0x3F94];
	_ =	swait.ge [sflag:s4], $0x0  }
0x19: {  	s7 =	sld [smem:$0x3F95]  }
0x1a: {  	s8 =	sadd.s32 $0xFFFFE003, lr  }
0x1b: {  	s9 =	sadd.s32 $0xFFFFFEF7, lr;
	s5 =	simm.s32 $0xFFFFFFFF;
	p2 =	slt.u32 s8, $0xFFFFF086  }
0x1c: {  	p1 =	slt.u32 s9, $0xF7A;
	s5 =	simm.s32 @!p2 $0x0  }
0x1d: {  	s5 =	simm.s32 @p1 $0x1;
	p0 =	seq.s32 s7, s2  }
0x1e: {  	s7 =	smul.u32 @!p0 $0xF7A, s2;
	p2 =	seq.s32 @!p0 s5, $0x0  }
0x1f: {  	s9 =	smul.u32 $0xF7A, s1;
	s8 =	simm.s32 @!p0 $0x1BF5;
	p2 =	por !p2, p0  }
0x20: {  	[sflag:s8] =	ssyncset.s32 @!p0 $0xFFFFF086;
	s6 =	sadd.s32 @!p0 s3, s7;
	s7 =	simm.s32 @!p0 $0x108  }
0x21: {  	s3 =	sadd.s32 s3, s9;
	s6 =	sadd.s32 @!p0 $0x88, s6;
	s7 =	simm.s32 @p2 $0x1082  }
0x22: {  	[simem:s7], [sflag:s8] =	dma.local @!p0 [hbm:s6], $0xF7A  }
0x23: {  	s9 =	sor.u32 $0xD0000000, s2;
	s6 =	simm.s32 $0x108;
	_ =	swait.ge @!p0 [sflag:s8], $0x0  }
0x24: {  	s3 =	sadd.s32 $0x88, s3;
	s6 =	simm.s32 @!p1 $0x1082;
	[sflag:s4] =	ssyncset.s32 $0xFFFFF086  }
0x25: {  	[simem:s6], [sflag:s4] =	dma.local [hbm:s3], $0xF7A  }
0x26: {  	[smem:$0x3F95] =	sst s1;
	(tag) =	ssettag s2;
	_ =	strace s9  }
0x27: {  	s1 =	sld [smem:$0x3FA5]  }
0x28: {  	s2 =	sld [smem:$0x3FA6]  }
0x29: {  	s4 =	sld [smem:$0x3FA8]  }
0x2a: {  	p0 =	seq.s32 s5, $0x0;
	s5 =	sld [smem:$0x3FA9]  }
0x2b: {  	s6 =	sld [smem:$0x3FAA]  }
0x2c: {  	s7 =	sld [smem:$0x3FAB]  }
0x2d: {  	s3 =	simm.s32 $0x108;
	s8 =	sld [smem:$0x3FAC]  }
0x2e: {  	s3 =	simm.s32 @!p0 $0x1082;
	s9 =	sld [smem:$0x3FAD]  }
0x2f: {  	lr =	sadd.s32 s0, s3;
	s0 =	sld [smem:$0x3FA4]  }
0x30: {  	s3 =	sld [smem:$0x3FA7]  }
0x31: {  	[smem:$0x3FB0] =	sst s10  }
0x32: {  	s10 =	sld [smem:$0x3FAE];
	_ =	sdelay $0x3  }
0x33: {  	p0 =	seq.s32 s10, $0x1;
	s10 =	sld [smem:$0x3FB0];
	_ =	sdelay $0x3  }
0x34: {  	[smem:$0x3FB0] =	sst s10  }
0x35: {  	s10 =	sld [smem:$0x3FAF];
	_ =	sdelay $0x3  }
0x36: {  	p1 =	seq.s32 s10, $0x1;
	s10 =	sld [smem:$0x3FB0];
	_ =	sdelay $0x3  }
0x37: {  	[smem:$0x3FB0] =	sst s10  }
0x38: {  	s10 =	sld [smem:$0x3FB1]  }
0x39: {  	_ = 	snop;
	(pc) =	sbr.ind lr, $3  }
0x3a: {  	_ = 	snop  }
0x3b: {  	_ = 	snop  }
0x3c: {  	p2 =	seq.s32 s10, $0x1;
	s10 =	sld [smem:$0x3FB0]  }
0x3d: {  	_ =	shalt  }
0x3e: {  	_ =	shalt  }
0x3f: {  	_ =	shalt  }
0x40: {  	_ =	shalt  }
0x41: {  	_ =	shalt  }
0x42: {  	_ =	shalt  }
0x43: {  	_ =	shalt  }
0x44: {  	_ =	shalt  }
0x45: {  	_ =	shalt  }
0x46: {  	_ =	shalt  }
0x47: {  	_ =	shalt  }
0x48: {  	_ =	shalt  }
0x49: {  	_ =	shalt  }
0x4a: {  	_ =	shalt  }
0x4b: {  	_ =	shalt  }
0x4c: {  	_ =	shalt  }
0x4d: {  	_ =	shalt  }
0x4e: {  	_ =	shalt  }
0x4f: {  	_ =	shalt  }
0x50: {  	_ =	shalt  }
0x51: {  	_ =	shalt  }
0x52: {  	_ =	shalt  }
0x53: {  	_ =	shalt  }
0x54: {  	_ =	shalt  }
0x55: {  	_ =	shalt  }
0x56: {  	_ =	shalt  }
0x57: {  	_ =	shalt  }
0x58: {  	_ =	shalt  }
0x59: {  	_ =	shalt  }
0x5a: {  	_ =	shalt  }
0x5b: {  	_ =	shalt  }
0x5c: {  	_ =	shalt  }
0x5d: {  	_ =	shalt  }
0x5e: {  	_ =	shalt  }
0x5f: {  	_ =	shalt  }
0x60: {  	_ =	shalt  }
0x61: {  	_ =	shalt  }
0x62: {  	_ =	shalt  }
0x63: {  	_ =	shalt  }
0x64: {  	_ =	shalt  }
0x65: {  	_ =	shalt  }
0x66: {  	_ =	shalt  }
0x67: {  	_ =	shalt  }
0x68: {  	_ =	shalt  }
0x69: {  	_ =	shalt  }
0x6a: {  	_ =	shalt  }
0x6b: {  	_ =	shalt  }
0x6c: {  	_ =	shalt  }
0x6d: {  	_ =	shalt  }
0x6e: {  	_ =	shalt  }
0x6f: {  	_ =	shalt  }
0x70: {  	_ =	shalt  }
0x71: {  	_ =	shalt  }
0x72: {  	_ =	shalt  }
0x73: {  	_ =	shalt  }
0x74: {  	_ =	shalt  }
0x75: {  	_ =	shalt  }
0x76: {  	_ =	shalt  }
0x77: {  	_ =	shalt  }
0x78: {  	_ =	shalt  }
0x79: {  	_ =	shalt  }
0x7a: {  	_ =	shalt  }
0x7b: {  	_ =	shalt  }
0x7c: {  	_ =	shalt  }
0x7d: {  	_ =	shalt  }
0x7e: {  	_ =	shalt  }
0x7f: {  	_ =	shalt  }
0x80: {  	_ =	shalt  }
0x81: {  	_ =	shalt  }
0x82: {  	_ =	shalt  }
0x83: {  	_ =	shalt  }
0x84: {  	_ =	shalt  }
0x85: {  	_ =	shalt  }
0x86: {  	_ =	shalt  }
0x87: {  	_ =	shalt  }
.Lfunc_end0:
.L_simem_size_0:
called_computation_lowered:
.L_overlay_start_0:
0x88: {  	s2 =	sld [smem:$0x3FD9]  }
0x89: {  	s3 =	sld [smem:$0x3FFE];
	_ =	sdelay $0x1  }
0x8a: {  	s1 =	srdreg.scid  }
0x8b: {  	s0 =	sand.u32 $0x1, s1  }
0x8c: {  	s16 =	sshll.u32 s0, $0xA;
	s2 =	sadd.s32 s3, s2  }
0x8d: {  	s2 =	sadd.s32 s2, s16  }
0x8e: {  	[smem:$0x3FBC] =	sst s2  }
0x8f: {  	_ = 	snop  }
0x90: {  	(tm) =	ssettm $0x1  }
0x91: {  	s17 =	sld [smem:$0x3FFB];
	_ =	sdelay $0x3  }
0x92: {  	_ =	strace s17  }
0x93: {  	s2 =	sld [smem:$0x3FFC];
	_ =	sdelay $0x3  }
0x94: {  	_ =	strace s2  }
0x95: {  	s2 =	sld [smem:$0x3FFD];
	_ =	sdelay $0x3  }
0x96: {  	_ =	strace s2  }
0x97: {  	_ =	strace $0x8FFFFFFF  }
0x98: {  	s18 =	sld [smem:$0x3FDB];
	_ =	sdelay $0x1  }
0x99: {  	s19 =	simm.s32 $_scs_section_size  }
0x9a: {  	s4 =	simm.s32 $_size__tile_overlayer_lowered;
	s5 =	simm.s32 $_tile_overlayer_lowered  }
0x9b: {  	s22 =	simm.s32 $0x1BFF;
	s21 =	sshll.u32 s5, $0x1;
	s2 =	sadd.s32 s19, s18  }
0x9c: {  	s6 =	simm.s32 $0x0;
	s20 =	sshll.u32 s4, $0x1;
	s4 =	sadd.s32 s21, s2  }
0x9d: {  	[timem:s6], [sflag:s22] =	dma.local [hbm:s4], s20  }
0x9e: {  	_ =	swait.ge [sflag:s22], s20  }
0x9f: {  	s3 =	ssub.s32 $0x0, s20;
	[sflag:s22] =	ssyncset.done $0x0  }
0xa0: {  	[sflag:s22] =	ssyncadd.s32 s3;
	_ =	sdelay $0x1  }
0xa1: {  	s23 =	simm.s32 $0x1B8B  }
0xa2: {  	_ =	swait.ge [sflag:s23], $0x1  }
0xa3: {  	[sflag:s23] =	ssyncset.done $0x0  }
0xa4: {  	s25 =	simm.s32 $0x1B8E;
	s24 =	sld [smem:$0x3FFE];
	[sflag:s23] =	ssyncadd.s32 $0xFFFFFFFF  }
0xa5: {  	s26 =	simm.s32 $execute0_lowered;
	[smem:$0x3FD2] =	sst s25  }
0xa6: {  	s4 =	sshll.u32 s26, $0x1;
	_ =	strace $0x80000046;
	[dreg:$0x1] =	wrdreg $0xFFFFFFFF  }
0xa7: {  	s28 =	simm.s32 $_size_execute0_lowered;
	s2 =	sadd.s32 s2, s4;
	[dreg:$0x0] =	wrdreg $0x0  }
0xa8: {  	s4 =	sshll.u32 s28, $0x1;
	[dreg:$0x2] =	wrdreg s2  }
0xa9: {  	[dreg:$0x3] =	wrdreg s4  }
0xaa: {  	[dreg:$0x4] =	wrdreg $0xC0  }
0xab: {  	_ =	task [dreg:s6], $0x5FFFF  }
0xac: {  	[dreg:$0x1] =	wrdreg $0xFFFFFFFF  }
0xad: {  	[dreg:$0x0] =	wrdreg $0x60  }
0xae: {  	[dreg:$0x2] =	wrdreg s24  }
0xaf: {  	[dreg:$0x3] =	wrdreg $0x28800  }
0xb0: {  	[dreg:$0x4] =	wrdreg $0x9  }
0xb1: {  	_ =	task.clear_ibuf [dreg:s6], $0x5FFFF;
	_ =	strace $0x90000046  }
0xb2: {  	s29 =	simm.s32 $0x9;
	_ =	strace $0x80000048  }
0xb3: {  	_ =	swait.ge [sflag:s29], $0x1  }
0xb4: {  	[sflag:s29] =	ssyncadd.s32 $0xFFFFFFFF  }
0xb5: {  	_ =	strace $0x90000048  }
0xb6: {  	_ =	sfence  }
0xb7: {  	s30 =	sld [smem:$0x0];
	_ =	sdelay $0x2  }
0xb8: {  	s31 =	sshll.u32 s1, $0xD;
	s1 =	sshrl.u32 s1, $0x2  }
0xb9: {  	s3 =	sand.u32 $0x4000, s31;
	s1 =	sadd.s32 s1, s30  }
0xba: {  	s0 =	sor.u32 s3, s0;
	s1 =	sshll.u32 s1, $0x11  }
0xbb: {  	s0 =	sor.u32 s1, s0  }
0xbc: {  	s0 =	sadd.s32 $0x8F2B, s0  }
0xbd: {  	[sflag:s0] =	ssyncadd.remote.s32 $0x1  }
0xbe: {  	_ =	sfence.sel $0xFFFF  }
0xbf: {  	[dreg:$0x0] =	wrdreg $0xFFFFFFFF;
	(pc) =	sbr.abs _section_cstart, $3  }
0xc0: {  	[dreg:$0x1] =	wrdreg $0xFFFFFFFF  }
0xc1: {  	_ =	task.clear_ibuf [dreg:s6], $0x2FFFF;
	_ =	strace $0x9FFFFFFF  }
0xc2: {  	(tm) =	ssettm $0x7FFFFFFF  }
0xc3: {  	_ =	shalt  }
tec
execute0_lowered:
.L_overlay_start_1:
0x0: {  	(tag) =	ssettag $0x1  }
0x1: {  	s5 =	rddreg [dreg:$0x0]  }
0x2: {  	s0 =	srdreg.scid;
	s2 =	rddreg [dreg:$0x1];
	s3 =	simm.s32 $0x0  }
0x3: {  	s11 =	simm.s32 $0x80;
	s12 =	simm.s32 $0x2800;
	s13 =	simm.s32 $0x20  }
0x4: {  	s14 =	simm.s32 $0x10;
	s15 =	simm.s32 $0x0;
	s4 =	sand.u32 $0x1, s0  }
0x5: {  	s0 =	stileid.u32;
	[smem:$0x7FF] =	sst s3;
	s1 =	sshll.u32 s4, $0x4  }
0x6: {  	s7 =	smul.u32 $0x500, s0;
	s8 =	sshll.u32 s4, $0x7;
	s28 =	ssub.s32 $0x2, s4  }
0x7: {  	s9 =	smul.u32 $0xA00, s0;
	s4 =	sadd.s32 $0xDA00, s5;
	s1 =	sor.u32 s0, s1  }
0x8: {  	s31 =	sshll.u32 s0, $0x6;
	s29 =	sshrl.u32 s28, $0x1;
	s6 =	smul.u32 $0x500, s1  }
0x9: {  	s1 =	rddreg [dreg:$0x2];
	_ =	strace $0x80000047;
	s7 =	sor.u32 s8, s7  }
0xa: {  	s8 =	ssub.s32 s28, s29;
	s30 =	sshrl.u32 s9, $0x2;
	s9 =	sor.u32 $0x1C01, s31  }
0xb: {  	s7 =	sshrl.u32 s7, $0x3;
	s10 =	sadd.s32 s30, s2;
	s6 =	sadd.s32 s6, s5  }
0xc: {  	s7 =	sadd.s32 s7, s5;
	s10 =	sshrl.u32 s10, $0x3;
	s5 =	sadd.s32 $0x3A00, s6  }
0xd: {  	v0 =	vimm.f32 $1.000000000e+00;
	s6 =	sadd.s32 $0xDC00, s7;
	s7 =	smax.u32 s8, $0x1;
	s8 =	simm.s32 $0x1  }
.LBB2_1:
0xe: {  	[tilespmem:$0x2800] =	vst v0  }
0xf: {  	[tilespmem:$0x2810] =	vst v0  }
0x10: {  	[tilespmem:$0x2820] =	vst v0  }
0x11: {  	[tilespmem:$0x2830] =	vst v0  }
0x12: {  	[tilespmem:$0x2840] =	vst v0  }
0x13: {  	[tilespmem:$0x2850] =	vst v0  }
0x14: {  	[tilespmem:$0x2860] =	vst v0  }
0x15: {  	[tilespmem:$0x2870] =	vst v0  }
0x16: {  	[tilespmem:s3], [sflag:$0x1] =	stream.linear.gather [hbm4b:s5+s3], $0x2800, $0x38;
	[tilespmem:$0x2B00] =	vst v63  }
0x17: {  	_ =	swait.ge [sflag:s8], $0x2800  }
0x18: {  	[sflag:s8] =	ssyncset.done $0x0  }
0x19: {  	[sflag:s8] =	ssyncadd.s32 $0xFFFFD800  }
0x1a: {  	[spmem:s10], [sflag:s9] =	dma.local [hbm:s4], $0x50  }
0x1b: {  	_ =	swait.ge [sflag:s8], $0x50  }
0x1c: {  	[sflag:s8] =	ssyncset.done $0x0  }
0x1d: {  	[sflag:s8] =	ssyncadd.s32 $0xFFFFFFB0  }
0x1e: {  	s16 =	simm.s32 $0x0;
	[bflag:$0x0] =	sbarrier.arrive $0xFFFF  }
0x1f: {  	[spmem:s2] =	stream.indirect.scatter.add.f32 [tilespmem:s12], [sflag:$0x1], $0x1, s16, s11, $0xb8;
	[tilespmem:$0x2B00] =	vst v63  }
0x20: {  	_ =	swait.ge [sflag:s8], $0x80  }
0x21: {  	s16 =	simm.s32 $0x200;
	[sflag:s8] =	ssyncset.done $0x0  }
.LBB2_2:
0x22: {  	s17 =	sshra.s32 s16, $0x2;
	[sflag:s8] =	ssyncadd.s32 $0xFFFFFF80;
	p0 =	sne.s32 s16, $0x9E00  }
0x23: {  	[spmem:s2] =	stream.indirect.scatter.add.f32 [tilespmem:s12], [sflag:$0x1], $0x1, s17, s11, $0xb8;
	[tilespmem:$0x2B00] =	vst v63  }
.Ltmp0:
0x24: {  	_ = 	snop;
	(pc) =	sbr.rel @p0 .LBB2_2-.Ltmp0, $4  }
0x25: {  	_ = 	snop  }
0x26: {  	s16 =	sadd.s32 $0x200, s16  }
0x27: {  	_ =	swait.ge [sflag:s8], $0x80  }
0x28: {  	[sflag:s8] =	ssyncset.done $0x0  }
0x29: {  	s15 =	sadd.s32 $0x1, s15  }
0x2a: {  	[sflag:s8] =	ssyncadd.s32 $0xFFFFFF80;
	p0 =	sne.s32 s15, s7  }
.Ltmp1:
0x2b: {  	[bflag:$0x0] =	sbarrier.arrive $0xFFFF;
	(pc) =	sbr.rel @p0 .LBB2_1-.Ltmp1, $4  }
0x2c: {  	[hbm:s6@s13], [sflag:s9] =	dma.strided [spmem:s10@s14], $0x50, s8, $0x10   }
0x2d: {  	_ =	swait.ge [sflag:s8], $0x50  }
0x2e: {  	[sflag:s8] =	ssyncset.done $0x0  }
0x2f: {  	[sflag:s8] =	ssyncadd.s32 $0xFFFFFFB0  }
0x30: {  	_ =	sfence.sel $0x180000  }
0x31: {  	[bflag:$0x0] =	sbarrier.arrive $0xFFFF  }
0x32: {  	p0 =	sne.s32 s0, $0x0;
	_ =	strace $0x90000047  }
0x33: {  	s0 =	sadd.s32 @!p0 $0x100000, s1;
	[bflag:$0x2] =	sbarrier.arrive $0xFFFF  }
0x34: {  	[sflag:s0] =	ssyncadd.tile.s32 @!p0 $0x1;
	_ =	shalt  }
.Lfunc_end2:
_tile_overlayer_lowered:
.L_overlay_start_2:
0x35: {  	(tag) =	ssettag $0x2  }
0x36: {  	s0 =	rddreg [dreg:$0x0];
	s2 =	stileid.u32  }
0x37: {  	s1 =	rddreg [dreg:$0x1];
	p0 =	sne.s32 s2, $0x0  }
0x38: {  	s3 =	rddreg [dreg:$0x2];
	[bflag:$0x3] =	sbarrier.arrive $0xFFFF;
	s2 =	simm.s32 @!p0 $0x1C01  }
0x39: {  	[timem:s3], [sflag:s2] =	dma.local @!p0 [hbm:s0], s1  }
0x3a: {  	s0 =	simm.s32 @!p0 $0x1  }
0x3b: {  	_ =	swait.ge @!p0 [sflag:s0], s1  }
0x3c: {  	s1 =	ssub.s32 @!p0 $0x0, s1;
	[sflag:s0] =	ssyncset.done @!p0 $0x0  }
0x3d: {  	[sflag:s0] =	ssyncadd.s32 @!p0 s1  }
0x3e: {  	[bflag:$0x3] =	sbarrier.arrive $0xFFFF  }
0x3f: {  	_ =	shalt  }

// kernel: kernel.13.cloned.1.call-start
scs
__scs_entry_jumppad:
0x0: {  	(pc) =	sbr.rel $0x88, $3  }
0x1: {  	(tag) =	ssettag $0x0;
	lr =	simm.s32 $0x1  }
0x2: {  	[smem:$0x3F95] =	sst lr;
	_ =	strace $0xD0000000  }
0x3: {  	_ = 	snop  }
0x4: {  	_ = 	snop  }
0x5: {  	_ = 	snop  }
0x6: {  	_ = 	snop  }
0x7: {  	_ = 	snop  }
__scs_overlays_trampoline_lowered:
0x8: {  	[smem:$0x3FA4] =	sst s0  }
0x9: {  	[smem:$0x3FA5] =	sst s1  }
0xa: {  	[smem:$0x3FA6] =	sst s2  }
0xb: {  	[smem:$0x3FA7] =	sst s3  }
0xc: {  	[smem:$0x3FA8] =	sst s4  }
0xd: {  	[smem:$0x3FA9] =	sst s5  }
0xe: {  	[smem:$0x3FAA] =	sst s6  }
0xf: {  	[smem:$0x3FAB] =	sst s7  }
0x10: {  	[smem:$0x3FAC] =	sst s8  }
0x11: {  	[smem:$0x3FAD] =	sst s9;
	s0 =	simm.s32 @!p0 $0x0  }
0x12: {  	s1 =	sld [smem:$0x3F93];
	s0 =	simm.s32 @p0 $0x1  }
0x13: {  	[smem:$0x3FAE] =	sst s0;
	s0 =	simm.s32 @!p1 $0x0  }
0x14: {  	s2 =	sld [smem:$0x3F92];
	s0 =	simm.s32 @p1 $0x1  }
0x15: {  	[smem:$0x3FAF] =	sst s0;
	s0 =	simm.s32 @!p2 $0x0  }
0x16: {  	s3 =	sld [smem:$0x3FDB];
	s0 =	simm.s32 @p2 $0x1  }
0x17: {  	s4 =	simm.s32 $0x1BF5;
	[smem:$0x3FB1] =	sst s0  }
0x18: {  	s0 =	sld [smem:$0x3F94];
	_ =	swait.ge [sflag:s4], $0x0  }
0x19: {  	s7 =	sld [smem:$0x3F95]  }
0x1a: {  	s8 =	sadd.s32 $0xFFFFE003, lr  }
0x1b: {  	s9 =	sadd.s32 $0xFFFFFEF7, lr;
	s5 =	simm.s32 $0xFFFFFFFF;
	p2 =	slt.u32 s8, $0xFFFFF086  }
0x1c: {  	p1 =	slt.u32 s9, $0xF7A;
	s5 =	simm.s32 @!p2 $0x0  }
0x1d: {  	s5 =	simm.s32 @p1 $0x1;
	p0 =	seq.s32 s7, s2  }
0x1e: {  	s7 =	smul.u32 @!p0 $0xF7A, s2;
	p2 =	seq.s32 @!p0 s5, $0x0  }
0x1f: {  	s9 =	smul.u32 $0xF7A, s1;
	s8 =	simm.s32 @!p0 $0x1BF5;
	p2 =	por !p2, p0  }
0x20: {  	[sflag:s8] =	ssyncset.s32 @!p0 $0xFFFFF086;
	s6 =	sadd.s32 @!p0 s3, s7;
	s7 =	simm.s32 @!p0 $0x108  }
0x21: {  	s3 =	sadd.s32 s3, s9;
	s6 =	sadd.s32 @!p0 $0x88, s6;
	s7 =	simm.s32 @p2 $0x1082  }
0x22: {  	[simem:s7], [sflag:s8] =	dma.local @!p0 [hbm:s6], $0xF7A  }
0x23: {  	s9 =	sor.u32 $0xD0000000, s2;
	s6 =	simm.s32 $0x108;
	_ =	swait.ge @!p0 [sflag:s8], $0x0  }
0x24: {  	s3 =	sadd.s32 $0x88, s3;
	s6 =	simm.s32 @!p1 $0x1082;
	[sflag:s4] =	ssyncset.s32 $0xFFFFF086  }
0x25: {  	[simem:s6], [sflag:s4] =	dma.local [hbm:s3], $0xF7A  }
0x26: {  	[smem:$0x3F95] =	sst s1;
	(tag) =	ssettag s2;
	_ =	strace s9  }
0x27: {  	s1 =	sld [smem:$0x3FA5]  }
0x28: {  	s2 =	sld [smem:$0x3FA6]  }
0x29: {  	s4 =	sld [smem:$0x3FA8]  }
0x2a: {  	p0 =	seq.s32 s5, $0x0;
	s5 =	sld [smem:$0x3FA9]  }
0x2b: {  	s6 =	sld [smem:$0x3FAA]  }
0x2c: {  	s7 =	sld [smem:$0x3FAB]  }
0x2d: {  	s3 =	simm.s32 $0x108;
	s8 =	sld [smem:$0x3FAC]  }
0x2e: {  	s3 =	simm.s32 @!p0 $0x1082;
	s9 =	sld [smem:$0x3FAD]  }
0x2f: {  	lr =	sadd.s32 s0, s3;
	s0 =	sld [smem:$0x3FA4]  }
0x30: {  	s3 =	sld [smem:$0x3FA7]  }
0x31: {  	[smem:$0x3FB0] =	sst s10  }
0x32: {  	s10 =	sld [smem:$0x3FAE];
	_ =	sdelay $0x3  }
0x33: {  	p0 =	seq.s32 s10, $0x1;
	s10 =	sld [smem:$0x3FB0];
	_ =	sdelay $0x3  }
0x34: {  	[smem:$0x3FB0] =	sst s10  }
0x35: {  	s10 =	sld [smem:$0x3FAF];
	_ =	sdelay $0x3  }
0x36: {  	p1 =	seq.s32 s10, $0x1;
	s10 =	sld [smem:$0x3FB0];
	_ =	sdelay $0x3  }
0x37: {  	[smem:$0x3FB0] =	sst s10  }
0x38: {  	s10 =	sld [smem:$0x3FB1]  }
0x39: {  	_ = 	snop;
	(pc) =	sbr.ind lr, $3  }
0x3a: {  	_ = 	snop  }
0x3b: {  	_ = 	snop  }
0x3c: {  	p2 =	seq.s32 s10, $0x1;
	s10 =	sld [smem:$0x3FB0]  }
0x3d: {  	_ =	shalt  }
0x3e: {  	_ =	shalt  }
0x3f: {  	_ =	shalt  }
0x40: {  	_ =	shalt  }
0x41: {  	_ =	shalt  }
0x42: {  	_ =	shalt  }
0x43: {  	_ =	shalt  }
0x44: {  	_ =	shalt  }
0x45: {  	_ =	shalt  }
0x46: {  	_ =	shalt  }
0x47: {  	_ =	shalt  }
0x48: {  	_ =	shalt  }
0x49: {  	_ =	shalt  }
0x4a: {  	_ =	shalt  }
0x4b: {  	_ =	shalt  }
0x4c: {  	_ =	shalt  }
0x4d: {  	_ =	shalt  }
0x4e: {  	_ =	shalt  }
0x4f: {  	_ =	shalt  }
0x50: {  	_ =	shalt  }
0x51: {  	_ =	shalt  }
0x52: {  	_ =	shalt  }
0x53: {  	_ =	shalt  }
0x54: {  	_ =	shalt  }
0x55: {  	_ =	shalt  }
0x56: {  	_ =	shalt  }
0x57: {  	_ =	shalt  }
0x58: {  	_ =	shalt  }
0x59: {  	_ =	shalt  }
0x5a: {  	_ =	shalt  }
0x5b: {  	_ =	shalt  }
0x5c: {  	_ =	shalt  }
0x5d: {  	_ =	shalt  }
0x5e: {  	_ =	shalt  }
0x5f: {  	_ =	shalt  }
0x60: {  	_ =	shalt  }
0x61: {  	_ =	shalt  }
0x62: {  	_ =	shalt  }
0x63: {  	_ =	shalt  }
0x64: {  	_ =	shalt  }
0x65: {  	_ =	shalt  }
0x66: {  	_ =	shalt  }
0x67: {  	_ =	shalt  }
0x68: {  	_ =	shalt  }
0x69: {  	_ =	shalt  }
0x6a: {  	_ =	shalt  }
0x6b: {  	_ =	shalt  }
0x6c: {  	_ =	shalt  }
0x6d: {  	_ =	shalt  }
0x6e: {  	_ =	shalt  }
0x6f: {  	_ =	shalt  }
0x70: {  	_ =	shalt  }
0x71: {  	_ =	shalt  }
0x72: {  	_ =	shalt  }
0x73: {  	_ =	shalt  }
0x74: {  	_ =	shalt  }
0x75: {  	_ =	shalt  }
0x76: {  	_ =	shalt  }
0x77: {  	_ =	shalt  }
0x78: {  	_ =	shalt  }
0x79: {  	_ =	shalt  }
0x7a: {  	_ =	shalt  }
0x7b: {  	_ =	shalt  }
0x7c: {  	_ =	shalt  }
0x7d: {  	_ =	shalt  }
0x7e: {  	_ =	shalt  }
0x7f: {  	_ =	shalt  }
0x80: {  	_ =	shalt  }
0x81: {  	_ =	shalt  }
0x82: {  	_ =	shalt  }
0x83: {  	_ =	shalt  }
0x84: {  	_ =	shalt  }
0x85: {  	_ =	shalt  }
0x86: {  	_ =	shalt  }
0x87: {  	_ =	shalt  }
.Lfunc_end0:
.L_simem_size_0:
called_computation.1_lowered:
.L_overlay_start_0:
0x88: {  	s2 =	sld [smem:$0x3FD9]  }
0x89: {  	s3 =	sld [smem:$0x3FFE];
	_ =	sdelay $0x1  }
0x8a: {  	s1 =	srdreg.scid  }
0x8b: {  	s0 =	sand.u32 $0x1, s1  }
0x8c: {  	s17 =	sshll.u32 s0, $0xA;
	s2 =	sadd.s32 s3, s2  }
0x8d: {  	s2 =	sadd.s32 s2, s17  }
0x8e: {  	[smem:$0x3FBC] =	sst s2  }
0x8f: {  	_ = 	snop  }
0x90: {  	s2 =	sld [smem:$0x3FD0];
	(tm) =	ssettm $0x1  }
0x91: {  	s18 =	sld [smem:$0x3FFB];
	_ =	sdelay $0x3  }
0x92: {  	_ =	strace s18  }
0x93: {  	s3 =	sld [smem:$0x3FFC];
	_ =	sdelay $0x3  }
0x94: {  	_ =	strace s3  }
0x95: {  	s3 =	sld [smem:$0x3FFD];
	_ =	sdelay $0x3  }
0x96: {  	_ =	strace s3  }
0x97: {  	_ =	strace $0x8FFFFFFF  }
0x98: {  	s19 =	sld [smem:$0x3FDB];
	_ =	sdelay $0x1  }
0x99: {  	s4 =	simm.s32 $_scs_section_size  }
0x9a: {  	s5 =	simm.s32 $_size__tile_overlayer_lowered;
	s6 =	simm.s32 $_tile_overlayer_lowered  }
0x9b: {  	s22 =	simm.s32 $0x1BFF;
	s21 =	sshll.u32 s6, $0x1;
	s3 =	sadd.s32 s4, s19  }
0x9c: {  	s7 =	simm.s32 $0x0;
	s20 =	sshll.u32 s5, $0x1;
	s5 =	sadd.s32 s21, s3  }
0x9d: {  	[timem:s7], [sflag:s22] =	dma.local [hbm:s5], s20  }
0x9e: {  	_ =	swait.ge [sflag:s22], s20  }
0x9f: {  	s4 =	ssub.s32 $0x0, s20;
	[sflag:s22] =	ssyncset.done $0x0  }
0xa0: {  	[sflag:s22] =	ssyncadd.s32 s4;
	_ =	sdelay $0x1  }
0xa1: {  	s23 =	simm.s32 $0x1B8B  }
0xa2: {  	_ =	swait.ge [sflag:s23], $0x1  }
0xa3: {  	[sflag:s23] =	ssyncset.done $0x0  }
0xa4: {  	s25 =	simm.s32 $0x1B8E;
	s24 =	sld [smem:$0x3FFE];
	[sflag:s23] =	ssyncadd.s32 $0xFFFFFFFF  }
0xa5: {  	s26 =	simm.s32 $execute0_lowered;
	[smem:$0x3FD2] =	sst s25  }
0xa6: {  	s5 =	sshll.u32 s26, $0x1;
	_ =	strace $0x80000049;
	[dreg:$0x1] =	wrdreg $0xFFFFFFFF  }
0xa7: {  	s28 =	simm.s32 $_size_execute0_lowered;
	s3 =	sadd.s32 s3, s5;
	[dreg:$0x0] =	wrdreg $0x0  }
0xa8: {  	s5 =	sshll.u32 s28, $0x1;
	[dreg:$0x2] =	wrdreg s3  }
0xa9: {  	[dreg:$0x3] =	wrdreg s5  }
0xaa: {  	[dreg:$0x4] =	wrdreg $0xC0  }
0xab: {  	_ =	task [dreg:s7], $0x5FFFF  }
0xac: {  	[dreg:$0x1] =	wrdreg $0xFFFFFFFF  }
0xad: {  	[dreg:$0x0] =	wrdreg $0x60  }
0xae: {  	[dreg:$0x2] =	wrdreg s24  }
0xaf: {  	[dreg:$0x3] =	wrdreg s2  }
0xb0: {  	[dreg:$0x4] =	wrdreg $0x88000  }
0xb1: {  	[dreg:$0x5] =	wrdreg $0x9  }
0xb2: {  	_ =	task.clear_ibuf [dreg:s7], $0x6FFFF;
	_ =	strace $0x90000049  }
0xb3: {  	s29 =	simm.s32 $0x9;
	_ =	strace $0x8000004B  }
0xb4: {  	_ =	swait.ge [sflag:s29], $0x1  }
0xb5: {  	[sflag:s29] =	ssyncadd.s32 $0xFFFFFFFF  }
0xb6: {  	_ =	strace $0x9000004B  }
0xb7: {  	_ =	sfence  }
0xb8: {  	s30 =	sld [smem:$0x0];
	_ =	sdelay $0x2  }
0xb9: {  	s31 =	sshll.u32 s1, $0xD;
	s1 =	sshrl.u32 s1, $0x2  }
0xba: {  	s3 =	sand.u32 $0x4000, s31;
	s1 =	sadd.s32 s1, s30  }
0xbb: {  	s0 =	sor.u32 s3, s0;
	s1 =	sshll.u32 s1, $0x11  }
0xbc: {  	s0 =	sor.u32 s1, s0  }
0xbd: {  	s0 =	sadd.s32 $0x8F2B, s0  }
0xbe: {  	[sflag:s0] =	ssyncadd.remote.s32 $0x1  }
0xbf: {  	_ =	sfence.sel $0xFFFF  }
0xc0: {  	[dreg:$0x0] =	wrdreg $0xFFFFFFFF;
	(pc) =	sbr.abs _section_cstart, $3  }
0xc1: {  	[dreg:$0x1] =	wrdreg $0xFFFFFFFF  }
0xc2: {  	_ =	task.clear_ibuf [dreg:s7], $0x2FFFF;
	_ =	strace $0x9FFFFFFF  }
0xc3: {  	(tm) =	ssettm $0x7FFFFFFF  }
tec
execute0_lowered:
.L_overlay_start_1:
0x0: {  	(tag) =	ssettag $0x1  }
0x1: {  	s0 =	rddreg [dreg:$0x0]  }
0x2: {  	s2 =	rddreg [dreg:$0x1]  }
0x3: {  	s1 =	rddreg [dreg:$0x2]  }
0x4: {  	s3 =	srdreg.scid;
	s11 =	stileid.u32  }
0x5: {  	s28 =	simm.s32 $0x100;
	s29 =	simm.s32 $0x2;
	s30 =	simm.s32 $0x480  }
0x6: {  	s31 =	simm.s32 $0x180;
	s13 =	simm.s32 $0x0;
	s7 =	smul.u32 $0x14000, s11  }
0x7: {  	s5 =	sand.u32 $0x1, s3;
	s3 =	simm.s32 $0x0;
	s10 =	smul.u32 $0x50000, s11  }
0x8: {  	s4 =	sadd.s32 $0xDA00, s0;
	s17 =	sadd.s32 $0x3A00, s0;
	s22 =	smul.u32 $0x2800, s11  }
0x9: {  	s9 =	sadd.s32 $0x35A00, s0;
	s24 =	sshll.u32 s11, $0x6;
	s6 =	smul.u32 $0x140000, s5  }
0xa: {  	[smem:$0x7FF] =	sst s3;
	s8 =	sshll.u32 s5, $0x4;
	s18 =	ssub.s32 $0x2, s5  }
0xb: {  	s5 =	smul.u32 $0x28000, s5;
	_ =	strace $0x8000004A;
	s16 =	sor.u32 s11, s8  }
0xc: {  	[dreg:$0x4] =	wrdreg s9;
	s19 =	sshrl.u32 s18, $0x1;
	s23 =	sshrl.u32 s10, $0x2  }
0xd: {  	s8 =	simm.s32 $0x680;
	s9 =	simm.s32 $0x380;
	s10 =	simm.s32 $0x780  }
0xe: {  	s6 =	sadd.s32 s7, s6;
	s7 =	smul.u32 $0x2800, s16;
	s5 =	sadd.s32 s22, s5  }
0xf: {  	s6 =	sshrl.u32 s6, $0x3;
	s25 =	sor.u32 $0x600, s5;
	s5 =	sor.u32 $0x400, s5  }
0x10: {  	s0 =	sadd.s32 s6, s0;
	s7 =	sshrl.u32 s7, $0x3;
	s6 =	ssub.s32 s18, s19  }
0x11: {  	s26 =	sshrl.u32 s5, $0x3;
	s19 =	simm.s32 $0x200;
	s20 =	sadd.s32 s2, s7  }
0x12: {  	s5 =	simm.s32 $0x580;
	s21 =	sadd.s32 s17, s7;
	[dreg:$0x5] =	wrdreg s20  }
0x13: {  	s7 =	sor.u32 $0x40, s7;
	s0 =	sadd.s32 $0x38200, s0;
	[dreg:$0x6] =	wrdreg s21  }
0x14: {  	s6 =	smax.u32 s6, $0x1;
	s16 =	sadd.s32 s26, s17;
	[dreg:$0xb] =	wrdreg s0  }
0x15: {  	s12 =	sadd.s32 s2, s7;
	s7 =	sadd.s32 s17, s7;
	[dreg:$0xc] =	wrdreg s6  }
0x16: {  	s0 =	sshrl.u32 s25, $0x3;
	s20 =	simm.s32 $0x600;
	s21 =	simm.s32 $0x5  }
0x17: {  	s25 =	simm.s32 $0x4800;
	s6 =	simm.s32 $0x280;
	[dreg:$0x7] =	wrdreg s12  }
.Ltmp0:
0x18: {  	[dreg:$0x8] =	wrdreg s7;
	s7 =	sadd.s32 s23, s1;
	(pc) =	sbr.rel .LBB2_1-.Ltmp0, $4  }
0x19: {  	s12 =	sor.u32 $0x1C05, s24;
	s14 =	sadd.s32 s0, s17;
	s15 =	sadd.s32 s0, s2  }
0x1a: {  	s17 =	sadd.s32 s26, s2;
	s23 =	simm.s32 $0x80;
	s24 =	simm.s32 $0x800  }
0x1b: {  	s26 =	simm.s32 $0x1;
	s0 =	simm.s32 $0x4;
	[dreg:$0x9] =	wrdreg s7  }
0x1c: {  	s2 =	simm.s32 $0x500;
	s7 =	simm.s32 $0x300;
	[dreg:$0xa] =	wrdreg s12  }
.LBB2_4:
0x1d: {  	[bflag:$0x0] =	sbarrier.arrive $0xFFFF  }
0x1e: {  	s12 =	rddreg [dreg:$0xa]  }
0x1f: {  	s11 =	rddreg [dreg:$0xb]  }
0x20: {  	s13 =	rddreg [dreg:$0xe]  }
0x21: {  	[hbm:s11], [sflag:s12] =	dma.local [spmem:s13], $0x2800  }
0x22: {  	_ =	swait.ge [sflag:s21], $0x2800  }
0x23: {  	s18 =	rddreg [dreg:$0xd]  }
0x24: {  	s22 =	rddreg [dreg:$0xc];
	s13 =	sadd.s32 $0x1, s18  }
0x25: {  	p0 =	sne.s32 s13, s22  }
.Ltmp1:
0x26: {  	_ = 	snop;
	(pc) =	sbr.rel @!p0 .LBB2_5-.Ltmp1, $3  }
0x27: {  	_ =	sdelay $0x1  }
0x28: {  	[sflag:s21] =	ssyncset.done $0x0  }
0x29: {  	[sflag:s21] =	ssyncadd.s32 $0xFFFFD800  }
.LBB2_1:
0x2a: {  	[dreg:$0xd] =	wrdreg s13  }
0x2b: {  	s11 =	rddreg [dreg:$0x5]  }
0x2c: {  	s18 =	rddreg [dreg:$0x6]  }
0x2d: {  	[tilespmem:s3], [sflag:$0x3] =	stream.linear.gather [hbm4b:s11+s3], $0x200, $0x38;
	[tilespmem:$0x1C800] =	vst v63  }
0x2e: {  	s22 =	simm.s32 $0x400;
	s13 =	rddreg [dreg:$0x7]  }
0x2f: {  	[tilespmem:s22], [sflag:$0x3] =	stream.linear.gather [hbm4b:s18+s3], $0x200, $0x38;
	[tilespmem:$0x1C800] =	vst v63  }
0x30: {  	s22 =	rddreg [dreg:$0x9]  }
0x31: {  	s18 =	rddreg [dreg:$0x8];
	s11 =	sshrl.u32 s22, $0x3  }
0x32: {  	[tilespmem:s19], [sflag:$0x4] =	stream.linear.gather [hbm4b:s13+s3], $0x200, $0x38;
	[tilespmem:$0x1C800] =	vst v63  }
0x33: {  	[dreg:$0xe] =	wrdreg s11  }
0x34: {  	[tilespmem:s20], [sflag:$0x4] =	stream.linear.gather [hbm4b:s18+s3], $0x200, $0x38;
	[tilespmem:$0x1C800] =	vst v63  }
0x35: {  	s18 =	rddreg [dreg:$0x4]  }
0x36: {  	[spmem:s11], [sflag:s12] =	dma.local [hbm:s18], $0x2800  }
0x37: {  	_ =	swait.ge [sflag:s21], $0x2800  }
0x38: {  	[sflag:s21] =	ssyncset.done $0x0  }
0x39: {  	[sflag:s21] =	ssyncadd.s32 $0xFFFFD800  }
0x3a: {  	s22 =	simm.s32 $0x3;
	[bflag:$0x0] =	sbarrier.arrive $0xFFFF  }
0x3b: {  	_ =	swait.ge [sflag:s22], $0x200  }
0x3c: {  	[sflag:s22] =	ssyncset.done $0x0  }
0x3d: {  	[sflag:s22] =	ssyncadd.s32 $0xFFFFFE00  }
0x3e: {  	_ =	swait.ge [sflag:s22], $0x200  }
0x3f: {  	[sflag:s22] =	ssyncset.done $0x0  }
0x40: {  	[sflag:s22] =	ssyncadd.s32 $0xFFFFFE00  }
0x41: {  	[tilespmem:s24], [sflag:$0x1] =	stream.indirect.gather [hbm4b:s4+s23], $0x80, s3, s23, $0xb8;
	[tilespmem:$0x1C800] =	vst v63  }
0x42: {  	s11 =	simm.s32 $0x0  }
0x43: {  	[tilespmem:s25], [sflag:$0x2] =	stream.indirect.gather [hbm4b:s4+s23], $0x80, s23, s23, $0xb8;
	[tilespmem:$0x1C800] =	vst v63  }
.LBB2_2:
0x44: {  	_ =	swait.ge [sflag:s26], $0x4000  }
0x45: {  	[sflag:s26] =	ssyncset.done $0x0  }
0x46: {  	s12 =	simm.s32 $0x400;
	[sflag:s26] =	ssyncadd.s32 $0xFFFFC000  }
0x47: {  	[spmem:s1] =	stream.indirect.scatter.add.f32 [tilespmem:s24], [sflag:$0x5], $0x80, s12, s23, $0xb8;
	[tilespmem:$0x1C800] =	vst v63  }
0x48: {  	_ =	swait.ge [sflag:s21], $0x4000  }
0x49: {  	[sflag:s21] =	ssyncset.done $0x0  }
0x4a: {  	[sflag:s21] =	ssyncadd.s32 $0xFFFFC000  }
0x4b: {  	[tilespmem:s24], [sflag:$0x1] =	stream.indirect.gather [hbm4b:s4+s23], $0x80, s28, s23, $0xb8;
	[tilespmem:$0x1C800] =	vst v63  }
0x4c: {  	_ =	swait.ge [sflag:s29], $0x4000  }
0x4d: {  	[sflag:s29] =	ssyncset.done $0x0  }
0x4e: {  	[sflag:s29] =	ssyncadd.s32 $0xFFFFC000  }
0x4f: {  	[spmem:s1] =	stream.indirect.scatter.add.f32 [tilespmem:s25], [sflag:$0x5], $0x80, s30, s23, $0xb8;
	[tilespmem:$0x1C800] =	vst v63  }
0x50: {  	_ =	swait.ge [sflag:s21], $0x4000  }
0x51: {  	[sflag:s21] =	ssyncset.done $0x0  }
0x52: {  	[sflag:s21] =	ssyncadd.s32 $0xFFFFC000  }
0x53: {  	[tilespmem:s25], [sflag:$0x2] =	stream.indirect.gather [hbm4b:s4+s23], $0x80, s31, s23, $0xb8;
	[tilespmem:$0x1C800] =	vst v63  }
0x54: {  	_ =	swait.ge [sflag:s26], $0x4000  }
0x55: {  	[sflag:s26] =	ssyncset.done $0x0  }
0x56: {  	[sflag:s26] =	ssyncadd.s32 $0xFFFFC000  }
0x57: {  	_ =	swait.ge [sflag:s0], $0x200  }
0x58: {  	[sflag:s0] =	ssyncset.done $0x0  }
0x59: {  	[sflag:s0] =	ssyncadd.s32 $0xFFFFFE00  }
0x5a: {  	_ =	swait.ge [sflag:s0], $0x200  }
0x5b: {  	[sflag:s0] =	ssyncset.done $0x0  }
0x5c: {  	[sflag:s0] =	ssyncadd.s32 $0xFFFFFE00  }
0x5d: {  	[spmem:s1] =	stream.indirect.scatter.add.f32 [tilespmem:s24], [sflag:$0x5], $0x80, s2, s23, $0xb8;
	[tilespmem:$0x1C800] =	vst v63  }
0x5e: {  	_ =	swait.ge [sflag:s21], $0x4000  }
0x5f: {  	[sflag:s21] =	ssyncset.done $0x0  }
0x60: {  	[sflag:s21] =	ssyncadd.s32 $0xFFFFC000  }
0x61: {  	[tilespmem:s24], [sflag:$0x1] =	stream.indirect.gather [hbm4b:s4+s23], $0x80, s19, s23, $0xb8;
	[tilespmem:$0x1C800] =	vst v63  }
0x62: {  	_ =	swait.ge [sflag:s29], $0x4000  }
0x63: {  	[sflag:s29] =	ssyncset.done $0x0  }
0x64: {  	[sflag:s29] =	ssyncadd.s32 $0xFFFFC000  }
0x65: {  	[spmem:s1] =	stream.indirect.scatter.add.f32 [tilespmem:s25], [sflag:$0x5], $0x80, s5, s23, $0xb8;
	[tilespmem:$0x1C800] =	vst v63  }
0x66: {  	_ =	swait.ge [sflag:s21], $0x4000  }
0x67: {  	[sflag:s21] =	ssyncset.done $0x0  }
0x68: {  	p0 =	seq.s32 s11, $0x480;
	[sflag:s21] =	ssyncadd.s32 $0xFFFFC000  }
0x69: {  	[tilespmem:s25], [sflag:$0x2] =	stream.indirect.gather [hbm4b:s4+s23], $0x80, s6, s23, $0xb8;
	[tilespmem:$0x1C800] =	vst v63  }
0x6a: {  	s22 =	sadd.s32 @!p0 s11, s17;
	s13 =	simm.s32 @!p0 $0x0  }
0x6b: {  	[tilespmem:s13], [sflag:$0x3] =	stream.linear.gather @!p0 [hbm4b:s22+s13], $0x200, $0x38;
	[tilespmem:$0x1C800] =	vst v63  }
0x6c: {  	s12 =	simm.s32 @!p0 $0x400;
	s22 =	sadd.s32 @!p0 s11, s16  }
0x6d: {  	[tilespmem:s12], [sflag:$0x3] =	stream.linear.gather @!p0 [hbm4b:s22+s13], $0x200, $0x38;
	[tilespmem:$0x1C800] =	vst v63  }
0x6e: {  	_ =	swait.ge [sflag:s26], $0x4000  }
0x6f: {  	[sflag:s26] =	ssyncset.done $0x0  }
0x70: {  	[sflag:s26] =	ssyncadd.s32 $0xFFFFC000  }
0x71: {  	[spmem:s1] =	stream.indirect.scatter.add.f32 [tilespmem:s24], [sflag:$0x5], $0x80, s20, s23, $0xb8;
	[tilespmem:$0x1C800] =	vst v63  }
0x72: {  	_ =	swait.ge [sflag:s21], $0x4000  }
0x73: {  	[sflag:s21] =	ssyncset.done $0x0  }
0x74: {  	[sflag:s21] =	ssyncadd.s32 $0xFFFFC000  }
0x75: {  	[tilespmem:s24], [sflag:$0x1] =	stream.indirect.gather [hbm4b:s4+s23], $0x80, s7, s23, $0xb8;
	[tilespmem:$0x1C800] =	vst v63  }
0x76: {  	_ =	swait.ge [sflag:s29], $0x4000  }
0x77: {  	[sflag:s29] =	ssyncset.done $0x0  }
0x78: {  	[sflag:s29] =	ssyncadd.s32 $0xFFFFC000  }
0x79: {  	[spmem:s1] =	stream.indirect.scatter.add.f32 [tilespmem:s25], [sflag:$0x5], $0x80, s8, s23, $0xb8;
	[tilespmem:$0x1C800] =	vst v63  }
0x7a: {  	_ =	swait.ge [sflag:s21], $0x4000  }
0x7b: {  	[sflag:s21] =	ssyncset.done $0x0  }
0x7c: {  	[sflag:s21] =	ssyncadd.s32 $0xFFFFC000  }
0x7d: {  	[tilespmem:s25], [sflag:$0x2] =	stream.indirect.gather [hbm4b:s4+s23], $0x80, s9, s23, $0xb8;
	[tilespmem:$0x1C800] =	vst v63  }
0x7e: {  	_ =	swait.ge [sflag:s26], $0x4000  }
0x7f: {  	s18 =	simm.s32 @p0 $0x800;
	[sflag:s26] =	ssyncset.done $0x0  }
0x80: {  	s12 =	simm.s32 @p0 $0x80;
	s22 =	simm.s32 @p0 $0x700;
	[sflag:s26] =	ssyncadd.s32 $0xFFFFC000  }
0x81: {  	[spmem:s1] =	stream.indirect.scatter.add.f32 @p0 [tilespmem:s18], [sflag:$0x5], $0x80, s22, s12, $0xb8;
	[tilespmem:$0x1C800] =	vst v63  }
0x82: {  	s12 =	simm.s32 @p0 $0x5  }
0x83: {  	_ =	swait.ge @p0 [sflag:s12], $0x4000  }
0x84: {  	[sflag:s12] =	ssyncset.done @p0 $0x0  }
0x85: {  	[sflag:s12] =	ssyncadd.s32 @p0 $0xFFFFC000;
	s12 =	simm.s32 @!p0 $0x3  }
0x86: {  	_ =	swait.ge @!p0 [sflag:s12], $0x200  }
0x87: {  	[sflag:s12] =	ssyncset.done @!p0 $0x0  }
0x88: {  	[sflag:s12] =	ssyncadd.s32 @!p0 $0xFFFFFE00  }
0x89: {  	_ =	swait.ge @!p0 [sflag:s12], $0x200  }
0x8a: {  	s18 =	simm.s32 @!p0 $0x700;
	[sflag:s12] =	ssyncset.done @!p0 $0x0  }
0x8b: {  	s22 =	simm.s32 @!p0 $0x800;
	[sflag:s12] =	ssyncadd.s32 @!p0 $0xFFFFFE00;
	s12 =	simm.s32 @!p0 $0x80  }
0x8c: {  	[spmem:s1] =	stream.indirect.scatter.add.f32 @!p0 [tilespmem:s22], [sflag:$0x5], $0x80, s18, s12, $0xb8;
	[tilespmem:$0x1C800] =	vst v63  }
0x8d: {  	s18 =	simm.s32 @!p0 $0x5  }
0x8e: {  	_ =	swait.ge @!p0 [sflag:s18], $0x4000  }
0x8f: {  	[sflag:s18] =	ssyncset.done @!p0 $0x0  }
0x90: {  	[sflag:s18] =	ssyncadd.s32 @!p0 $0xFFFFC000  }
0x91: {  	[tilespmem:s22], [sflag:$0x1] =	stream.indirect.gather @!p0 [hbm4b:s4+s12], $0x80, s13, s12, $0xb8;
	[tilespmem:$0x1C800] =	vst v63  }
0x92: {  	_ =	swait.ge [sflag:s29], $0x4000  }
0x93: {  	[sflag:s29] =	ssyncset.done $0x0  }
.Ltmp2:
0x94: {  	[sflag:s29] =	ssyncadd.s32 $0xFFFFC000;
	(pc) =	sbr.rel @p0 .LBB2_4-.Ltmp2, $4  }
0x95: {  	[spmem:s1] =	stream.indirect.scatter.add.f32 [tilespmem:s25], [sflag:$0x5], $0x80, s10, s23, $0xb8;
	[tilespmem:$0x1C800] =	vst v63  }
0x96: {  	_ =	swait.ge [sflag:s21], $0x4000  }
0x97: {  	[sflag:s21] =	ssyncset.done $0x0  }
0x98: {  	[sflag:s21] =	ssyncadd.s32 $0xFFFFC000  }
0x99: {  	[tilespmem:s25], [sflag:$0x2] =	stream.indirect.gather [hbm4b:s4+s23], $0x80, s23, s23, $0xb8;
	[tilespmem:$0x1C800] =	vst v63  }
.Ltmp3:
0x9a: {  	_ = 	snop;
	(pc) =	sbr.rel .LBB2_2-.Ltmp3, $4  }
0x9b: {  	s12 =	sadd.s32 s11, s15  }
0x9c: {  	[tilespmem:s19], [sflag:$0x4] =	stream.linear.gather [hbm4b:s12+s3], $0x200, $0x38;
	[tilespmem:$0x1C800] =	vst v63  }
0x9d: {  	s22 =	sadd.s32 s11, s14;
	s11 =	sadd.s32 $0x80, s11  }
0x9e: {  	[tilespmem:s20], [sflag:$0x4] =	stream.linear.gather [hbm4b:s22+s3], $0x200, $0x38;
	[tilespmem:$0x1C800] =	vst v63  }
.LBB2_5:
0x9f: {  	_ =	sfence.sel $0x180000  }
0xa0: {  	[bflag:$0x0] =	sbarrier.arrive $0xFFFF  }
0xa1: {  	_ =	strace $0x9000004A  }
0xa2: {  	s0 =	stileid.u32;
	[bflag:$0x2] =	sbarrier.arrive $0xFFFF  }
0xa3: {  	p0 =	sne.s32 s0, $0x0;
	s0 =	rddreg [dreg:$0x3]  }
0xa4: {  	s0 =	sadd.s32 @!p0 $0x100000, s0  }
0xa5: {  	[sflag:s0] =	ssyncadd.tile.s32 @!p0 $0x1;
	_ =	shalt  }
.Lfunc_end2:
_tile_overlayer_lowered:
.L_overlay_start_2:
0xa6: {  	(tag) =	ssettag $0x2  }
0xa7: {  	s0 =	rddreg [dreg:$0x0];
	s2 =	stileid.u32  }
0xa8: {  	s1 =	rddreg [dreg:$0x1];
	p0 =	sne.s32 s2, $0x0  }
0xa9: {  	s3 =	rddreg [dreg:$0x2];
	[bflag:$0x3] =	sbarrier.arrive $0xFFFF;
	s2 =	simm.s32 @!p0 $0x1C05  }
0xaa: {  	[timem:s3], [sflag:s2] =	dma.local @!p0 [hbm:s0], s1  }
0xab: {  	s0 =	simm.s32 @!p0 $0x5  }
0xac: {  	_ =	swait.ge @!p0 [sflag:s0], s1  }
0xad: {  	s1 =	ssub.s32 @!p0 $0x0, s1;
	[sflag:s0] =	ssyncset.done @!p0 $0x0  }
0xae: {  	[sflag:s0] =	ssyncadd.s32 @!p0 s1  }
0xaf: {  	[bflag:$0x3] =	sbarrier.arrive $0xFFFF  }
0xb0: {  	_ =	shalt  }

// kernel: kernel.16.cloned.1.call-start
scs
__scs_entry_jumppad:
0x0: {  	(pc) =	sbr.rel $0x88, $3  }
0x1: {  	(tag) =	ssettag $0x0;
	lr =	simm.s32 $0x1  }
0x2: {  	[smem:$0x3F95] =	sst lr;
	_ =	strace $0xD0000000  }
0x3: {  	_ = 	snop  }
0x4: {  	_ = 	snop  }
0x5: {  	_ = 	snop  }
0x6: {  	_ = 	snop  }
0x7: {  	_ = 	snop  }
__scs_overlays_trampoline_lowered:
0x8: {  	[smem:$0x3FA4] =	sst s0  }
0x9: {  	[smem:$0x3FA5] =	sst s1  }
0xa: {  	[smem:$0x3FA6] =	sst s2  }
0xb: {  	[smem:$0x3FA7] =	sst s3  }
0xc: {  	[smem:$0x3FA8] =	sst s4  }
0xd: {  	[smem:$0x3FA9] =	sst s5  }
0xe: {  	[smem:$0x3FAA] =	sst s6  }
0xf: {  	[smem:$0x3FAB] =	sst s7  }
0x10: {  	[smem:$0x3FAC] =	sst s8  }
0x11: {  	[smem:$0x3FAD] =	sst s9;
	s0 =	simm.s32 @!p0 $0x0  }
0x12: {  	s1 =	sld [smem:$0x3F93];
	s0 =	simm.s32 @p0 $0x1  }
0x13: {  	[smem:$0x3FAE] =	sst s0;
	s0 =	simm.s32 @!p1 $0x0  }
0x14: {  	s2 =	sld [smem:$0x3F92];
	s0 =	simm.s32 @p1 $0x1  }
0x15: {  	[smem:$0x3FAF] =	sst s0;
	s0 =	simm.s32 @!p2 $0x0  }
0x16: {  	s3 =	sld [smem:$0x3FDB];
	s0 =	simm.s32 @p2 $0x1  }
0x17: {  	s4 =	simm.s32 $0x1BF5;
	[smem:$0x3FB1] =	sst s0  }
0x18: {  	s0 =	sld [smem:$0x3F94];
	_ =	swait.ge [sflag:s4], $0x0  }
0x19: {  	s7 =	sld [smem:$0x3F95]  }
0x1a: {  	s8 =	sadd.s32 $0xFFFFE003, lr  }
0x1b: {  	s9 =	sadd.s32 $0xFFFFFEF7, lr;
	s5 =	simm.s32 $0xFFFFFFFF;
	p2 =	slt.u32 s8, $0xFFFFF086  }
0x1c: {  	p1 =	slt.u32 s9, $0xF7A;
	s5 =	simm.s32 @!p2 $0x0  }
0x1d: {  	s5 =	simm.s32 @p1 $0x1;
	p0 =	seq.s32 s7, s2  }
0x1e: {  	s7 =	smul.u32 @!p0 $0xF7A, s2;
	p2 =	seq.s32 @!p0 s5, $0x0  }
0x1f: {  	s9 =	smul.u32 $0xF7A, s1;
	s8 =	simm.s32 @!p0 $0x1BF5;
	p2 =	por !p2, p0  }
0x20: {  	[sflag:s8] =	ssyncset.s32 @!p0 $0xFFFFF086;
	s6 =	sadd.s32 @!p0 s3, s7;
	s7 =	simm.s32 @!p0 $0x108  }
0x21: {  	s3 =	sadd.s32 s3, s9;
	s6 =	sadd.s32 @!p0 $0x88, s6;
	s7 =	simm.s32 @p2 $0x1082  }
0x22: {  	[simem:s7], [sflag:s8] =	dma.local @!p0 [hbm:s6], $0xF7A  }
0x23: {  	s9 =	sor.u32 $0xD0000000, s2;
	s6 =	simm.s32 $0x108;
	_ =	swait.ge @!p0 [sflag:s8], $0x0  }
0x24: {  	s3 =	sadd.s32 $0x88, s3;
	s6 =	simm.s32 @!p1 $0x1082;
	[sflag:s4] =	ssyncset.s32 $0xFFFFF086  }
0x25: {  	[simem:s6], [sflag:s4] =	dma.local [hbm:s3], $0xF7A  }
0x26: {  	[smem:$0x3F95] =	sst s1;
	(tag) =	ssettag s2;
	_ =	strace s9  }
0x27: {  	s1 =	sld [smem:$0x3FA5]  }
0x28: {  	s2 =	sld [smem:$0x3FA6]  }
0x29: {  	s4 =	sld [smem:$0x3FA8]  }
0x2a: {  	p0 =	seq.s32 s5, $0x0;
	s5 =	sld [smem:$0x3FA9]  }
0x2b: {  	s6 =	sld [smem:$0x3FAA]  }
0x2c: {  	s7 =	sld [smem:$0x3FAB]  }
0x2d: {  	s3 =	simm.s32 $0x108;
	s8 =	sld [smem:$0x3FAC]  }
0x2e: {  	s3 =	simm.s32 @!p0 $0x1082;
	s9 =	sld [smem:$0x3FAD]  }
0x2f: {  	lr =	sadd.s32 s0, s3;
	s0 =	sld [smem:$0x3FA4]  }
0x30: {  	s3 =	sld [smem:$0x3FA7]  }
0x31: {  	[smem:$0x3FB0] =	sst s10  }
0x32: {  	s10 =	sld [smem:$0x3FAE];
	_ =	sdelay $0x3  }
0x33: {  	p0 =	seq.s32 s10, $0x1;
	s10 =	sld [smem:$0x3FB0];
	_ =	sdelay $0x3  }
0x34: {  	[smem:$0x3FB0] =	sst s10  }
0x35: {  	s10 =	sld [smem:$0x3FAF];
	_ =	sdelay $0x3  }
0x36: {  	p1 =	seq.s32 s10, $0x1;
	s10 =	sld [smem:$0x3FB0];
	_ =	sdelay $0x3  }
0x37: {  	[smem:$0x3FB0] =	sst s10  }
0x38: {  	s10 =	sld [smem:$0x3FB1]  }
0x39: {  	_ = 	snop;
	(pc) =	sbr.ind lr, $3  }
0x3a: {  	_ = 	snop  }
0x3b: {  	_ = 	snop  }
0x3c: {  	p2 =	seq.s32 s10, $0x1;
	s10 =	sld [smem:$0x3FB0]  }
0x3d: {  	_ =	shalt  }
0x3e: {  	_ =	shalt  }
0x3f: {  	_ =	shalt  }
0x40: {  	_ =	shalt  }
0x41: {  	_ =	shalt  }
0x42: {  	_ =	shalt  }
0x43: {  	_ =	shalt  }
0x44: {  	_ =	shalt  }
0x45: {  	_ =	shalt  }
0x46: {  	_ =	shalt  }
0x47: {  	_ =	shalt  }
0x48: {  	_ =	shalt  }
0x49: {  	_ =	shalt  }
0x4a: {  	_ =	shalt  }
0x4b: {  	_ =	shalt  }
0x4c: {  	_ =	shalt  }
0x4d: {  	_ =	shalt  }
0x4e: {  	_ =	shalt  }
0x4f: {  	_ =	shalt  }
0x50: {  	_ =	shalt  }
0x51: {  	_ =	shalt  }
0x52: {  	_ =	shalt  }
0x53: {  	_ =	shalt  }
0x54: {  	_ =	shalt  }
0x55: {  	_ =	shalt  }
0x56: {  	_ =	shalt  }
0x57: {  	_ =	shalt  }
0x58: {  	_ =	shalt  }
0x59: {  	_ =	shalt  }
0x5a: {  	_ =	shalt  }
0x5b: {  	_ =	shalt  }
0x5c: {  	_ =	shalt  }
0x5d: {  	_ =	shalt  }
0x5e: {  	_ =	shalt  }
0x5f: {  	_ =	shalt  }
0x60: {  	_ =	shalt  }
0x61: {  	_ =	shalt  }
0x62: {  	_ =	shalt  }
0x63: {  	_ =	shalt  }
0x64: {  	_ =	shalt  }
0x65: {  	_ =	shalt  }
0x66: {  	_ =	shalt  }
0x67: {  	_ =	shalt  }
0x68: {  	_ =	shalt  }
0x69: {  	_ =	shalt  }
0x6a: {  	_ =	shalt  }
0x6b: {  	_ =	shalt  }
0x6c: {  	_ =	shalt  }
0x6d: {  	_ =	shalt  }
0x6e: {  	_ =	shalt  }
0x6f: {  	_ =	shalt  }
0x70: {  	_ =	shalt  }
0x71: {  	_ =	shalt  }
0x72: {  	_ =	shalt  }
0x73: {  	_ =	shalt  }
0x74: {  	_ =	shalt  }
0x75: {  	_ =	shalt  }
0x76: {  	_ =	shalt  }
0x77: {  	_ =	shalt  }
0x78: {  	_ =	shalt  }
0x79: {  	_ =	shalt  }
0x7a: {  	_ =	shalt  }
0x7b: {  	_ =	shalt  }
0x7c: {  	_ =	shalt  }
0x7d: {  	_ =	shalt  }
0x7e: {  	_ =	shalt  }
0x7f: {  	_ =	shalt  }
0x80: {  	_ =	shalt  }
0x81: {  	_ =	shalt  }
0x82: {  	_ =	shalt  }
0x83: {  	_ =	shalt  }
0x84: {  	_ =	shalt  }
0x85: {  	_ =	shalt  }
0x86: {  	_ =	shalt  }
0x87: {  	_ =	shalt  }
.Lfunc_end0:
.L_simem_size_0:
called_computation.2_lowered:
.L_overlay_start_0:
0x88: {  	s2 =	sld [smem:$0x3FD9]  }
0x89: {  	s3 =	sld [smem:$0x3FFE];
	_ =	sdelay $0x1  }
0x8a: {  	s1 =	srdreg.scid  }
0x8b: {  	s0 =	sand.u32 $0x1, s1  }
0x8c: {  	s17 =	sshll.u32 s0, $0xA;
	s2 =	sadd.s32 s3, s2  }
0x8d: {  	s2 =	sadd.s32 s2, s17  }
0x8e: {  	[smem:$0x3FBC] =	sst s2  }
0x8f: {  	_ = 	snop  }
0x90: {  	s2 =	sld [smem:$0x3FD0];
	(tm) =	ssettm $0x1  }
0x91: {  	s18 =	sld [smem:$0x3FFB];
	_ =	sdelay $0x3  }
0x92: {  	_ =	strace s18  }
0x93: {  	s3 =	sld [smem:$0x3FFC];
	_ =	sdelay $0x3  }
0x94: {  	_ =	strace s3  }
0x95: {  	s3 =	sld [smem:$0x3FFD];
	_ =	sdelay $0x3  }
0x96: {  	_ =	strace s3  }
0x97: {  	_ =	strace $0x8FFFFFFF  }
0x98: {  	s19 =	sld [smem:$0x3FDB];
	_ =	sdelay $0x1  }
0x99: {  	s4 =	simm.s32 $_scs_section_size  }
0x9a: {  	s5 =	simm.s32 $_size__tile_overlayer_lowered;
	s6 =	simm.s32 $_tile_overlayer_lowered  }
0x9b: {  	s22 =	simm.s32 $0x1BFF;
	s21 =	sshll.u32 s6, $0x1;
	s3 =	sadd.s32 s4, s19  }
0x9c: {  	s7 =	simm.s32 $0x0;
	s20 =	sshll.u32 s5, $0x1;
	s5 =	sadd.s32 s21, s3  }
0x9d: {  	[timem:s7], [sflag:s22] =	dma.local [hbm:s5], s20  }
0x9e: {  	_ =	swait.ge [sflag:s22], s20  }
0x9f: {  	s4 =	ssub.s32 $0x0, s20;
	[sflag:s22] =	ssyncset.done $0x0  }
0xa0: {  	[sflag:s22] =	ssyncadd.s32 s4;
	_ =	sdelay $0x1  }
0xa1: {  	s23 =	simm.s32 $0x1B8B  }
0xa2: {  	_ =	swait.ge [sflag:s23], $0x1  }
0xa3: {  	[sflag:s23] =	ssyncset.done $0x0  }
0xa4: {  	s25 =	simm.s32 $0x1B8E;
	s24 =	sld [smem:$0x3FFE];
	[sflag:s23] =	ssyncadd.s32 $0xFFFFFFFF  }
0xa5: {  	s26 =	simm.s32 $execute0_lowered;
	[smem:$0x3FD2] =	sst s25  }
0xa6: {  	s5 =	sshll.u32 s26, $0x1;
	_ =	strace $0x8000004C;
	[dreg:$0x1] =	wrdreg $0xFFFFFFFF  }
0xa7: {  	s28 =	simm.s32 $_size_execute0_lowered;
	s3 =	sadd.s32 s3, s5;
	[dreg:$0x0] =	wrdreg $0x0  }
0xa8: {  	s5 =	sshll.u32 s28, $0x1;
	[dreg:$0x2] =	wrdreg s3  }
0xa9: {  	[dreg:$0x3] =	wrdreg s5  }
0xaa: {  	[dreg:$0x4] =	wrdreg $0xC0  }
0xab: {  	_ =	task [dreg:s7], $0x5FFFF  }
0xac: {  	[dreg:$0x1] =	wrdreg $0xFFFFFFFF  }
0xad: {  	[dreg:$0x0] =	wrdreg $0x60  }
0xae: {  	[dreg:$0x2] =	wrdreg s24  }
0xaf: {  	[dreg:$0x3] =	wrdreg s2  }
0xb0: {  	[dreg:$0x4] =	wrdreg $0x88000  }
0xb1: {  	[dreg:$0x5] =	wrdreg $0x9  }
0xb2: {  	_ =	task.clear_ibuf [dreg:s7], $0x6FFFF;
	_ =	strace $0x9000004C  }
0xb3: {  	s29 =	simm.s32 $0x9;
	_ =	strace $0x8000004E  }
0xb4: {  	_ =	swait.ge [sflag:s29], $0x1  }
0xb5: {  	[sflag:s29] =	ssyncadd.s32 $0xFFFFFFFF  }
0xb6: {  	_ =	strace $0x9000004E  }
0xb7: {  	_ =	sfence  }
0xb8: {  	s30 =	sld [smem:$0x0];
	_ =	sdelay $0x2  }
0xb9: {  	s31 =	sshll.u32 s1, $0xD;
	s1 =	sshrl.u32 s1, $0x2  }
0xba: {  	s3 =	sand.u32 $0x4000, s31;
	s1 =	sadd.s32 s1, s30  }
0xbb: {  	s0 =	sor.u32 s3, s0;
	s1 =	sshll.u32 s1, $0x11  }
0xbc: {  	s0 =	sor.u32 s1, s0  }
0xbd: {  	s0 =	sadd.s32 $0x8F2B, s0  }
0xbe: {  	[sflag:s0] =	ssyncadd.remote.s32 $0x1  }
0xbf: {  	_ =	sfence.sel $0xFFFF  }
0xc0: {  	[dreg:$0x0] =	wrdreg $0xFFFFFFFF;
	(pc) =	sbr.abs _section_cstart, $3  }
0xc1: {  	[dreg:$0x1] =	wrdreg $0xFFFFFFFF  }
0xc2: {  	_ =	task.clear_ibuf [dreg:s7], $0x2FFFF;
	_ =	strace $0x9FFFFFFF  }
0xc3: {  	(tm) =	ssettm $0x7FFFFFFF  }
tec
execute0_lowered:
.L_overlay_start_1:
0x0: {  	(tag) =	ssettag $0x1  }
0x1: {  	s0 =	rddreg [dreg:$0x0]  }
0x2: {  	s2 =	rddreg [dreg:$0x1]  }
0x3: {  	s1 =	rddreg [dreg:$0x2]  }
0x4: {  	s3 =	srdreg.scid;
	s11 =	stileid.u32  }
0x5: {  	s28 =	simm.s32 $0x100;
	s29 =	simm.s32 $0x2;
	s30 =	simm.s32 $0x480  }
0x6: {  	s31 =	simm.s32 $0x180;
	s13 =	simm.s32 $0x0;
	s7 =	smul.u32 $0x14000, s11  }
0x7: {  	s5 =	sand.u32 $0x1, s3;
	s3 =	simm.s32 $0x0;
	s10 =	smul.u32 $0x50000, s11  }
0x8: {  	s4 =	sadd.s32 $0xDA00, s0;
	s17 =	sadd.s32 $0x3A00, s0;
	s22 =	smul.u32 $0x2800, s11  }
0x9: {  	s9 =	sadd.s32 $0x35A00, s0;
	s24 =	sshll.u32 s11, $0x6;
	s6 =	smul.u32 $0x140000, s5  }
0xa: {  	[smem:$0x7FF] =	sst s3;
	s8 =	sshll.u32 s5, $0x4;
	s18 =	ssub.s32 $0x2, s5  }
0xb: {  	s5 =	smul.u32 $0x28000, s5;
	_ =	strace $0x8000004D;
	s16 =	sor.u32 s11, s8  }
0xc: {  	[dreg:$0x4] =	wrdreg s9;
	s19 =	sshrl.u32 s18, $0x1;
	s23 =	sshrl.u32 s10, $0x2  }
0xd: {  	s8 =	simm.s32 $0x680;
	s9 =	simm.s32 $0x380;
	s10 =	simm.s32 $0x780  }
0xe: {  	s6 =	sadd.s32 s7, s6;
	s7 =	smul.u32 $0x2800, s16;
	s5 =	sadd.s32 s22, s5  }
0xf: {  	s6 =	sshrl.u32 s6, $0x3;
	s25 =	sor.u32 $0x600, s5;
	s5 =	sor.u32 $0x400, s5  }
0x10: {  	s0 =	sadd.s32 s6, s0;
	s7 =	sshrl.u32 s7, $0x3;
	s6 =	ssub.s32 s18, s19  }
0x11: {  	s26 =	sshrl.u32 s5, $0x3;
	s19 =	simm.s32 $0x200;
	s20 =	sadd.s32 s2, s7  }
0x12: {  	s5 =	simm.s32 $0x580;
	s21 =	sadd.s32 s17, s7;
	[dreg:$0x5] =	wrdreg s20  }
0x13: {  	s7 =	sor.u32 $0x40, s7;
	s0 =	sadd.s32 $0x38200, s0;
	[dreg:$0x6] =	wrdreg s21  }
0x14: {  	s6 =	smax.u32 s6, $0x1;
	s16 =	sadd.s32 s26, s17;
	[dreg:$0xb] =	wrdreg s0  }
0x15: {  	s12 =	sadd.s32 s2, s7;
	s7 =	sadd.s32 s17, s7;
	[dreg:$0xc] =	wrdreg s6  }
0x16: {  	s0 =	sshrl.u32 s25, $0x3;
	s20 =	simm.s32 $0x600;
	s21 =	simm.s32 $0x5  }
0x17: {  	s25 =	simm.s32 $0x4800;
	s6 =	simm.s32 $0x280;
	[dreg:$0x7] =	wrdreg s12  }
.Ltmp0:
0x18: {  	[dreg:$0x8] =	wrdreg s7;
	s7 =	sadd.s32 s23, s1;
	(pc) =	sbr.rel .LBB2_1-.Ltmp0, $4  }
0x19: {  	s12 =	sor.u32 $0x1C05, s24;
	s14 =	sadd.s32 s0, s17;
	s15 =	sadd.s32 s0, s2  }
0x1a: {  	s17 =	sadd.s32 s26, s2;
	s23 =	simm.s32 $0x80;
	s24 =	simm.s32 $0x800  }
0x1b: {  	s26 =	simm.s32 $0x1;
	s0 =	simm.s32 $0x4;
	[dreg:$0x9] =	wrdreg s7  }
0x1c: {  	s2 =	simm.s32 $0x500;
	s7 =	simm.s32 $0x300;
	[dreg:$0xa] =	wrdreg s12  }
.LBB2_4:
0x1d: {  	[bflag:$0x0] =	sbarrier.arrive $0xFFFF  }
0x1e: {  	s12 =	rddreg [dreg:$0xa]  }
0x1f: {  	s11 =	rddreg [dreg:$0xb]  }
0x20: {  	s13 =	rddreg [dreg:$0xe]  }
0x21: {  	[hbm:s11], [sflag:s12] =	dma.local [spmem:s13], $0x2800  }
0x22: {  	_ =	swait.ge [sflag:s21], $0x2800  }
0x23: {  	s18 =	rddreg [dreg:$0xd]  }
0x24: {  	s22 =	rddreg [dreg:$0xc];
	s13 =	sadd.s32 $0x1, s18  }
0x25: {  	p0 =	sne.s32 s13, s22  }
.Ltmp1:
0x26: {  	_ = 	snop;
	(pc) =	sbr.rel @!p0 .LBB2_5-.Ltmp1, $3  }
0x27: {  	_ =	sdelay $0x1  }
0x28: {  	[sflag:s21] =	ssyncset.done $0x0  }
0x29: {  	[sflag:s21] =	ssyncadd.s32 $0xFFFFD800  }
.LBB2_1:
0x2a: {  	[dreg:$0xd] =	wrdreg s13  }
0x2b: {  	s11 =	rddreg [dreg:$0x5]  }
0x2c: {  	s18 =	rddreg [dreg:$0x6]  }
0x2d: {  	[tilespmem:s3], [sflag:$0x3] =	stream.linear.gather [hbm4b:s11+s3], $0x200, $0x38;
	[tilespmem:$0x1C800] =	vst v63  }
0x2e: {  	s22 =	simm.s32 $0x400;
	s13 =	rddreg [dreg:$0x7]  }
0x2f: {  	[tilespmem:s22], [sflag:$0x3] =	stream.linear.gather [hbm4b:s18+s3], $0x200, $0x38;
	[tilespmem:$0x1C800] =	vst v63  }
0x30: {  	s22 =	rddreg [dreg:$0x9]  }
0x31: {  	s18 =	rddreg [dreg:$0x8];
	s11 =	sshrl.u32 s22, $0x3  }
0x32: {  	[tilespmem:s19], [sflag:$0x4] =	stream.linear.gather [hbm4b:s13+s3], $0x200, $0x38;
	[tilespmem:$0x1C800] =	vst v63  }
0x33: {  	[dreg:$0xe] =	wrdreg s11  }
0x34: {  	[tilespmem:s20], [sflag:$0x4] =	stream.linear.gather [hbm4b:s18+s3], $0x200, $0x38;
	[tilespmem:$0x1C800] =	vst v63  }
0x35: {  	s18 =	rddreg [dreg:$0x4]  }
0x36: {  	[spmem:s11], [sflag:s12] =	dma.local [hbm:s18], $0x2800  }
0x37: {  	_ =	swait.ge [sflag:s21], $0x2800  }
0x38: {  	[sflag:s21] =	ssyncset.done $0x0  }
0x39: {  	[sflag:s21] =	ssyncadd.s32 $0xFFFFD800  }
0x3a: {  	s22 =	simm.s32 $0x3;
	[bflag:$0x0] =	sbarrier.arrive $0xFFFF  }
0x3b: {  	_ =	swait.ge [sflag:s22], $0x200  }
0x3c: {  	[sflag:s22] =	ssyncset.done $0x0  }
0x3d: {  	[sflag:s22] =	ssyncadd.s32 $0xFFFFFE00  }
0x3e: {  	_ =	swait.ge [sflag:s22], $0x200  }
0x3f: {  	[sflag:s22] =	ssyncset.done $0x0  }
0x40: {  	[sflag:s22] =	ssyncadd.s32 $0xFFFFFE00  }
0x41: {  	[tilespmem:s24], [sflag:$0x1] =	stream.indirect.gather [hbm4b:s4+s23], $0x80, s3, s23, $0xb8;
	[tilespmem:$0x1C800] =	vst v63  }
0x42: {  	s11 =	simm.s32 $0x0  }
0x43: {  	[tilespmem:s25], [sflag:$0x2] =	stream.indirect.gather [hbm4b:s4+s23], $0x80, s23, s23, $0xb8;
	[tilespmem:$0x1C800] =	vst v63  }
.LBB2_2:
0x44: {  	_ =	swait.ge [sflag:s26], $0x4000  }
0x45: {  	[sflag:s26] =	ssyncset.done $0x0  }
0x46: {  	s12 =	simm.s32 $0x400;
	[sflag:s26] =	ssyncadd.s32 $0xFFFFC000  }
0x47: {  	[spmem:s1] =	stream.indirect.scatter.add.f32 [tilespmem:s24], [sflag:$0x5], $0x80, s12, s23, $0xb8;
	[tilespmem:$0x1C800] =	vst v63  }
0x48: {  	_ =	swait.ge [sflag:s21], $0x4000  }
0x49: {  	[sflag:s21] =	ssyncset.done $0x0  }
0x4a: {  	[sflag:s21] =	ssyncadd.s32 $0xFFFFC000  }
0x4b: {  	[tilespmem:s24], [sflag:$0x1] =	stream.indirect.gather [hbm4b:s4+s23], $0x80, s28, s23, $0xb8;
	[tilespmem:$0x1C800] =	vst v63  }
0x4c: {  	_ =	swait.ge [sflag:s29], $0x4000  }
0x4d: {  	[sflag:s29] =	ssyncset.done $0x0  }
0x4e: {  	[sflag:s29] =	ssyncadd.s32 $0xFFFFC000  }
0x4f: {  	[spmem:s1] =	stream.indirect.scatter.add.f32 [tilespmem:s25], [sflag:$0x5], $0x80, s30, s23, $0xb8;
	[tilespmem:$0x1C800] =	vst v63  }
0x50: {  	_ =	swait.ge [sflag:s21], $0x4000  }
0x51: {  	[sflag:s21] =	ssyncset.done $0x0  }
0x52: {  	[sflag:s21] =	ssyncadd.s32 $0xFFFFC000  }
0x53: {  	[tilespmem:s25], [sflag:$0x2] =	stream.indirect.gather [hbm4b:s4+s23], $0x80, s31, s23, $0xb8;
	[tilespmem:$0x1C800] =	vst v63  }
0x54: {  	_ =	swait.ge [sflag:s26], $0x4000  }
0x55: {  	[sflag:s26] =	ssyncset.done $0x0  }
0x56: {  	[sflag:s26] =	ssyncadd.s32 $0xFFFFC000  }
0x57: {  	_ =	swait.ge [sflag:s0], $0x200  }
0x58: {  	[sflag:s0] =	ssyncset.done $0x0  }
0x59: {  	[sflag:s0] =	ssyncadd.s32 $0xFFFFFE00  }
0x5a: {  	_ =	swait.ge [sflag:s0], $0x200  }
0x5b: {  	[sflag:s0] =	ssyncset.done $0x0  }
0x5c: {  	[sflag:s0] =	ssyncadd.s32 $0xFFFFFE00  }
0x5d: {  	[spmem:s1] =	stream.indirect.scatter.add.f32 [tilespmem:s24], [sflag:$0x5], $0x80, s2, s23, $0xb8;
	[tilespmem:$0x1C800] =	vst v63  }
0x5e: {  	_ =	swait.ge [sflag:s21], $0x4000  }
0x5f: {  	[sflag:s21] =	ssyncset.done $0x0  }
0x60: {  	[sflag:s21] =	ssyncadd.s32 $0xFFFFC000  }
0x61: {  	[tilespmem:s24], [sflag:$0x1] =	stream.indirect.gather [hbm4b:s4+s23], $0x80, s19, s23, $0xb8;
	[tilespmem:$0x1C800] =	vst v63  }
0x62: {  	_ =	swait.ge [sflag:s29], $0x4000  }
0x63: {  	[sflag:s29] =	ssyncset.done $0x0  }
0x64: {  	[sflag:s29] =	ssyncadd.s32 $0xFFFFC000  }
0x65: {  	[spmem:s1] =	stream.indirect.scatter.add.f32 [tilespmem:s25], [sflag:$0x5], $0x80, s5, s23, $0xb8;
	[tilespmem:$0x1C800] =	vst v63  }
0x66: {  	_ =	swait.ge [sflag:s21], $0x4000  }
0x67: {  	[sflag:s21] =	ssyncset.done $0x0  }
0x68: {  	p0 =	seq.s32 s11, $0x480;
	[sflag:s21] =	ssyncadd.s32 $0xFFFFC000  }
0x69: {  	[tilespmem:s25], [sflag:$0x2] =	stream.indirect.gather [hbm4b:s4+s23], $0x80, s6, s23, $0xb8;
	[tilespmem:$0x1C800] =	vst v63  }
0x6a: {  	s22 =	sadd.s32 @!p0 s11, s17;
	s13 =	simm.s32 @!p0 $0x0  }
0x6b: {  	[tilespmem:s13], [sflag:$0x3] =	stream.linear.gather @!p0 [hbm4b:s22+s13], $0x200, $0x38;
	[tilespmem:$0x1C800] =	vst v63  }
0x6c: {  	s12 =	simm.s32 @!p0 $0x400;
	s22 =	sadd.s32 @!p0 s11, s16  }
0x6d: {  	[tilespmem:s12], [sflag:$0x3] =	stream.linear.gather @!p0 [hbm4b:s22+s13], $0x200, $0x38;
	[tilespmem:$0x1C800] =	vst v63  }
0x6e: {  	_ =	swait.ge [sflag:s26], $0x4000  }
0x6f: {  	[sflag:s26] =	ssyncset.done $0x0  }
0x70: {  	[sflag:s26] =	ssyncadd.s32 $0xFFFFC000  }
0x71: {  	[spmem:s1] =	stream.indirect.scatter.add.f32 [tilespmem:s24], [sflag:$0x5], $0x80, s20, s23, $0xb8;
	[tilespmem:$0x1C800] =	vst v63  }
0x72: {  	_ =	swait.ge [sflag:s21], $0x4000  }
0x73: {  	[sflag:s21] =	ssyncset.done $0x0  }
0x74: {  	[sflag:s21] =	ssyncadd.s32 $0xFFFFC000  }
0x75: {  	[tilespmem:s24], [sflag:$0x1] =	stream.indirect.gather [hbm4b:s4+s23], $0x80, s7, s23, $0xb8;
	[tilespmem:$0x1C800] =	vst v63  }
0x76: {  	_ =	swait.ge [sflag:s29], $0x4000  }
0x77: {  	[sflag:s29] =	ssyncset.done $0x0  }
0x78: {  	[sflag:s29] =	ssyncadd.s32 $0xFFFFC000  }
0x79: {  	[spmem:s1] =	stream.indirect.scatter.add.f32 [tilespmem:s25], [sflag:$0x5], $0x80, s8, s23, $0xb8;
	[tilespmem:$0x1C800] =	vst v63  }
0x7a: {  	_ =	swait.ge [sflag:s21], $0x4000  }
0x7b: {  	[sflag:s21] =	ssyncset.done $0x0  }
0x7c: {  	[sflag:s21] =	ssyncadd.s32 $0xFFFFC000  }
0x7d: {  	[tilespmem:s25], [sflag:$0x2] =	stream.indirect.gather [hbm4b:s4+s23], $0x80, s9, s23, $0xb8;
	[tilespmem:$0x1C800] =	vst v63  }
0x7e: {  	_ =	swait.ge [sflag:s26], $0x4000  }
0x7f: {  	s18 =	simm.s32 @p0 $0x800;
	[sflag:s26] =	ssyncset.done $0x0  }
0x80: {  	s12 =	simm.s32 @p0 $0x80;
	s22 =	simm.s32 @p0 $0x700;
	[sflag:s26] =	ssyncadd.s32 $0xFFFFC000  }
0x81: {  	[spmem:s1] =	stream.indirect.scatter.add.f32 @p0 [tilespmem:s18], [sflag:$0x5], $0x80, s22, s12, $0xb8;
	[tilespmem:$0x1C800] =	vst v63  }
0x82: {  	s12 =	simm.s32 @p0 $0x5  }
0x83: {  	_ =	swait.ge @p0 [sflag:s12], $0x4000  }
0x84: {  	[sflag:s12] =	ssyncset.done @p0 $0x0  }
0x85: {  	[sflag:s12] =	ssyncadd.s32 @p0 $0xFFFFC000;
	s12 =	simm.s32 @!p0 $0x3  }
0x86: {  	_ =	swait.ge @!p0 [sflag:s12], $0x200  }
0x87: {  	[sflag:s12] =	ssyncset.done @!p0 $0x0  }
0x88: {  	[sflag:s12] =	ssyncadd.s32 @!p0 $0xFFFFFE00  }
0x89: {  	_ =	swait.ge @!p0 [sflag:s12], $0x200  }
0x8a: {  	s18 =	simm.s32 @!p0 $0x700;
	[sflag:s12] =	ssyncset.done @!p0 $0x0  }
0x8b: {  	s22 =	simm.s32 @!p0 $0x800;
	[sflag:s12] =	ssyncadd.s32 @!p0 $0xFFFFFE00;
	s12 =	simm.s32 @!p0 $0x80  }
0x8c: {  	[spmem:s1] =	stream.indirect.scatter.add.f32 @!p0 [tilespmem:s22], [sflag:$0x5], $0x80, s18, s12, $0xb8;
	[tilespmem:$0x1C800] =	vst v63  }
0x8d: {  	s18 =	simm.s32 @!p0 $0x5  }
0x8e: {  	_ =	swait.ge @!p0 [sflag:s18], $0x4000  }
0x8f: {  	[sflag:s18] =	ssyncset.done @!p0 $0x0  }
0x90: {  	[sflag:s18] =	ssyncadd.s32 @!p0 $0xFFFFC000  }
0x91: {  	[tilespmem:s22], [sflag:$0x1] =	stream.indirect.gather @!p0 [hbm4b:s4+s12], $0x80, s13, s12, $0xb8;
	[tilespmem:$0x1C800] =	vst v63  }
0x92: {  	_ =	swait.ge [sflag:s29], $0x4000  }
0x93: {  	[sflag:s29] =	ssyncset.done $0x0  }
.Ltmp2:
0x94: {  	[sflag:s29] =	ssyncadd.s32 $0xFFFFC000;
	(pc) =	sbr.rel @p0 .LBB2_4-.Ltmp2, $4  }
0x95: {  	[spmem:s1] =	stream.indirect.scatter.add.f32 [tilespmem:s25], [sflag:$0x5], $0x80, s10, s23, $0xb8;
	[tilespmem:$0x1C800] =	vst v63  }
0x96: {  	_ =	swait.ge [sflag:s21], $0x4000  }
0x97: {  	[sflag:s21] =	ssyncset.done $0x0  }
0x98: {  	[sflag:s21] =	ssyncadd.s32 $0xFFFFC000  }
0x99: {  	[tilespmem:s25], [sflag:$0x2] =	stream.indirect.gather [hbm4b:s4+s23], $0x80, s23, s23, $0xb8;
	[tilespmem:$0x1C800] =	vst v63  }
.Ltmp3:
0x9a: {  	_ = 	snop;
	(pc) =	sbr.rel .LBB2_2-.Ltmp3, $4  }
0x9b: {  	s12 =	sadd.s32 s11, s15  }
0x9c: {  	[tilespmem:s19], [sflag:$0x4] =	stream.linear.gather [hbm4b:s12+s3], $0x200, $0x38;
	[tilespmem:$0x1C800] =	vst v63  }
0x9d: {  	s22 =	sadd.s32 s11, s14;
	s11 =	sadd.s32 $0x80, s11  }
0x9e: {  	[tilespmem:s20], [sflag:$0x4] =	stream.linear.gather [hbm4b:s22+s3], $0x200, $0x38;
	[tilespmem:$0x1C800] =	vst v63  }
.LBB2_5:
0x9f: {  	_ =	sfence.sel $0x180000  }
0xa0: {  	[bflag:$0x0] =	sbarrier.arrive $0xFFFF  }
0xa1: {  	_ =	strace $0x9000004D  }
0xa2: {  	s0 =	stileid.u32;
	[bflag:$0x2] =	sbarrier.arrive $0xFFFF  }
0xa3: {  	p0 =	sne.s32 s0, $0x0;
	s0 =	rddreg [dreg:$0x3]  }
0xa4: {  	s0 =	sadd.s32 @!p0 $0x100000, s0  }
0xa5: {  	[sflag:s0] =	ssyncadd.tile.s32 @!p0 $0x1;
	_ =	shalt  }
.Lfunc_end2:
_tile_overlayer_lowered:
.L_overlay_start_2:
0xa6: {  	(tag) =	ssettag $0x2  }
0xa7: {  	s0 =	rddreg [dreg:$0x0];
	s2 =	stileid.u32  }
0xa8: {  	s1 =	rddreg [dreg:$0x1];
	p0 =	sne.s32 s2, $0x0  }
0xa9: {  	s3 =	rddreg [dreg:$0x2];
	[bflag:$0x3] =	sbarrier.arrive $0xFFFF;
	s2 =	simm.s32 @!p0 $0x1C05  }
0xaa: {  	[timem:s3], [sflag:s2] =	dma.local @!p0 [hbm:s0], s1  }
0xab: {  	s0 =	simm.s32 @!p0 $0x5  }
0xac: {  	_ =	swait.ge @!p0 [sflag:s0], s1  }
0xad: {  	s1 =	ssub.s32 @!p0 $0x0, s1;
	[sflag:s0] =	ssyncset.done @!p0 $0x0  }
0xae: {  	[sflag:s0] =	ssyncadd.s32 @!p0 s1  }
0xaf: {  	[bflag:$0x3] =	sbarrier.arrive $0xFFFF  }
0xb0: {  	_ =	shalt  }

// kernel: kernel.19.cloned.1.call-start
scs
__scs_entry_jumppad:
0x0: {  	(pc) =	sbr.rel $0x88, $3  }
0x1: {  	(tag) =	ssettag $0x0;
	lr =	simm.s32 $0x1  }
0x2: {  	[smem:$0x3F95] =	sst lr;
	_ =	strace $0xD0000000  }
0x3: {  	_ = 	snop  }
0x4: {  	_ = 	snop  }
0x5: {  	_ = 	snop  }
0x6: {  	_ = 	snop  }
0x7: {  	_ = 	snop  }
__scs_overlays_trampoline_lowered:
0x8: {  	[smem:$0x3FA4] =	sst s0  }
0x9: {  	[smem:$0x3FA5] =	sst s1  }
0xa: {  	[smem:$0x3FA6] =	sst s2  }
0xb: {  	[smem:$0x3FA7] =	sst s3  }
0xc: {  	[smem:$0x3FA8] =	sst s4  }
0xd: {  	[smem:$0x3FA9] =	sst s5  }
0xe: {  	[smem:$0x3FAA] =	sst s6  }
0xf: {  	[smem:$0x3FAB] =	sst s7  }
0x10: {  	[smem:$0x3FAC] =	sst s8  }
0x11: {  	[smem:$0x3FAD] =	sst s9;
	s0 =	simm.s32 @!p0 $0x0  }
0x12: {  	s1 =	sld [smem:$0x3F93];
	s0 =	simm.s32 @p0 $0x1  }
0x13: {  	[smem:$0x3FAE] =	sst s0;
	s0 =	simm.s32 @!p1 $0x0  }
0x14: {  	s2 =	sld [smem:$0x3F92];
	s0 =	simm.s32 @p1 $0x1  }
0x15: {  	[smem:$0x3FAF] =	sst s0;
	s0 =	simm.s32 @!p2 $0x0  }
0x16: {  	s3 =	sld [smem:$0x3FDB];
	s0 =	simm.s32 @p2 $0x1  }
0x17: {  	s4 =	simm.s32 $0x1BF5;
	[smem:$0x3FB1] =	sst s0  }
0x18: {  	s0 =	sld [smem:$0x3F94];
	_ =	swait.ge [sflag:s4], $0x0  }
0x19: {  	s7 =	sld [smem:$0x3F95]  }
0x1a: {  	s8 =	sadd.s32 $0xFFFFE003, lr  }
0x1b: {  	s9 =	sadd.s32 $0xFFFFFEF7, lr;
	s5 =	simm.s32 $0xFFFFFFFF;
	p2 =	slt.u32 s8, $0xFFFFF086  }
0x1c: {  	p1 =	slt.u32 s9, $0xF7A;
	s5 =	simm.s32 @!p2 $0x0  }
0x1d: {  	s5 =	simm.s32 @p1 $0x1;
	p0 =	seq.s32 s7, s2  }
0x1e: {  	s7 =	smul.u32 @!p0 $0xF7A, s2;
	p2 =	seq.s32 @!p0 s5, $0x0  }
0x1f: {  	s9 =	smul.u32 $0xF7A, s1;
	s8 =	simm.s32 @!p0 $0x1BF5;
	p2 =	por !p2, p0  }
0x20: {  	[sflag:s8] =	ssyncset.s32 @!p0 $0xFFFFF086;
	s6 =	sadd.s32 @!p0 s3, s7;
	s7 =	simm.s32 @!p0 $0x108  }
0x21: {  	s3 =	sadd.s32 s3, s9;
	s6 =	sadd.s32 @!p0 $0x88, s6;
	s7 =	simm.s32 @p2 $0x1082  }
0x22: {  	[simem:s7], [sflag:s8] =	dma.local @!p0 [hbm:s6], $0xF7A  }
0x23: {  	s9 =	sor.u32 $0xD0000000, s2;
	s6 =	simm.s32 $0x108;
	_ =	swait.ge @!p0 [sflag:s8], $0x0  }
0x24: {  	s3 =	sadd.s32 $0x88, s3;
	s6 =	simm.s32 @!p1 $0x1082;
	[sflag:s4] =	ssyncset.s32 $0xFFFFF086  }
0x25: {  	[simem:s6], [sflag:s4] =	dma.local [hbm:s3], $0xF7A  }
0x26: {  	[smem:$0x3F95] =	sst s1;
	(tag) =	ssettag s2;
	_ =	strace s9  }
0x27: {  	s1 =	sld [smem:$0x3FA5]  }
0x28: {  	s2 =	sld [smem:$0x3FA6]  }
0x29: {  	s4 =	sld [smem:$0x3FA8]  }
0x2a: {  	p0 =	seq.s32 s5, $0x0;
	s5 =	sld [smem:$0x3FA9]  }
0x2b: {  	s6 =	sld [smem:$0x3FAA]  }
0x2c: {  	s7 =	sld [smem:$0x3FAB]  }
0x2d: {  	s3 =	simm.s32 $0x108;
	s8 =	sld [smem:$0x3FAC]  }
0x2e: {  	s3 =	simm.s32 @!p0 $0x1082;
	s9 =	sld [smem:$0x3FAD]  }
0x2f: {  	lr =	sadd.s32 s0, s3;
	s0 =	sld [smem:$0x3FA4]  }
0x30: {  	s3 =	sld [smem:$0x3FA7]  }
0x31: {  	[smem:$0x3FB0] =	sst s10  }
0x32: {  	s10 =	sld [smem:$0x3FAE];
	_ =	sdelay $0x3  }
0x33: {  	p0 =	seq.s32 s10, $0x1;
	s10 =	sld [smem:$0x3FB0];
	_ =	sdelay $0x3  }
0x34: {  	[smem:$0x3FB0] =	sst s10  }
0x35: {  	s10 =	sld [smem:$0x3FAF];
	_ =	sdelay $0x3  }
0x36: {  	p1 =	seq.s32 s10, $0x1;
	s10 =	sld [smem:$0x3FB0];
	_ =	sdelay $0x3  }
0x37: {  	[smem:$0x3FB0] =	sst s10  }
0x38: {  	s10 =	sld [smem:$0x3FB1]  }
0x39: {  	_ = 	snop;
	(pc) =	sbr.ind lr, $3  }
0x3a: {  	_ = 	snop  }
0x3b: {  	_ = 	snop  }
0x3c: {  	p2 =	seq.s32 s10, $0x1;
	s10 =	sld [smem:$0x3FB0]  }
0x3d: {  	_ =	shalt  }
0x3e: {  	_ =	shalt  }
0x3f: {  	_ =	shalt  }
0x40: {  	_ =	shalt  }
0x41: {  	_ =	shalt  }
0x42: {  	_ =	shalt  }
0x43: {  	_ =	shalt  }
0x44: {  	_ =	shalt  }
0x45: {  	_ =	shalt  }
0x46: {  	_ =	shalt  }
0x47: {  	_ =	shalt  }
0x48: {  	_ =	shalt  }
0x49: {  	_ =	shalt  }
0x4a: {  	_ =	shalt  }
0x4b: {  	_ =	shalt  }
0x4c: {  	_ =	shalt  }
0x4d: {  	_ =	shalt  }
0x4e: {  	_ =	shalt  }
0x4f: {  	_ =	shalt  }
0x50: {  	_ =	shalt  }
0x51: {  	_ =	shalt  }
0x52: {  	_ =	shalt  }
0x53: {  	_ =	shalt  }
0x54: {  	_ =	shalt  }
0x55: {  	_ =	shalt  }
0x56: {  	_ =	shalt  }
0x57: {  	_ =	shalt  }
0x58: {  	_ =	shalt  }
0x59: {  	_ =	shalt  }
0x5a: {  	_ =	shalt  }
0x5b: {  	_ =	shalt  }
0x5c: {  	_ =	shalt  }
0x5d: {  	_ =	shalt  }
0x5e: {  	_ =	shalt  }
0x5f: {  	_ =	shalt  }
0x60: {  	_ =	shalt  }
0x61: {  	_ =	shalt  }
0x62: {  	_ =	shalt  }
0x63: {  	_ =	shalt  }
0x64: {  	_ =	shalt  }
0x65: {  	_ =	shalt  }
0x66: {  	_ =	shalt  }
0x67: {  	_ =	shalt  }
0x68: {  	_ =	shalt  }
0x69: {  	_ =	shalt  }
0x6a: {  	_ =	shalt  }
0x6b: {  	_ =	shalt  }
0x6c: {  	_ =	shalt  }
0x6d: {  	_ =	shalt  }
0x6e: {  	_ =	shalt  }
0x6f: {  	_ =	shalt  }
0x70: {  	_ =	shalt  }
0x71: {  	_ =	shalt  }
0x72: {  	_ =	shalt  }
0x73: {  	_ =	shalt  }
0x74: {  	_ =	shalt  }
0x75: {  	_ =	shalt  }
0x76: {  	_ =	shalt  }
0x77: {  	_ =	shalt  }
0x78: {  	_ =	shalt  }
0x79: {  	_ =	shalt  }
0x7a: {  	_ =	shalt  }
0x7b: {  	_ =	shalt  }
0x7c: {  	_ =	shalt  }
0x7d: {  	_ =	shalt  }
0x7e: {  	_ =	shalt  }
0x7f: {  	_ =	shalt  }
0x80: {  	_ =	shalt  }
0x81: {  	_ =	shalt  }
0x82: {  	_ =	shalt  }
0x83: {  	_ =	shalt  }
0x84: {  	_ =	shalt  }
0x85: {  	_ =	shalt  }
0x86: {  	_ =	shalt  }
0x87: {  	_ =	shalt  }
.Lfunc_end0:
.L_simem_size_0:
called_computation.3_lowered:
.L_overlay_start_0:
0x88: {  	s2 =	sld [smem:$0x3FD9]  }
0x89: {  	s3 =	sld [smem:$0x3FFE];
	_ =	sdelay $0x1  }
0x8a: {  	s1 =	srdreg.scid  }
0x8b: {  	s0 =	sand.u32 $0x1, s1  }
0x8c: {  	s17 =	sshll.u32 s0, $0xA;
	s2 =	sadd.s32 s3, s2  }
0x8d: {  	s2 =	sadd.s32 s2, s17  }
0x8e: {  	[smem:$0x3FBC] =	sst s2  }
0x8f: {  	_ = 	snop  }
0x90: {  	s2 =	sld [smem:$0x3FD0];
	(tm) =	ssettm $0x1  }
0x91: {  	s18 =	sld [smem:$0x3FFB];
	_ =	sdelay $0x3  }
0x92: {  	_ =	strace s18  }
0x93: {  	s3 =	sld [smem:$0x3FFC];
	_ =	sdelay $0x3  }
0x94: {  	_ =	strace s3  }
0x95: {  	s3 =	sld [smem:$0x3FFD];
	_ =	sdelay $0x3  }
0x96: {  	_ =	strace s3  }
0x97: {  	_ =	strace $0x8FFFFFFF  }
0x98: {  	s19 =	sld [smem:$0x3FDB];
	_ =	sdelay $0x1  }
0x99: {  	s4 =	simm.s32 $_scs_section_size  }
0x9a: {  	s5 =	simm.s32 $_size__tile_overlayer_lowered;
	s6 =	simm.s32 $_tile_overlayer_lowered  }
0x9b: {  	s22 =	simm.s32 $0x1BFF;
	s21 =	sshll.u32 s6, $0x1;
	s3 =	sadd.s32 s4, s19  }
0x9c: {  	s7 =	simm.s32 $0x0;
	s20 =	sshll.u32 s5, $0x1;
	s5 =	sadd.s32 s21, s3  }
0x9d: {  	[timem:s7], [sflag:s22] =	dma.local [hbm:s5], s20  }
0x9e: {  	_ =	swait.ge [sflag:s22], s20  }
0x9f: {  	s4 =	ssub.s32 $0x0, s20;
	[sflag:s22] =	ssyncset.done $0x0  }
0xa0: {  	[sflag:s22] =	ssyncadd.s32 s4;
	_ =	sdelay $0x1  }
0xa1: {  	s23 =	simm.s32 $0x1B8B  }
0xa2: {  	_ =	swait.ge [sflag:s23], $0x1  }
0xa3: {  	[sflag:s23] =	ssyncset.done $0x0  }
0xa4: {  	s25 =	simm.s32 $0x1B8E;
	s24 =	sld [smem:$0x3FFE];
	[sflag:s23] =	ssyncadd.s32 $0xFFFFFFFF  }
0xa5: {  	s26 =	simm.s32 $execute0_lowered;
	[smem:$0x3FD2] =	sst s25  }
0xa6: {  	s5 =	sshll.u32 s26, $0x1;
	_ =	strace $0x8000004F;
	[dreg:$0x1] =	wrdreg $0xFFFFFFFF  }
0xa7: {  	s28 =	simm.s32 $_size_execute0_lowered;
	s3 =	sadd.s32 s3, s5;
	[dreg:$0x0] =	wrdreg $0x0  }
0xa8: {  	s5 =	sshll.u32 s28, $0x1;
	[dreg:$0x2] =	wrdreg s3  }
0xa9: {  	[dreg:$0x3] =	wrdreg s5  }
0xaa: {  	[dreg:$0x4] =	wrdreg $0xC0  }
0xab: {  	_ =	task [dreg:s7], $0x5FFFF  }
0xac: {  	[dreg:$0x1] =	wrdreg $0xFFFFFFFF  }
0xad: {  	[dreg:$0x0] =	wrdreg $0x60  }
0xae: {  	[dreg:$0x2] =	wrdreg s24  }
0xaf: {  	[dreg:$0x3] =	wrdreg s2  }
0xb0: {  	[dreg:$0x4] =	wrdreg $0x88000  }
0xb1: {  	[dreg:$0x5] =	wrdreg $0x9  }
0xb2: {  	_ =	task.clear_ibuf [dreg:s7], $0x6FFFF;
	_ =	strace $0x9000004F  }
0xb3: {  	s29 =	simm.s32 $0x9;
	_ =	strace $0x80000051  }
0xb4: {  	_ =	swait.ge [sflag:s29], $0x1  }
0xb5: {  	[sflag:s29] =	ssyncadd.s32 $0xFFFFFFFF  }
0xb6: {  	_ =	strace $0x90000051  }
0xb7: {  	_ =	sfence  }
0xb8: {  	s30 =	sld [smem:$0x0];
	_ =	sdelay $0x2  }
0xb9: {  	s31 =	sshll.u32 s1, $0xD;
	s1 =	sshrl.u32 s1, $0x2  }
0xba: {  	s3 =	sand.u32 $0x4000, s31;
	s1 =	sadd.s32 s1, s30  }
0xbb: {  	s0 =	sor.u32 s3, s0;
	s1 =	sshll.u32 s1, $0x11  }
0xbc: {  	s0 =	sor.u32 s1, s0  }
0xbd: {  	s0 =	sadd.s32 $0x8F2B, s0  }
0xbe: {  	[sflag:s0] =	ssyncadd.remote.s32 $0x1  }
0xbf: {  	_ =	sfence.sel $0xFFFF  }
0xc0: {  	[dreg:$0x0] =	wrdreg $0xFFFFFFFF;
	(pc) =	sbr.abs _section_cstart, $3  }
0xc1: {  	[dreg:$0x1] =	wrdreg $0xFFFFFFFF  }
0xc2: {  	_ =	task.clear_ibuf [dreg:s7], $0x2FFFF;
	_ =	strace $0x9FFFFFFF  }
0xc3: {  	(tm) =	ssettm $0x7FFFFFFF  }
tec
execute0_lowered:
.L_overlay_start_1:
0x0: {  	(tag) =	ssettag $0x1  }
0x1: {  	s0 =	rddreg [dreg:$0x0]  }
0x2: {  	s2 =	rddreg [dreg:$0x1]  }
0x3: {  	s1 =	rddreg [dreg:$0x2]  }
0x4: {  	s3 =	srdreg.scid;
	s11 =	stileid.u32  }
0x5: {  	s28 =	simm.s32 $0x100;
	s29 =	simm.s32 $0x2;
	s30 =	simm.s32 $0x480  }
0x6: {  	s31 =	simm.s32 $0x180;
	s13 =	simm.s32 $0x0;
	s7 =	smul.u32 $0x14000, s11  }
0x7: {  	s5 =	sand.u32 $0x1, s3;
	s3 =	simm.s32 $0x0;
	s10 =	smul.u32 $0x50000, s11  }
0x8: {  	s4 =	sadd.s32 $0xDA00, s0;
	s17 =	sadd.s32 $0x3A00, s0;
	s22 =	smul.u32 $0x2800, s11  }
0x9: {  	s9 =	sadd.s32 $0x35A00, s0;
	s24 =	sshll.u32 s11, $0x6;
	s6 =	smul.u32 $0x140000, s5  }
0xa: {  	[smem:$0x7FF] =	sst s3;
	s8 =	sshll.u32 s5, $0x4;
	s18 =	ssub.s32 $0x2, s5  }
0xb: {  	s5 =	smul.u32 $0x28000, s5;
	_ =	strace $0x80000050;
	s16 =	sor.u32 s11, s8  }
0xc: {  	[dreg:$0x4] =	wrdreg s9;
	s19 =	sshrl.u32 s18, $0x1;
	s23 =	sshrl.u32 s10, $0x2  }
0xd: {  	s8 =	simm.s32 $0x680;
	s9 =	simm.s32 $0x380;
	s10 =	simm.s32 $0x780  }
0xe: {  	s6 =	sadd.s32 s7, s6;
	s7 =	smul.u32 $0x2800, s16;
	s5 =	sadd.s32 s22, s5  }
0xf: {  	s6 =	sshrl.u32 s6, $0x3;
	s25 =	sor.u32 $0x600, s5;
	s5 =	sor.u32 $0x400, s5  }
0x10: {  	s0 =	sadd.s32 s6, s0;
	s7 =	sshrl.u32 s7, $0x3;
	s6 =	ssub.s32 s18, s19  }
0x11: {  	s26 =	sshrl.u32 s5, $0x3;
	s19 =	simm.s32 $0x200;
	s20 =	sadd.s32 s2, s7  }
0x12: {  	s5 =	simm.s32 $0x580;
	s21 =	sadd.s32 s17, s7;
	[dreg:$0x5] =	wrdreg s20  }
0x13: {  	s7 =	sor.u32 $0x40, s7;
	s0 =	sadd.s32 $0x38200, s0;
	[dreg:$0x6] =	wrdreg s21  }
0x14: {  	s6 =	smax.u32 s6, $0x1;
	s16 =	sadd.s32 s26, s17;
	[dreg:$0xb] =	wrdreg s0  }
0x15: {  	s12 =	sadd.s32 s2, s7;
	s7 =	sadd.s32 s17, s7;
	[dreg:$0xc] =	wrdreg s6  }
0x16: {  	s0 =	sshrl.u32 s25, $0x3;
	s20 =	simm.s32 $0x600;
	s21 =	simm.s32 $0x5  }
0x17: {  	s25 =	simm.s32 $0x4800;
	s6 =	simm.s32 $0x280;
	[dreg:$0x7] =	wrdreg s12  }
.Ltmp0:
0x18: {  	[dreg:$0x8] =	wrdreg s7;
	s7 =	sadd.s32 s23, s1;
	(pc) =	sbr.rel .LBB2_1-.Ltmp0, $4  }
0x19: {  	s12 =	sor.u32 $0x1C05, s24;
	s14 =	sadd.s32 s0, s17;
	s15 =	sadd.s32 s0, s2  }
0x1a: {  	s17 =	sadd.s32 s26, s2;
	s23 =	simm.s32 $0x80;
	s24 =	simm.s32 $0x800  }
0x1b: {  	s26 =	simm.s32 $0x1;
	s0 =	simm.s32 $0x4;
	[dreg:$0x9] =	wrdreg s7  }
0x1c: {  	s2 =	simm.s32 $0x500;
	s7 =	simm.s32 $0x300;
	[dreg:$0xa] =	wrdreg s12  }
.LBB2_4:
0x1d: {  	[bflag:$0x0] =	sbarrier.arrive $0xFFFF  }
0x1e: {  	s12 =	rddreg [dreg:$0xa]  }
0x1f: {  	s11 =	rddreg [dreg:$0xb]  }
0x20: {  	s13 =	rddreg [dreg:$0xe]  }
0x21: {  	[hbm:s11], [sflag:s12] =	dma.local [spmem:s13], $0x2800  }
0x22: {  	_ =	swait.ge [sflag:s21], $0x2800  }
0x23: {  	s18 =	rddreg [dreg:$0xd]  }
0x24: {  	s22 =	rddreg [dreg:$0xc];
	s13 =	sadd.s32 $0x1, s18  }
0x25: {  	p0 =	sne.s32 s13, s22  }
.Ltmp1:
0x26: {  	_ = 	snop;
	(pc) =	sbr.rel @!p0 .LBB2_5-.Ltmp1, $3  }
0x27: {  	_ =	sdelay $0x1  }
0x28: {  	[sflag:s21] =	ssyncset.done $0x0  }
0x29: {  	[sflag:s21] =	ssyncadd.s32 $0xFFFFD800  }
.LBB2_1:
0x2a: {  	[dreg:$0xd] =	wrdreg s13  }
0x2b: {  	s11 =	rddreg [dreg:$0x5]  }
0x2c: {  	s18 =	rddreg [dreg:$0x6]  }
0x2d: {  	[tilespmem:s3], [sflag:$0x3] =	stream.linear.gather [hbm4b:s11+s3], $0x200, $0x38;
	[tilespmem:$0x1C800] =	vst v63  }
0x2e: {  	s22 =	simm.s32 $0x400;
	s13 =	rddreg [dreg:$0x7]  }
0x2f: {  	[tilespmem:s22], [sflag:$0x3] =	stream.linear.gather [hbm4b:s18+s3], $0x200, $0x38;
	[tilespmem:$0x1C800] =	vst v63  }
0x30: {  	s22 =	rddreg [dreg:$0x9]  }
0x31: {  	s18 =	rddreg [dreg:$0x8];
	s11 =	sshrl.u32 s22, $0x3  }
0x32: {  	[tilespmem:s19], [sflag:$0x4] =	stream.linear.gather [hbm4b:s13+s3], $0x200, $0x38;
	[tilespmem:$0x1C800] =	vst v63  }
0x33: {  	[dreg:$0xe] =	wrdreg s11  }
0x34: {  	[tilespmem:s20], [sflag:$0x4] =	stream.linear.gather [hbm4b:s18+s3], $0x200, $0x38;
	[tilespmem:$0x1C800] =	vst v63  }
0x35: {  	s18 =	rddreg [dreg:$0x4]  }
0x36: {  	[spmem:s11], [sflag:s12] =	dma.local [hbm:s18], $0x2800  }
0x37: {  	_ =	swait.ge [sflag:s21], $0x2800  }
0x38: {  	[sflag:s21] =	ssyncset.done $0x0  }
0x39: {  	[sflag:s21] =	ssyncadd.s32 $0xFFFFD800  }
0x3a: {  	s22 =	simm.s32 $0x3;
	[bflag:$0x0] =	sbarrier.arrive $0xFFFF  }
0x3b: {  	_ =	swait.ge [sflag:s22], $0x200  }
0x3c: {  	[sflag:s22] =	ssyncset.done $0x0  }
0x3d: {  	[sflag:s22] =	ssyncadd.s32 $0xFFFFFE00  }
0x3e: {  	_ =	swait.ge [sflag:s22], $0x200  }
0x3f: {  	[sflag:s22] =	ssyncset.done $0x0  }
0x40: {  	[sflag:s22] =	ssyncadd.s32 $0xFFFFFE00  }
0x41: {  	[tilespmem:s24], [sflag:$0x1] =	stream.indirect.gather [hbm4b:s4+s23], $0x80, s3, s23, $0xb8;
	[tilespmem:$0x1C800] =	vst v63  }
0x42: {  	s11 =	simm.s32 $0x0  }
0x43: {  	[tilespmem:s25], [sflag:$0x2] =	stream.indirect.gather [hbm4b:s4+s23], $0x80, s23, s23, $0xb8;
	[tilespmem:$0x1C800] =	vst v63  }
.LBB2_2:
0x44: {  	_ =	swait.ge [sflag:s26], $0x4000  }
0x45: {  	[sflag:s26] =	ssyncset.done $0x0  }
0x46: {  	s12 =	simm.s32 $0x400;
	[sflag:s26] =	ssyncadd.s32 $0xFFFFC000  }
0x47: {  	[spmem:s1] =	stream.indirect.scatter.add.f32 [tilespmem:s24], [sflag:$0x5], $0x80, s12, s23, $0xb8;
	[tilespmem:$0x1C800] =	vst v63  }
0x48: {  	_ =	swait.ge [sflag:s21], $0x4000  }
0x49: {  	[sflag:s21] =	ssyncset.done $0x0  }
0x4a: {  	[sflag:s21] =	ssyncadd.s32 $0xFFFFC000  }
0x4b: {  	[tilespmem:s24], [sflag:$0x1] =	stream.indirect.gather [hbm4b:s4+s23], $0x80, s28, s23, $0xb8;
	[tilespmem:$0x1C800] =	vst v63  }
0x4c: {  	_ =	swait.ge [sflag:s29], $0x4000  }
0x4d: {  	[sflag:s29] =	ssyncset.done $0x0  }
0x4e: {  	[sflag:s29] =	ssyncadd.s32 $0xFFFFC000  }
0x4f: {  	[spmem:s1] =	stream.indirect.scatter.add.f32 [tilespmem:s25], [sflag:$0x5], $0x80, s30, s23, $0xb8;
	[tilespmem:$0x1C800] =	vst v63  }
0x50: {  	_ =	swait.ge [sflag:s21], $0x4000  }
0x51: {  	[sflag:s21] =	ssyncset.done $0x0  }
0x52: {  	[sflag:s21] =	ssyncadd.s32 $0xFFFFC000  }
0x53: {  	[tilespmem:s25], [sflag:$0x2] =	stream.indirect.gather [hbm4b:s4+s23], $0x80, s31, s23, $0xb8;
	[tilespmem:$0x1C800] =	vst v63  }
0x54: {  	_ =	swait.ge [sflag:s26], $0x4000  }
0x55: {  	[sflag:s26] =	ssyncset.done $0x0  }
0x56: {  	[sflag:s26] =	ssyncadd.s32 $0xFFFFC000  }
0x57: {  	_ =	swait.ge [sflag:s0], $0x200  }
0x58: {  	[sflag:s0] =	ssyncset.done $0x0  }
0x59: {  	[sflag:s0] =	ssyncadd.s32 $0xFFFFFE00  }
0x5a: {  	_ =	swait.ge [sflag:s0], $0x200  }
0x5b: {  	[sflag:s0] =	ssyncset.done $0x0  }
0x5c: {  	[sflag:s0] =	ssyncadd.s32 $0xFFFFFE00  }
0x5d: {  	[spmem:s1] =	stream.indirect.scatter.add.f32 [tilespmem:s24], [sflag:$0x5], $0x80, s2, s23, $0xb8;
	[tilespmem:$0x1C800] =	vst v63  }
0x5e: {  	_ =	swait.ge [sflag:s21], $0x4000  }
0x5f: {  	[sflag:s21] =	ssyncset.done $0x0  }
0x60: {  	[sflag:s21] =	ssyncadd.s32 $0xFFFFC000  }
0x61: {  	[tilespmem:s24], [sflag:$0x1] =	stream.indirect.gather [hbm4b:s4+s23], $0x80, s19, s23, $0xb8;
	[tilespmem:$0x1C800] =	vst v63  }
0x62: {  	_ =	swait.ge [sflag:s29], $0x4000  }
0x63: {  	[sflag:s29] =	ssyncset.done $0x0  }
0x64: {  	[sflag:s29] =	ssyncadd.s32 $0xFFFFC000  }
0x65: {  	[spmem:s1] =	stream.indirect.scatter.add.f32 [tilespmem:s25], [sflag:$0x5], $0x80, s5, s23, $0xb8;
	[tilespmem:$0x1C800] =	vst v63  }
0x66: {  	_ =	swait.ge [sflag:s21], $0x4000  }
0x67: {  	[sflag:s21] =	ssyncset.done $0x0  }
0x68: {  	p0 =	seq.s32 s11, $0x480;
	[sflag:s21] =	ssyncadd.s32 $0xFFFFC000  }
0x69: {  	[tilespmem:s25], [sflag:$0x2] =	stream.indirect.gather [hbm4b:s4+s23], $0x80, s6, s23, $0xb8;
	[tilespmem:$0x1C800] =	vst v63  }
0x6a: {  	s22 =	sadd.s32 @!p0 s11, s17;
	s13 =	simm.s32 @!p0 $0x0  }
0x6b: {  	[tilespmem:s13], [sflag:$0x3] =	stream.linear.gather @!p0 [hbm4b:s22+s13], $0x200, $0x38;
	[tilespmem:$0x1C800] =	vst v63  }
0x6c: {  	s12 =	simm.s32 @!p0 $0x400;
	s22 =	sadd.s32 @!p0 s11, s16  }
0x6d: {  	[tilespmem:s12], [sflag:$0x3] =	stream.linear.gather @!p0 [hbm4b:s22+s13], $0x200, $0x38;
	[tilespmem:$0x1C800] =	vst v63  }
0x6e: {  	_ =	swait.ge [sflag:s26], $0x4000  }
0x6f: {  	[sflag:s26] =	ssyncset.done $0x0  }
0x70: {  	[sflag:s26] =	ssyncadd.s32 $0xFFFFC000  }
0x71: {  	[spmem:s1] =	stream.indirect.scatter.add.f32 [tilespmem:s24], [sflag:$0x5], $0x80, s20, s23, $0xb8;
	[tilespmem:$0x1C800] =	vst v63  }
0x72: {  	_ =	swait.ge [sflag:s21], $0x4000  }
0x73: {  	[sflag:s21] =	ssyncset.done $0x0  }
0x74: {  	[sflag:s21] =	ssyncadd.s32 $0xFFFFC000  }
0x75: {  	[tilespmem:s24], [sflag:$0x1] =	stream.indirect.gather [hbm4b:s4+s23], $0x80, s7, s23, $0xb8;
	[tilespmem:$0x1C800] =	vst v63  }
0x76: {  	_ =	swait.ge [sflag:s29], $0x4000  }
0x77: {  	[sflag:s29] =	ssyncset.done $0x0  }
0x78: {  	[sflag:s29] =	ssyncadd.s32 $0xFFFFC000  }
0x79: {  	[spmem:s1] =	stream.indirect.scatter.add.f32 [tilespmem:s25], [sflag:$0x5], $0x80, s8, s23, $0xb8;
	[tilespmem:$0x1C800] =	vst v63  }
0x7a: {  	_ =	swait.ge [sflag:s21], $0x4000  }
0x7b: {  	[sflag:s21] =	ssyncset.done $0x0  }
0x7c: {  	[sflag:s21] =	ssyncadd.s32 $0xFFFFC000  }
0x7d: {  	[tilespmem:s25], [sflag:$0x2] =	stream.indirect.gather [hbm4b:s4+s23], $0x80, s9, s23, $0xb8;
	[tilespmem:$0x1C800] =	vst v63  }
0x7e: {  	_ =	swait.ge [sflag:s26], $0x4000  }
0x7f: {  	s18 =	simm.s32 @p0 $0x800;
	[sflag:s26] =	ssyncset.done $0x0  }
0x80: {  	s12 =	simm.s32 @p0 $0x80;
	s22 =	simm.s32 @p0 $0x700;
	[sflag:s26] =	ssyncadd.s32 $0xFFFFC000  }
0x81: {  	[spmem:s1] =	stream.indirect.scatter.add.f32 @p0 [tilespmem:s18], [sflag:$0x5], $0x80, s22, s12, $0xb8;
	[tilespmem:$0x1C800] =	vst v63  }
0x82: {  	s12 =	simm.s32 @p0 $0x5  }
0x83: {  	_ =	swait.ge @p0 [sflag:s12], $0x4000  }
0x84: {  	[sflag:s12] =	ssyncset.done @p0 $0x0  }
0x85: {  	[sflag:s12] =	ssyncadd.s32 @p0 $0xFFFFC000;
	s12 =	simm.s32 @!p0 $0x3  }
0x86: {  	_ =	swait.ge @!p0 [sflag:s12], $0x200  }
0x87: {  	[sflag:s12] =	ssyncset.done @!p0 $0x0  }
0x88: {  	[sflag:s12] =	ssyncadd.s32 @!p0 $0xFFFFFE00  }
0x89: {  	_ =	swait.ge @!p0 [sflag:s12], $0x200  }
0x8a: {  	s18 =	simm.s32 @!p0 $0x700;
	[sflag:s12] =	ssyncset.done @!p0 $0x0  }
0x8b: {  	s22 =	simm.s32 @!p0 $0x800;
	[sflag:s12] =	ssyncadd.s32 @!p0 $0xFFFFFE00;
	s12 =	simm.s32 @!p0 $0x80  }
0x8c: {  	[spmem:s1] =	stream.indirect.scatter.add.f32 @!p0 [tilespmem:s22], [sflag:$0x5], $0x80, s18, s12, $0xb8;
	[tilespmem:$0x1C800] =	vst v63  }
0x8d: {  	s18 =	simm.s32 @!p0 $0x5  }
0x8e: {  	_ =	swait.ge @!p0 [sflag:s18], $0x4000  }
0x8f: {  	[sflag:s18] =	ssyncset.done @!p0 $0x0  }
0x90: {  	[sflag:s18] =	ssyncadd.s32 @!p0 $0xFFFFC000  }
0x91: {  	[tilespmem:s22], [sflag:$0x1] =	stream.indirect.gather @!p0 [hbm4b:s4+s12], $0x80, s13, s12, $0xb8;
	[tilespmem:$0x1C800] =	vst v63  }
0x92: {  	_ =	swait.ge [sflag:s29], $0x4000  }
0x93: {  	[sflag:s29] =	ssyncset.done $0x0  }
.Ltmp2:
0x94: {  	[sflag:s29] =	ssyncadd.s32 $0xFFFFC000;
	(pc) =	sbr.rel @p0 .LBB2_4-.Ltmp2, $4  }
0x95: {  	[spmem:s1] =	stream.indirect.scatter.add.f32 [tilespmem:s25], [sflag:$0x5], $0x80, s10, s23, $0xb8;
	[tilespmem:$0x1C800] =	vst v63  }
0x96: {  	_ =	swait.ge [sflag:s21], $0x4000  }
0x97: {  	[sflag:s21] =	ssyncset.done $0x0  }
0x98: {  	[sflag:s21] =	ssyncadd.s32 $0xFFFFC000  }
0x99: {  	[tilespmem:s25], [sflag:$0x2] =	stream.indirect.gather [hbm4b:s4+s23], $0x80, s23, s23, $0xb8;
	[tilespmem:$0x1C800] =	vst v63  }
.Ltmp3:
0x9a: {  	_ = 	snop;
	(pc) =	sbr.rel .LBB2_2-.Ltmp3, $4  }
0x9b: {  	s12 =	sadd.s32 s11, s15  }
0x9c: {  	[tilespmem:s19], [sflag:$0x4] =	stream.linear.gather [hbm4b:s12+s3], $0x200, $0x38;
	[tilespmem:$0x1C800] =	vst v63  }
0x9d: {  	s22 =	sadd.s32 s11, s14;
	s11 =	sadd.s32 $0x80, s11  }
0x9e: {  	[tilespmem:s20], [sflag:$0x4] =	stream.linear.gather [hbm4b:s22+s3], $0x200, $0x38;
	[tilespmem:$0x1C800] =	vst v63  }
.LBB2_5:
0x9f: {  	_ =	sfence.sel $0x180000  }
0xa0: {  	[bflag:$0x0] =	sbarrier.arrive $0xFFFF  }
0xa1: {  	_ =	strace $0x90000050  }
0xa2: {  	s0 =	stileid.u32;
	[bflag:$0x2] =	sbarrier.arrive $0xFFFF  }
0xa3: {  	p0 =	sne.s32 s0, $0x0;
	s0 =	rddreg [dreg:$0x3]  }
0xa4: {  	s0 =	sadd.s32 @!p0 $0x100000, s0  }
0xa5: {  	[sflag:s0] =	ssyncadd.tile.s32 @!p0 $0x1;
	_ =	shalt  }
.Lfunc_end2:
_tile_overlayer_lowered:
.L_overlay_start_2:
0xa6: {  	(tag) =	ssettag $0x2  }
0xa7: {  	s0 =	rddreg [dreg:$0x0];
	s2 =	stileid.u32  }
0xa8: {  	s1 =	rddreg [dreg:$0x1];
	p0 =	sne.s32 s2, $0x0  }
0xa9: {  	s3 =	rddreg [dreg:$0x2];
	[bflag:$0x3] =	sbarrier.arrive $0xFFFF;
	s2 =	simm.s32 @!p0 $0x1C05  }
0xaa: {  	[timem:s3], [sflag:s2] =	dma.local @!p0 [hbm:s0], s1  }
0xab: {  	s0 =	simm.s32 @!p0 $0x5  }
0xac: {  	_ =	swait.ge @!p0 [sflag:s0], s1  }
0xad: {  	s1 =	ssub.s32 @!p0 $0x0, s1;
	[sflag:s0] =	ssyncset.done @!p0 $0x0  }
0xae: {  	[sflag:s0] =	ssyncadd.s32 @!p0 s1  }
0xaf: {  	[bflag:$0x3] =	sbarrier.arrive $0xFFFF  }
0xb0: {  	_ =	shalt  }

</sc_bundles>
